<compile_context>
chip_gen: v7x
topology: tpu7x:2x2x1
jax: 0.10.2.dev20260603
libtpu: 0.0.44.dev20260713+nightly
codegen_flags: <defaults>
</compile_context>

<pallas_src>
import functools

import jax
import jax.numpy as jnp
from jax import lax
from jax.experimental import pallas as pl
from jax.experimental.pallas import tpu as pltpu
from jax.experimental.pallas import tpu_sc as plsc

N_V = 10000
N_E = 5000
NNZ = 320000
D = 128
E_PAD = 5120
V_PAD = 10240
NC = 2
NS = 16
NW = NC * NS
PPT = NNZ // NW
C = 80
KCH = PPT // C
L = 16


def _sc_counts(v_idx, e_idx):
    mesh = plsc.VectorSubcoreMesh(core_axis_name="c", subcore_axis_name="s")

    @functools.partial(
        pl.kernel,
        out_type=(jax.ShapeDtypeStruct((NW, E_PAD), jnp.float32),
                  jax.ShapeDtypeStruct((NW, V_PAD), jnp.float32)),
        mesh=mesh,
        compiler_params=pltpu.CompilerParams(
            use_tc_tiling_on_sc=False, needs_layout_passes=False),
        scratch_types=[
            pltpu.VMEM((PPT,), jnp.int32),
            pltpu.VMEM((PPT,), jnp.int32),
            pltpu.VMEM((E_PAD,), jnp.float32),
            pltpu.VMEM((V_PAD,), jnp.float32),
        ],
    )
    def hist(vidx_hbm, eidx_hbm, oute_hbm, outv_hbm, vidx_v, eidx_v,
             ehist_v, vhist_v):
        c = lax.axis_index("c")
        s = lax.axis_index("s")
        wid = c * NS + s
        zeros = jnp.zeros((L,), jnp.float32)
        ones = jnp.ones((L,), jnp.float32)

        def ze(r, carry):
            ehist_v[pl.ds(r * L, L)] = zeros
            return carry
        lax.fori_loop(0, E_PAD // L, ze, 0)

        def zv(r, carry):
            vhist_v[pl.ds(r * L, L)] = zeros
            return carry
        lax.fori_loop(0, V_PAD // L, zv, 0)

        pltpu.sync_copy(vidx_hbm.at[pl.ds(wid * PPT, PPT)], vidx_v)
        pltpu.sync_copy(eidx_hbm.at[pl.ds(wid * PPT, PPT)], eidx_v)

        def acc(t, carry):
            v16 = vidx_v[pl.ds(t * L, L)]
            e16 = eidx_v[pl.ds(t * L, L)]
            plsc.addupdate_scatter(vhist_v, [v16], ones)
            plsc.addupdate_scatter(ehist_v, [e16], ones)
            return carry
        lax.fori_loop(0, PPT // L, acc, 0)

        pltpu.sync_copy(ehist_v, oute_hbm.at[wid])
        pltpu.sync_copy(vhist_v, outv_hbm.at[wid])

    return hist(v_idx, e_idx)


def _tc_matmul(X, W, b):
    blk = 400

    def body(x_ref, w_ref, b_ref, o_ref):
        y = lax.dot_general(x_ref[...], w_ref[...], (((1,), (1,)), ((), ())),
                            preferred_element_type=jnp.float32)
        o_ref[...] = jnp.maximum(y + b_ref[...], 0.0)

    return pl.pallas_call(
        body,
        grid=(N_V // blk,),
        in_specs=[
            pl.BlockSpec((blk, D), lambda i: (i, 0)),
            pl.BlockSpec((D, D), lambda i: (0, 0)),
            pl.BlockSpec((1, D), lambda i: (0, 0)),
        ],
        out_specs=pl.BlockSpec((blk, D), lambda i: (i, 0)),
        out_shape=jax.ShapeDtypeStruct((N_V, D), jnp.float32),
    )(X, W, b.reshape(1, D))


def _make_seg_sum(n_pad, nbuf=4):
    rows_per_tile = n_pad // NS
    n_blk = rows_per_tile // C
    ni = 2 * nbuf
    mesh = plsc.VectorSubcoreMesh(core_axis_name="c", subcore_axis_name="s")

    @functools.partial(
        pl.kernel,
        out_type=jax.ShapeDtypeStruct((NC, n_pad, D), jnp.float32),
        mesh=mesh,
        scratch_types=(
            [pltpu.VMEM((C,), jnp.int32) for _ in range(ni)] +
            [pltpu.VMEM((C,), jnp.int32) for _ in range(ni)] +
            [pltpu.VMEM((C, D), jnp.float32) for _ in range(nbuf)] +
            [pltpu.VMEM_SHARED((n_pad, D), jnp.float32)] +
            [pltpu.SemaphoreType.DMA for _ in range(ni)] +
            [pltpu.SemaphoreType.DMA for _ in range(nbuf)]
        ),
    )
    def seg(src_hbm, gidx_hbm, sidx_hbm, out_hbm, *bufs):
        gi_b = bufs[:ni]
        si_b = bufs[ni:2 * ni]
        rows_b = bufs[2 * ni:2 * ni + nbuf]
        acc_sh = bufs[2 * ni + nbuf]
        isem = bufs[2 * ni + nbuf + 1:2 * ni + nbuf + 1 + ni]
        gsem = bufs[2 * ni + nbuf + 1 + ni:]
        c = lax.axis_index("c")
        s = lax.axis_index("s")
        wid = c * NS + s
        p0 = wid * PPT

        def idx_start(k, slot):
            pltpu.async_copy(
                gidx_hbm.at[pl.ds(p0 + k * C, C)], gi_b[slot], isem[slot])
            pltpu.async_copy(
                sidx_hbm.at[pl.ds(p0 + k * C, C)], si_b[slot], isem[slot])

        def idx_wait(slot):
            pltpu.make_async_copy(
                gidx_hbm.at[pl.ds(0, C)], gi_b[slot], isem[slot]).wait()
            pltpu.make_async_copy(
                sidx_hbm.at[pl.ds(0, C)], si_b[slot], isem[slot]).wait()

        def gather_start(slot, b):
            pltpu.async_copy(src_hbm.at[gi_b[slot]], rows_b[b], gsem[b])

        def gather_wait(b):
            pltpu.make_async_copy(
                src_hbm.at[gi_b[0]], rows_b[b], gsem[b]).wait()

        for j in range(min(ni, KCH)):
            idx_start(j, j)

        def zero_row(r, carry):
            for g in range(D // L):
                rows_b[0][r, pl.ds(g * L, L)] = jnp.zeros((L,), jnp.float32)
            return carry
        lax.fori_loop(0, C, zero_row, 0)
        base = s * rows_per_tile
        for j in range(n_blk):
            pltpu.sync_copy(rows_b[0], acc_sh.at[pl.ds(base + j * C, C)])
        plsc.subcore_barrier()

        for b in range(min(nbuf, KCH)):
            idx_wait(b)
            gather_start(b, b)

        def group(jg, carry):
            k0 = ni * jg
            for t in range(ni):
                k = k0 + t
                b = t % nbuf
                gather_wait(b)
                pltpu.sync_copy(rows_b[b], acc_sh.at[si_b[t]], add=True)
                nt = (t + nbuf) % ni

                @pl.when(k + nbuf < KCH)
                def _():
                    idx_wait(nt)
                    gather_start(nt, b)

                @pl.when(k + ni < KCH)
                def _():
                    idx_start(k + ni, t)
            return carry
        lax.fori_loop(0, KCH // ni, group, 0)
        for t in range(KCH % ni):
            k = (KCH // ni) * ni + t
            b = t % nbuf
            gather_wait(b)
            pltpu.sync_copy(rows_b[b], acc_sh.at[si_b[t]], add=True)
            if k + nbuf < KCH:
                nt = (t + nbuf) % ni
                idx_wait(nt)
                gather_start(nt, b)
        plsc.subcore_barrier()

        for j in range(n_blk):
            r0 = base + j * C
            pltpu.sync_copy(acc_sh.at[pl.ds(r0, C)], out_hbm.at[c, pl.ds(r0, C)])

    return seg


def _combine_efeat(pe, he):
    blk = 512

    def body(pe_ref, he_ref, o_ref):
        y = pe_ref[0] + pe_ref[1]
        cnt = jnp.sum(he_ref[...], axis=0)
        o_ref[...] = y * (1.0 / jnp.maximum(cnt, 1.0))[:, None]

    return pl.pallas_call(
        body,
        grid=(E_PAD // blk,),
        in_specs=[pl.BlockSpec((NC, blk, D), lambda i: (0, i, 0)),
                  pl.BlockSpec((NW, blk), lambda i: (0, i))],
        out_specs=pl.BlockSpec((blk, D), lambda i: (i, 0)),
        out_shape=jax.ShapeDtypeStruct((E_PAD, D), jnp.float32),
    )(pe, he)


def _combine_out(pv, hv):
    blk = 512

    def body(pv_ref, hv_ref, o_ref):
        y = pv_ref[0] + pv_ref[1]
        cnt = jnp.sum(hv_ref[...], axis=0)
        o_ref[...] = y * (1.0 / jnp.maximum(cnt, 1.0))[:, None]

    return pl.pallas_call(
        body,
        grid=(V_PAD // blk,),
        in_specs=[pl.BlockSpec((NC, blk, D), lambda i: (0, i, 0)),
                  pl.BlockSpec((NW, blk), lambda i: (0, i))],
        out_specs=pl.BlockSpec((blk, D), lambda i: (i, 0)),
        out_shape=jax.ShapeDtypeStruct((V_PAD, D), jnp.float32),
    )(pv, hv)


@jax.jit
def _run(X, v_idx, e_idx, W, b):
    he, hv = _sc_counts(v_idx, e_idx)
    xt = _tc_matmul(X, W, b)
    pe = _make_seg_sum(E_PAD)(xt, v_idx, e_idx)
    ef = _combine_efeat(pe, he)
    pv = _make_seg_sum(V_PAD)(ef, e_idx, v_idx)
    return _combine_out(pv, hv)[:N_V]


def kernel(X, v_idx, e_idx, W, b):
    return _run(X, v_idx, e_idx, W, b)

# --- scband reference (transcript-rebuilt; emitter-appended) ---
"""Pipeline reference for scband-lightweight-all-set-layer-65635690218020 (READ-ONLY COPY).

The authoritative reference and input builder live on the scoring server;
editing this copy changes nothing except your own understanding.
"""

import jax, jax.numpy as jnp
import numpy as np

N_NODES = 10000
N_HEDGES = 5000
NNZ = 320000
D_IN = 128
D_OUT = 128


def setup_inputs(seed: int = 0) -> dict:
    key = jax.random.key(seed)
    k1, k2, k3, k4, k5 = jax.random.split(key, 5)
    X = jax.random.normal(k1, (N_NODES, D_IN), dtype=jnp.float32)
    v_idx = jax.random.randint(k2, (NNZ,), 0, N_NODES, dtype=jnp.int32)
    e_idx = jax.random.randint(k3, (NNZ,), 0, N_HEDGES, dtype=jnp.int32)
    # theta: nn.Linear(in_channels, out_channels) params
    bound = 1.0 / np.sqrt(D_IN)
    W = jax.random.uniform(k4, (D_OUT, D_IN), minval=-bound, maxval=bound, dtype=jnp.float32)
    b = jax.random.uniform(k5, (D_OUT,), minval=-bound, maxval=bound, dtype=jnp.float32)
    return {"X": X, "v_idx": v_idx, "e_idx": e_idx, "W": W, "b": b}


def reference(X, v_idx, e_idx, W, b):
    # HGNNPConv forward (eval mode: dropout is identity):
    # X = theta(X); X = relu(X); X = hg.v2v(X, aggr='mean')
    Xt = X @ W.T + b
    Xt = jax.nn.relu(Xt)
    ones = jnp.ones((v_idx.shape[0],), dtype=Xt.dtype)
    # v2e mean: aggregate incident node features into each hyperedge
    e_cnt = jax.ops.segment_sum(ones, e_idx, num_segments=N_HEDGES)
    e_sum = jax.ops.segment_sum(jnp.take(Xt, v_idx, axis=0), e_idx, num_segments=N_HEDGES)
    e_feat = e_sum / jnp.clip(e_cnt, 1.0)[:, None]
    # e2v mean: aggregate incident hyperedge features back to each node
    v_cnt = jax.ops.segment_sum(ones, v_idx, num_segments=N_NODES)
    v_sum = jax.ops.segment_sum(jnp.take(e_feat, e_idx, axis=0), v_idx, num_segments=N_NODES)
    X_out = v_sum / jnp.clip(v_cnt, 1.0)[:, None]
    # original module returns (X_out, None); return the array output
    return X_out

if __name__ == "__main__":
    import jax
    _d = setup_inputs()
    print(jax.jit(kernel)(*tuple(_d.values())))

</pallas_src>

<mosaic_0001>
#map = affine_map<(d0, d1) -> (0)>
#map1 = affine_map<(d0, d1) -> (0, 0)>
module attributes {stable_mosaic.version = 14 : i64} {
  func.func @hist(%arg0: i32, %arg1: i32, %arg2: memref<320000xi32, #tpu.memory_space<hbm>>, %arg3: memref<320000xi32, #tpu.memory_space<hbm>>, %arg4: memref<32x5120xf32, #tpu.memory_space<hbm>>, %arg5: memref<32x10240xf32, #tpu.memory_space<hbm>>, %arg6: memref<10000xi32, #tpu.memory_space<vmem>>, %arg7: memref<10000xi32, #tpu.memory_space<vmem>>, %arg8: memref<5120xf32, #tpu.memory_space<vmem>>, %arg9: memref<10240xf32, #tpu.memory_space<vmem>>) attributes {dimension_semantics = [#tpu.dimension_semantics<core_parallel>, #tpu.dimension_semantics<subcore_parallel>], iteration_bounds = array<i64: 2, 16>, scalar_prefetch = 0 : i64, scratch_operands = 4 : i64, tpu.core_type = #tpu.core_type<sc_vector_subcore>, window_params = [{transform_indices = #map}, {transform_indices = #map}, {transform_indices = #map1}, {transform_indices = #map1}]} {
    %mul3A = arith.constant 16 : i32
    %mul3A_0 = arith.muli %arg0, %mul3A : i32
    %add3A = arith.addi %mul3A_0, %arg1 : i32
    %broadcast_in_dim3A = arith.constant 0.000000e+00 : f32
    %broadcast_in_dim3A_1 = vector.broadcast %broadcast_in_dim3A : f32 to vector<16xf32>
    %broadcast_in_dim3A_2 = arith.constant 1.000000e+00 : f32
    %broadcast_in_dim3A_3 = vector.broadcast %broadcast_in_dim3A_2 : f32 to vector<16xf32>
    %scan3A = arith.constant 0 : i32
    %scan3A_4 = arith.constant 0 : i32
    %scan3A_5 = arith.constant 320 : i32
    %scan3A_6 = arith.addi %scan3A_4, %scan3A_5 : i32
    %scan3A_7 = arith.constant 1 : i32
    scf.for %scan3A_25 = %scan3A_4 to %scan3A_6 step %scan3A_7  : i32 {
      %mul3A_26 = arith.constant 16 : i32
      %mul3A_27 = arith.muli %scan3A_25, %mul3A_26 : i32
      %swap3A = arith.index_cast %mul3A_27 : i32 to index
      %swap3A_28 = tpu.vector_load %arg8[%swap3A] {strides = array<i32>} : memref<5120xf32, #tpu.memory_space<vmem>>, vector<16xf32>,
      tpu.vector_store %arg8[%swap3A], %broadcast_in_dim3A_1 {strides = array<i32>} : memref<5120xf32, #tpu.memory_space<vmem>>, vector<16xf32>,
    }
    %scan3A_8 = arith.constant 320 : i32
    %scan3A_9 = arith.constant 0 : i32
    %scan3A_10 = arith.constant 0 : i32
    %scan3A_11 = arith.constant 640 : i32
    %scan3A_12 = arith.addi %scan3A_10, %scan3A_11 : i32
    %scan3A_13 = arith.constant 1 : i32
    scf.for %scan3A_25 = %scan3A_10 to %scan3A_12 step %scan3A_13  : i32 {
      %mul3A_26 = arith.constant 16 : i32
      %mul3A_27 = arith.muli %scan3A_25, %mul3A_26 : i32
      %swap3A = arith.index_cast %mul3A_27 : i32 to index
      %swap3A_28 = tpu.vector_load %arg9[%swap3A] {strides = array<i32>} : memref<10240xf32, #tpu.memory_space<vmem>>, vector<16xf32>,
      tpu.vector_store %arg9[%swap3A], %broadcast_in_dim3A_1 {strides = array<i32>} : memref<10240xf32, #tpu.memory_space<vmem>>, vector<16xf32>,
    }
    %scan3A_14 = arith.constant 640 : i32
    %mul3A_15 = arith.constant 10000 : i32
    %mul3A_16 = arith.muli %add3A, %mul3A_15 : i32
    "tpu.region"() ({
      %run_scoped3A = tpu.sem_alloc : memref<!tpu.dma_semaphore, #tpu.memory_space<semaphore_mem>>
      %dma_start3A = tpu.memref_slice %arg2[%mul3A_16] : memref<320000xi32, #tpu.memory_space<hbm>> -> memref<10000xi32, #tpu.memory_space<hbm>>
      %dma_start3A_25 = tpu.memref_slice %arg2[%mul3A_16] : memref<320000xi32, #tpu.memory_space<hbm>> -> memref<10000xi32, #tpu.memory_space<hbm>>
      tpu.enqueue_dma source(%dma_start3A_25 : memref<10000xi32, #tpu.memory_space<hbm>>) target(%arg6 : memref<10000xi32, #tpu.memory_space<vmem>>) target_semaphore(%run_scoped3A : memref<!tpu.dma_semaphore, #tpu.memory_space<semaphore_mem>>)
      %dma_wait3A = tpu.memref_slice %arg2[%mul3A_16] : memref<320000xi32, #tpu.memory_space<hbm>> -> memref<10000xi32, #tpu.memory_space<hbm>>
      %dma_wait3A_26 = tpu.memref_slice %arg2[%mul3A_16] : memref<320000xi32, #tpu.memory_space<hbm>> -> memref<10000xi32, #tpu.memory_space<hbm>>
      tpu.wait_dma2 semaphore(%run_scoped3A : memref<!tpu.dma_semaphore, #tpu.memory_space<semaphore_mem>>) src(%dma_wait3A_26 : memref<10000xi32, #tpu.memory_space<hbm>>) dst(%arg6 : memref<10000xi32, #tpu.memory_space<vmem>>)
      tpu.yield
    }) : () -> ()
    %mul3A_17 = arith.constant 10000 : i32
    %mul3A_18 = arith.muli %add3A, %mul3A_17 : i32
    "tpu.region"() ({
      %run_scoped3A = tpu.sem_alloc : memref<!tpu.dma_semaphore, #tpu.memory_space<semaphore_mem>>
      %dma_start3A = tpu.memref_slice %arg3[%mul3A_18] : memref<320000xi32, #tpu.memory_space<hbm>> -> memref<10000xi32, #tpu.memory_space<hbm>>
      %dma_start3A_25 = tpu.memref_slice %arg3[%mul3A_18] : memref<320000xi32, #tpu.memory_space<hbm>> -> memref<10000xi32, #tpu.memory_space<hbm>>
      tpu.enqueue_dma source(%dma_start3A_25 : memref<10000xi32, #tpu.memory_space<hbm>>) target(%arg7 : memref<10000xi32, #tpu.memory_space<vmem>>) target_semaphore(%run_scoped3A : memref<!tpu.dma_semaphore, #tpu.memory_space<semaphore_mem>>)
      %dma_wait3A = tpu.memref_slice %arg3[%mul3A_18] : memref<320000xi32, #tpu.memory_space<hbm>> -> memref<10000xi32, #tpu.memory_space<hbm>>
      %dma_wait3A_26 = tpu.memref_slice %arg3[%mul3A_18] : memref<320000xi32, #tpu.memory_space<hbm>> -> memref<10000xi32, #tpu.memory_space<hbm>>
      tpu.wait_dma2 semaphore(%run_scoped3A : memref<!tpu.dma_semaphore, #tpu.memory_space<semaphore_mem>>) src(%dma_wait3A_26 : memref<10000xi32, #tpu.memory_space<hbm>>) dst(%arg7 : memref<10000xi32, #tpu.memory_space<vmem>>)
      tpu.yield
    }) : () -> ()
    %scan3A_19 = arith.constant 0 : i32
    %scan3A_20 = arith.constant 0 : i32
    %scan3A_21 = arith.constant 625 : i32
    %scan3A_22 = arith.addi %scan3A_20, %scan3A_21 : i32
    %scan3A_23 = arith.constant 1 : i32
    scf.for %scan3A_25 = %scan3A_20 to %scan3A_22 step %scan3A_23  : i32 {
      %mul3A_26 = arith.constant 16 : i32
      %mul3A_27 = arith.muli %scan3A_25, %mul3A_26 : i32
      %get3A = arith.index_cast %mul3A_27 : i32 to index
      %get3A_28 = tpu.vector_load %arg6[%get3A] {strides = array<i32>} : memref<10000xi32, #tpu.memory_space<vmem>>, vector<16xi32>,
      %mul3A_29 = arith.constant 16 : i32
      %mul3A_30 = arith.muli %scan3A_25, %mul3A_29 : i32
      %get3A_31 = arith.index_cast %mul3A_30 : i32 to index
      %get3A_32 = tpu.vector_load %arg7[%get3A_31] {strides = array<i32>} : memref<10000xi32, #tpu.memory_space<vmem>>, vector<16xi32>,
      tpu.vector_store_idx %arg9[%get3A_28], %broadcast_in_dim3A_3 {add = true} : memref<10240xf32, #tpu.memory_space<vmem>>[vector<16xi32>], vector<16xf32>,
      tpu.vector_store_idx %arg8[%get3A_32], %broadcast_in_dim3A_3 {add = true} : memref<5120xf32, #tpu.memory_space<vmem>>[vector<16xi32>], vector<16xf32>,
    }
    %scan3A_24 = arith.constant 625 : i32
    "tpu.region"() ({
      %run_scoped3A = tpu.sem_alloc : memref<!tpu.dma_semaphore, #tpu.memory_space<semaphore_mem>>
      %dma_start3A = arith.constant 0 : i32
      %dma_start3A_25 = tpu.memref_slice %arg4[%add3A, %dma_start3A] : memref<32x5120xf32, #tpu.memory_space<hbm>> -> memref<1x5120xf32, #tpu.memory_space<hbm>>
      %dma_start3A_26 = tpu.memref_squeeze %dma_start3A_25 : memref<1x5120xf32, #tpu.memory_space<hbm>> -> memref<5120xf32, #tpu.memory_space<hbm>>
      %dma_start3A_27 = arith.constant 0 : i32
      %dma_start3A_28 = tpu.memref_slice %arg4[%add3A, %dma_start3A_27] : memref<32x5120xf32, #tpu.memory_space<hbm>> -> memref<1x5120xf32, #tpu.memory_space<hbm>>
      %dma_start3A_29 = tpu.memref_squeeze %dma_start3A_28 : memref<1x5120xf32, #tpu.memory_space<hbm>> -> memref<5120xf32, #tpu.memory_space<hbm>>
      tpu.enqueue_dma source(%arg8 : memref<5120xf32, #tpu.memory_space<vmem>>) target(%dma_start3A_29 : memref<5120xf32, #tpu.memory_space<hbm>>) target_semaphore(%run_scoped3A : memref<!tpu.dma_semaphore, #tpu.memory_space<semaphore_mem>>)
      %dma_wait3A = arith.constant 0 : i32
      %dma_wait3A_30 = tpu.memref_slice %arg4[%add3A, %dma_wait3A] : memref<32x5120xf32, #tpu.memory_space<hbm>> -> memref<1x5120xf32, #tpu.memory_space<hbm>>
      %dma_wait3A_31 = tpu.memref_squeeze %dma_wait3A_30 : memref<1x5120xf32, #tpu.memory_space<hbm>> -> memref<5120xf32, #tpu.memory_space<hbm>>
      %dma_wait3A_32 = arith.constant 0 : i32
      %dma_wait3A_33 = tpu.memref_slice %arg4[%add3A, %dma_wait3A_32] : memref<32x5120xf32, #tpu.memory_space<hbm>> -> memref<1x5120xf32, #tpu.memory_space<hbm>>
      %dma_wait3A_34 = tpu.memref_squeeze %dma_wait3A_33 : memref<1x5120xf32, #tpu.memory_space<hbm>> -> memref<5120xf32, #tpu.memory_space<hbm>>
      tpu.wait_dma2 semaphore(%run_scoped3A : memref<!tpu.dma_semaphore, #tpu.memory_space<semaphore_mem>>) src(%arg8 : memref<5120xf32, #tpu.memory_space<vmem>>) dst(%dma_wait3A_34 : memref<5120xf32, #tpu.memory_space<hbm>>)
      tpu.yield
    }) : () -> ()
    "tpu.region"() ({
      %run_scoped3A = tpu.sem_alloc : memref<!tpu.dma_semaphore, #tpu.memory_space<semaphore_mem>>
      %dma_start3A = arith.constant 0 : i32
      %dma_start3A_25 = tpu.memref_slice %arg5[%add3A, %dma_start3A] : memref<32x10240xf32, #tpu.memory_space<hbm>> -> memref<1x10240xf32, #tpu.memory_space<hbm>>
      %dma_start3A_26 = tpu.memref_squeeze %dma_start3A_25 : memref<1x10240xf32, #tpu.memory_space<hbm>> -> memref<10240xf32, #tpu.memory_space<hbm>>
      %dma_start3A_27 = arith.constant 0 : i32
      %dma_start3A_28 = tpu.memref_slice %arg5[%add3A, %dma_start3A_27] : memref<32x10240xf32, #tpu.memory_space<hbm>> -> memref<1x10240xf32, #tpu.memory_space<hbm>>
      %dma_start3A_29 = tpu.memref_squeeze %dma_start3A_28 : memref<1x10240xf32, #tpu.memory_space<hbm>> -> memref<10240xf32, #tpu.memory_space<hbm>>
      tpu.enqueue_dma source(%arg9 : memref<10240xf32, #tpu.memory_space<vmem>>) target(%dma_start3A_29 : memref<10240xf32, #tpu.memory_space<hbm>>) target_semaphore(%run_scoped3A : memref<!tpu.dma_semaphore, #tpu.memory_space<semaphore_mem>>)
      %dma_wait3A = arith.constant 0 : i32
      %dma_wait3A_30 = tpu.memref_slice %arg5[%add3A, %dma_wait3A] : memref<32x10240xf32, #tpu.memory_space<hbm>> -> memref<1x10240xf32, #tpu.memory_space<hbm>>
      %dma_wait3A_31 = tpu.memref_squeeze %dma_wait3A_30 : memref<1x10240xf32, #tpu.memory_space<hbm>> -> memref<10240xf32, #tpu.memory_space<hbm>>
      %dma_wait3A_32 = arith.constant 0 : i32
      %dma_wait3A_33 = tpu.memref_slice %arg5[%add3A, %dma_wait3A_32] : memref<32x10240xf32, #tpu.memory_space<hbm>> -> memref<1x10240xf32, #tpu.memory_space<hbm>>
      %dma_wait3A_34 = tpu.memref_squeeze %dma_wait3A_33 : memref<1x10240xf32, #tpu.memory_space<hbm>> -> memref<10240xf32, #tpu.memory_space<hbm>>
      tpu.wait_dma2 semaphore(%run_scoped3A : memref<!tpu.dma_semaphore, #tpu.memory_space<semaphore_mem>>) src(%arg9 : memref<10240xf32, #tpu.memory_space<vmem>>) dst(%dma_wait3A_34 : memref<10240xf32, #tpu.memory_space<hbm>>)
      tpu.yield
    }) : () -> ()
    return
  }
}

#map = affine_map<(d0, d1) -> (0, 0)>
#map1 = affine_map<(d0, d1) -> (0)>
#map2 = affine_map<(d0, d1) -> (0, 0, 0)>
module attributes {stable_mosaic.version = 14 : i64} {
  func.func @seg(%arg0: i32, %arg1: i32, %arg2: memref<5120x128xf32, #tpu.memory_space<hbm>>, %arg3: memref<320000xi32, #tpu.memory_space<hbm>>, %arg4: memref<320000xi32, #tpu.memory_space<hbm>>, %arg5: memref<2x10240x128xf32, #tpu.memory_space<hbm>>, %arg6: memref<80xi32, #tpu.memory_space<vmem>>, %arg7: memref<80xi32, #tpu.memory_space<vmem>>, %arg8: memref<80xi32, #tpu.memory_space<vmem>>, %arg9: memref<80xi32, #tpu.memory_space<vmem>>, %arg10: memref<80xi32, #tpu.memory_space<vmem>>, %arg11: memref<80xi32, #tpu.memory_space<vmem>>, %arg12: memref<80xi32, #tpu.memory_space<vmem>>, %arg13: memref<80xi32, #tpu.memory_space<vmem>>, %arg14: memref<80xi32, #tpu.memory_space<vmem>>, %arg15: memref<80xi32, #tpu.memory_space<vmem>>, %arg16: memref<80xi32, #tpu.memory_space<vmem>>, %arg17: memref<80xi32, #tpu.memory_space<vmem>>, %arg18: memref<80xi32, #tpu.memory_space<vmem>>, %arg19: memref<80xi32, #tpu.memory_space<vmem>>, %arg20: memref<80xi32, #tpu.memory_space<vmem>>, %arg21: memref<80xi32, #tpu.memory_space<vmem>>, %arg22: memref<80x128xf32, #tpu.memory_space<vmem>>, %arg23: memref<80x128xf32, #tpu.memory_space<vmem>>, %arg24: memref<80x128xf32, #tpu.memory_space<vmem>>, %arg25: memref<80x128xf32, #tpu.memory_space<vmem>>, %arg26: memref<10240x128xf32, #tpu.memory_space<vmem_shared>>, %arg27: memref<!tpu.dma_semaphore, #tpu.memory_space<semaphore_mem>>, %arg28: memref<!tpu.dma_semaphore, #tpu.memory_space<semaphore_mem>>, %arg29: memref<!tpu.dma_semaphore, #tpu.memory_space<semaphore_mem>>, %arg30: memref<!tpu.dma_semaphore, #tpu.memory_space<semaphore_mem>>, %arg31: memref<!tpu.dma_semaphore, #tpu.memory_space<semaphore_mem>>, %arg32: memref<!tpu.dma_semaphore, #tpu.memory_space<semaphore_mem>>, %arg33: memref<!tpu.dma_semaphore, #tpu.memory_space<semaphore_mem>>, %arg34: memref<!tpu.dma_semaphore, #tpu.memory_space<semaphore_mem>>, %arg35: memref<!tpu.dma_semaphore, #tpu.memory_space<semaphore_mem>>, %arg36: memref<!tpu.dma_semaphore, #tpu.memory_space<semaphore_mem>>, %arg37: memref<!tpu.dma_semaphore, #tpu.memory_space<semaphore_mem>>, %arg38: memref<!tpu.dma_semaphore, #tpu.memory_space<semaphore_mem>>) attributes {dimension_semantics = [#tpu.dimension_semantics<core_parallel>, #tpu.dimension_semantics<subcore_parallel>], iteration_bounds = array<i64: 2, 16>, scalar_prefetch = 0 : i64, scratch_operands = 33 : i64, tpu.core_type = #tpu.core_type<sc_vector_subcore>, window_params = [{transform_indices = #map}, {transform_indices = #map1}, {transform_indices = #map1}, {transform_indices = #map2}]} {
    %mul3A = arith.constant 16 : i32
    %mul3A_0 = arith.muli %arg0, %mul3A : i32
    %add3A = arith.addi %mul3A_0, %arg1 : i32
    %mul3A_1 = arith.constant 10000 : i32
    %mul3A_2 = arith.muli %add3A, %mul3A_1 : i32
    %add3A_3 = arith.constant 0 : i32
    %add3A_4 = arith.addi %mul3A_2, %add3A_3 : i32
    %dma_start3A = tpu.memref_slice %arg3[%add3A_4] : memref<320000xi32, #tpu.memory_space<hbm>> -> memref<80xi32, #tpu.memory_space<hbm>>
    %dma_start3A_5 = tpu.memref_slice %arg3[%add3A_4] : memref<320000xi32, #tpu.memory_space<hbm>> -> memref<80xi32, #tpu.memory_space<hbm>>
    tpu.enqueue_dma source(%dma_start3A_5 : memref<80xi32, #tpu.memory_space<hbm>>) target(%arg6 : memref<80xi32, #tpu.memory_space<vmem>>) target_semaphore(%arg27 : memref<!tpu.dma_semaphore, #tpu.memory_space<semaphore_mem>>)
    %add3A_6 = arith.constant 0 : i32
    %add3A_7 = arith.addi %mul3A_2, %add3A_6 : i32
    %dma_start3A_8 = tpu.memref_slice %arg4[%add3A_7] : memref<320000xi32, #tpu.memory_space<hbm>> -> memref<80xi32, #tpu.memory_space<hbm>>
    %dma_start3A_9 = tpu.memref_slice %arg4[%add3A_7] : memref<320000xi32, #tpu.memory_space<hbm>> -> memref<80xi32, #tpu.memory_space<hbm>>
    tpu.enqueue_dma source(%dma_start3A_9 : memref<80xi32, #tpu.memory_space<hbm>>) target(%arg14 : memref<80xi32, #tpu.memory_space<vmem>>) target_semaphore(%arg27 : memref<!tpu.dma_semaphore, #tpu.memory_space<semaphore_mem>>)
    %add3A_10 = arith.constant 80 : i32
    %add3A_11 = arith.addi %mul3A_2, %add3A_10 : i32
    %dma_start3A_12 = tpu.memref_slice %arg3[%add3A_11] : memref<320000xi32, #tpu.memory_space<hbm>> -> memref<80xi32, #tpu.memory_space<hbm>>
    %dma_start3A_13 = tpu.memref_slice %arg3[%add3A_11] : memref<320000xi32, #tpu.memory_space<hbm>> -> memref<80xi32, #tpu.memory_space<hbm>>
    tpu.enqueue_dma source(%dma_start3A_13 : memref<80xi32, #tpu.memory_space<hbm>>) target(%arg7 : memref<80xi32, #tpu.memory_space<vmem>>) target_semaphore(%arg28 : memref<!tpu.dma_semaphore, #tpu.memory_space<semaphore_mem>>)
    %add3A_14 = arith.constant 80 : i32
    %add3A_15 = arith.addi %mul3A_2, %add3A_14 : i32
    %dma_start3A_16 = tpu.memref_slice %arg4[%add3A_15] : memref<320000xi32, #tpu.memory_space<hbm>> -> memref<80xi32, #tpu.memory_space<hbm>>
    %dma_start3A_17 = tpu.memref_slice %arg4[%add3A_15] : memref<320000xi32, #tpu.memory_space<hbm>> -> memref<80xi32, #tpu.memory_space<hbm>>
    tpu.enqueue_dma source(%dma_start3A_17 : memref<80xi32, #tpu.memory_space<hbm>>) target(%arg15 : memref<80xi32, #tpu.memory_space<vmem>>) target_semaphore(%arg28 : memref<!tpu.dma_semaphore, #tpu.memory_space<semaphore_mem>>)
    %add3A_18 = arith.constant 160 : i32
    %add3A_19 = arith.addi %mul3A_2, %add3A_18 : i32
    %dma_start3A_20 = tpu.memref_slice %arg3[%add3A_19] : memref<320000xi32, #tpu.memory_space<hbm>> -> memref<80xi32, #tpu.memory_space<hbm>>
    %dma_start3A_21 = tpu.memref_slice %arg3[%add3A_19] : memref<320000xi32, #tpu.memory_space<hbm>> -> memref<80xi32, #tpu.memory_space<hbm>>
    tpu.enqueue_dma source(%dma_start3A_21 : memref<80xi32, #tpu.memory_space<hbm>>) target(%arg8 : memref<80xi32, #tpu.memory_space<vmem>>) target_semaphore(%arg29 : memref<!tpu.dma_semaphore, #tpu.memory_space<semaphore_mem>>)
    %add3A_22 = arith.constant 160 : i32
    %add3A_23 = arith.addi %mul3A_2, %add3A_22 : i32
    %dma_start3A_24 = tpu.memref_slice %arg4[%add3A_23] : memref<320000xi32, #tpu.memory_space<hbm>> -> memref<80xi32, #tpu.memory_space<hbm>>
    %dma_start3A_25 = tpu.memref_slice %arg4[%add3A_23] : memref<320000xi32, #tpu.memory_space<hbm>> -> memref<80xi32, #tpu.memory_space<hbm>>
    tpu.enqueue_dma source(%dma_start3A_25 : memref<80xi32, #tpu.memory_space<hbm>>) target(%arg16 : memref<80xi32, #tpu.memory_space<vmem>>) target_semaphore(%arg29 : memref<!tpu.dma_semaphore, #tpu.memory_space<semaphore_mem>>)
    %add3A_26 = arith.constant 240 : i32
    %add3A_27 = arith.addi %mul3A_2, %add3A_26 : i32
    %dma_start3A_28 = tpu.memref_slice %arg3[%add3A_27] : memref<320000xi32, #tpu.memory_space<hbm>> -> memref<80xi32, #tpu.memory_space<hbm>>
    %dma_start3A_29 = tpu.memref_slice %arg3[%add3A_27] : memref<320000xi32, #tpu.memory_space<hbm>> -> memref<80xi32, #tpu.memory_space<hbm>>
    tpu.enqueue_dma source(%dma_start3A_29 : memref<80xi32, #tpu.memory_space<hbm>>) target(%arg9 : memref<80xi32, #tpu.memory_space<vmem>>) target_semaphore(%arg30 : memref<!tpu.dma_semaphore, #tpu.memory_space<semaphore_mem>>)
    %add3A_30 = arith.constant 240 : i32
    %add3A_31 = arith.addi %mul3A_2, %add3A_30 : i32
    %dma_start3A_32 = tpu.memref_slice %arg4[%add3A_31] : memref<320000xi32, #tpu.memory_space<hbm>> -> memref<80xi32, #tpu.memory_space<hbm>>
    %dma_start3A_33 = tpu.memref_slice %arg4[%add3A_31] : memref<320000xi32, #tpu.memory_space<hbm>> -> memref<80xi32, #tpu.memory_space<hbm>>
    tpu.enqueue_dma source(%dma_start3A_33 : memref<80xi32, #tpu.memory_space<hbm>>) target(%arg17 : memref<80xi32, #tpu.memory_space<vmem>>) target_semaphore(%arg30 : memref<!tpu.dma_semaphore, #tpu.memory_space<semaphore_mem>>)
    %add3A_34 = arith.constant 320 : i32
    %add3A_35 = arith.addi %mul3A_2, %add3A_34 : i32
    %dma_start3A_36 = tpu.memref_slice %arg3[%add3A_35] : memref<320000xi32, #tpu.memory_space<hbm>> -> memref<80xi32, #tpu.memory_space<hbm>>
    %dma_start3A_37 = tpu.memref_slice %arg3[%add3A_35] : memref<320000xi32, #tpu.memory_space<hbm>> -> memref<80xi32, #tpu.memory_space<hbm>>
    tpu.enqueue_dma source(%dma_start3A_37 : memref<80xi32, #tpu.memory_space<hbm>>) target(%arg10 : memref<80xi32, #tpu.memory_space<vmem>>) target_semaphore(%arg31 : memref<!tpu.dma_semaphore, #tpu.memory_space<semaphore_mem>>)
    %add3A_38 = arith.constant 320 : i32
    %add3A_39 = arith.addi %mul3A_2, %add3A_38 : i32
    %dma_start3A_40 = tpu.memref_slice %arg4[%add3A_39] : memref<320000xi32, #tpu.memory_space<hbm>> -> memref<80xi32, #tpu.memory_space<hbm>>
    %dma_start3A_41 = tpu.memref_slice %arg4[%add3A_39] : memref<320000xi32, #tpu.memory_space<hbm>> -> memref<80xi32, #tpu.memory_space<hbm>>
    tpu.enqueue_dma source(%dma_start3A_41 : memref<80xi32, #tpu.memory_space<hbm>>) target(%arg18 : memref<80xi32, #tpu.memory_space<vmem>>) target_semaphore(%arg31 : memref<!tpu.dma_semaphore, #tpu.memory_space<semaphore_mem>>)
    %add3A_42 = arith.constant 400 : i32
    %add3A_43 = arith.addi %mul3A_2, %add3A_42 : i32
    %dma_start3A_44 = tpu.memref_slice %arg3[%add3A_43] : memref<320000xi32, #tpu.memory_space<hbm>> -> memref<80xi32, #tpu.memory_space<hbm>>
    %dma_start3A_45 = tpu.memref_slice %arg3[%add3A_43] : memref<320000xi32, #tpu.memory_space<hbm>> -> memref<80xi32, #tpu.memory_space<hbm>>
    tpu.enqueue_dma source(%dma_start3A_45 : memref<80xi32, #tpu.memory_space<hbm>>) target(%arg11 : memref<80xi32, #tpu.memory_space<vmem>>) target_semaphore(%arg32 : memref<!tpu.dma_semaphore, #tpu.memory_space<semaphore_mem>>)
    %add3A_46 = arith.constant 400 : i32
    %add3A_47 = arith.addi %mul3A_2, %add3A_46 : i32
    %dma_start3A_48 = tpu.memref_slice %arg4[%add3A_47] : memref<320000xi32, #tpu.memory_space<hbm>> -> memref<80xi32, #tpu.memory_space<hbm>>
    %dma_start3A_49 = tpu.memref_slice %arg4[%add3A_47] : memref<320000xi32, #tpu.memory_space<hbm>> -> memref<80xi32, #tpu.memory_space<hbm>>
    tpu.enqueue_dma source(%dma_start3A_49 : memref<80xi32, #tpu.memory_space<hbm>>) target(%arg19 : memref<80xi32, #tpu.memory_space<vmem>>) target_semaphore(%arg32 : memref<!tpu.dma_semaphore, #tpu.memory_space<semaphore_mem>>)
    %add3A_50 = arith.constant 480 : i32
    %add3A_51 = arith.addi %mul3A_2, %add3A_50 : i32
    %dma_start3A_52 = tpu.memref_slice %arg3[%add3A_51] : memref<320000xi32, #tpu.memory_space<hbm>> -> memref<80xi32, #tpu.memory_space<hbm>>
    %dma_start3A_53 = tpu.memref_slice %arg3[%add3A_51] : memref<320000xi32, #tpu.memory_space<hbm>> -> memref<80xi32, #tpu.memory_space<hbm>>
    tpu.enqueue_dma source(%dma_start3A_53 : memref<80xi32, #tpu.memory_space<hbm>>) target(%arg12 : memref<80xi32, #tpu.memory_space<vmem>>) target_semaphore(%arg33 : memref<!tpu.dma_semaphore, #tpu.memory_space<semaphore_mem>>)
    %add3A_54 = arith.constant 480 : i32
    %add3A_55 = arith.addi %mul3A_2, %add3A_54 : i32
    %dma_start3A_56 = tpu.memref_slice %arg4[%add3A_55] : memref<320000xi32, #tpu.memory_space<hbm>> -> memref<80xi32, #tpu.memory_space<hbm>>
    %dma_start3A_57 = tpu.memref_slice %arg4[%add3A_55] : memref<320000xi32, #tpu.memory_space<hbm>> -> memref<80xi32, #tpu.memory_space<hbm>>
    tpu.enqueue_dma source(%dma_start3A_57 : memref<80xi32, #tpu.memory_space<hbm>>) target(%arg20 : memref<80xi32, #tpu.memory_space<vmem>>) target_semaphore(%arg33 : memref<!tpu.dma_semaphore, #tpu.memory_space<semaphore_mem>>)
    %add3A_58 = arith.constant 560 : i32
    %add3A_59 = arith.addi %mul3A_2, %add3A_58 : i32
    %dma_start3A_60 = tpu.memref_slice %arg3[%add3A_59] : memref<320000xi32, #tpu.memory_space<hbm>> -> memref<80xi32, #tpu.memory_space<hbm>>
    %dma_start3A_61 = tpu.memref_slice %arg3[%add3A_59] : memref<320000xi32, #tpu.memory_space<hbm>> -> memref<80xi32, #tpu.memory_space<hbm>>
    tpu.enqueue_dma source(%dma_start3A_61 : memref<80xi32, #tpu.memory_space<hbm>>) target(%arg13 : memref<80xi32, #tpu.memory_space<vmem>>) target_semaphore(%arg34 : memref<!tpu.dma_semaphore, #tpu.memory_space<semaphore_mem>>)
    %add3A_62 = arith.constant 560 : i32
    %add3A_63 = arith.addi %mul3A_2, %add3A_62 : i32
    %dma_start3A_64 = tpu.memref_slice %arg4[%add3A_63] : memref<320000xi32, #tpu.memory_space<hbm>> -> memref<80xi32, #tpu.memory_space<hbm>>
    %dma_start3A_65 = tpu.memref_slice %arg4[%add3A_63] : memref<320000xi32, #tpu.memory_space<hbm>> -> memref<80xi32, #tpu.memory_space<hbm>>
    tpu.enqueue_dma source(%dma_start3A_65 : memref<80xi32, #tpu.memory_space<hbm>>) target(%arg21 : memref<80xi32, #tpu.memory_space<vmem>>) target_semaphore(%arg34 : memref<!tpu.dma_semaphore, #tpu.memory_space<semaphore_mem>>)
    %scan3A = arith.constant 0 : i32
    %scan3A_66 = arith.constant 0 : i32
    %scan3A_67 = arith.constant 80 : i32
    %scan3A_68 = arith.addi %scan3A_66, %scan3A_67 : i32
    %scan3A_69 = arith.constant 1 : i32
    scf.for %scan3A_181 = %scan3A_66 to %scan3A_68 step %scan3A_69  : i32 {
      %broadcast_in_dim3A = arith.constant 0.000000e+00 : f32
      %broadcast_in_dim3A_182 = vector.broadcast %broadcast_in_dim3A : f32 to vector<16xf32>
      %swap3A = arith.index_cast %scan3A_181 : i32 to index
      %swap3A_183 = arith.constant 0 : index
      %swap3A_184 = tpu.vector_load %arg22[%swap3A, %swap3A_183] {strides = array<i32>} : memref<80x128xf32, #tpu.memory_space<vmem>>, vector<1x16xf32>,
      %swap3A_185 = vector.shape_cast %swap3A_184 : vector<1x16xf32> to vector<16xf32>
      %swap3A_186 = vector.shape_cast %broadcast_in_dim3A_182 : vector<16xf32> to vector<1x16xf32>
      tpu.vector_store %arg22[%swap3A, %swap3A_183], %swap3A_186 {strides = array<i32>} : memref<80x128xf32, #tpu.memory_space<vmem>>, vector<1x16xf32>,
      %broadcast_in_dim3A_187 = arith.constant 0.000000e+00 : f32
      %broadcast_in_dim3A_188 = vector.broadcast %broadcast_in_dim3A_187 : f32 to vector<16xf32>
      %swap3A_189 = arith.index_cast %scan3A_181 : i32 to index
      %swap3A_190 = arith.constant 16 : index
      %swap3A_191 = tpu.vector_load %arg22[%swap3A_189, %swap3A_190] {strides = array<i32>} : memref<80x128xf32, #tpu.memory_space<vmem>>, vector<1x16xf32>,
      %swap3A_192 = vector.shape_cast %swap3A_191 : vector<1x16xf32> to vector<16xf32>
      %swap3A_193 = vector.shape_cast %broadcast_in_dim3A_188 : vector<16xf32> to vector<1x16xf32>
      tpu.vector_store %arg22[%swap3A_189, %swap3A_190], %swap3A_193 {strides = array<i32>} : memref<80x128xf32, #tpu.memory_space<vmem>>, vector<1x16xf32>,
      %broadcast_in_dim3A_194 = arith.constant 0.000000e+00 : f32
      %broadcast_in_dim3A_195 = vector.broadcast %broadcast_in_dim3A_194 : f32 to vector<16xf32>
      %swap3A_196 = arith.index_cast %scan3A_181 : i32 to index
      %swap3A_197 = arith.constant 32 : index
      %swap3A_198 = tpu.vector_load %arg22[%swap3A_196, %swap3A_197] {strides = array<i32>} : memref<80x128xf32, #tpu.memory_space<vmem>>, vector<1x16xf32>,
      %swap3A_199 = vector.shape_cast %swap3A_198 : vector<1x16xf32> to vector<16xf32>
      %swap3A_200 = vector.shape_cast %broadcast_in_dim3A_195 : vector<16xf32> to vector<1x16xf32>
      tpu.vector_store %arg22[%swap3A_196, %swap3A_197], %swap3A_200 {strides = array<i32>} : memref<80x128xf32, #tpu.memory_space<vmem>>, vector<1x16xf32>,
      %broadcast_in_dim3A_201 = arith.constant 0.000000e+00 : f32
      %broadcast_in_dim3A_202 = vector.broadcast %broadcast_in_dim3A_201 : f32 to vector<16xf32>
      %swap3A_203 = arith.index_cast %scan3A_181 : i32 to index
      %swap3A_204 = arith.constant 48 : index
      %swap3A_205 = tpu.vector_load %arg22[%swap3A_203, %swap3A_204] {strides = array<i32>} : memref<80x128xf32, #tpu.memory_space<vmem>>, vector<1x16xf32>,
      %swap3A_206 = vector.shape_cast %swap3A_205 : vector<1x16xf32> to vector<16xf32>
      %swap3A_207 = vector.shape_cast %broadcast_in_dim3A_202 : vector<16xf32> to vector<1x16xf32>
      tpu.vector_store %arg22[%swap3A_203, %swap3A_204], %swap3A_207 {strides = array<i32>} : memref<80x128xf32, #tpu.memory_space<vmem>>, vector<1x16xf32>,
      %broadcast_in_dim3A_208 = arith.constant 0.000000e+00 : f32
      %broadcast_in_dim3A_209 = vector.broadcast %broadcast_in_dim3A_208 : f32 to vector<16xf32>
      %swap3A_210 = arith.index_cast %scan3A_181 : i32 to index
      %swap3A_211 = arith.constant 64 : index
      %swap3A_212 = tpu.vector_load %arg22[%swap3A_210, %swap3A_211] {strides = array<i32>} : memref<80x128xf32, #tpu.memory_space<vmem>>, vector<1x16xf32>,
      %swap3A_213 = vector.shape_cast %swap3A_212 : vector<1x16xf32> to vector<16xf32>
      %swap3A_214 = vector.shape_cast %broadcast_in_dim3A_209 : vector<16xf32> to vector<1x16xf32>
      tpu.vector_store %arg22[%swap3A_210, %swap3A_211], %swap3A_214 {strides = array<i32>} : memref<80x128xf32, #tpu.memory_space<vmem>>, vector<1x16xf32>,
      %broadcast_in_dim3A_215 = arith.constant 0.000000e+00 : f32
      %broadcast_in_dim3A_216 = vector.broadcast %broadcast_in_dim3A_215 : f32 to vector<16xf32>
      %swap3A_217 = arith.index_cast %scan3A_181 : i32 to index
      %swap3A_218 = arith.constant 80 : index
      %swap3A_219 = tpu.vector_load %arg22[%swap3A_217, %swap3A_218] {strides = array<i32>} : memref<80x128xf32, #tpu.memory_space<vmem>>, vector<1x16xf32>,
      %swap3A_220 = vector.shape_cast %swap3A_219 : vector<1x16xf32> to vector<16xf32>
      %swap3A_221 = vector.shape_cast %broadcast_in_dim3A_216 : vector<16xf32> to vector<1x16xf32>
      tpu.vector_store %arg22[%swap3A_217, %swap3A_218], %swap3A_221 {strides = array<i32>} : memref<80x128xf32, #tpu.memory_space<vmem>>, vector<1x16xf32>,
      %broadcast_in_dim3A_222 = arith.constant 0.000000e+00 : f32
      %broadcast_in_dim3A_223 = vector.broadcast %broadcast_in_dim3A_222 : f32 to vector<16xf32>
      %swap3A_224 = arith.index_cast %scan3A_181 : i32 to index
      %swap3A_225 = arith.constant 96 : index
      %swap3A_226 = tpu.vector_load %arg22[%swap3A_224, %swap3A_225] {strides = array<i32>} : memref<80x128xf32, #tpu.memory_space<vmem>>, vector<1x16xf32>,
      %swap3A_227 = vector.shape_cast %swap3A_226 : vector<1x16xf32> to vector<16xf32>
      %swap3A_228 = vector.shape_cast %broadcast_in_dim3A_223 : vector<16xf32> to vector<1x16xf32>
      tpu.vector_store %arg22[%swap3A_224, %swap3A_225], %swap3A_228 {strides = array<i32>} : memref<80x128xf32, #tpu.memory_space<vmem>>, vector<1x16xf32>,
      %broadcast_in_dim3A_229 = arith.constant 0.000000e+00 : f32
      %broadcast_in_dim3A_230 = vector.broadcast %broadcast_in_dim3A_229 : f32 to vector<16xf32>
      %swap3A_231 = arith.index_cast %scan3A_181 : i32 to index
      %swap3A_232 = arith.constant 112 : index
      %swap3A_233 = tpu.vector_load %arg22[%swap3A_231, %swap3A_232] {strides = array<i32>} : memref<80x128xf32, #tpu.memory_space<vmem>>, vector<1x16xf32>,
      %swap3A_234 = vector.shape_cast %swap3A_233 : vector<1x16xf32> to vector<16xf32>
      %swap3A_235 = vector.shape_cast %broadcast_in_dim3A_230 : vector<16xf32> to vector<1x16xf32>
      tpu.vector_store %arg22[%swap3A_231, %swap3A_232], %swap3A_235 {strides = array<i32>} : memref<80x128xf32, #tpu.memory_space<vmem>>, vector<1x16xf32>,
    }
    %scan3A_70 = arith.constant 80 : i32
    %mul3A_71 = arith.constant 640 : i32
    %mul3A_72 = arith.muli %arg1, %mul3A_71 : i32
    %add3A_73 = arith.constant 0 : i32
    %add3A_74 = arith.addi %mul3A_72, %add3A_73 : i32
    "tpu.region"() ({
      %run_scoped3A = tpu.sem_alloc : memref<!tpu.dma_semaphore, #tpu.memory_space<semaphore_mem>>
      %dma_start3A_181 = arith.constant 0 : i32
      %dma_start3A_182 = tpu.memref_slice %arg26[%add3A_74, %dma_start3A_181] : memref<10240x128xf32, #tpu.memory_space<vmem_shared>> -> memref<80x128xf32, #tpu.memory_space<vmem_shared>>
      %dma_start3A_183 = arith.constant 0 : i32
      %dma_start3A_184 = tpu.memref_slice %arg26[%add3A_74, %dma_start3A_183] : memref<10240x128xf32, #tpu.memory_space<vmem_shared>> -> memref<80x128xf32, #tpu.memory_space<vmem_shared>>
      tpu.enqueue_dma source(%arg22 : memref<80x128xf32, #tpu.memory_space<vmem>>) target(%dma_start3A_184 : memref<80x128xf32, #tpu.memory_space<vmem_shared>>) target_semaphore(%run_scoped3A : memref<!tpu.dma_semaphore, #tpu.memory_space<semaphore_mem>>)
      %dma_wait3A_185 = arith.constant 0 : i32
      %dma_wait3A_186 = tpu.memref_slice %arg26[%add3A_74, %dma_wait3A_185] : memref<10240x128xf32, #tpu.memory_space<vmem_shared>> -> memref<80x128xf32, #tpu.memory_space<vmem_shared>>
      %dma_wait3A_187 = arith.constant 0 : i32
      %dma_wait3A_188 = tpu.memref_slice %arg26[%add3A_74, %dma_wait3A_187] : memref<10240x128xf32, #tpu.memory_space<vmem_shared>> -> memref<80x128xf32, #tpu.memory_space<vmem_shared>>
      tpu.wait_dma2 semaphore(%run_scoped3A : memref<!tpu.dma_semaphore, #tpu.memory_space<semaphore_mem>>) src(%arg22 : memref<80x128xf32, #tpu.memory_space<vmem>>) dst(%dma_wait3A_188 : memref<80x128xf32, #tpu.memory_space<vmem_shared>>)
      tpu.yield
    }) : () -> ()
    %add3A_75 = arith.constant 80 : i32
    %add3A_76 = arith.addi %mul3A_72, %add3A_75 : i32
    "tpu.region"() ({
      %run_scoped3A = tpu.sem_alloc : memref<!tpu.dma_semaphore, #tpu.memory_space<semaphore_mem>>
      %dma_start3A_181 = arith.constant 0 : i32
      %dma_start3A_182 = tpu.memref_slice %arg26[%add3A_76, %dma_start3A_181] : memref<10240x128xf32, #tpu.memory_space<vmem_shared>> -> memref<80x128xf32, #tpu.memory_space<vmem_shared>>
      %dma_start3A_183 = arith.constant 0 : i32
      %dma_start3A_184 = tpu.memref_slice %arg26[%add3A_76, %dma_start3A_183] : memref<10240x128xf32, #tpu.memory_space<vmem_shared>> -> memref<80x128xf32, #tpu.memory_space<vmem_shared>>
      tpu.enqueue_dma source(%arg22 : memref<80x128xf32, #tpu.memory_space<vmem>>) target(%dma_start3A_184 : memref<80x128xf32, #tpu.memory_space<vmem_shared>>) target_semaphore(%run_scoped3A : memref<!tpu.dma_semaphore, #tpu.memory_space<semaphore_mem>>)
      %dma_wait3A_185 = arith.constant 0 : i32
      %dma_wait3A_186 = tpu.memref_slice %arg26[%add3A_76, %dma_wait3A_185] : memref<10240x128xf32, #tpu.memory_space<vmem_shared>> -> memref<80x128xf32, #tpu.memory_space<vmem_shared>>
      %dma_wait3A_187 = arith.constant 0 : i32
      %dma_wait3A_188 = tpu.memref_slice %arg26[%add3A_76, %dma_wait3A_187] : memref<10240x128xf32, #tpu.memory_space<vmem_shared>> -> memref<80x128xf32, #tpu.memory_space<vmem_shared>>
      tpu.wait_dma2 semaphore(%run_scoped3A : memref<!tpu.dma_semaphore, #tpu.memory_space<semaphore_mem>>) src(%arg22 : memref<80x128xf32, #tpu.memory_space<vmem>>) dst(%dma_wait3A_188 : memref<80x128xf32, #tpu.memory_space<vmem_shared>>)
      tpu.yield
    }) : () -> ()
    %add3A_77 = arith.constant 160 : i32
    %add3A_78 = arith.addi %mul3A_72, %add3A_77 : i32
    "tpu.region"() ({
      %run_scoped3A = tpu.sem_alloc : memref<!tpu.dma_semaphore, #tpu.memory_space<semaphore_mem>>
      %dma_start3A_181 = arith.constant 0 : i32
      %dma_start3A_182 = tpu.memref_slice %arg26[%add3A_78, %dma_start3A_181] : memref<10240x128xf32, #tpu.memory_space<vmem_shared>> -> memref<80x128xf32, #tpu.memory_space<vmem_shared>>
      %dma_start3A_183 = arith.constant 0 : i32
      %dma_start3A_184 = tpu.memref_slice %arg26[%add3A_78, %dma_start3A_183] : memref<10240x128xf32, #tpu.memory_space<vmem_shared>> -> memref<80x128xf32, #tpu.memory_space<vmem_shared>>
      tpu.enqueue_dma source(%arg22 : memref<80x128xf32, #tpu.memory_space<vmem>>) target(%dma_start3A_184 : memref<80x128xf32, #tpu.memory_space<vmem_shared>>) target_semaphore(%run_scoped3A : memref<!tpu.dma_semaphore, #tpu.memory_space<semaphore_mem>>)
      %dma_wait3A_185 = arith.constant 0 : i32
      %dma_wait3A_186 = tpu.memref_slice %arg26[%add3A_78, %dma_wait3A_185] : memref<10240x128xf32, #tpu.memory_space<vmem_shared>> -> memref<80x128xf32, #tpu.memory_space<vmem_shared>>
      %dma_wait3A_187 = arith.constant 0 : i32
      %dma_wait3A_188 = tpu.memref_slice %arg26[%add3A_78, %dma_wait3A_187] : memref<10240x128xf32, #tpu.memory_space<vmem_shared>> -> memref<80x128xf32, #tpu.memory_space<vmem_shared>>
      tpu.wait_dma2 semaphore(%run_scoped3A : memref<!tpu.dma_semaphore, #tpu.memory_space<semaphore_mem>>) src(%arg22 : memref<80x128xf32, #tpu.memory_space<vmem>>) dst(%dma_wait3A_188 : memref<80x128xf32, #tpu.memory_space<vmem_shared>>)
      tpu.yield
    }) : () -> ()
    %add3A_79 = arith.constant 240 : i32
    %add3A_80 = arith.addi %mul3A_72, %add3A_79 : i32
    "tpu.region"() ({
      %run_scoped3A = tpu.sem_alloc : memref<!tpu.dma_semaphore, #tpu.memory_space<semaphore_mem>>
      %dma_start3A_181 = arith.constant 0 : i32
      %dma_start3A_182 = tpu.memref_slice %arg26[%add3A_80, %dma_start3A_181] : memref<10240x128xf32, #tpu.memory_space<vmem_shared>> -> memref<80x128xf32, #tpu.memory_space<vmem_shared>>
      %dma_start3A_183 = arith.constant 0 : i32
      %dma_start3A_184 = tpu.memref_slice %arg26[%add3A_80, %dma_start3A_183] : memref<10240x128xf32, #tpu.memory_space<vmem_shared>> -> memref<80x128xf32, #tpu.memory_space<vmem_shared>>
      tpu.enqueue_dma source(%arg22 : memref<80x128xf32, #tpu.memory_space<vmem>>) target(%dma_start3A_184 : memref<80x128xf32, #tpu.memory_space<vmem_shared>>) target_semaphore(%run_scoped3A : memref<!tpu.dma_semaphore, #tpu.memory_space<semaphore_mem>>)
      %dma_wait3A_185 = arith.constant 0 : i32
      %dma_wait3A_186 = tpu.memref_slice %arg26[%add3A_80, %dma_wait3A_185] : memref<10240x128xf32, #tpu.memory_space<vmem_shared>> -> memref<80x128xf32, #tpu.memory_space<vmem_shared>>
      %dma_wait3A_187 = arith.constant 0 : i32
      %dma_wait3A_188 = tpu.memref_slice %arg26[%add3A_80, %dma_wait3A_187] : memref<10240x128xf32, #tpu.memory_space<vmem_shared>> -> memref<80x128xf32, #tpu.memory_space<vmem_shared>>
      tpu.wait_dma2 semaphore(%run_scoped3A : memref<!tpu.dma_semaphore, #tpu.memory_space<semaphore_mem>>) src(%arg22 : memref<80x128xf32, #tpu.memory_space<vmem>>) dst(%dma_wait3A_188 : memref<80x128xf32, #tpu.memory_space<vmem_shared>>)
      tpu.yield
    }) : () -> ()
    %add3A_81 = arith.constant 320 : i32
    %add3A_82 = arith.addi %mul3A_72, %add3A_81 : i32
    "tpu.region"() ({
      %run_scoped3A = tpu.sem_alloc : memref<!tpu.dma_semaphore, #tpu.memory_space<semaphore_mem>>
      %dma_start3A_181 = arith.constant 0 : i32
      %dma_start3A_182 = tpu.memref_slice %arg26[%add3A_82, %dma_start3A_181] : memref<10240x128xf32, #tpu.memory_space<vmem_shared>> -> memref<80x128xf32, #tpu.memory_space<vmem_shared>>
      %dma_start3A_183 = arith.constant 0 : i32
      %dma_start3A_184 = tpu.memref_slice %arg26[%add3A_82, %dma_start3A_183] : memref<10240x128xf32, #tpu.memory_space<vmem_shared>> -> memref<80x128xf32, #tpu.memory_space<vmem_shared>>
      tpu.enqueue_dma source(%arg22 : memref<80x128xf32, #tpu.memory_space<vmem>>) target(%dma_start3A_184 : memref<80x128xf32, #tpu.memory_space<vmem_shared>>) target_semaphore(%run_scoped3A : memref<!tpu.dma_semaphore, #tpu.memory_space<semaphore_mem>>)
      %dma_wait3A_185 = arith.constant 0 : i32
      %dma_wait3A_186 = tpu.memref_slice %arg26[%add3A_82, %dma_wait3A_185] : memref<10240x128xf32, #tpu.memory_space<vmem_shared>> -> memref<80x128xf32, #tpu.memory_space<vmem_shared>>
      %dma_wait3A_187 = arith.constant 0 : i32
      %dma_wait3A_188 = tpu.memref_slice %arg26[%add3A_82, %dma_wait3A_187] : memref<10240x128xf32, #tpu.memory_space<vmem_shared>> -> memref<80x128xf32, #tpu.memory_space<vmem_shared>>
      tpu.wait_dma2 semaphore(%run_scoped3A : memref<!tpu.dma_semaphore, #tpu.memory_space<semaphore_mem>>) src(%arg22 : memref<80x128xf32, #tpu.memory_space<vmem>>) dst(%dma_wait3A_188 : memref<80x128xf32, #tpu.memory_space<vmem_shared>>)
      tpu.yield
    }) : () -> ()
    %add3A_83 = arith.constant 400 : i32
    %add3A_84 = arith.addi %mul3A_72, %add3A_83 : i32
    "tpu.region"() ({
      %run_scoped3A = tpu.sem_alloc : memref<!tpu.dma_semaphore, #tpu.memory_space<semaphore_mem>>
      %dma_start3A_181 = arith.constant 0 : i32
      %dma_start3A_182 = tpu.memref_slice %arg26[%add3A_84, %dma_start3A_181] : memref<10240x128xf32, #tpu.memory_space<vmem_shared>> -> memref<80x128xf32, #tpu.memory_space<vmem_shared>>
      %dma_start3A_183 = arith.constant 0 : i32
      %dma_start3A_184 = tpu.memref_slice %arg26[%add3A_84, %dma_start3A_183] : memref<10240x128xf32, #tpu.memory_space<vmem_shared>> -> memref<80x128xf32, #tpu.memory_space<vmem_shared>>
      tpu.enqueue_dma source(%arg22 : memref<80x128xf32, #tpu.memory_space<vmem>>) target(%dma_start3A_184 : memref<80x128xf32, #tpu.memory_space<vmem_shared>>) target_semaphore(%run_scoped3A : memref<!tpu.dma_semaphore, #tpu.memory_space<semaphore_mem>>)
      %dma_wait3A_185 = arith.constant 0 : i32
      %dma_wait3A_186 = tpu.memref_slice %arg26[%add3A_84, %dma_wait3A_185] : memref<10240x128xf32, #tpu.memory_space<vmem_shared>> -> memref<80x128xf32, #tpu.memory_space<vmem_shared>>
      %dma_wait3A_187 = arith.constant 0 : i32
      %dma_wait3A_188 = tpu.memref_slice %arg26[%add3A_84, %dma_wait3A_187] : memref<10240x128xf32, #tpu.memory_space<vmem_shared>> -> memref<80x128xf32, #tpu.memory_space<vmem_shared>>
      tpu.wait_dma2 semaphore(%run_scoped3A : memref<!tpu.dma_semaphore, #tpu.memory_space<semaphore_mem>>) src(%arg22 : memref<80x128xf32, #tpu.memory_space<vmem>>) dst(%dma_wait3A_188 : memref<80x128xf32, #tpu.memory_space<vmem_shared>>)
      tpu.yield
    }) : () -> ()
    %add3A_85 = arith.constant 480 : i32
    %add3A_86 = arith.addi %mul3A_72, %add3A_85 : i32
    "tpu.region"() ({
      %run_scoped3A = tpu.sem_alloc : memref<!tpu.dma_semaphore, #tpu.memory_space<semaphore_mem>>
      %dma_start3A_181 = arith.constant 0 : i32
      %dma_start3A_182 = tpu.memref_slice %arg26[%add3A_86, %dma_start3A_181] : memref<10240x128xf32, #tpu.memory_space<vmem_shared>> -> memref<80x128xf32, #tpu.memory_space<vmem_shared>>
      %dma_start3A_183 = arith.constant 0 : i32
      %dma_start3A_184 = tpu.memref_slice %arg26[%add3A_86, %dma_start3A_183] : memref<10240x128xf32, #tpu.memory_space<vmem_shared>> -> memref<80x128xf32, #tpu.memory_space<vmem_shared>>
      tpu.enqueue_dma source(%arg22 : memref<80x128xf32, #tpu.memory_space<vmem>>) target(%dma_start3A_184 : memref<80x128xf32, #tpu.memory_space<vmem_shared>>) target_semaphore(%run_scoped3A : memref<!tpu.dma_semaphore, #tpu.memory_space<semaphore_mem>>)
      %dma_wait3A_185 = arith.constant 0 : i32
      %dma_wait3A_186 = tpu.memref_slice %arg26[%add3A_86, %dma_wait3A_185] : memref<10240x128xf32, #tpu.memory_space<vmem_shared>> -> memref<80x128xf32, #tpu.memory_space<vmem_shared>>
      %dma_wait3A_187 = arith.constant 0 : i32
      %dma_wait3A_188 = tpu.memref_slice %arg26[%add3A_86, %dma_wait3A_187] : memref<10240x128xf32, #tpu.memory_space<vmem_shared>> -> memref<80x128xf32, #tpu.memory_space<vmem_shared>>
      tpu.wait_dma2 semaphore(%run_scoped3A : memref<!tpu.dma_semaphore, #tpu.memory_space<semaphore_mem>>) src(%arg22 : memref<80x128xf32, #tpu.memory_space<vmem>>) dst(%dma_wait3A_188 : memref<80x128xf32, #tpu.memory_space<vmem_shared>>)
      tpu.yield
    }) : () -> ()
    %add3A_87 = arith.constant 560 : i32
    %add3A_88 = arith.addi %mul3A_72, %add3A_87 : i32
    "tpu.region"() ({
      %run_scoped3A = tpu.sem_alloc : memref<!tpu.dma_semaphore, #tpu.memory_space<semaphore_mem>>
      %dma_start3A_181 = arith.constant 0 : i32
      %dma_start3A_182 = tpu.memref_slice %arg26[%add3A_88, %dma_start3A_181] : memref<10240x128xf32, #tpu.memory_space<vmem_shared>> -> memref<80x128xf32, #tpu.memory_space<vmem_shared>>
      %dma_start3A_183 = arith.constant 0 : i32
      %dma_start3A_184 = tpu.memref_slice %arg26[%add3A_88, %dma_start3A_183] : memref<10240x128xf32, #tpu.memory_space<vmem_shared>> -> memref<80x128xf32, #tpu.memory_space<vmem_shared>>
      tpu.enqueue_dma source(%arg22 : memref<80x128xf32, #tpu.memory_space<vmem>>) target(%dma_start3A_184 : memref<80x128xf32, #tpu.memory_space<vmem_shared>>) target_semaphore(%run_scoped3A : memref<!tpu.dma_semaphore, #tpu.memory_space<semaphore_mem>>)
      %dma_wait3A_185 = arith.constant 0 : i32
      %dma_wait3A_186 = tpu.memref_slice %arg26[%add3A_88, %dma_wait3A_185] : memref<10240x128xf32, #tpu.memory_space<vmem_shared>> -> memref<80x128xf32, #tpu.memory_space<vmem_shared>>
      %dma_wait3A_187 = arith.constant 0 : i32
      %dma_wait3A_188 = tpu.memref_slice %arg26[%add3A_88, %dma_wait3A_187] : memref<10240x128xf32, #tpu.memory_space<vmem_shared>> -> memref<80x128xf32, #tpu.memory_space<vmem_shared>>
      tpu.wait_dma2 semaphore(%run_scoped3A : memref<!tpu.dma_semaphore, #tpu.memory_space<semaphore_mem>>) src(%arg22 : memref<80x128xf32, #tpu.memory_space<vmem>>) dst(%dma_wait3A_188 : memref<80x128xf32, #tpu.memory_space<vmem_shared>>)
      tpu.yield
    }) : () -> ()
    %barrier3A = arith.constant 0 : index
    tpu.barrier barrier_id(%barrier3A)
    %dma_wait3A = arith.constant 0 : i32
    %dma_wait3A_89 = tpu.memref_slice %arg3[%dma_wait3A] : memref<320000xi32, #tpu.memory_space<hbm>> -> memref<80xi32, #tpu.memory_space<hbm>>
    %dma_wait3A_90 = arith.constant 0 : i32
    %dma_wait3A_91 = tpu.memref_slice %arg3[%dma_wait3A_90] : memref<320000xi32, #tpu.memory_space<hbm>> -> memref<80xi32, #tpu.memory_space<hbm>>
    tpu.wait_dma2 semaphore(%arg27 : memref<!tpu.dma_semaphore, #tpu.memory_space<semaphore_mem>>) src(%dma_wait3A_91 : memref<80xi32, #tpu.memory_space<hbm>>) dst(%arg6 : memref<80xi32, #tpu.memory_space<vmem>>)
    %dma_wait3A_92 = arith.constant 0 : i32
    %dma_wait3A_93 = tpu.memref_slice %arg4[%dma_wait3A_92] : memref<320000xi32, #tpu.memory_space<hbm>> -> memref<80xi32, #tpu.memory_space<hbm>>
    %dma_wait3A_94 = arith.constant 0 : i32
    %dma_wait3A_95 = tpu.memref_slice %arg4[%dma_wait3A_94] : memref<320000xi32, #tpu.memory_space<hbm>> -> memref<80xi32, #tpu.memory_space<hbm>>
    tpu.wait_dma2 semaphore(%arg27 : memref<!tpu.dma_semaphore, #tpu.memory_space<semaphore_mem>>) src(%dma_wait3A_95 : memref<80xi32, #tpu.memory_space<hbm>>) dst(%arg14 : memref<80xi32, #tpu.memory_space<vmem>>)
    %dma_start3A_96 = arith.constant 0 : i32
    %dma_start3A_97 = arith.constant 0 : i32
    %dma_start3A_98 = tpu.memref_slice %arg2[%dma_start3A_96, %dma_start3A_97] : memref<5120x128xf32, #tpu.memory_space<hbm>> -> memref<5120x128xf32, #tpu.memory_space<hbm>>
    tpu.enqueue_indirect_dma source(%dma_start3A_98 : memref<5120x128xf32, #tpu.memory_space<hbm>>) target(%arg22 : memref<80x128xf32, #tpu.memory_space<vmem>>) offsets(%arg6 : memref<80xi32, #tpu.memory_space<vmem>>) semaphore(%arg35 : memref<!tpu.dma_semaphore, #tpu.memory_space<semaphore_mem>>)
    %dma_wait3A_99 = arith.constant 0 : i32
    %dma_wait3A_100 = tpu.memref_slice %arg3[%dma_wait3A_99] : memref<320000xi32, #tpu.memory_space<hbm>> -> memref<80xi32, #tpu.memory_space<hbm>>
    %dma_wait3A_101 = arith.constant 0 : i32
    %dma_wait3A_102 = tpu.memref_slice %arg3[%dma_wait3A_101] : memref<320000xi32, #tpu.memory_space<hbm>> -> memref<80xi32, #tpu.memory_space<hbm>>
    tpu.wait_dma2 semaphore(%arg28 : memref<!tpu.dma_semaphore, #tpu.memory_space<semaphore_mem>>) src(%dma_wait3A_102 : memref<80xi32, #tpu.memory_space<hbm>>) dst(%arg7 : memref<80xi32, #tpu.memory_space<vmem>>)
    %dma_wait3A_103 = arith.constant 0 : i32
    %dma_wait3A_104 = tpu.memref_slice %arg4[%dma_wait3A_103] : memref<320000xi32, #tpu.memory_space<hbm>> -> memref<80xi32, #tpu.memory_space<hbm>>
    %dma_wait3A_105 = arith.constant 0 : i32
    %dma_wait3A_106 = tpu.memref_slice %arg4[%dma_wait3A_105] : memref<320000xi32, #tpu.memory_space<hbm>> -> memref<80xi32, #tpu.memory_space<hbm>>
    tpu.wait_dma2 semaphore(%arg28 : memref<!tpu.dma_semaphore, #tpu.memory_space<semaphore_mem>>) src(%dma_wait3A_106 : memref<80xi32, #tpu.memory_space<hbm>>) dst(%arg15 : memref<80xi32, #tpu.memory_space<vmem>>)
    %dma_start3A_107 = arith.constant 0 : i32
    %dma_start3A_108 = arith.constant 0 : i32
    %dma_start3A_109 = tpu.memref_slice %arg2[%dma_start3A_107, %dma_start3A_108] : memref<5120x128xf32, #tpu.memory_space<hbm>> -> memref<5120x128xf32, #tpu.memory_space<hbm>>
    tpu.enqueue_indirect_dma source(%dma_start3A_109 : memref<5120x128xf32, #tpu.memory_space<hbm>>) target(%arg23 : memref<80x128xf32, #tpu.memory_space<vmem>>) offsets(%arg7 : memref<80xi32, #tpu.memory_space<vmem>>) semaphore(%arg36 : memref<!tpu.dma_semaphore, #tpu.memory_space<semaphore_mem>>)
    %dma_wait3A_110 = arith.constant 0 : i32
    %dma_wait3A_111 = tpu.memref_slice %arg3[%dma_wait3A_110] : memref<320000xi32, #tpu.memory_space<hbm>> -> memref<80xi32, #tpu.memory_space<hbm>>
    %dma_wait3A_112 = arith.constant 0 : i32
    %dma_wait3A_113 = tpu.memref_slice %arg3[%dma_wait3A_112] : memref<320000xi32, #tpu.memory_space<hbm>> -> memref<80xi32, #tpu.memory_space<hbm>>
    tpu.wait_dma2 semaphore(%arg29 : memref<!tpu.dma_semaphore, #tpu.memory_space<semaphore_mem>>) src(%dma_wait3A_113 : memref<80xi32, #tpu.memory_space<hbm>>) dst(%arg8 : memref<80xi32, #tpu.memory_space<vmem>>)
    %dma_wait3A_114 = arith.constant 0 : i32
    %dma_wait3A_115 = tpu.memref_slice %arg4[%dma_wait3A_114] : memref<320000xi32, #tpu.memory_space<hbm>> -> memref<80xi32, #tpu.memory_space<hbm>>
    %dma_wait3A_116 = arith.constant 0 : i32
    %dma_wait3A_117 = tpu.memref_slice %arg4[%dma_wait3A_116] : memref<320000xi32, #tpu.memory_space<hbm>> -> memref<80xi32, #tpu.memory_space<hbm>>
    tpu.wait_dma2 semaphore(%arg29 : memref<!tpu.dma_semaphore, #tpu.memory_space<semaphore_mem>>) src(%dma_wait3A_117 : memref<80xi32, #tpu.memory_space<hbm>>) dst(%arg16 : memref<80xi32, #tpu.memory_space<vmem>>)
    %dma_start3A_118 = arith.constant 0 : i32
    %dma_start3A_119 = arith.constant 0 : i32
    %dma_start3A_120 = tpu.memref_slice %arg2[%dma_start3A_118, %dma_start3A_119] : memref<5120x128xf32, #tpu.memory_space<hbm>> -> memref<5120x128xf32, #tpu.memory_space<hbm>>
    tpu.enqueue_indirect_dma source(%dma_start3A_120 : memref<5120x128xf32, #tpu.memory_space<hbm>>) target(%arg24 : memref<80x128xf32, #tpu.memory_space<vmem>>) offsets(%arg8 : memref<80xi32, #tpu.memory_space<vmem>>) semaphore(%arg37 : memref<!tpu.dma_semaphore, #tpu.memory_space<semaphore_mem>>)
    %dma_wait3A_121 = arith.constant 0 : i32
    %dma_wait3A_122 = tpu.memref_slice %arg3[%dma_wait3A_121] : memref<320000xi32, #tpu.memory_space<hbm>> -> memref<80xi32, #tpu.memory_space<hbm>>
    %dma_wait3A_123 = arith.constant 0 : i32
    %dma_wait3A_124 = tpu.memref_slice %arg3[%dma_wait3A_123] : memref<320000xi32, #tpu.memory_space<hbm>> -> memref<80xi32, #tpu.memory_space<hbm>>
    tpu.wait_dma2 semaphore(%arg30 : memref<!tpu.dma_semaphore, #tpu.memory_space<semaphore_mem>>) src(%dma_wait3A_124 : memref<80xi32, #tpu.memory_space<hbm>>) dst(%arg9 : memref<80xi32, #tpu.memory_space<vmem>>)
    %dma_wait3A_125 = arith.constant 0 : i32
    %dma_wait3A_126 = tpu.memref_slice %arg4[%dma_wait3A_125] : memref<320000xi32, #tpu.memory_space<hbm>> -> memref<80xi32, #tpu.memory_space<hbm>>
    %dma_wait3A_127 = arith.constant 0 : i32
    %dma_wait3A_128 = tpu.memref_slice %arg4[%dma_wait3A_127] : memref<320000xi32, #tpu.memory_space<hbm>> -> memref<80xi32, #tpu.memory_space<hbm>>
    tpu.wait_dma2 semaphore(%arg30 : memref<!tpu.dma_semaphore, #tpu.memory_space<semaphore_mem>>) src(%dma_wait3A_128 : memref<80xi32, #tpu.memory_space<hbm>>) dst(%arg17 : memref<80xi32, #tpu.memory_space<vmem>>)
    %dma_start3A_129 = arith.constant 0 : i32
    %dma_start3A_130 = arith.constant 0 : i32
    %dma_start3A_131 = tpu.memref_slice %arg2[%dma_start3A_129, %dma_start3A_130] : memref<5120x128xf32, #tpu.memory_space<hbm>> -> memref<5120x128xf32, #tpu.memory_space<hbm>>
    tpu.enqueue_indirect_dma source(%dma_start3A_131 : memref<5120x128xf32, #tpu.memory_space<hbm>>) target(%arg25 : memref<80x128xf32, #tpu.memory_space<vmem>>) offsets(%arg9 : memref<80xi32, #tpu.memory_space<vmem>>) semaphore(%arg38 : memref<!tpu.dma_semaphore, #tpu.memory_space<semaphore_mem>>)
    %scan3A_132 = arith.constant 0 : i32
    %scan3A_133 = arith.constant 0 : i32
    %scan3A_134 = arith.constant 15 : i32
    %scan3A_135 = arith.addi %scan3A_133, %scan3A_134 : i32
    %scan3A_136 = arith.constant 1 : i32
    scf.for %scan3A_181 = %scan3A_133 to %scan3A_135 step %scan3A_136  : i32 {
      %mul3A_182 = arith.constant 8 : i32
      %mul3A_183 = arith.muli %mul3A_182, %scan3A_181 : i32
      %add3A_184 = arith.constant 0 : i32
      %add3A_185 = arith.addi %mul3A_183, %add3A_184 : i32
      %dma_wait3A_186 = arith.constant 0 : i32
      %dma_wait3A_187 = arith.constant 0 : i32
      %dma_wait3A_188 = tpu.memref_slice %arg2[%dma_wait3A_186, %dma_wait3A_187] : memref<5120x128xf32, #tpu.memory_space<hbm>> -> memref<5120x128xf32, #tpu.memory_space<hbm>>
      tpu.wait_indirect_dma semaphore(%arg35 : memref<!tpu.dma_semaphore, #tpu.memory_space<semaphore_mem>>) src(%dma_wait3A_188 : memref<5120x128xf32, #tpu.memory_space<hbm>>) dst(%arg22 : memref<80x128xf32, #tpu.memory_space<vmem>>)
      "tpu.region"() ({
        %run_scoped3A = tpu.sem_alloc : memref<!tpu.dma_semaphore, #tpu.memory_space<semaphore_mem>>
        %dma_start3A_333 = arith.constant 0 : i32
        %dma_start3A_334 = arith.constant 0 : i32
        %dma_start3A_335 = tpu.memref_slice %arg26[%dma_start3A_333, %dma_start3A_334] : memref<10240x128xf32, #tpu.memory_space<vmem_shared>> -> memref<10240x128xf32, #tpu.memory_space<vmem_shared>>
        tpu.enqueue_indirect_dma source(%arg22 : memref<80x128xf32, #tpu.memory_space<vmem>>) target(%dma_start3A_335 : memref<10240x128xf32, #tpu.memory_space<vmem_shared>>) offsets(%arg14 : memref<80xi32, #tpu.memory_space<vmem>>) semaphore(%run_scoped3A : memref<!tpu.dma_semaphore, #tpu.memory_space<semaphore_mem>>) {add = true}
        %dma_wait3A_336 = arith.constant 0 : i32
        %dma_wait3A_337 = arith.constant 0 : i32
        %dma_wait3A_338 = tpu.memref_slice %arg26[%dma_wait3A_336, %dma_wait3A_337] : memref<10240x128xf32, #tpu.memory_space<vmem_shared>> -> memref<10240x128xf32, #tpu.memory_space<vmem_shared>>
        tpu.wait_indirect_dma semaphore(%run_scoped3A : memref<!tpu.dma_semaphore, #tpu.memory_space<semaphore_mem>>) src(%arg22 : memref<80x128xf32, #tpu.memory_space<vmem>>) dst(%dma_wait3A_338 : memref<10240x128xf32, #tpu.memory_space<vmem_shared>>)
        tpu.yield
      }) : () -> ()
      %add3A_189 = arith.constant 4 : i32
      %add3A_190 = arith.addi %add3A_185, %add3A_189 : i32
      %lt3A = arith.constant 125 : i32
      %lt3A_191 = arith.cmpi slt, %add3A_190, %lt3A : i32
      %convert_element_type3A = arith.extui %lt3A_191 : i1 to i32
      %cond3A = arith.constant 0 : i32
      %cond3A_192 = arith.cmpi ne, %convert_element_type3A, %cond3A : i32
      scf.if %cond3A_192 {
        %dma_wait3A_333 = arith.constant 0 : i32
        %dma_wait3A_334 = tpu.memref_slice %arg3[%dma_wait3A_333] : memref<320000xi32, #tpu.memory_space<hbm>> -> memref<80xi32, #tpu.memory_space<hbm>>
        %dma_wait3A_335 = arith.constant 0 : i32
        %dma_wait3A_336 = tpu.memref_slice %arg3[%dma_wait3A_335] : memref<320000xi32, #tpu.memory_space<hbm>> -> memref<80xi32, #tpu.memory_space<hbm>>
        tpu.wait_dma2 semaphore(%arg31 : memref<!tpu.dma_semaphore, #tpu.memory_space<semaphore_mem>>) src(%dma_wait3A_336 : memref<80xi32, #tpu.memory_space<hbm>>) dst(%arg10 : memref<80xi32, #tpu.memory_space<vmem>>)
        %dma_wait3A_337 = arith.constant 0 : i32
        %dma_wait3A_338 = tpu.memref_slice %arg4[%dma_wait3A_337] : memref<320000xi32, #tpu.memory_space<hbm>> -> memref<80xi32, #tpu.memory_space<hbm>>
        %dma_wait3A_339 = arith.constant 0 : i32
        %dma_wait3A_340 = tpu.memref_slice %arg4[%dma_wait3A_339] : memref<320000xi32, #tpu.memory_space<hbm>> -> memref<80xi32, #tpu.memory_space<hbm>>
        tpu.wait_dma2 semaphore(%arg31 : memref<!tpu.dma_semaphore, #tpu.memory_space<semaphore_mem>>) src(%dma_wait3A_340 : memref<80xi32, #tpu.memory_space<hbm>>) dst(%arg18 : memref<80xi32, #tpu.memory_space<vmem>>)
        %dma_start3A_341 = arith.constant 0 : i32
        %dma_start3A_342 = arith.constant 0 : i32
        %dma_start3A_343 = tpu.memref_slice %arg2[%dma_start3A_341, %dma_start3A_342] : memref<5120x128xf32, #tpu.memory_space<hbm>> -> memref<5120x128xf32, #tpu.memory_space<hbm>>
        tpu.enqueue_indirect_dma source(%dma_start3A_343 : memref<5120x128xf32, #tpu.memory_space<hbm>>) target(%arg22 : memref<80x128xf32, #tpu.memory_space<vmem>>) offsets(%arg10 : memref<80xi32, #tpu.memory_space<vmem>>) semaphore(%arg35 : memref<!tpu.dma_semaphore, #tpu.memory_space<semaphore_mem>>)
      } else {
      }
      %add3A_193 = arith.constant 8 : i32
      %add3A_194 = arith.addi %add3A_185, %add3A_193 : i32
      %lt3A_195 = arith.constant 125 : i32
      %lt3A_196 = arith.cmpi slt, %add3A_194, %lt3A_195 : i32
      %convert_element_type3A_197 = arith.extui %lt3A_196 : i1 to i32
      %cond3A_198 = arith.constant 0 : i32
      %cond3A_199 = arith.cmpi ne, %convert_element_type3A_197, %cond3A_198 : i32
      scf.if %cond3A_199 {
        %add3A_333 = arith.constant 8 : i32
        %add3A_334 = arith.addi %add3A_185, %add3A_333 : i32
        %mul3A_335 = arith.constant 80 : i32
        %mul3A_336 = arith.muli %add3A_334, %mul3A_335 : i32
        %add3A_337 = arith.addi %mul3A_2, %mul3A_336 : i32
        %dma_start3A_338 = tpu.memref_slice %arg3[%add3A_337] : memref<320000xi32, #tpu.memory_space<hbm>> -> memref<80xi32, #tpu.memory_space<hbm>>
        %dma_start3A_339 = tpu.memref_slice %arg3[%add3A_337] : memref<320000xi32, #tpu.memory_space<hbm>> -> memref<80xi32, #tpu.memory_space<hbm>>
        tpu.enqueue_dma source(%dma_start3A_339 : memref<80xi32, #tpu.memory_space<hbm>>) target(%arg6 : memref<80xi32, #tpu.memory_space<vmem>>) target_semaphore(%arg27 : memref<!tpu.dma_semaphore, #tpu.memory_space<semaphore_mem>>)
        %mul3A_340 = arith.constant 80 : i32
        %mul3A_341 = arith.muli %add3A_334, %mul3A_340 : i32
        %add3A_342 = arith.addi %mul3A_2, %mul3A_341 : i32
        %dma_start3A_343 = tpu.memref_slice %arg4[%add3A_342] : memref<320000xi32, #tpu.memory_space<hbm>> -> memref<80xi32, #tpu.memory_space<hbm>>
        %dma_start3A_344 = tpu.memref_slice %arg4[%add3A_342] : memref<320000xi32, #tpu.memory_space<hbm>> -> memref<80xi32, #tpu.memory_space<hbm>>
        tpu.enqueue_dma source(%dma_start3A_344 : memref<80xi32, #tpu.memory_space<hbm>>) target(%arg14 : memref<80xi32, #tpu.memory_space<vmem>>) target_semaphore(%arg27 : memref<!tpu.dma_semaphore, #tpu.memory_space<semaphore_mem>>)
      } else {
      }
      %add3A_200 = arith.constant 1 : i32
      %add3A_201 = arith.addi %mul3A_183, %add3A_200 : i32
      %dma_wait3A_202 = arith.constant 0 : i32
      %dma_wait3A_203 = arith.constant 0 : i32
      %dma_wait3A_204 = tpu.memref_slice %arg2[%dma_wait3A_202, %dma_wait3A_203] : memref<5120x128xf32, #tpu.memory_space<hbm>> -> memref<5120x128xf32, #tpu.memory_space<hbm>>
      tpu.wait_indirect_dma semaphore(%arg36 : memref<!tpu.dma_semaphore, #tpu.memory_space<semaphore_mem>>) src(%dma_wait3A_204 : memref<5120x128xf32, #tpu.memory_space<hbm>>) dst(%arg23 : memref<80x128xf32, #tpu.memory_space<vmem>>)
      "tpu.region"() ({
        %run_scoped3A = tpu.sem_alloc : memref<!tpu.dma_semaphore, #tpu.memory_space<semaphore_mem>>
        %dma_start3A_333 = arith.constant 0 : i32
        %dma_start3A_334 = arith.constant 0 : i32
        %dma_start3A_335 = tpu.memref_slice %arg26[%dma_start3A_333, %dma_start3A_334] : memref<10240x128xf32, #tpu.memory_space<vmem_shared>> -> memref<10240x128xf32, #tpu.memory_space<vmem_shared>>
        tpu.enqueue_indirect_dma source(%arg23 : memref<80x128xf32, #tpu.memory_space<vmem>>) target(%dma_start3A_335 : memref<10240x128xf32, #tpu.memory_space<vmem_shared>>) offsets(%arg15 : memref<80xi32, #tpu.memory_space<vmem>>) semaphore(%run_scoped3A : memref<!tpu.dma_semaphore, #tpu.memory_space<semaphore_mem>>) {add = true}
        %dma_wait3A_336 = arith.constant 0 : i32
        %dma_wait3A_337 = arith.constant 0 : i32
        %dma_wait3A_338 = tpu.memref_slice %arg26[%dma_wait3A_336, %dma_wait3A_337] : memref<10240x128xf32, #tpu.memory_space<vmem_shared>> -> memref<10240x128xf32, #tpu.memory_space<vmem_shared>>
        tpu.wait_indirect_dma semaphore(%run_scoped3A : memref<!tpu.dma_semaphore, #tpu.memory_space<semaphore_mem>>) src(%arg23 : memref<80x128xf32, #tpu.memory_space<vmem>>) dst(%dma_wait3A_338 : memref<10240x128xf32, #tpu.memory_space<vmem_shared>>)
        tpu.yield
      }) : () -> ()
      %add3A_205 = arith.constant 4 : i32
      %add3A_206 = arith.addi %add3A_201, %add3A_205 : i32
      %lt3A_207 = arith.constant 125 : i32
      %lt3A_208 = arith.cmpi slt, %add3A_206, %lt3A_207 : i32
      %convert_element_type3A_209 = arith.extui %lt3A_208 : i1 to i32
      %cond3A_210 = arith.constant 0 : i32
      %cond3A_211 = arith.cmpi ne, %convert_element_type3A_209, %cond3A_210 : i32
      scf.if %cond3A_211 {
        %dma_wait3A_333 = arith.constant 0 : i32
        %dma_wait3A_334 = tpu.memref_slice %arg3[%dma_wait3A_333] : memref<320000xi32, #tpu.memory_space<hbm>> -> memref<80xi32, #tpu.memory_space<hbm>>
        %dma_wait3A_335 = arith.constant 0 : i32
        %dma_wait3A_336 = tpu.memref_slice %arg3[%dma_wait3A_335] : memref<320000xi32, #tpu.memory_space<hbm>> -> memref<80xi32, #tpu.memory_space<hbm>>
        tpu.wait_dma2 semaphore(%arg32 : memref<!tpu.dma_semaphore, #tpu.memory_space<semaphore_mem>>) src(%dma_wait3A_336 : memref<80xi32, #tpu.memory_space<hbm>>) dst(%arg11 : memref<80xi32, #tpu.memory_space<vmem>>)
        %dma_wait3A_337 = arith.constant 0 : i32
        %dma_wait3A_338 = tpu.memref_slice %arg4[%dma_wait3A_337] : memref<320000xi32, #tpu.memory_space<hbm>> -> memref<80xi32, #tpu.memory_space<hbm>>
        %dma_wait3A_339 = arith.constant 0 : i32
        %dma_wait3A_340 = tpu.memref_slice %arg4[%dma_wait3A_339] : memref<320000xi32, #tpu.memory_space<hbm>> -> memref<80xi32, #tpu.memory_space<hbm>>
        tpu.wait_dma2 semaphore(%arg32 : memref<!tpu.dma_semaphore, #tpu.memory_space<semaphore_mem>>) src(%dma_wait3A_340 : memref<80xi32, #tpu.memory_space<hbm>>) dst(%arg19 : memref<80xi32, #tpu.memory_space<vmem>>)
        %dma_start3A_341 = arith.constant 0 : i32
        %dma_start3A_342 = arith.constant 0 : i32
        %dma_start3A_343 = tpu.memref_slice %arg2[%dma_start3A_341, %dma_start3A_342] : memref<5120x128xf32, #tpu.memory_space<hbm>> -> memref<5120x128xf32, #tpu.memory_space<hbm>>
        tpu.enqueue_indirect_dma source(%dma_start3A_343 : memref<5120x128xf32, #tpu.memory_space<hbm>>) target(%arg23 : memref<80x128xf32, #tpu.memory_space<vmem>>) offsets(%arg11 : memref<80xi32, #tpu.memory_space<vmem>>) semaphore(%arg36 : memref<!tpu.dma_semaphore, #tpu.memory_space<semaphore_mem>>)
      } else {
      }
      %add3A_212 = arith.constant 8 : i32
      %add3A_213 = arith.addi %add3A_201, %add3A_212 : i32
      %lt3A_214 = arith.constant 125 : i32
      %lt3A_215 = arith.cmpi slt, %add3A_213, %lt3A_214 : i32
      %convert_element_type3A_216 = arith.extui %lt3A_215 : i1 to i32
      %cond3A_217 = arith.constant 0 : i32
      %cond3A_218 = arith.cmpi ne, %convert_element_type3A_216, %cond3A_217 : i32
      scf.if %cond3A_218 {
        %add3A_333 = arith.constant 8 : i32
        %add3A_334 = arith.addi %add3A_201, %add3A_333 : i32
        %mul3A_335 = arith.constant 80 : i32
        %mul3A_336 = arith.muli %add3A_334, %mul3A_335 : i32
        %add3A_337 = arith.addi %mul3A_2, %mul3A_336 : i32
        %dma_start3A_338 = tpu.memref_slice %arg3[%add3A_337] : memref<320000xi32, #tpu.memory_space<hbm>> -> memref<80xi32, #tpu.memory_space<hbm>>
        %dma_start3A_339 = tpu.memref_slice %arg3[%add3A_337] : memref<320000xi32, #tpu.memory_space<hbm>> -> memref<80xi32, #tpu.memory_space<hbm>>
        tpu.enqueue_dma source(%dma_start3A_339 : memref<80xi32, #tpu.memory_space<hbm>>) target(%arg7 : memref<80xi32, #tpu.memory_space<vmem>>) target_semaphore(%arg28 : memref<!tpu.dma_semaphore, #tpu.memory_space<semaphore_mem>>)
        %mul3A_340 = arith.constant 80 : i32
        %mul3A_341 = arith.muli %add3A_334, %mul3A_340 : i32
        %add3A_342 = arith.addi %mul3A_2, %mul3A_341 : i32
        %dma_start3A_343 = tpu.memref_slice %arg4[%add3A_342] : memref<320000xi32, #tpu.memory_space<hbm>> -> memref<80xi32, #tpu.memory_space<hbm>>
        %dma_start3A_344 = tpu.memref_slice %arg4[%add3A_342] : memref<320000xi32, #tpu.memory_space<hbm>> -> memref<80xi32, #tpu.memory_space<hbm>>
        tpu.enqueue_dma source(%dma_start3A_344 : memref<80xi32, #tpu.memory_space<hbm>>) target(%arg15 : memref<80xi32, #tpu.memory_space<vmem>>) target_semaphore(%arg28 : memref<!tpu.dma_semaphore, #tpu.memory_space<semaphore_mem>>)
      } else {
      }
      %add3A_219 = arith.constant 2 : i32
      %add3A_220 = arith.addi %mul3A_183, %add3A_219 : i32
      %dma_wait3A_221 = arith.constant 0 : i32
      %dma_wait3A_222 = arith.constant 0 : i32
      %dma_wait3A_223 = tpu.memref_slice %arg2[%dma_wait3A_221, %dma_wait3A_222] : memref<5120x128xf32, #tpu.memory_space<hbm>> -> memref<5120x128xf32, #tpu.memory_space<hbm>>
      tpu.wait_indirect_dma semaphore(%arg37 : memref<!tpu.dma_semaphore, #tpu.memory_space<semaphore_mem>>) src(%dma_wait3A_223 : memref<5120x128xf32, #tpu.memory_space<hbm>>) dst(%arg24 : memref<80x128xf32, #tpu.memory_space<vmem>>)
      "tpu.region"() ({
        %run_scoped3A = tpu.sem_alloc : memref<!tpu.dma_semaphore, #tpu.memory_space<semaphore_mem>>
        %dma_start3A_333 = arith.constant 0 : i32
        %dma_start3A_334 = arith.constant 0 : i32
        %dma_start3A_335 = tpu.memref_slice %arg26[%dma_start3A_333, %dma_start3A_334] : memref<10240x128xf32, #tpu.memory_space<vmem_shared>> -> memref<10240x128xf32, #tpu.memory_space<vmem_shared>>
        tpu.enqueue_indirect_dma source(%arg24 : memref<80x128xf32, #tpu.memory_space<vmem>>) target(%dma_start3A_335 : memref<10240x128xf32, #tpu.memory_space<vmem_shared>>) offsets(%arg16 : memref<80xi32, #tpu.memory_space<vmem>>) semaphore(%run_scoped3A : memref<!tpu.dma_semaphore, #tpu.memory_space<semaphore_mem>>) {add = true}
        %dma_wait3A_336 = arith.constant 0 : i32
        %dma_wait3A_337 = arith.constant 0 : i32
        %dma_wait3A_338 = tpu.memref_slice %arg26[%dma_wait3A_336, %dma_wait3A_337] : memref<10240x128xf32, #tpu.memory_space<vmem_shared>> -> memref<10240x128xf32, #tpu.memory_space<vmem_shared>>
        tpu.wait_indirect_dma semaphore(%run_scoped3A : memref<!tpu.dma_semaphore, #tpu.memory_space<semaphore_mem>>) src(%arg24 : memref<80x128xf32, #tpu.memory_space<vmem>>) dst(%dma_wait3A_338 : memref<10240x128xf32, #tpu.memory_space<vmem_shared>>)
        tpu.yield
      }) : () -> ()
      %add3A_224 = arith.constant 4 : i32
      %add3A_225 = arith.addi %add3A_220, %add3A_224 : i32
      %lt3A_226 = arith.constant 125 : i32
      %lt3A_227 = arith.cmpi slt, %add3A_225, %lt3A_226 : i32
      %convert_element_type3A_228 = arith.extui %lt3A_227 : i1 to i32
      %cond3A_229 = arith.constant 0 : i32
      %cond3A_230 = arith.cmpi ne, %convert_element_type3A_228, %cond3A_229 : i32
      scf.if %cond3A_230 {
        %dma_wait3A_333 = arith.constant 0 : i32
        %dma_wait3A_334 = tpu.memref_slice %arg3[%dma_wait3A_333] : memref<320000xi32, #tpu.memory_space<hbm>> -> memref<80xi32, #tpu.memory_space<hbm>>
        %dma_wait3A_335 = arith.constant 0 : i32
        %dma_wait3A_336 = tpu.memref_slice %arg3[%dma_wait3A_335] : memref<320000xi32, #tpu.memory_space<hbm>> -> memref<80xi32, #tpu.memory_space<hbm>>
        tpu.wait_dma2 semaphore(%arg33 : memref<!tpu.dma_semaphore, #tpu.memory_space<semaphore_mem>>) src(%dma_wait3A_336 : memref<80xi32, #tpu.memory_space<hbm>>) dst(%arg12 : memref<80xi32, #tpu.memory_space<vmem>>)
        %dma_wait3A_337 = arith.constant 0 : i32
        %dma_wait3A_338 = tpu.memref_slice %arg4[%dma_wait3A_337] : memref<320000xi32, #tpu.memory_space<hbm>> -> memref<80xi32, #tpu.memory_space<hbm>>
        %dma_wait3A_339 = arith.constant 0 : i32
        %dma_wait3A_340 = tpu.memref_slice %arg4[%dma_wait3A_339] : memref<320000xi32, #tpu.memory_space<hbm>> -> memref<80xi32, #tpu.memory_space<hbm>>
        tpu.wait_dma2 semaphore(%arg33 : memref<!tpu.dma_semaphore, #tpu.memory_space<semaphore_mem>>) src(%dma_wait3A_340 : memref<80xi32, #tpu.memory_space<hbm>>) dst(%arg20 : memref<80xi32, #tpu.memory_space<vmem>>)
        %dma_start3A_341 = arith.constant 0 : i32
        %dma_start3A_342 = arith.constant 0 : i32
        %dma_start3A_343 = tpu.memref_slice %arg2[%dma_start3A_341, %dma_start3A_342] : memref<5120x128xf32, #tpu.memory_space<hbm>> -> memref<5120x128xf32, #tpu.memory_space<hbm>>
        tpu.enqueue_indirect_dma source(%dma_start3A_343 : memref<5120x128xf32, #tpu.memory_space<hbm>>) target(%arg24 : memref<80x128xf32, #tpu.memory_space<vmem>>) offsets(%arg12 : memref<80xi32, #tpu.memory_space<vmem>>) semaphore(%arg37 : memref<!tpu.dma_semaphore, #tpu.memory_space<semaphore_mem>>)
      } else {
      }
      %add3A_231 = arith.constant 8 : i32
      %add3A_232 = arith.addi %add3A_220, %add3A_231 : i32
      %lt3A_233 = arith.constant 125 : i32
      %lt3A_234 = arith.cmpi slt, %add3A_232, %lt3A_233 : i32
      %convert_element_type3A_235 = arith.extui %lt3A_234 : i1 to i32
      %cond3A_236 = arith.constant 0 : i32
      %cond3A_237 = arith.cmpi ne, %convert_element_type3A_235, %cond3A_236 : i32
      scf.if %cond3A_237 {
        %add3A_333 = arith.constant 8 : i32
        %add3A_334 = arith.addi %add3A_220, %add3A_333 : i32
        %mul3A_335 = arith.constant 80 : i32
        %mul3A_336 = arith.muli %add3A_334, %mul3A_335 : i32
        %add3A_337 = arith.addi %mul3A_2, %mul3A_336 : i32
        %dma_start3A_338 = tpu.memref_slice %arg3[%add3A_337] : memref<320000xi32, #tpu.memory_space<hbm>> -> memref<80xi32, #tpu.memory_space<hbm>>
        %dma_start3A_339 = tpu.memref_slice %arg3[%add3A_337] : memref<320000xi32, #tpu.memory_space<hbm>> -> memref<80xi32, #tpu.memory_space<hbm>>
        tpu.enqueue_dma source(%dma_start3A_339 : memref<80xi32, #tpu.memory_space<hbm>>) target(%arg8 : memref<80xi32, #tpu.memory_space<vmem>>) target_semaphore(%arg29 : memref<!tpu.dma_semaphore, #tpu.memory_space<semaphore_mem>>)
        %mul3A_340 = arith.constant 80 : i32
        %mul3A_341 = arith.muli %add3A_334, %mul3A_340 : i32
        %add3A_342 = arith.addi %mul3A_2, %mul3A_341 : i32
        %dma_start3A_343 = tpu.memref_slice %arg4[%add3A_342] : memref<320000xi32, #tpu.memory_space<hbm>> -> memref<80xi32, #tpu.memory_space<hbm>>
        %dma_start3A_344 = tpu.memref_slice %arg4[%add3A_342] : memref<320000xi32, #tpu.memory_space<hbm>> -> memref<80xi32, #tpu.memory_space<hbm>>
        tpu.enqueue_dma source(%dma_start3A_344 : memref<80xi32, #tpu.memory_space<hbm>>) target(%arg16 : memref<80xi32, #tpu.memory_space<vmem>>) target_semaphore(%arg29 : memref<!tpu.dma_semaphore, #tpu.memory_space<semaphore_mem>>)
      } else {
      }
      %add3A_238 = arith.constant 3 : i32
      %add3A_239 = arith.addi %mul3A_183, %add3A_238 : i32
      %dma_wait3A_240 = arith.constant 0 : i32
      %dma_wait3A_241 = arith.constant 0 : i32
      %dma_wait3A_242 = tpu.memref_slice %arg2[%dma_wait3A_240, %dma_wait3A_241] : memref<5120x128xf32, #tpu.memory_space<hbm>> -> memref<5120x128xf32, #tpu.memory_space<hbm>>
      tpu.wait_indirect_dma semaphore(%arg38 : memref<!tpu.dma_semaphore, #tpu.memory_space<semaphore_mem>>) src(%dma_wait3A_242 : memref<5120x128xf32, #tpu.memory_space<hbm>>) dst(%arg25 : memref<80x128xf32, #tpu.memory_space<vmem>>)
      "tpu.region"() ({
        %run_scoped3A = tpu.sem_alloc : memref<!tpu.dma_semaphore, #tpu.memory_space<semaphore_mem>>
        %dma_start3A_333 = arith.constant 0 : i32
        %dma_start3A_334 = arith.constant 0 : i32
        %dma_start3A_335 = tpu.memref_slice %arg26[%dma_start3A_333, %dma_start3A_334] : memref<10240x128xf32, #tpu.memory_space<vmem_shared>> -> memref<10240x128xf32, #tpu.memory_space<vmem_shared>>
        tpu.enqueue_indirect_dma source(%arg25 : memref<80x128xf32, #tpu.memory_space<vmem>>) target(%dma_start3A_335 : memref<10240x128xf32, #tpu.memory_space<vmem_shared>>) offsets(%arg17 : memref<80xi32, #tpu.memory_space<vmem>>) semaphore(%run_scoped3A : memref<!tpu.dma_semaphore, #tpu.memory_space<semaphore_mem>>) {add = true}
        %dma_wait3A_336 = arith.constant 0 : i32
        %dma_wait3A_337 = arith.constant 0 : i32
        %dma_wait3A_338 = tpu.memref_slice %arg26[%dma_wait3A_336, %dma_wait3A_337] : memref<10240x128xf32, #tpu.memory_space<vmem_shared>> -> memref<10240x128xf32, #tpu.memory_space<vmem_shared>>
        tpu.wait_indirect_dma semaphore(%run_scoped3A : memref<!tpu.dma_semaphore, #tpu.memory_space<semaphore_mem>>) src(%arg25 : memref<80x128xf32, #tpu.memory_space<vmem>>) dst(%dma_wait3A_338 : memref<10240x128xf32, #tpu.memory_space<vmem_shared>>)
        tpu.yield
      }) : () -> ()
      %add3A_243 = arith.constant 4 : i32
      %add3A_244 = arith.addi %add3A_239, %add3A_243 : i32
      %lt3A_245 = arith.constant 125 : i32
      %lt3A_246 = arith.cmpi slt, %add3A_244, %lt3A_245 : i32
      %convert_element_type3A_247 = arith.extui %lt3A_246 : i1 to i32
      %cond3A_248 = arith.constant 0 : i32
      %cond3A_249 = arith.cmpi ne, %convert_element_type3A_247, %cond3A_248 : i32
      scf.if %cond3A_249 {
        %dma_wait3A_333 = arith.constant 0 : i32
        %dma_wait3A_334 = tpu.memref_slice %arg3[%dma_wait3A_333] : memref<320000xi32, #tpu.memory_space<hbm>> -> memref<80xi32, #tpu.memory_space<hbm>>
        %dma_wait3A_335 = arith.constant 0 : i32
        %dma_wait3A_336 = tpu.memref_slice %arg3[%dma_wait3A_335] : memref<320000xi32, #tpu.memory_space<hbm>> -> memref<80xi32, #tpu.memory_space<hbm>>
        tpu.wait_dma2 semaphore(%arg34 : memref<!tpu.dma_semaphore, #tpu.memory_space<semaphore_mem>>) src(%dma_wait3A_336 : memref<80xi32, #tpu.memory_space<hbm>>) dst(%arg13 : memref<80xi32, #tpu.memory_space<vmem>>)
        %dma_wait3A_337 = arith.constant 0 : i32
        %dma_wait3A_338 = tpu.memref_slice %arg4[%dma_wait3A_337] : memref<320000xi32, #tpu.memory_space<hbm>> -> memref<80xi32, #tpu.memory_space<hbm>>
        %dma_wait3A_339 = arith.constant 0 : i32
        %dma_wait3A_340 = tpu.memref_slice %arg4[%dma_wait3A_339] : memref<320000xi32, #tpu.memory_space<hbm>> -> memref<80xi32, #tpu.memory_space<hbm>>
        tpu.wait_dma2 semaphore(%arg34 : memref<!tpu.dma_semaphore, #tpu.memory_space<semaphore_mem>>) src(%dma_wait3A_340 : memref<80xi32, #tpu.memory_space<hbm>>) dst(%arg21 : memref<80xi32, #tpu.memory_space<vmem>>)
        %dma_start3A_341 = arith.constant 0 : i32
        %dma_start3A_342 = arith.constant 0 : i32
        %dma_start3A_343 = tpu.memref_slice %arg2[%dma_start3A_341, %dma_start3A_342] : memref<5120x128xf32, #tpu.memory_space<hbm>> -> memref<5120x128xf32, #tpu.memory_space<hbm>>
        tpu.enqueue_indirect_dma source(%dma_start3A_343 : memref<5120x128xf32, #tpu.memory_space<hbm>>) target(%arg25 : memref<80x128xf32, #tpu.memory_space<vmem>>) offsets(%arg13 : memref<80xi32, #tpu.memory_space<vmem>>) semaphore(%arg38 : memref<!tpu.dma_semaphore, #tpu.memory_space<semaphore_mem>>)
      } else {
      }
      %add3A_250 = arith.constant 8 : i32
      %add3A_251 = arith.addi %add3A_239, %add3A_250 : i32
      %lt3A_252 = arith.constant 125 : i32
      %lt3A_253 = arith.cmpi slt, %add3A_251, %lt3A_252 : i32
      %convert_element_type3A_254 = arith.extui %lt3A_253 : i1 to i32
      %cond3A_255 = arith.constant 0 : i32
      %cond3A_256 = arith.cmpi ne, %convert_element_type3A_254, %cond3A_255 : i32
      scf.if %cond3A_256 {
        %add3A_333 = arith.constant 8 : i32
        %add3A_334 = arith.addi %add3A_239, %add3A_333 : i32
        %mul3A_335 = arith.constant 80 : i32
        %mul3A_336 = arith.muli %add3A_334, %mul3A_335 : i32
        %add3A_337 = arith.addi %mul3A_2, %mul3A_336 : i32
        %dma_start3A_338 = tpu.memref_slice %arg3[%add3A_337] : memref<320000xi32, #tpu.memory_space<hbm>> -> memref<80xi32, #tpu.memory_space<hbm>>
        %dma_start3A_339 = tpu.memref_slice %arg3[%add3A_337] : memref<320000xi32, #tpu.memory_space<hbm>> -> memref<80xi32, #tpu.memory_space<hbm>>
        tpu.enqueue_dma source(%dma_start3A_339 : memref<80xi32, #tpu.memory_space<hbm>>) target(%arg9 : memref<80xi32, #tpu.memory_space<vmem>>) target_semaphore(%arg30 : memref<!tpu.dma_semaphore, #tpu.memory_space<semaphore_mem>>)
        %mul3A_340 = arith.constant 80 : i32
        %mul3A_341 = arith.muli %add3A_334, %mul3A_340 : i32
        %add3A_342 = arith.addi %mul3A_2, %mul3A_341 : i32
        %dma_start3A_343 = tpu.memref_slice %arg4[%add3A_342] : memref<320000xi32, #tpu.memory_space<hbm>> -> memref<80xi32, #tpu.memory_space<hbm>>
        %dma_start3A_344 = tpu.memref_slice %arg4[%add3A_342] : memref<320000xi32, #tpu.memory_space<hbm>> -> memref<80xi32, #tpu.memory_space<hbm>>
        tpu.enqueue_dma source(%dma_start3A_344 : memref<80xi32, #tpu.memory_space<hbm>>) target(%arg17 : memref<80xi32, #tpu.memory_space<vmem>>) target_semaphore(%arg30 : memref<!tpu.dma_semaphore, #tpu.memory_space<semaphore_mem>>)
      } else {
      }
      %add3A_257 = arith.constant 4 : i32
      %add3A_258 = arith.addi %mul3A_183, %add3A_257 : i32
      %dma_wait3A_259 = arith.constant 0 : i32
      %dma_wait3A_260 = arith.constant 0 : i32
      %dma_wait3A_261 = tpu.memref_slice %arg2[%dma_wait3A_259, %dma_wait3A_260] : memref<5120x128xf32, #tpu.memory_space<hbm>> -> memref<5120x128xf32, #tpu.memory_space<hbm>>
      tpu.wait_indirect_dma semaphore(%arg35 : memref<!tpu.dma_semaphore, #tpu.memory_space<semaphore_mem>>) src(%dma_wait3A_261 : memref<5120x128xf32, #tpu.memory_space<hbm>>) dst(%arg22 : memref<80x128xf32, #tpu.memory_space<vmem>>)
      "tpu.region"() ({
        %run_scoped3A = tpu.sem_alloc : memref<!tpu.dma_semaphore, #tpu.memory_space<semaphore_mem>>
        %dma_start3A_333 = arith.constant 0 : i32
        %dma_start3A_334 = arith.constant 0 : i32
        %dma_start3A_335 = tpu.memref_slice %arg26[%dma_start3A_333, %dma_start3A_334] : memref<10240x128xf32, #tpu.memory_space<vmem_shared>> -> memref<10240x128xf32, #tpu.memory_space<vmem_shared>>
        tpu.enqueue_indirect_dma source(%arg22 : memref<80x128xf32, #tpu.memory_space<vmem>>) target(%dma_start3A_335 : memref<10240x128xf32, #tpu.memory_space<vmem_shared>>) offsets(%arg18 : memref<80xi32, #tpu.memory_space<vmem>>) semaphore(%run_scoped3A : memref<!tpu.dma_semaphore, #tpu.memory_space<semaphore_mem>>) {add = true}
        %dma_wait3A_336 = arith.constant 0 : i32
        %dma_wait3A_337 = arith.constant 0 : i32
        %dma_wait3A_338 = tpu.memref_slice %arg26[%dma_wait3A_336, %dma_wait3A_337] : memref<10240x128xf32, #tpu.memory_space<vmem_shared>> -> memref<10240x128xf32, #tpu.memory_space<vmem_shared>>
        tpu.wait_indirect_dma semaphore(%run_scoped3A : memref<!tpu.dma_semaphore, #tpu.memory_space<semaphore_mem>>) src(%arg22 : memref<80x128xf32, #tpu.memory_space<vmem>>) dst(%dma_wait3A_338 : memref<10240x128xf32, #tpu.memory_space<vmem_shared>>)
        tpu.yield
      }) : () -> ()
      %add3A_262 = arith.constant 4 : i32
      %add3A_263 = arith.addi %add3A_258, %add3A_262 : i32
      %lt3A_264 = arith.constant 125 : i32
      %lt3A_265 = arith.cmpi slt, %add3A_263, %lt3A_264 : i32
      %convert_element_type3A_266 = arith.extui %lt3A_265 : i1 to i32
      %cond3A_267 = arith.constant 0 : i32
      %cond3A_268 = arith.cmpi ne, %convert_element_type3A_266, %cond3A_267 : i32
      scf.if %cond3A_268 {
        %dma_wait3A_333 = arith.constant 0 : i32
        %dma_wait3A_334 = tpu.memref_slice %arg3[%dma_wait3A_333] : memref<320000xi32, #tpu.memory_space<hbm>> -> memref<80xi32, #tpu.memory_space<hbm>>
        %dma_wait3A_335 = arith.constant 0 : i32
        %dma_wait3A_336 = tpu.memref_slice %arg3[%dma_wait3A_335] : memref<320000xi32, #tpu.memory_space<hbm>> -> memref<80xi32, #tpu.memory_space<hbm>>
        tpu.wait_dma2 semaphore(%arg27 : memref<!tpu.dma_semaphore, #tpu.memory_space<semaphore_mem>>) src(%dma_wait3A_336 : memref<80xi32, #tpu.memory_space<hbm>>) dst(%arg6 : memref<80xi32, #tpu.memory_space<vmem>>)
        %dma_wait3A_337 = arith.constant 0 : i32
        %dma_wait3A_338 = tpu.memref_slice %arg4[%dma_wait3A_337] : memref<320000xi32, #tpu.memory_space<hbm>> -> memref<80xi32, #tpu.memory_space<hbm>>
        %dma_wait3A_339 = arith.constant 0 : i32
        %dma_wait3A_340 = tpu.memref_slice %arg4[%dma_wait3A_339] : memref<320000xi32, #tpu.memory_space<hbm>> -> memref<80xi32, #tpu.memory_space<hbm>>
        tpu.wait_dma2 semaphore(%arg27 : memref<!tpu.dma_semaphore, #tpu.memory_space<semaphore_mem>>) src(%dma_wait3A_340 : memref<80xi32, #tpu.memory_space<hbm>>) dst(%arg14 : memref<80xi32, #tpu.memory_space<vmem>>)
        %dma_start3A_341 = arith.constant 0 : i32
        %dma_start3A_342 = arith.constant 0 : i32
        %dma_start3A_343 = tpu.memref_slice %arg2[%dma_start3A_341, %dma_start3A_342] : memref<5120x128xf32, #tpu.memory_space<hbm>> -> memref<5120x128xf32, #tpu.memory_space<hbm>>
        tpu.enqueue_indirect_dma source(%dma_start3A_343 : memref<5120x128xf32, #tpu.memory_space<hbm>>) target(%arg22 : memref<80x128xf32, #tpu.memory_space<vmem>>) offsets(%arg6 : memref<80xi32, #tpu.memory_space<vmem>>) semaphore(%arg35 : memref<!tpu.dma_semaphore, #tpu.memory_space<semaphore_mem>>)
      } else {
      }
      %add3A_269 = arith.constant 8 : i32
      %add3A_270 = arith.addi %add3A_258, %add3A_269 : i32
      %lt3A_271 = arith.constant 125 : i32
      %lt3A_272 = arith.cmpi slt, %add3A_270, %lt3A_271 : i32
      %convert_element_type3A_273 = arith.extui %lt3A_272 : i1 to i32
      %cond3A_274 = arith.constant 0 : i32
      %cond3A_275 = arith.cmpi ne, %convert_element_type3A_273, %cond3A_274 : i32
      scf.if %cond3A_275 {
        %add3A_333 = arith.constant 8 : i32
        %add3A_334 = arith.addi %add3A_258, %add3A_333 : i32
        %mul3A_335 = arith.constant 80 : i32
        %mul3A_336 = arith.muli %add3A_334, %mul3A_335 : i32
        %add3A_337 = arith.addi %mul3A_2, %mul3A_336 : i32
        %dma_start3A_338 = tpu.memref_slice %arg3[%add3A_337] : memref<320000xi32, #tpu.memory_space<hbm>> -> memref<80xi32, #tpu.memory_space<hbm>>
        %dma_start3A_339 = tpu.memref_slice %arg3[%add3A_337] : memref<320000xi32, #tpu.memory_space<hbm>> -> memref<80xi32, #tpu.memory_space<hbm>>
        tpu.enqueue_dma source(%dma_start3A_339 : memref<80xi32, #tpu.memory_space<hbm>>) target(%arg10 : memref<80xi32, #tpu.memory_space<vmem>>) target_semaphore(%arg31 : memref<!tpu.dma_semaphore, #tpu.memory_space<semaphore_mem>>)
        %mul3A_340 = arith.constant 80 : i32
        %mul3A_341 = arith.muli %add3A_334, %mul3A_340 : i32
        %add3A_342 = arith.addi %mul3A_2, %mul3A_341 : i32
        %dma_start3A_343 = tpu.memref_slice %arg4[%add3A_342] : memref<320000xi32, #tpu.memory_space<hbm>> -> memref<80xi32, #tpu.memory_space<hbm>>
        %dma_start3A_344 = tpu.memref_slice %arg4[%add3A_342] : memref<320000xi32, #tpu.memory_space<hbm>> -> memref<80xi32, #tpu.memory_space<hbm>>
        tpu.enqueue_dma source(%dma_start3A_344 : memref<80xi32, #tpu.memory_space<hbm>>) target(%arg18 : memref<80xi32, #tpu.memory_space<vmem>>) target_semaphore(%arg31 : memref<!tpu.dma_semaphore, #tpu.memory_space<semaphore_mem>>)
      } else {
      }
      %add3A_276 = arith.constant 5 : i32
      %add3A_277 = arith.addi %mul3A_183, %add3A_276 : i32
      %dma_wait3A_278 = arith.constant 0 : i32
      %dma_wait3A_279 = arith.constant 0 : i32
      %dma_wait3A_280 = tpu.memref_slice %arg2[%dma_wait3A_278, %dma_wait3A_279] : memref<5120x128xf32, #tpu.memory_space<hbm>> -> memref<5120x128xf32, #tpu.memory_space<hbm>>
      tpu.wait_indirect_dma semaphore(%arg36 : memref<!tpu.dma_semaphore, #tpu.memory_space<semaphore_mem>>) src(%dma_wait3A_280 : memref<5120x128xf32, #tpu.memory_space<hbm>>) dst(%arg23 : memref<80x128xf32, #tpu.memory_space<vmem>>)
      "tpu.region"() ({
        %run_scoped3A = tpu.sem_alloc : memref<!tpu.dma_semaphore, #tpu.memory_space<semaphore_mem>>
        %dma_start3A_333 = arith.constant 0 : i32
        %dma_start3A_334 = arith.constant 0 : i32
        %dma_start3A_335 = tpu.memref_slice %arg26[%dma_start3A_333, %dma_start3A_334] : memref<10240x128xf32, #tpu.memory_space<vmem_shared>> -> memref<10240x128xf32, #tpu.memory_space<vmem_shared>>
        tpu.enqueue_indirect_dma source(%arg23 : memref<80x128xf32, #tpu.memory_space<vmem>>) target(%dma_start3A_335 : memref<10240x128xf32, #tpu.memory_space<vmem_shared>>) offsets(%arg19 : memref<80xi32, #tpu.memory_space<vmem>>) semaphore(%run_scoped3A : memref<!tpu.dma_semaphore, #tpu.memory_space<semaphore_mem>>) {add = true}
        %dma_wait3A_336 = arith.constant 0 : i32
        %dma_wait3A_337 = arith.constant 0 : i32
        %dma_wait3A_338 = tpu.memref_slice %arg26[%dma_wait3A_336, %dma_wait3A_337] : memref<10240x128xf32, #tpu.memory_space<vmem_shared>> -> memref<10240x128xf32, #tpu.memory_space<vmem_shared>>
        tpu.wait_indirect_dma semaphore(%run_scoped3A : memref<!tpu.dma_semaphore, #tpu.memory_space<semaphore_mem>>) src(%arg23 : memref<80x128xf32, #tpu.memory_space<vmem>>) dst(%dma_wait3A_338 : memref<10240x128xf32, #tpu.memory_space<vmem_shared>>)
        tpu.yield
      }) : () -> ()
      %add3A_281 = arith.constant 4 : i32
      %add3A_282 = arith.addi %add3A_277, %add3A_281 : i32
      %lt3A_283 = arith.constant 125 : i32
      %lt3A_284 = arith.cmpi slt, %add3A_282, %lt3A_283 : i32
      %convert_element_type3A_285 = arith.extui %lt3A_284 : i1 to i32
      %cond3A_286 = arith.constant 0 : i32
      %cond3A_287 = arith.cmpi ne, %convert_element_type3A_285, %cond3A_286 : i32
      scf.if %cond3A_287 {
        %dma_wait3A_333 = arith.constant 0 : i32
        %dma_wait3A_334 = tpu.memref_slice %arg3[%dma_wait3A_333] : memref<320000xi32, #tpu.memory_space<hbm>> -> memref<80xi32, #tpu.memory_space<hbm>>
        %dma_wait3A_335 = arith.constant 0 : i32
        %dma_wait3A_336 = tpu.memref_slice %arg3[%dma_wait3A_335] : memref<320000xi32, #tpu.memory_space<hbm>> -> memref<80xi32, #tpu.memory_space<hbm>>
        tpu.wait_dma2 semaphore(%arg28 : memref<!tpu.dma_semaphore, #tpu.memory_space<semaphore_mem>>) src(%dma_wait3A_336 : memref<80xi32, #tpu.memory_space<hbm>>) dst(%arg7 : memref<80xi32, #tpu.memory_space<vmem>>)
        %dma_wait3A_337 = arith.constant 0 : i32
        %dma_wait3A_338 = tpu.memref_slice %arg4[%dma_wait3A_337] : memref<320000xi32, #tpu.memory_space<hbm>> -> memref<80xi32, #tpu.memory_space<hbm>>
        %dma_wait3A_339 = arith.constant 0 : i32
        %dma_wait3A_340 = tpu.memref_slice %arg4[%dma_wait3A_339] : memref<320000xi32, #tpu.memory_space<hbm>> -> memref<80xi32, #tpu.memory_space<hbm>>
        tpu.wait_dma2 semaphore(%arg28 : memref<!tpu.dma_semaphore, #tpu.memory_space<semaphore_mem>>) src(%dma_wait3A_340 : memref<80xi32, #tpu.memory_space<hbm>>) dst(%arg15 : memref<80xi32, #tpu.memory_space<vmem>>)
        %dma_start3A_341 = arith.constant 0 : i32
        %dma_start3A_342 = arith.constant 0 : i32
        %dma_start3A_343 = tpu.memref_slice %arg2[%dma_start3A_341, %dma_start3A_342] : memref<5120x128xf32, #tpu.memory_space<hbm>> -> memref<5120x128xf32, #tpu.memory_space<hbm>>
        tpu.enqueue_indirect_dma source(%dma_start3A_343 : memref<5120x128xf32, #tpu.memory_space<hbm>>) target(%arg23 : memref<80x128xf32, #tpu.memory_space<vmem>>) offsets(%arg7 : memref<80xi32, #tpu.memory_space<vmem>>) semaphore(%arg36 : memref<!tpu.dma_semaphore, #tpu.memory_space<semaphore_mem>>)
      } else {
      }
      %add3A_288 = arith.constant 8 : i32
      %add3A_289 = arith.addi %add3A_277, %add3A_288 : i32
      %lt3A_290 = arith.constant 125 : i32
      %lt3A_291 = arith.cmpi slt, %add3A_289, %lt3A_290 : i32
      %convert_element_type3A_292 = arith.extui %lt3A_291 : i1 to i32
      %cond3A_293 = arith.constant 0 : i32
      %cond3A_294 = arith.cmpi ne, %convert_element_type3A_292, %cond3A_293 : i32
      scf.if %cond3A_294 {
        %add3A_333 = arith.constant 8 : i32
        %add3A_334 = arith.addi %add3A_277, %add3A_333 : i32
        %mul3A_335 = arith.constant 80 : i32
        %mul3A_336 = arith.muli %add3A_334, %mul3A_335 : i32
        %add3A_337 = arith.addi %mul3A_2, %mul3A_336 : i32
        %dma_start3A_338 = tpu.memref_slice %arg3[%add3A_337] : memref<320000xi32, #tpu.memory_space<hbm>> -> memref<80xi32, #tpu.memory_space<hbm>>
        %dma_start3A_339 = tpu.memref_slice %arg3[%add3A_337] : memref<320000xi32, #tpu.memory_space<hbm>> -> memref<80xi32, #tpu.memory_space<hbm>>
        tpu.enqueue_dma source(%dma_start3A_339 : memref<80xi32, #tpu.memory_space<hbm>>) target(%arg11 : memref<80xi32, #tpu.memory_space<vmem>>) target_semaphore(%arg32 : memref<!tpu.dma_semaphore, #tpu.memory_space<semaphore_mem>>)
        %mul3A_340 = arith.constant 80 : i32
        %mul3A_341 = arith.muli %add3A_334, %mul3A_340 : i32
        %add3A_342 = arith.addi %mul3A_2, %mul3A_341 : i32
        %dma_start3A_343 = tpu.memref_slice %arg4[%add3A_342] : memref<320000xi32, #tpu.memory_space<hbm>> -> memref<80xi32, #tpu.memory_space<hbm>>
        %dma_start3A_344 = tpu.memref_slice %arg4[%add3A_342] : memref<320000xi32, #tpu.memory_space<hbm>> -> memref<80xi32, #tpu.memory_space<hbm>>
        tpu.enqueue_dma source(%dma_start3A_344 : memref<80xi32, #tpu.memory_space<hbm>>) target(%arg19 : memref<80xi32, #tpu.memory_space<vmem>>) target_semaphore(%arg32 : memref<!tpu.dma_semaphore, #tpu.memory_space<semaphore_mem>>)
      } else {
      }
      %add3A_295 = arith.constant 6 : i32
      %add3A_296 = arith.addi %mul3A_183, %add3A_295 : i32
      %dma_wait3A_297 = arith.constant 0 : i32
      %dma_wait3A_298 = arith.constant 0 : i32
      %dma_wait3A_299 = tpu.memref_slice %arg2[%dma_wait3A_297, %dma_wait3A_298] : memref<5120x128xf32, #tpu.memory_space<hbm>> -> memref<5120x128xf32, #tpu.memory_space<hbm>>
      tpu.wait_indirect_dma semaphore(%arg37 : memref<!tpu.dma_semaphore, #tpu.memory_space<semaphore_mem>>) src(%dma_wait3A_299 : memref<5120x128xf32, #tpu.memory_space<hbm>>) dst(%arg24 : memref<80x128xf32, #tpu.memory_space<vmem>>)
      "tpu.region"() ({
        %run_scoped3A = tpu.sem_alloc : memref<!tpu.dma_semaphore, #tpu.memory_space<semaphore_mem>>
        %dma_start3A_333 = arith.constant 0 : i32
        %dma_start3A_334 = arith.constant 0 : i32
        %dma_start3A_335 = tpu.memref_slice %arg26[%dma_start3A_333, %dma_start3A_334] : memref<10240x128xf32, #tpu.memory_space<vmem_shared>> -> memref<10240x128xf32, #tpu.memory_space<vmem_shared>>
        tpu.enqueue_indirect_dma source(%arg24 : memref<80x128xf32, #tpu.memory_space<vmem>>) target(%dma_start3A_335 : memref<10240x128xf32, #tpu.memory_space<vmem_shared>>) offsets(%arg20 : memref<80xi32, #tpu.memory_space<vmem>>) semaphore(%run_scoped3A : memref<!tpu.dma_semaphore, #tpu.memory_space<semaphore_mem>>) {add = true}
        %dma_wait3A_336 = arith.constant 0 : i32
        %dma_wait3A_337 = arith.constant 0 : i32
        %dma_wait3A_338 = tpu.memref_slice %arg26[%dma_wait3A_336, %dma_wait3A_337] : memref<10240x128xf32, #tpu.memory_space<vmem_shared>> -> memref<10240x128xf32, #tpu.memory_space<vmem_shared>>
        tpu.wait_indirect_dma semaphore(%run_scoped3A : memref<!tpu.dma_semaphore, #tpu.memory_space<semaphore_mem>>) src(%arg24 : memref<80x128xf32, #tpu.memory_space<vmem>>) dst(%dma_wait3A_338 : memref<10240x128xf32, #tpu.memory_space<vmem_shared>>)
        tpu.yield
      }) : () -> ()
      %add3A_300 = arith.constant 4 : i32
      %add3A_301 = arith.addi %add3A_296, %add3A_300 : i32
      %lt3A_302 = arith.constant 125 : i32
      %lt3A_303 = arith.cmpi slt, %add3A_301, %lt3A_302 : i32
      %convert_element_type3A_304 = arith.extui %lt3A_303 : i1 to i32
      %cond3A_305 = arith.constant 0 : i32
      %cond3A_306 = arith.cmpi ne, %convert_element_type3A_304, %cond3A_305 : i32
      scf.if %cond3A_306 {
        %dma_wait3A_333 = arith.constant 0 : i32
        %dma_wait3A_334 = tpu.memref_slice %arg3[%dma_wait3A_333] : memref<320000xi32, #tpu.memory_space<hbm>> -> memref<80xi32, #tpu.memory_space<hbm>>
        %dma_wait3A_335 = arith.constant 0 : i32
        %dma_wait3A_336 = tpu.memref_slice %arg3[%dma_wait3A_335] : memref<320000xi32, #tpu.memory_space<hbm>> -> memref<80xi32, #tpu.memory_space<hbm>>
        tpu.wait_dma2 semaphore(%arg29 : memref<!tpu.dma_semaphore, #tpu.memory_space<semaphore_mem>>) src(%dma_wait3A_336 : memref<80xi32, #tpu.memory_space<hbm>>) dst(%arg8 : memref<80xi32, #tpu.memory_space<vmem>>)
        %dma_wait3A_337 = arith.constant 0 : i32
        %dma_wait3A_338 = tpu.memref_slice %arg4[%dma_wait3A_337] : memref<320000xi32, #tpu.memory_space<hbm>> -> memref<80xi32, #tpu.memory_space<hbm>>
        %dma_wait3A_339 = arith.constant 0 : i32
        %dma_wait3A_340 = tpu.memref_slice %arg4[%dma_wait3A_339] : memref<320000xi32, #tpu.memory_space<hbm>> -> memref<80xi32, #tpu.memory_space<hbm>>
        tpu.wait_dma2 semaphore(%arg29 : memref<!tpu.dma_semaphore, #tpu.memory_space<semaphore_mem>>) src(%dma_wait3A_340 : memref<80xi32, #tpu.memory_space<hbm>>) dst(%arg16 : memref<80xi32, #tpu.memory_space<vmem>>)
        %dma_start3A_341 = arith.constant 0 : i32
        %dma_start3A_342 = arith.constant 0 : i32
        %dma_start3A_343 = tpu.memref_slice %arg2[%dma_start3A_341, %dma_start3A_342] : memref<5120x128xf32, #tpu.memory_space<hbm>> -> memref<5120x128xf32, #tpu.memory_space<hbm>>
        tpu.enqueue_indirect_dma source(%dma_start3A_343 : memref<5120x128xf32, #tpu.memory_space<hbm>>) target(%arg24 : memref<80x128xf32, #tpu.memory_space<vmem>>) offsets(%arg8 : memref<80xi32, #tpu.memory_space<vmem>>) semaphore(%arg37 : memref<!tpu.dma_semaphore, #tpu.memory_space<semaphore_mem>>)
      } else {
      }
      %add3A_307 = arith.constant 8 : i32
      %add3A_308 = arith.addi %add3A_296, %add3A_307 : i32
      %lt3A_309 = arith.constant 125 : i32
      %lt3A_310 = arith.cmpi slt, %add3A_308, %lt3A_309 : i32
      %convert_element_type3A_311 = arith.extui %lt3A_310 : i1 to i32
      %cond3A_312 = arith.constant 0 : i32
      %cond3A_313 = arith.cmpi ne, %convert_element_type3A_311, %cond3A_312 : i32
      scf.if %cond3A_313 {
        %add3A_333 = arith.constant 8 : i32
        %add3A_334 = arith.addi %add3A_296, %add3A_333 : i32
        %mul3A_335 = arith.constant 80 : i32
        %mul3A_336 = arith.muli %add3A_334, %mul3A_335 : i32
        %add3A_337 = arith.addi %mul3A_2, %mul3A_336 : i32
        %dma_start3A_338 = tpu.memref_slice %arg3[%add3A_337] : memref<320000xi32, #tpu.memory_space<hbm>> -> memref<80xi32, #tpu.memory_space<hbm>>
        %dma_start3A_339 = tpu.memref_slice %arg3[%add3A_337] : memref<320000xi32, #tpu.memory_space<hbm>> -> memref<80xi32, #tpu.memory_space<hbm>>
        tpu.enqueue_dma source(%dma_start3A_339 : memref<80xi32, #tpu.memory_space<hbm>>) target(%arg12 : memref<80xi32, #tpu.memory_space<vmem>>) target_semaphore(%arg33 : memref<!tpu.dma_semaphore, #tpu.memory_space<semaphore_mem>>)
        %mul3A_340 = arith.constant 80 : i32
        %mul3A_341 = arith.muli %add3A_334, %mul3A_340 : i32
        %add3A_342 = arith.addi %mul3A_2, %mul3A_341 : i32
        %dma_start3A_343 = tpu.memref_slice %arg4[%add3A_342] : memref<320000xi32, #tpu.memory_space<hbm>> -> memref<80xi32, #tpu.memory_space<hbm>>
        %dma_start3A_344 = tpu.memref_slice %arg4[%add3A_342] : memref<320000xi32, #tpu.memory_space<hbm>> -> memref<80xi32, #tpu.memory_space<hbm>>
        tpu.enqueue_dma source(%dma_start3A_344 : memref<80xi32, #tpu.memory_space<hbm>>) target(%arg20 : memref<80xi32, #tpu.memory_space<vmem>>) target_semaphore(%arg33 : memref<!tpu.dma_semaphore, #tpu.memory_space<semaphore_mem>>)
      } else {
      }
      %add3A_314 = arith.constant 7 : i32
      %add3A_315 = arith.addi %mul3A_183, %add3A_314 : i32
      %dma_wait3A_316 = arith.constant 0 : i32
      %dma_wait3A_317 = arith.constant 0 : i32
      %dma_wait3A_318 = tpu.memref_slice %arg2[%dma_wait3A_316, %dma_wait3A_317] : memref<5120x128xf32, #tpu.memory_space<hbm>> -> memref<5120x128xf32, #tpu.memory_space<hbm>>
      tpu.wait_indirect_dma semaphore(%arg38 : memref<!tpu.dma_semaphore, #tpu.memory_space<semaphore_mem>>) src(%dma_wait3A_318 : memref<5120x128xf32, #tpu.memory_space<hbm>>) dst(%arg25 : memref<80x128xf32, #tpu.memory_space<vmem>>)
      "tpu.region"() ({
        %run_scoped3A = tpu.sem_alloc : memref<!tpu.dma_semaphore, #tpu.memory_space<semaphore_mem>>
        %dma_start3A_333 = arith.constant 0 : i32
        %dma_start3A_334 = arith.constant 0 : i32
        %dma_start3A_335 = tpu.memref_slice %arg26[%dma_start3A_333, %dma_start3A_334] : memref<10240x128xf32, #tpu.memory_space<vmem_shared>> -> memref<10240x128xf32, #tpu.memory_space<vmem_shared>>
        tpu.enqueue_indirect_dma source(%arg25 : memref<80x128xf32, #tpu.memory_space<vmem>>) target(%dma_start3A_335 : memref<10240x128xf32, #tpu.memory_space<vmem_shared>>) offsets(%arg21 : memref<80xi32, #tpu.memory_space<vmem>>) semaphore(%run_scoped3A : memref<!tpu.dma_semaphore, #tpu.memory_space<semaphore_mem>>) {add = true}
        %dma_wait3A_336 = arith.constant 0 : i32
        %dma_wait3A_337 = arith.constant 0 : i32
        %dma_wait3A_338 = tpu.memref_slice %arg26[%dma_wait3A_336, %dma_wait3A_337] : memref<10240x128xf32, #tpu.memory_space<vmem_shared>> -> memref<10240x128xf32, #tpu.memory_space<vmem_shared>>
        tpu.wait_indirect_dma semaphore(%run_scoped3A : memref<!tpu.dma_semaphore, #tpu.memory_space<semaphore_mem>>) src(%arg25 : memref<80x128xf32, #tpu.memory_space<vmem>>) dst(%dma_wait3A_338 : memref<10240x128xf32, #tpu.memory_space<vmem_shared>>)
        tpu.yield
      }) : () -> ()
      %add3A_319 = arith.constant 4 : i32
      %add3A_320 = arith.addi %add3A_315, %add3A_319 : i32
      %lt3A_321 = arith.constant 125 : i32
      %lt3A_322 = arith.cmpi slt, %add3A_320, %lt3A_321 : i32
      %convert_element_type3A_323 = arith.extui %lt3A_322 : i1 to i32
      %cond3A_324 = arith.constant 0 : i32
      %cond3A_325 = arith.cmpi ne, %convert_element_type3A_323, %cond3A_324 : i32
      scf.if %cond3A_325 {
        %dma_wait3A_333 = arith.constant 0 : i32
        %dma_wait3A_334 = tpu.memref_slice %arg3[%dma_wait3A_333] : memref<320000xi32, #tpu.memory_space<hbm>> -> memref<80xi32, #tpu.memory_space<hbm>>
        %dma_wait3A_335 = arith.constant 0 : i32
        %dma_wait3A_336 = tpu.memref_slice %arg3[%dma_wait3A_335] : memref<320000xi32, #tpu.memory_space<hbm>> -> memref<80xi32, #tpu.memory_space<hbm>>
        tpu.wait_dma2 semaphore(%arg30 : memref<!tpu.dma_semaphore, #tpu.memory_space<semaphore_mem>>) src(%dma_wait3A_336 : memref<80xi32, #tpu.memory_space<hbm>>) dst(%arg9 : memref<80xi32, #tpu.memory_space<vmem>>)
        %dma_wait3A_337 = arith.constant 0 : i32
        %dma_wait3A_338 = tpu.memref_slice %arg4[%dma_wait3A_337] : memref<320000xi32, #tpu.memory_space<hbm>> -> memref<80xi32, #tpu.memory_space<hbm>>
        %dma_wait3A_339 = arith.constant 0 : i32
        %dma_wait3A_340 = tpu.memref_slice %arg4[%dma_wait3A_339] : memref<320000xi32, #tpu.memory_space<hbm>> -> memref<80xi32, #tpu.memory_space<hbm>>
        tpu.wait_dma2 semaphore(%arg30 : memref<!tpu.dma_semaphore, #tpu.memory_space<semaphore_mem>>) src(%dma_wait3A_340 : memref<80xi32, #tpu.memory_space<hbm>>) dst(%arg17 : memref<80xi32, #tpu.memory_space<vmem>>)
        %dma_start3A_341 = arith.constant 0 : i32
        %dma_start3A_342 = arith.constant 0 : i32
        %dma_start3A_343 = tpu.memref_slice %arg2[%dma_start3A_341, %dma_start3A_342] : memref<5120x128xf32, #tpu.memory_space<hbm>> -> memref<5120x128xf32, #tpu.memory_space<hbm>>
        tpu.enqueue_indirect_dma source(%dma_start3A_343 : memref<5120x128xf32, #tpu.memory_space<hbm>>) target(%arg25 : memref<80x128xf32, #tpu.memory_space<vmem>>) offsets(%arg9 : memref<80xi32, #tpu.memory_space<vmem>>) semaphore(%arg38 : memref<!tpu.dma_semaphore, #tpu.memory_space<semaphore_mem>>)
      } else {
      }
      %add3A_326 = arith.constant 8 : i32
      %add3A_327 = arith.addi %add3A_315, %add3A_326 : i32
      %lt3A_328 = arith.constant 125 : i32
      %lt3A_329 = arith.cmpi slt, %add3A_327, %lt3A_328 : i32
      %convert_element_type3A_330 = arith.extui %lt3A_329 : i1 to i32
      %cond3A_331 = arith.constant 0 : i32
      %cond3A_332 = arith.cmpi ne, %convert_element_type3A_330, %cond3A_331 : i32
      scf.if %cond3A_332 {
        %add3A_333 = arith.constant 8 : i32
        %add3A_334 = arith.addi %add3A_315, %add3A_333 : i32
        %mul3A_335 = arith.constant 80 : i32
        %mul3A_336 = arith.muli %add3A_334, %mul3A_335 : i32
        %add3A_337 = arith.addi %mul3A_2, %mul3A_336 : i32
        %dma_start3A_338 = tpu.memref_slice %arg3[%add3A_337] : memref<320000xi32, #tpu.memory_space<hbm>> -> memref<80xi32, #tpu.memory_space<hbm>>
        %dma_start3A_339 = tpu.memref_slice %arg3[%add3A_337] : memref<320000xi32, #tpu.memory_space<hbm>> -> memref<80xi32, #tpu.memory_space<hbm>>
        tpu.enqueue_dma source(%dma_start3A_339 : memref<80xi32, #tpu.memory_space<hbm>>) target(%arg13 : memref<80xi32, #tpu.memory_space<vmem>>) target_semaphore(%arg34 : memref<!tpu.dma_semaphore, #tpu.memory_space<semaphore_mem>>)
        %mul3A_340 = arith.constant 80 : i32
        %mul3A_341 = arith.muli %add3A_334, %mul3A_340 : i32
        %add3A_342 = arith.addi %mul3A_2, %mul3A_341 : i32
        %dma_start3A_343 = tpu.memref_slice %arg4[%add3A_342] : memref<320000xi32, #tpu.memory_space<hbm>> -> memref<80xi32, #tpu.memory_space<hbm>>
        %dma_start3A_344 = tpu.memref_slice %arg4[%add3A_342] : memref<320000xi32, #tpu.memory_space<hbm>> -> memref<80xi32, #tpu.memory_space<hbm>>
        tpu.enqueue_dma source(%dma_start3A_344 : memref<80xi32, #tpu.memory_space<hbm>>) target(%arg21 : memref<80xi32, #tpu.memory_space<vmem>>) target_semaphore(%arg34 : memref<!tpu.dma_semaphore, #tpu.memory_space<semaphore_mem>>)
      } else {
      }
    }
    %scan3A_137 = arith.constant 15 : i32
    %dma_wait3A_138 = arith.constant 0 : i32
    %dma_wait3A_139 = arith.constant 0 : i32
    %dma_wait3A_140 = tpu.memref_slice %arg2[%dma_wait3A_138, %dma_wait3A_139] : memref<5120x128xf32, #tpu.memory_space<hbm>> -> memref<5120x128xf32, #tpu.memory_space<hbm>>
    tpu.wait_indirect_dma semaphore(%arg35 : memref<!tpu.dma_semaphore, #tpu.memory_space<semaphore_mem>>) src(%dma_wait3A_140 : memref<5120x128xf32, #tpu.memory_space<hbm>>) dst(%arg22 : memref<80x128xf32, #tpu.memory_space<vmem>>)
    "tpu.region"() ({
      %run_scoped3A = tpu.sem_alloc : memref<!tpu.dma_semaphore, #tpu.memory_space<semaphore_mem>>
      %dma_start3A_181 = arith.constant 0 : i32
      %dma_start3A_182 = arith.constant 0 : i32
      %dma_start3A_183 = tpu.memref_slice %arg26[%dma_start3A_181, %dma_start3A_182] : memref<10240x128xf32, #tpu.memory_space<vmem_shared>> -> memref<10240x128xf32, #tpu.memory_space<vmem_shared>>
      tpu.enqueue_indirect_dma source(%arg22 : memref<80x128xf32, #tpu.memory_space<vmem>>) target(%dma_start3A_183 : memref<10240x128xf32, #tpu.memory_space<vmem_shared>>) offsets(%arg14 : memref<80xi32, #tpu.memory_space<vmem>>) semaphore(%run_scoped3A : memref<!tpu.dma_semaphore, #tpu.memory_space<semaphore_mem>>) {add = true}
      %dma_wait3A_184 = arith.constant 0 : i32
      %dma_wait3A_185 = arith.constant 0 : i32
      %dma_wait3A_186 = tpu.memref_slice %arg26[%dma_wait3A_184, %dma_wait3A_185] : memref<10240x128xf32, #tpu.memory_space<vmem_shared>> -> memref<10240x128xf32, #tpu.memory_space<vmem_shared>>
      tpu.wait_indirect_dma semaphore(%run_scoped3A : memref<!tpu.dma_semaphore, #tpu.memory_space<semaphore_mem>>) src(%arg22 : memref<80x128xf32, #tpu.memory_space<vmem>>) dst(%dma_wait3A_186 : memref<10240x128xf32, #tpu.memory_space<vmem_shared>>)
      tpu.yield
    }) : () -> ()
    %dma_wait3A_141 = arith.constant 0 : i32
    %dma_wait3A_142 = tpu.memref_slice %arg3[%dma_wait3A_141] : memref<320000xi32, #tpu.memory_space<hbm>> -> memref<80xi32, #tpu.memory_space<hbm>>
    %dma_wait3A_143 = arith.constant 0 : i32
    %dma_wait3A_144 = tpu.memref_slice %arg3[%dma_wait3A_143] : memref<320000xi32, #tpu.memory_space<hbm>> -> memref<80xi32, #tpu.memory_space<hbm>>
    tpu.wait_dma2 semaphore(%arg31 : memref<!tpu.dma_semaphore, #tpu.memory_space<semaphore_mem>>) src(%dma_wait3A_144 : memref<80xi32, #tpu.memory_space<hbm>>) dst(%arg10 : memref<80xi32, #tpu.memory_space<vmem>>)
    %dma_wait3A_145 = arith.constant 0 : i32
    %dma_wait3A_146 = tpu.memref_slice %arg4[%dma_wait3A_145] : memref<320000xi32, #tpu.memory_space<hbm>> -> memref<80xi32, #tpu.memory_space<hbm>>
    %dma_wait3A_147 = arith.constant 0 : i32
    %dma_wait3A_148 = tpu.memref_slice %arg4[%dma_wait3A_147] : memref<320000xi32, #tpu.memory_space<hbm>> -> memref<80xi32, #tpu.memory_space<hbm>>
    tpu.wait_dma2 semaphore(%arg31 : memref<!tpu.dma_semaphore, #tpu.memory_space<semaphore_mem>>) src(%dma_wait3A_148 : memref<80xi32, #tpu.memory_space<hbm>>) dst(%arg18 : memref<80xi32, #tpu.memory_space<vmem>>)
    %dma_start3A_149 = arith.constant 0 : i32
    %dma_start3A_150 = arith.constant 0 : i32
    %dma_start3A_151 = tpu.memref_slice %arg2[%dma_start3A_149, %dma_start3A_150] : memref<5120x128xf32, #tpu.memory_space<hbm>> -> memref<5120x128xf32, #tpu.memory_space<hbm>>
    tpu.enqueue_indirect_dma source(%dma_start3A_151 : memref<5120x128xf32, #tpu.memory_space<hbm>>) target(%arg22 : memref<80x128xf32, #tpu.memory_space<vmem>>) offsets(%arg10 : memref<80xi32, #tpu.memory_space<vmem>>) semaphore(%arg35 : memref<!tpu.dma_semaphore, #tpu.memory_space<semaphore_mem>>)
    %dma_wait3A_152 = arith.constant 0 : i32
    %dma_wait3A_153 = arith.constant 0 : i32
    %dma_wait3A_154 = tpu.memref_slice %arg2[%dma_wait3A_152, %dma_wait3A_153] : memref<5120x128xf32, #tpu.memory_space<hbm>> -> memref<5120x128xf32, #tpu.memory_space<hbm>>
    tpu.wait_indirect_dma semaphore(%arg36 : memref<!tpu.dma_semaphore, #tpu.memory_space<semaphore_mem>>) src(%dma_wait3A_154 : memref<5120x128xf32, #tpu.memory_space<hbm>>) dst(%arg23 : memref<80x128xf32, #tpu.memory_space<vmem>>)
    "tpu.region"() ({
      %run_scoped3A = tpu.sem_alloc : memref<!tpu.dma_semaphore, #tpu.memory_space<semaphore_mem>>
      %dma_start3A_181 = arith.constant 0 : i32
      %dma_start3A_182 = arith.constant 0 : i32
      %dma_start3A_183 = tpu.memref_slice %arg26[%dma_start3A_181, %dma_start3A_182] : memref<10240x128xf32, #tpu.memory_space<vmem_shared>> -> memref<10240x128xf32, #tpu.memory_space<vmem_shared>>
      tpu.enqueue_indirect_dma source(%arg23 : memref<80x128xf32, #tpu.memory_space<vmem>>) target(%dma_start3A_183 : memref<10240x128xf32, #tpu.memory_space<vmem_shared>>) offsets(%arg15 : memref<80xi32, #tpu.memory_space<vmem>>) semaphore(%run_scoped3A : memref<!tpu.dma_semaphore, #tpu.memory_space<semaphore_mem>>) {add = true}
      %dma_wait3A_184 = arith.constant 0 : i32
      %dma_wait3A_185 = arith.constant 0 : i32
      %dma_wait3A_186 = tpu.memref_slice %arg26[%dma_wait3A_184, %dma_wait3A_185] : memref<10240x128xf32, #tpu.memory_space<vmem_shared>> -> memref<10240x128xf32, #tpu.memory_space<vmem_shared>>
      tpu.wait_indirect_dma semaphore(%run_scoped3A : memref<!tpu.dma_semaphore, #tpu.memory_space<semaphore_mem>>) src(%arg23 : memref<80x128xf32, #tpu.memory_space<vmem>>) dst(%dma_wait3A_186 : memref<10240x128xf32, #tpu.memory_space<vmem_shared>>)
      tpu.yield
    }) : () -> ()
    %dma_wait3A_155 = arith.constant 0 : i32
    %dma_wait3A_156 = arith.constant 0 : i32
    %dma_wait3A_157 = tpu.memref_slice %arg2[%dma_wait3A_155, %dma_wait3A_156] : memref<5120x128xf32, #tpu.memory_space<hbm>> -> memref<5120x128xf32, #tpu.memory_space<hbm>>
    tpu.wait_indirect_dma semaphore(%arg37 : memref<!tpu.dma_semaphore, #tpu.memory_space<semaphore_mem>>) src(%dma_wait3A_157 : memref<5120x128xf32, #tpu.memory_space<hbm>>) dst(%arg24 : memref<80x128xf32, #tpu.memory_space<vmem>>)
    "tpu.region"() ({
      %run_scoped3A = tpu.sem_alloc : memref<!tpu.dma_semaphore, #tpu.memory_space<semaphore_mem>>
      %dma_start3A_181 = arith.constant 0 : i32
      %dma_start3A_182 = arith.constant 0 : i32
      %dma_start3A_183 = tpu.memref_slice %arg26[%dma_start3A_181, %dma_start3A_182] : memref<10240x128xf32, #tpu.memory_space<vmem_shared>> -> memref<10240x128xf32, #tpu.memory_space<vmem_shared>>
      tpu.enqueue_indirect_dma source(%arg24 : memref<80x128xf32, #tpu.memory_space<vmem>>) target(%dma_start3A_183 : memref<10240x128xf32, #tpu.memory_space<vmem_shared>>) offsets(%arg16 : memref<80xi32, #tpu.memory_space<vmem>>) semaphore(%run_scoped3A : memref<!tpu.dma_semaphore, #tpu.memory_space<semaphore_mem>>) {add = true}
      %dma_wait3A_184 = arith.constant 0 : i32
      %dma_wait3A_185 = arith.constant 0 : i32
      %dma_wait3A_186 = tpu.memref_slice %arg26[%dma_wait3A_184, %dma_wait3A_185] : memref<10240x128xf32, #tpu.memory_space<vmem_shared>> -> memref<10240x128xf32, #tpu.memory_space<vmem_shared>>
      tpu.wait_indirect_dma semaphore(%run_scoped3A : memref<!tpu.dma_semaphore, #tpu.memory_space<semaphore_mem>>) src(%arg24 : memref<80x128xf32, #tpu.memory_space<vmem>>) dst(%dma_wait3A_186 : memref<10240x128xf32, #tpu.memory_space<vmem_shared>>)
      tpu.yield
    }) : () -> ()
    %dma_wait3A_158 = arith.constant 0 : i32
    %dma_wait3A_159 = arith.constant 0 : i32
    %dma_wait3A_160 = tpu.memref_slice %arg2[%dma_wait3A_158, %dma_wait3A_159] : memref<5120x128xf32, #tpu.memory_space<hbm>> -> memref<5120x128xf32, #tpu.memory_space<hbm>>
    tpu.wait_indirect_dma semaphore(%arg38 : memref<!tpu.dma_semaphore, #tpu.memory_space<semaphore_mem>>) src(%dma_wait3A_160 : memref<5120x128xf32, #tpu.memory_space<hbm>>) dst(%arg25 : memref<80x128xf32, #tpu.memory_space<vmem>>)
    "tpu.region"() ({
      %run_scoped3A = tpu.sem_alloc : memref<!tpu.dma_semaphore, #tpu.memory_space<semaphore_mem>>
      %dma_start3A_181 = arith.constant 0 : i32
      %dma_start3A_182 = arith.constant 0 : i32
      %dma_start3A_183 = tpu.memref_slice %arg26[%dma_start3A_181, %dma_start3A_182] : memref<10240x128xf32, #tpu.memory_space<vmem_shared>> -> memref<10240x128xf32, #tpu.memory_space<vmem_shared>>
      tpu.enqueue_indirect_dma source(%arg25 : memref<80x128xf32, #tpu.memory_space<vmem>>) target(%dma_start3A_183 : memref<10240x128xf32, #tpu.memory_space<vmem_shared>>) offsets(%arg17 : memref<80xi32, #tpu.memory_space<vmem>>) semaphore(%run_scoped3A : memref<!tpu.dma_semaphore, #tpu.memory_space<semaphore_mem>>) {add = true}
      %dma_wait3A_184 = arith.constant 0 : i32
      %dma_wait3A_185 = arith.constant 0 : i32
      %dma_wait3A_186 = tpu.memref_slice %arg26[%dma_wait3A_184, %dma_wait3A_185] : memref<10240x128xf32, #tpu.memory_space<vmem_shared>> -> memref<10240x128xf32, #tpu.memory_space<vmem_shared>>
      tpu.wait_indirect_dma semaphore(%run_scoped3A : memref<!tpu.dma_semaphore, #tpu.memory_space<semaphore_mem>>) src(%arg25 : memref<80x128xf32, #tpu.memory_space<vmem>>) dst(%dma_wait3A_186 : memref<10240x128xf32, #tpu.memory_space<vmem_shared>>)
      tpu.yield
    }) : () -> ()
    %dma_wait3A_161 = arith.constant 0 : i32
    %dma_wait3A_162 = arith.constant 0 : i32
    %dma_wait3A_163 = tpu.memref_slice %arg2[%dma_wait3A_161, %dma_wait3A_162] : memref<5120x128xf32, #tpu.memory_space<hbm>> -> memref<5120x128xf32, #tpu.memory_space<hbm>>
    tpu.wait_indirect_dma semaphore(%arg35 : memref<!tpu.dma_semaphore, #tpu.memory_space<semaphore_mem>>) src(%dma_wait3A_163 : memref<5120x128xf32, #tpu.memory_space<hbm>>) dst(%arg22 : memref<80x128xf32, #tpu.memory_space<vmem>>)
    "tpu.region"() ({
      %run_scoped3A = tpu.sem_alloc : memref<!tpu.dma_semaphore, #tpu.memory_space<semaphore_mem>>
      %dma_start3A_181 = arith.constant 0 : i32
      %dma_start3A_182 = arith.constant 0 : i32
      %dma_start3A_183 = tpu.memref_slice %arg26[%dma_start3A_181, %dma_start3A_182] : memref<10240x128xf32, #tpu.memory_space<vmem_shared>> -> memref<10240x128xf32, #tpu.memory_space<vmem_shared>>
      tpu.enqueue_indirect_dma source(%arg22 : memref<80x128xf32, #tpu.memory_space<vmem>>) target(%dma_start3A_183 : memref<10240x128xf32, #tpu.memory_space<vmem_shared>>) offsets(%arg18 : memref<80xi32, #tpu.memory_space<vmem>>) semaphore(%run_scoped3A : memref<!tpu.dma_semaphore, #tpu.memory_space<semaphore_mem>>) {add = true}
      %dma_wait3A_184 = arith.constant 0 : i32
      %dma_wait3A_185 = arith.constant 0 : i32
      %dma_wait3A_186 = tpu.memref_slice %arg26[%dma_wait3A_184, %dma_wait3A_185] : memref<10240x128xf32, #tpu.memory_space<vmem_shared>> -> memref<10240x128xf32, #tpu.memory_space<vmem_shared>>
      tpu.wait_indirect_dma semaphore(%run_scoped3A : memref<!tpu.dma_semaphore, #tpu.memory_space<semaphore_mem>>) src(%arg22 : memref<80x128xf32, #tpu.memory_space<vmem>>) dst(%dma_wait3A_186 : memref<10240x128xf32, #tpu.memory_space<vmem_shared>>)
      tpu.yield
    }) : () -> ()
    %barrier3A_164 = arith.constant 0 : index
    tpu.barrier barrier_id(%barrier3A_164)
    %add3A_165 = arith.constant 0 : i32
    %add3A_166 = arith.addi %mul3A_72, %add3A_165 : i32
    "tpu.region"() ({
      %run_scoped3A = tpu.sem_alloc : memref<!tpu.dma_semaphore, #tpu.memory_space<semaphore_mem>>
      %dma_start3A_181 = arith.constant 0 : i32
      %dma_start3A_182 = tpu.memref_slice %arg5[%arg0, %add3A_166, %dma_start3A_181] : memref<2x10240x128xf32, #tpu.memory_space<hbm>> -> memref<1x80x128xf32, #tpu.memory_space<hbm>>
      %dma_start3A_183 = tpu.memref_squeeze %dma_start3A_182 : memref<1x80x128xf32, #tpu.memory_space<hbm>> -> memref<80x128xf32, #tpu.memory_space<hbm>>
      %dma_start3A_184 = arith.constant 0 : i32
      %dma_start3A_185 = tpu.memref_slice %arg26[%add3A_166, %dma_start3A_184] : memref<10240x128xf32, #tpu.memory_space<vmem_shared>> -> memref<80x128xf32, #tpu.memory_space<vmem_shared>>
      tpu.enqueue_dma source(%dma_start3A_185 : memref<80x128xf32, #tpu.memory_space<vmem_shared>>) target(%dma_start3A_183 : memref<80x128xf32, #tpu.memory_space<hbm>>) target_semaphore(%run_scoped3A : memref<!tpu.dma_semaphore, #tpu.memory_space<semaphore_mem>>)
      %dma_wait3A_186 = arith.constant 0 : i32
      %dma_wait3A_187 = tpu.memref_slice %arg5[%arg0, %add3A_166, %dma_wait3A_186] : memref<2x10240x128xf32, #tpu.memory_space<hbm>> -> memref<1x80x128xf32, #tpu.memory_space<hbm>>
      %dma_wait3A_188 = tpu.memref_squeeze %dma_wait3A_187 : memref<1x80x128xf32, #tpu.memory_space<hbm>> -> memref<80x128xf32, #tpu.memory_space<hbm>>
      %dma_wait3A_189 = arith.constant 0 : i32
      %dma_wait3A_190 = tpu.memref_slice %arg26[%add3A_166, %dma_wait3A_189] : memref<10240x128xf32, #tpu.memory_space<vmem_shared>> -> memref<80x128xf32, #tpu.memory_space<vmem_shared>>
      tpu.wait_dma2 semaphore(%run_scoped3A : memref<!tpu.dma_semaphore, #tpu.memory_space<semaphore_mem>>) src(%dma_wait3A_190 : memref<80x128xf32, #tpu.memory_space<vmem_shared>>) dst(%dma_wait3A_188 : memref<80x128xf32, #tpu.memory_space<hbm>>)
      tpu.yield
    }) : () -> ()
    %add3A_167 = arith.constant 80 : i32
    %add3A_168 = arith.addi %mul3A_72, %add3A_167 : i32
    "tpu.region"() ({
      %run_scoped3A = tpu.sem_alloc : memref<!tpu.dma_semaphore, #tpu.memory_space<semaphore_mem>>
      %dma_start3A_181 = arith.constant 0 : i32
      %dma_start3A_182 = tpu.memref_slice %arg5[%arg0, %add3A_168, %dma_start3A_181] : memref<2x10240x128xf32, #tpu.memory_space<hbm>> -> memref<1x80x128xf32, #tpu.memory_space<hbm>>
      %dma_start3A_183 = tpu.memref_squeeze %dma_start3A_182 : memref<1x80x128xf32, #tpu.memory_space<hbm>> -> memref<80x128xf32, #tpu.memory_space<hbm>>
      %dma_start3A_184 = arith.constant 0 : i32
      %dma_start3A_185 = tpu.memref_slice %arg26[%add3A_168, %dma_start3A_184] : memref<10240x128xf32, #tpu.memory_space<vmem_shared>> -> memref<80x128xf32, #tpu.memory_space<vmem_shared>>
      tpu.enqueue_dma source(%dma_start3A_185 : memref<80x128xf32, #tpu.memory_space<vmem_shared>>) target(%dma_start3A_183 : memref<80x128xf32, #tpu.memory_space<hbm>>) target_semaphore(%run_scoped3A : memref<!tpu.dma_semaphore, #tpu.memory_space<semaphore_mem>>)
      %dma_wait3A_186 = arith.constant 0 : i32
      %dma_wait3A_187 = tpu.memref_slice %arg5[%arg0, %add3A_168, %dma_wait3A_186] : memref<2x10240x128xf32, #tpu.memory_space<hbm>> -> memref<1x80x128xf32, #tpu.memory_space<hbm>>
      %dma_wait3A_188 = tpu.memref_squeeze %dma_wait3A_187 : memref<1x80x128xf32, #tpu.memory_space<hbm>> -> memref<80x128xf32, #tpu.memory_space<hbm>>
      %dma_wait3A_189 = arith.constant 0 : i32
      %dma_wait3A_190 = tpu.memref_slice %arg26[%add3A_168, %dma_wait3A_189] : memref<10240x128xf32, #tpu.memory_space<vmem_shared>> -> memref<80x128xf32, #tpu.memory_space<vmem_shared>>
      tpu.wait_dma2 semaphore(%run_scoped3A : memref<!tpu.dma_semaphore, #tpu.memory_space<semaphore_mem>>) src(%dma_wait3A_190 : memref<80x128xf32, #tpu.memory_space<vmem_shared>>) dst(%dma_wait3A_188 : memref<80x128xf32, #tpu.memory_space<hbm>>)
      tpu.yield
    }) : () -> ()
    %add3A_169 = arith.constant 160 : i32
    %add3A_170 = arith.addi %mul3A_72, %add3A_169 : i32
    "tpu.region"() ({
      %run_scoped3A = tpu.sem_alloc : memref<!tpu.dma_semaphore, #tpu.memory_space<semaphore_mem>>
      %dma_start3A_181 = arith.constant 0 : i32
      %dma_start3A_182 = tpu.memref_slice %arg5[%arg0, %add3A_170, %dma_start3A_181] : memref<2x10240x128xf32, #tpu.memory_space<hbm>> -> memref<1x80x128xf32, #tpu.memory_space<hbm>>
      %dma_start3A_183 = tpu.memref_squeeze %dma_start3A_182 : memref<1x80x128xf32, #tpu.memory_space<hbm>> -> memref<80x128xf32, #tpu.memory_space<hbm>>
      %dma_start3A_184 = arith.constant 0 : i32
      %dma_start3A_185 = tpu.memref_slice %arg26[%add3A_170, %dma_start3A_184] : memref<10240x128xf32, #tpu.memory_space<vmem_shared>> -> memref<80x128xf32, #tpu.memory_space<vmem_shared>>
      tpu.enqueue_dma source(%dma_start3A_185 : memref<80x128xf32, #tpu.memory_space<vmem_shared>>) target(%dma_start3A_183 : memref<80x128xf32, #tpu.memory_space<hbm>>) target_semaphore(%run_scoped3A : memref<!tpu.dma_semaphore, #tpu.memory_space<semaphore_mem>>)
      %dma_wait3A_186 = arith.constant 0 : i32
      %dma_wait3A_187 = tpu.memref_slice %arg5[%arg0, %add3A_170, %dma_wait3A_186] : memref<2x10240x128xf32, #tpu.memory_space<hbm>> -> memref<1x80x128xf32, #tpu.memory_space<hbm>>
      %dma_wait3A_188 = tpu.memref_squeeze %dma_wait3A_187 : memref<1x80x128xf32, #tpu.memory_space<hbm>> -> memref<80x128xf32, #tpu.memory_space<hbm>>
      %dma_wait3A_189 = arith.constant 0 : i32
      %dma_wait3A_190 = tpu.memref_slice %arg26[%add3A_170, %dma_wait3A_189] : memref<10240x128xf32, #tpu.memory_space<vmem_shared>> -> memref<80x128xf32, #tpu.memory_space<vmem_shared>>
      tpu.wait_dma2 semaphore(%run_scoped3A : memref<!tpu.dma_semaphore, #tpu.memory_space<semaphore_mem>>) src(%dma_wait3A_190 : memref<80x128xf32, #tpu.memory_space<vmem_shared>>) dst(%dma_wait3A_188 : memref<80x128xf32, #tpu.memory_space<hbm>>)
      tpu.yield
    }) : () -> ()
    %add3A_171 = arith.constant 240 : i32
    %add3A_172 = arith.addi %mul3A_72, %add3A_171 : i32
    "tpu.region"() ({
      %run_scoped3A = tpu.sem_alloc : memref<!tpu.dma_semaphore, #tpu.memory_space<semaphore_mem>>
      %dma_start3A_181 = arith.constant 0 : i32
      %dma_start3A_182 = tpu.memref_slice %arg5[%arg0, %add3A_172, %dma_start3A_181] : memref<2x10240x128xf32, #tpu.memory_space<hbm>> -> memref<1x80x128xf32, #tpu.memory_space<hbm>>
      %dma_start3A_183 = tpu.memref_squeeze %dma_start3A_182 : memref<1x80x128xf32, #tpu.memory_space<hbm>> -> memref<80x128xf32, #tpu.memory_space<hbm>>
      %dma_start3A_184 = arith.constant 0 : i32
      %dma_start3A_185 = tpu.memref_slice %arg26[%add3A_172, %dma_start3A_184] : memref<10240x128xf32, #tpu.memory_space<vmem_shared>> -> memref<80x128xf32, #tpu.memory_space<vmem_shared>>
      tpu.enqueue_dma source(%dma_start3A_185 : memref<80x128xf32, #tpu.memory_space<vmem_shared>>) target(%dma_start3A_183 : memref<80x128xf32, #tpu.memory_space<hbm>>) target_semaphore(%run_scoped3A : memref<!tpu.dma_semaphore, #tpu.memory_space<semaphore_mem>>)
      %dma_wait3A_186 = arith.constant 0 : i32
      %dma_wait3A_187 = tpu.memref_slice %arg5[%arg0, %add3A_172, %dma_wait3A_186] : memref<2x10240x128xf32, #tpu.memory_space<hbm>> -> memref<1x80x128xf32, #tpu.memory_space<hbm>>
      %dma_wait3A_188 = tpu.memref_squeeze %dma_wait3A_187 : memref<1x80x128xf32, #tpu.memory_space<hbm>> -> memref<80x128xf32, #tpu.memory_space<hbm>>
      %dma_wait3A_189 = arith.constant 0 : i32
      %dma_wait3A_190 = tpu.memref_slice %arg26[%add3A_172, %dma_wait3A_189] : memref<10240x128xf32, #tpu.memory_space<vmem_shared>> -> memref<80x128xf32, #tpu.memory_space<vmem_shared>>
      tpu.wait_dma2 semaphore(%run_scoped3A : memref<!tpu.dma_semaphore, #tpu.memory_space<semaphore_mem>>) src(%dma_wait3A_190 : memref<80x128xf32, #tpu.memory_space<vmem_shared>>) dst(%dma_wait3A_188 : memref<80x128xf32, #tpu.memory_space<hbm>>)
      tpu.yield
    }) : () -> ()
    %add3A_173 = arith.constant 320 : i32
    %add3A_174 = arith.addi %mul3A_72, %add3A_173 : i32
    "tpu.region"() ({
      %run_scoped3A = tpu.sem_alloc : memref<!tpu.dma_semaphore, #tpu.memory_space<semaphore_mem>>
      %dma_start3A_181 = arith.constant 0 : i32
      %dma_start3A_182 = tpu.memref_slice %arg5[%arg0, %add3A_174, %dma_start3A_181] : memref<2x10240x128xf32, #tpu.memory_space<hbm>> -> memref<1x80x128xf32, #tpu.memory_space<hbm>>
      %dma_start3A_183 = tpu.memref_squeeze %dma_start3A_182 : memref<1x80x128xf32, #tpu.memory_space<hbm>> -> memref<80x128xf32, #tpu.memory_space<hbm>>
      %dma_start3A_184 = arith.constant 0 : i32
      %dma_start3A_185 = tpu.memref_slice %arg26[%add3A_174, %dma_start3A_184] : memref<10240x128xf32, #tpu.memory_space<vmem_shared>> -> memref<80x128xf32, #tpu.memory_space<vmem_shared>>
      tpu.enqueue_dma source(%dma_start3A_185 : memref<80x128xf32, #tpu.memory_space<vmem_shared>>) target(%dma_start3A_183 : memref<80x128xf32, #tpu.memory_space<hbm>>) target_semaphore(%run_scoped3A : memref<!tpu.dma_semaphore, #tpu.memory_space<semaphore_mem>>)
      %dma_wait3A_186 = arith.constant 0 : i32
      %dma_wait3A_187 = tpu.memref_slice %arg5[%arg0, %add3A_174, %dma_wait3A_186] : memref<2x10240x128xf32, #tpu.memory_space<hbm>> -> memref<1x80x128xf32, #tpu.memory_space<hbm>>
      %dma_wait3A_188 = tpu.memref_squeeze %dma_wait3A_187 : memref<1x80x128xf32, #tpu.memory_space<hbm>> -> memref<80x128xf32, #tpu.memory_space<hbm>>
      %dma_wait3A_189 = arith.constant 0 : i32
      %dma_wait3A_190 = tpu.memref_slice %arg26[%add3A_174, %dma_wait3A_189] : memref<10240x128xf32, #tpu.memory_space<vmem_shared>> -> memref<80x128xf32, #tpu.memory_space<vmem_shared>>
      tpu.wait_dma2 semaphore(%run_scoped3A : memref<!tpu.dma_semaphore, #tpu.memory_space<semaphore_mem>>) src(%dma_wait3A_190 : memref<80x128xf32, #tpu.memory_space<vmem_shared>>) dst(%dma_wait3A_188 : memref<80x128xf32, #tpu.memory_space<hbm>>)
      tpu.yield
    }) : () -> ()
    %add3A_175 = arith.constant 400 : i32
    %add3A_176 = arith.addi %mul3A_72, %add3A_175 : i32
    "tpu.region"() ({
      %run_scoped3A = tpu.sem_alloc : memref<!tpu.dma_semaphore, #tpu.memory_space<semaphore_mem>>
      %dma_start3A_181 = arith.constant 0 : i32
      %dma_start3A_182 = tpu.memref_slice %arg5[%arg0, %add3A_176, %dma_start3A_181] : memref<2x10240x128xf32, #tpu.memory_space<hbm>> -> memref<1x80x128xf32, #tpu.memory_space<hbm>>
      %dma_start3A_183 = tpu.memref_squeeze %dma_start3A_182 : memref<1x80x128xf32, #tpu.memory_space<hbm>> -> memref<80x128xf32, #tpu.memory_space<hbm>>
      %dma_start3A_184 = arith.constant 0 : i32
      %dma_start3A_185 = tpu.memref_slice %arg26[%add3A_176, %dma_start3A_184] : memref<10240x128xf32, #tpu.memory_space<vmem_shared>> -> memref<80x128xf32, #tpu.memory_space<vmem_shared>>
      tpu.enqueue_dma source(%dma_start3A_185 : memref<80x128xf32, #tpu.memory_space<vmem_shared>>) target(%dma_start3A_183 : memref<80x128xf32, #tpu.memory_space<hbm>>) target_semaphore(%run_scoped3A : memref<!tpu.dma_semaphore, #tpu.memory_space<semaphore_mem>>)
      %dma_wait3A_186 = arith.constant 0 : i32
      %dma_wait3A_187 = tpu.memref_slice %arg5[%arg0, %add3A_176, %dma_wait3A_186] : memref<2x10240x128xf32, #tpu.memory_space<hbm>> -> memref<1x80x128xf32, #tpu.memory_space<hbm>>
      %dma_wait3A_188 = tpu.memref_squeeze %dma_wait3A_187 : memref<1x80x128xf32, #tpu.memory_space<hbm>> -> memref<80x128xf32, #tpu.memory_space<hbm>>
      %dma_wait3A_189 = arith.constant 0 : i32
      %dma_wait3A_190 = tpu.memref_slice %arg26[%add3A_176, %dma_wait3A_189] : memref<10240x128xf32, #tpu.memory_space<vmem_shared>> -> memref<80x128xf32, #tpu.memory_space<vmem_shared>>
      tpu.wait_dma2 semaphore(%run_scoped3A : memref<!tpu.dma_semaphore, #tpu.memory_space<semaphore_mem>>) src(%dma_wait3A_190 : memref<80x128xf32, #tpu.memory_space<vmem_shared>>) dst(%dma_wait3A_188 : memref<80x128xf32, #tpu.memory_space<hbm>>)
      tpu.yield
    }) : () -> ()
    %add3A_177 = arith.constant 480 : i32
    %add3A_178 = arith.addi %mul3A_72, %add3A_177 : i32
    "tpu.region"() ({
      %run_scoped3A = tpu.sem_alloc : memref<!tpu.dma_semaphore, #tpu.memory_space<semaphore_mem>>
      %dma_start3A_181 = arith.constant 0 : i32
      %dma_start3A_182 = tpu.memref_slice %arg5[%arg0, %add3A_178, %dma_start3A_181] : memref<2x10240x128xf32, #tpu.memory_space<hbm>> -> memref<1x80x128xf32, #tpu.memory_space<hbm>>
      %dma_start3A_183 = tpu.memref_squeeze %dma_start3A_182 : memref<1x80x128xf32, #tpu.memory_space<hbm>> -> memref<80x128xf32, #tpu.memory_space<hbm>>
      %dma_start3A_184 = arith.constant 0 : i32
      %dma_start3A_185 = tpu.memref_slice %arg26[%add3A_178, %dma_start3A_184] : memref<10240x128xf32, #tpu.memory_space<vmem_shared>> -> memref<80x128xf32, #tpu.memory_space<vmem_shared>>
      tpu.enqueue_dma source(%dma_start3A_185 : memref<80x128xf32, #tpu.memory_space<vmem_shared>>) target(%dma_start3A_183 : memref<80x128xf32, #tpu.memory_space<hbm>>) target_semaphore(%run_scoped3A : memref<!tpu.dma_semaphore, #tpu.memory_space<semaphore_mem>>)
      %dma_wait3A_186 = arith.constant 0 : i32
      %dma_wait3A_187 = tpu.memref_slice %arg5[%arg0, %add3A_178, %dma_wait3A_186] : memref<2x10240x128xf32, #tpu.memory_space<hbm>> -> memref<1x80x128xf32, #tpu.memory_space<hbm>>
      %dma_wait3A_188 = tpu.memref_squeeze %dma_wait3A_187 : memref<1x80x128xf32, #tpu.memory_space<hbm>> -> memref<80x128xf32, #tpu.memory_space<hbm>>
      %dma_wait3A_189 = arith.constant 0 : i32
      %dma_wait3A_190 = tpu.memref_slice %arg26[%add3A_178, %dma_wait3A_189] : memref<10240x128xf32, #tpu.memory_space<vmem_shared>> -> memref<80x128xf32, #tpu.memory_space<vmem_shared>>
      tpu.wait_dma2 semaphore(%run_scoped3A : memref<!tpu.dma_semaphore, #tpu.memory_space<semaphore_mem>>) src(%dma_wait3A_190 : memref<80x128xf32, #tpu.memory_space<vmem_shared>>) dst(%dma_wait3A_188 : memref<80x128xf32, #tpu.memory_space<hbm>>)
      tpu.yield
    }) : () -> ()
    %add3A_179 = arith.constant 560 : i32
    %add3A_180 = arith.addi %mul3A_72, %add3A_179 : i32
    "tpu.region"() ({
      %run_scoped3A = tpu.sem_alloc : memref<!tpu.dma_semaphore, #tpu.memory_space<semaphore_mem>>
      %dma_start3A_181 = arith.constant 0 : i32
      %dma_start3A_182 = tpu.memref_slice %arg5[%arg0, %add3A_180, %dma_start3A_181] : memref<2x10240x128xf32, #tpu.memory_space<hbm>> -> memref<1x80x128xf32, #tpu.memory_space<hbm>>
      %dma_start3A_183 = tpu.memref_squeeze %dma_start3A_182 : memref<1x80x128xf32, #tpu.memory_space<hbm>> -> memref<80x128xf32, #tpu.memory_space<hbm>>
      %dma_start3A_184 = arith.constant 0 : i32
      %dma_start3A_185 = tpu.memref_slice %arg26[%add3A_180, %dma_start3A_184] : memref<10240x128xf32, #tpu.memory_space<vmem_shared>> -> memref<80x128xf32, #tpu.memory_space<vmem_shared>>
      tpu.enqueue_dma source(%dma_start3A_185 : memref<80x128xf32, #tpu.memory_space<vmem_shared>>) target(%dma_start3A_183 : memref<80x128xf32, #tpu.memory_space<hbm>>) target_semaphore(%run_scoped3A : memref<!tpu.dma_semaphore, #tpu.memory_space<semaphore_mem>>)
      %dma_wait3A_186 = arith.constant 0 : i32
      %dma_wait3A_187 = tpu.memref_slice %arg5[%arg0, %add3A_180, %dma_wait3A_186] : memref<2x10240x128xf32, #tpu.memory_space<hbm>> -> memref<1x80x128xf32, #tpu.memory_space<hbm>>
      %dma_wait3A_188 = tpu.memref_squeeze %dma_wait3A_187 : memref<1x80x128xf32, #tpu.memory_space<hbm>> -> memref<80x128xf32, #tpu.memory_space<hbm>>
      %dma_wait3A_189 = arith.constant 0 : i32
      %dma_wait3A_190 = tpu.memref_slice %arg26[%add3A_180, %dma_wait3A_189] : memref<10240x128xf32, #tpu.memory_space<vmem_shared>> -> memref<80x128xf32, #tpu.memory_space<vmem_shared>>
      tpu.wait_dma2 semaphore(%run_scoped3A : memref<!tpu.dma_semaphore, #tpu.memory_space<semaphore_mem>>) src(%dma_wait3A_190 : memref<80x128xf32, #tpu.memory_space<vmem_shared>>) dst(%dma_wait3A_188 : memref<80x128xf32, #tpu.memory_space<hbm>>)
      tpu.yield
    }) : () -> ()
    return
  }
}

#map = affine_map<(d0, d1) -> (0, 0)>
#map1 = affine_map<(d0, d1) -> (0)>
#map2 = affine_map<(d0, d1) -> (0, 0, 0)>
module attributes {stable_mosaic.version = 14 : i64} {
  func.func @seg(%arg0: i32, %arg1: i32, %arg2: memref<10000x128xf32, #tpu.memory_space<hbm>>, %arg3: memref<320000xi32, #tpu.memory_space<hbm>>, %arg4: memref<320000xi32, #tpu.memory_space<hbm>>, %arg5: memref<2x5120x128xf32, #tpu.memory_space<hbm>>, %arg6: memref<80xi32, #tpu.memory_space<vmem>>, %arg7: memref<80xi32, #tpu.memory_space<vmem>>, %arg8: memref<80xi32, #tpu.memory_space<vmem>>, %arg9: memref<80xi32, #tpu.memory_space<vmem>>, %arg10: memref<80xi32, #tpu.memory_space<vmem>>, %arg11: memref<80xi32, #tpu.memory_space<vmem>>, %arg12: memref<80xi32, #tpu.memory_space<vmem>>, %arg13: memref<80xi32, #tpu.memory_space<vmem>>, %arg14: memref<80xi32, #tpu.memory_space<vmem>>, %arg15: memref<80xi32, #tpu.memory_space<vmem>>, %arg16: memref<80xi32, #tpu.memory_space<vmem>>, %arg17: memref<80xi32, #tpu.memory_space<vmem>>, %arg18: memref<80xi32, #tpu.memory_space<vmem>>, %arg19: memref<80xi32, #tpu.memory_space<vmem>>, %arg20: memref<80xi32, #tpu.memory_space<vmem>>, %arg21: memref<80xi32, #tpu.memory_space<vmem>>, %arg22: memref<80x128xf32, #tpu.memory_space<vmem>>, %arg23: memref<80x128xf32, #tpu.memory_space<vmem>>, %arg24: memref<80x128xf32, #tpu.memory_space<vmem>>, %arg25: memref<80x128xf32, #tpu.memory_space<vmem>>, %arg26: memref<5120x128xf32, #tpu.memory_space<vmem_shared>>, %arg27: memref<!tpu.dma_semaphore, #tpu.memory_space<semaphore_mem>>, %arg28: memref<!tpu.dma_semaphore, #tpu.memory_space<semaphore_mem>>, %arg29: memref<!tpu.dma_semaphore, #tpu.memory_space<semaphore_mem>>, %arg30: memref<!tpu.dma_semaphore, #tpu.memory_space<semaphore_mem>>, %arg31: memref<!tpu.dma_semaphore, #tpu.memory_space<semaphore_mem>>, %arg32: memref<!tpu.dma_semaphore, #tpu.memory_space<semaphore_mem>>, %arg33: memref<!tpu.dma_semaphore, #tpu.memory_space<semaphore_mem>>, %arg34: memref<!tpu.dma_semaphore, #tpu.memory_space<semaphore_mem>>, %arg35: memref<!tpu.dma_semaphore, #tpu.memory_space<semaphore_mem>>, %arg36: memref<!tpu.dma_semaphore, #tpu.memory_space<semaphore_mem>>, %arg37: memref<!tpu.dma_semaphore, #tpu.memory_space<semaphore_mem>>, %arg38: memref<!tpu.dma_semaphore, #tpu.memory_space<semaphore_mem>>) attributes {dimension_semantics = [#tpu.dimension_semantics<core_parallel>, #tpu.dimension_semantics<subcore_parallel>], iteration_bounds = array<i64: 2, 16>, scalar_prefetch = 0 : i64, scratch_operands = 33 : i64, tpu.core_type = #tpu.core_type<sc_vector_subcore>, window_params = [{transform_indices = #map}, {transform_indices = #map1}, {transform_indices = #map1}, {transform_indices = #map2}]} {
    %mul3A = arith.constant 16 : i32
    %mul3A_0 = arith.muli %arg0, %mul3A : i32
    %add3A = arith.addi %mul3A_0, %arg1 : i32
    %mul3A_1 = arith.constant 10000 : i32
    %mul3A_2 = arith.muli %add3A, %mul3A_1 : i32
    %add3A_3 = arith.constant 0 : i32
    %add3A_4 = arith.addi %mul3A_2, %add3A_3 : i32
    %dma_start3A = tpu.memref_slice %arg3[%add3A_4] : memref<320000xi32, #tpu.memory_space<hbm>> -> memref<80xi32, #tpu.memory_space<hbm>>
    %dma_start3A_5 = tpu.memref_slice %arg3[%add3A_4] : memref<320000xi32, #tpu.memory_space<hbm>> -> memref<80xi32, #tpu.memory_space<hbm>>
    tpu.enqueue_dma source(%dma_start3A_5 : memref<80xi32, #tpu.memory_space<hbm>>) target(%arg6 : memref<80xi32, #tpu.memory_space<vmem>>) target_semaphore(%arg27 : memref<!tpu.dma_semaphore, #tpu.memory_space<semaphore_mem>>)
    %add3A_6 = arith.constant 0 : i32
    %add3A_7 = arith.addi %mul3A_2, %add3A_6 : i32
    %dma_start3A_8 = tpu.memref_slice %arg4[%add3A_7] : memref<320000xi32, #tpu.memory_space<hbm>> -> memref<80xi32, #tpu.memory_space<hbm>>
    %dma_start3A_9 = tpu.memref_slice %arg4[%add3A_7] : memref<320000xi32, #tpu.memory_space<hbm>> -> memref<80xi32, #tpu.memory_space<hbm>>
    tpu.enqueue_dma source(%dma_start3A_9 : memref<80xi32, #tpu.memory_space<hbm>>) target(%arg14 : memref<80xi32, #tpu.memory_space<vmem>>) target_semaphore(%arg27 : memref<!tpu.dma_semaphore, #tpu.memory_space<semaphore_mem>>)
    %add3A_10 = arith.constant 80 : i32
    %add3A_11 = arith.addi %mul3A_2, %add3A_10 : i32
    %dma_start3A_12 = tpu.memref_slice %arg3[%add3A_11] : memref<320000xi32, #tpu.memory_space<hbm>> -> memref<80xi32, #tpu.memory_space<hbm>>
    %dma_start3A_13 = tpu.memref_slice %arg3[%add3A_11] : memref<320000xi32, #tpu.memory_space<hbm>> -> memref<80xi32, #tpu.memory_space<hbm>>
    tpu.enqueue_dma source(%dma_start3A_13 : memref<80xi32, #tpu.memory_space<hbm>>) target(%arg7 : memref<80xi32, #tpu.memory_space<vmem>>) target_semaphore(%arg28 : memref<!tpu.dma_semaphore, #tpu.memory_space<semaphore_mem>>)
    %add3A_14 = arith.constant 80 : i32
    %add3A_15 = arith.addi %mul3A_2, %add3A_14 : i32
    %dma_start3A_16 = tpu.memref_slice %arg4[%add3A_15] : memref<320000xi32, #tpu.memory_space<hbm>> -> memref<80xi32, #tpu.memory_space<hbm>>
    %dma_start3A_17 = tpu.memref_slice %arg4[%add3A_15] : memref<320000xi32, #tpu.memory_space<hbm>> -> memref<80xi32, #tpu.memory_space<hbm>>
    tpu.enqueue_dma source(%dma_start3A_17 : memref<80xi32, #tpu.memory_space<hbm>>) target(%arg15 : memref<80xi32, #tpu.memory_space<vmem>>) target_semaphore(%arg28 : memref<!tpu.dma_semaphore, #tpu.memory_space<semaphore_mem>>)
    %add3A_18 = arith.constant 160 : i32
    %add3A_19 = arith.addi %mul3A_2, %add3A_18 : i32
    %dma_start3A_20 = tpu.memref_slice %arg3[%add3A_19] : memref<320000xi32, #tpu.memory_space<hbm>> -> memref<80xi32, #tpu.memory_space<hbm>>
    %dma_start3A_21 = tpu.memref_slice %arg3[%add3A_19] : memref<320000xi32, #tpu.memory_space<hbm>> -> memref<80xi32, #tpu.memory_space<hbm>>
    tpu.enqueue_dma source(%dma_start3A_21 : memref<80xi32, #tpu.memory_space<hbm>>) target(%arg8 : memref<80xi32, #tpu.memory_space<vmem>>) target_semaphore(%arg29 : memref<!tpu.dma_semaphore, #tpu.memory_space<semaphore_mem>>)
    %add3A_22 = arith.constant 160 : i32
    %add3A_23 = arith.addi %mul3A_2, %add3A_22 : i32
    %dma_start3A_24 = tpu.memref_slice %arg4[%add3A_23] : memref<320000xi32, #tpu.memory_space<hbm>> -> memref<80xi32, #tpu.memory_space<hbm>>
    %dma_start3A_25 = tpu.memref_slice %arg4[%add3A_23] : memref<320000xi32, #tpu.memory_space<hbm>> -> memref<80xi32, #tpu.memory_space<hbm>>
    tpu.enqueue_dma source(%dma_start3A_25 : memref<80xi32, #tpu.memory_space<hbm>>) target(%arg16 : memref<80xi32, #tpu.memory_space<vmem>>) target_semaphore(%arg29 : memref<!tpu.dma_semaphore, #tpu.memory_space<semaphore_mem>>)
    %add3A_26 = arith.constant 240 : i32
    %add3A_27 = arith.addi %mul3A_2, %add3A_26 : i32
    %dma_start3A_28 = tpu.memref_slice %arg3[%add3A_27] : memref<320000xi32, #tpu.memory_space<hbm>> -> memref<80xi32, #tpu.memory_space<hbm>>
    %dma_start3A_29 = tpu.memref_slice %arg3[%add3A_27] : memref<320000xi32, #tpu.memory_space<hbm>> -> memref<80xi32, #tpu.memory_space<hbm>>
    tpu.enqueue_dma source(%dma_start3A_29 : memref<80xi32, #tpu.memory_space<hbm>>) target(%arg9 : memref<80xi32, #tpu.memory_space<vmem>>) target_semaphore(%arg30 : memref<!tpu.dma_semaphore, #tpu.memory_space<semaphore_mem>>)
    %add3A_30 = arith.constant 240 : i32
    %add3A_31 = arith.addi %mul3A_2, %add3A_30 : i32
    %dma_start3A_32 = tpu.memref_slice %arg4[%add3A_31] : memref<320000xi32, #tpu.memory_space<hbm>> -> memref<80xi32, #tpu.memory_space<hbm>>
    %dma_start3A_33 = tpu.memref_slice %arg4[%add3A_31] : memref<320000xi32, #tpu.memory_space<hbm>> -> memref<80xi32, #tpu.memory_space<hbm>>
    tpu.enqueue_dma source(%dma_start3A_33 : memref<80xi32, #tpu.memory_space<hbm>>) target(%arg17 : memref<80xi32, #tpu.memory_space<vmem>>) target_semaphore(%arg30 : memref<!tpu.dma_semaphore, #tpu.memory_space<semaphore_mem>>)
    %add3A_34 = arith.constant 320 : i32
    %add3A_35 = arith.addi %mul3A_2, %add3A_34 : i32
    %dma_start3A_36 = tpu.memref_slice %arg3[%add3A_35] : memref<320000xi32, #tpu.memory_space<hbm>> -> memref<80xi32, #tpu.memory_space<hbm>>
    %dma_start3A_37 = tpu.memref_slice %arg3[%add3A_35] : memref<320000xi32, #tpu.memory_space<hbm>> -> memref<80xi32, #tpu.memory_space<hbm>>
    tpu.enqueue_dma source(%dma_start3A_37 : memref<80xi32, #tpu.memory_space<hbm>>) target(%arg10 : memref<80xi32, #tpu.memory_space<vmem>>) target_semaphore(%arg31 : memref<!tpu.dma_semaphore, #tpu.memory_space<semaphore_mem>>)
    %add3A_38 = arith.constant 320 : i32
    %add3A_39 = arith.addi %mul3A_2, %add3A_38 : i32
    %dma_start3A_40 = tpu.memref_slice %arg4[%add3A_39] : memref<320000xi32, #tpu.memory_space<hbm>> -> memref<80xi32, #tpu.memory_space<hbm>>
    %dma_start3A_41 = tpu.memref_slice %arg4[%add3A_39] : memref<320000xi32, #tpu.memory_space<hbm>> -> memref<80xi32, #tpu.memory_space<hbm>>
    tpu.enqueue_dma source(%dma_start3A_41 : memref<80xi32, #tpu.memory_space<hbm>>) target(%arg18 : memref<80xi32, #tpu.memory_space<vmem>>) target_semaphore(%arg31 : memref<!tpu.dma_semaphore, #tpu.memory_space<semaphore_mem>>)
    %add3A_42 = arith.constant 400 : i32
    %add3A_43 = arith.addi %mul3A_2, %add3A_42 : i32
    %dma_start3A_44 = tpu.memref_slice %arg3[%add3A_43] : memref<320000xi32, #tpu.memory_space<hbm>> -> memref<80xi32, #tpu.memory_space<hbm>>
    %dma_start3A_45 = tpu.memref_slice %arg3[%add3A_43] : memref<320000xi32, #tpu.memory_space<hbm>> -> memref<80xi32, #tpu.memory_space<hbm>>
    tpu.enqueue_dma source(%dma_start3A_45 : memref<80xi32, #tpu.memory_space<hbm>>) target(%arg11 : memref<80xi32, #tpu.memory_space<vmem>>) target_semaphore(%arg32 : memref<!tpu.dma_semaphore, #tpu.memory_space<semaphore_mem>>)
    %add3A_46 = arith.constant 400 : i32
    %add3A_47 = arith.addi %mul3A_2, %add3A_46 : i32
    %dma_start3A_48 = tpu.memref_slice %arg4[%add3A_47] : memref<320000xi32, #tpu.memory_space<hbm>> -> memref<80xi32, #tpu.memory_space<hbm>>
    %dma_start3A_49 = tpu.memref_slice %arg4[%add3A_47] : memref<320000xi32, #tpu.memory_space<hbm>> -> memref<80xi32, #tpu.memory_space<hbm>>
    tpu.enqueue_dma source(%dma_start3A_49 : memref<80xi32, #tpu.memory_space<hbm>>) target(%arg19 : memref<80xi32, #tpu.memory_space<vmem>>) target_semaphore(%arg32 : memref<!tpu.dma_semaphore, #tpu.memory_space<semaphore_mem>>)
    %add3A_50 = arith.constant 480 : i32
    %add3A_51 = arith.addi %mul3A_2, %add3A_50 : i32
    %dma_start3A_52 = tpu.memref_slice %arg3[%add3A_51] : memref<320000xi32, #tpu.memory_space<hbm>> -> memref<80xi32, #tpu.memory_space<hbm>>
    %dma_start3A_53 = tpu.memref_slice %arg3[%add3A_51] : memref<320000xi32, #tpu.memory_space<hbm>> -> memref<80xi32, #tpu.memory_space<hbm>>
    tpu.enqueue_dma source(%dma_start3A_53 : memref<80xi32, #tpu.memory_space<hbm>>) target(%arg12 : memref<80xi32, #tpu.memory_space<vmem>>) target_semaphore(%arg33 : memref<!tpu.dma_semaphore, #tpu.memory_space<semaphore_mem>>)
    %add3A_54 = arith.constant 480 : i32
    %add3A_55 = arith.addi %mul3A_2, %add3A_54 : i32
    %dma_start3A_56 = tpu.memref_slice %arg4[%add3A_55] : memref<320000xi32, #tpu.memory_space<hbm>> -> memref<80xi32, #tpu.memory_space<hbm>>
    %dma_start3A_57 = tpu.memref_slice %arg4[%add3A_55] : memref<320000xi32, #tpu.memory_space<hbm>> -> memref<80xi32, #tpu.memory_space<hbm>>
    tpu.enqueue_dma source(%dma_start3A_57 : memref<80xi32, #tpu.memory_space<hbm>>) target(%arg20 : memref<80xi32, #tpu.memory_space<vmem>>) target_semaphore(%arg33 : memref<!tpu.dma_semaphore, #tpu.memory_space<semaphore_mem>>)
    %add3A_58 = arith.constant 560 : i32
    %add3A_59 = arith.addi %mul3A_2, %add3A_58 : i32
    %dma_start3A_60 = tpu.memref_slice %arg3[%add3A_59] : memref<320000xi32, #tpu.memory_space<hbm>> -> memref<80xi32, #tpu.memory_space<hbm>>
    %dma_start3A_61 = tpu.memref_slice %arg3[%add3A_59] : memref<320000xi32, #tpu.memory_space<hbm>> -> memref<80xi32, #tpu.memory_space<hbm>>
    tpu.enqueue_dma source(%dma_start3A_61 : memref<80xi32, #tpu.memory_space<hbm>>) target(%arg13 : memref<80xi32, #tpu.memory_space<vmem>>) target_semaphore(%arg34 : memref<!tpu.dma_semaphore, #tpu.memory_space<semaphore_mem>>)
    %add3A_62 = arith.constant 560 : i32
    %add3A_63 = arith.addi %mul3A_2, %add3A_62 : i32
    %dma_start3A_64 = tpu.memref_slice %arg4[%add3A_63] : memref<320000xi32, #tpu.memory_space<hbm>> -> memref<80xi32, #tpu.memory_space<hbm>>
    %dma_start3A_65 = tpu.memref_slice %arg4[%add3A_63] : memref<320000xi32, #tpu.memory_space<hbm>> -> memref<80xi32, #tpu.memory_space<hbm>>
    tpu.enqueue_dma source(%dma_start3A_65 : memref<80xi32, #tpu.memory_space<hbm>>) target(%arg21 : memref<80xi32, #tpu.memory_space<vmem>>) target_semaphore(%arg34 : memref<!tpu.dma_semaphore, #tpu.memory_space<semaphore_mem>>)
    %scan3A = arith.constant 0 : i32
    %scan3A_66 = arith.constant 0 : i32
    %scan3A_67 = arith.constant 80 : i32
    %scan3A_68 = arith.addi %scan3A_66, %scan3A_67 : i32
    %scan3A_69 = arith.constant 1 : i32
    scf.for %scan3A_165 = %scan3A_66 to %scan3A_68 step %scan3A_69  : i32 {
      %broadcast_in_dim3A = arith.constant 0.000000e+00 : f32
      %broadcast_in_dim3A_166 = vector.broadcast %broadcast_in_dim3A : f32 to vector<16xf32>
      %swap3A = arith.index_cast %scan3A_165 : i32 to index
      %swap3A_167 = arith.constant 0 : index
      %swap3A_168 = tpu.vector_load %arg22[%swap3A, %swap3A_167] {strides = array<i32>} : memref<80x128xf32, #tpu.memory_space<vmem>>, vector<1x16xf32>,
      %swap3A_169 = vector.shape_cast %swap3A_168 : vector<1x16xf32> to vector<16xf32>
      %swap3A_170 = vector.shape_cast %broadcast_in_dim3A_166 : vector<16xf32> to vector<1x16xf32>
      tpu.vector_store %arg22[%swap3A, %swap3A_167], %swap3A_170 {strides = array<i32>} : memref<80x128xf32, #tpu.memory_space<vmem>>, vector<1x16xf32>,
      %broadcast_in_dim3A_171 = arith.constant 0.000000e+00 : f32
      %broadcast_in_dim3A_172 = vector.broadcast %broadcast_in_dim3A_171 : f32 to vector<16xf32>
      %swap3A_173 = arith.index_cast %scan3A_165 : i32 to index
      %swap3A_174 = arith.constant 16 : index
      %swap3A_175 = tpu.vector_load %arg22[%swap3A_173, %swap3A_174] {strides = array<i32>} : memref<80x128xf32, #tpu.memory_space<vmem>>, vector<1x16xf32>,
      %swap3A_176 = vector.shape_cast %swap3A_175 : vector<1x16xf32> to vector<16xf32>
      %swap3A_177 = vector.shape_cast %broadcast_in_dim3A_172 : vector<16xf32> to vector<1x16xf32>
      tpu.vector_store %arg22[%swap3A_173, %swap3A_174], %swap3A_177 {strides = array<i32>} : memref<80x128xf32, #tpu.memory_space<vmem>>, vector<1x16xf32>,
      %broadcast_in_dim3A_178 = arith.constant 0.000000e+00 : f32
      %broadcast_in_dim3A_179 = vector.broadcast %broadcast_in_dim3A_178 : f32 to vector<16xf32>
      %swap3A_180 = arith.index_cast %scan3A_165 : i32 to index
      %swap3A_181 = arith.constant 32 : index
      %swap3A_182 = tpu.vector_load %arg22[%swap3A_180, %swap3A_181] {strides = array<i32>} : memref<80x128xf32, #tpu.memory_space<vmem>>, vector<1x16xf32>,
      %swap3A_183 = vector.shape_cast %swap3A_182 : vector<1x16xf32> to vector<16xf32>
      %swap3A_184 = vector.shape_cast %broadcast_in_dim3A_179 : vector<16xf32> to vector<1x16xf32>
      tpu.vector_store %arg22[%swap3A_180, %swap3A_181], %swap3A_184 {strides = array<i32>} : memref<80x128xf32, #tpu.memory_space<vmem>>, vector<1x16xf32>,
      %broadcast_in_dim3A_185 = arith.constant 0.000000e+00 : f32
      %broadcast_in_dim3A_186 = vector.broadcast %broadcast_in_dim3A_185 : f32 to vector<16xf32>
      %swap3A_187 = arith.index_cast %scan3A_165 : i32 to index
      %swap3A_188 = arith.constant 48 : index
      %swap3A_189 = tpu.vector_load %arg22[%swap3A_187, %swap3A_188] {strides = array<i32>} : memref<80x128xf32, #tpu.memory_space<vmem>>, vector<1x16xf32>,
      %swap3A_190 = vector.shape_cast %swap3A_189 : vector<1x16xf32> to vector<16xf32>
      %swap3A_191 = vector.shape_cast %broadcast_in_dim3A_186 : vector<16xf32> to vector<1x16xf32>
      tpu.vector_store %arg22[%swap3A_187, %swap3A_188], %swap3A_191 {strides = array<i32>} : memref<80x128xf32, #tpu.memory_space<vmem>>, vector<1x16xf32>,
      %broadcast_in_dim3A_192 = arith.constant 0.000000e+00 : f32
      %broadcast_in_dim3A_193 = vector.broadcast %broadcast_in_dim3A_192 : f32 to vector<16xf32>
      %swap3A_194 = arith.index_cast %scan3A_165 : i32 to index
      %swap3A_195 = arith.constant 64 : index
      %swap3A_196 = tpu.vector_load %arg22[%swap3A_194, %swap3A_195] {strides = array<i32>} : memref<80x128xf32, #tpu.memory_space<vmem>>, vector<1x16xf32>,
      %swap3A_197 = vector.shape_cast %swap3A_196 : vector<1x16xf32> to vector<16xf32>
      %swap3A_198 = vector.shape_cast %broadcast_in_dim3A_193 : vector<16xf32> to vector<1x16xf32>
      tpu.vector_store %arg22[%swap3A_194, %swap3A_195], %swap3A_198 {strides = array<i32>} : memref<80x128xf32, #tpu.memory_space<vmem>>, vector<1x16xf32>,
      %broadcast_in_dim3A_199 = arith.constant 0.000000e+00 : f32
      %broadcast_in_dim3A_200 = vector.broadcast %broadcast_in_dim3A_199 : f32 to vector<16xf32>
      %swap3A_201 = arith.index_cast %scan3A_165 : i32 to index
      %swap3A_202 = arith.constant 80 : index
      %swap3A_203 = tpu.vector_load %arg22[%swap3A_201, %swap3A_202] {strides = array<i32>} : memref<80x128xf32, #tpu.memory_space<vmem>>, vector<1x16xf32>,
      %swap3A_204 = vector.shape_cast %swap3A_203 : vector<1x16xf32> to vector<16xf32>
      %swap3A_205 = vector.shape_cast %broadcast_in_dim3A_200 : vector<16xf32> to vector<1x16xf32>
      tpu.vector_store %arg22[%swap3A_201, %swap3A_202], %swap3A_205 {strides = array<i32>} : memref<80x128xf32, #tpu.memory_space<vmem>>, vector<1x16xf32>,
      %broadcast_in_dim3A_206 = arith.constant 0.000000e+00 : f32
      %broadcast_in_dim3A_207 = vector.broadcast %broadcast_in_dim3A_206 : f32 to vector<16xf32>
      %swap3A_208 = arith.index_cast %scan3A_165 : i32 to index
      %swap3A_209 = arith.constant 96 : index
      %swap3A_210 = tpu.vector_load %arg22[%swap3A_208, %swap3A_209] {strides = array<i32>} : memref<80x128xf32, #tpu.memory_space<vmem>>, vector<1x16xf32>,
      %swap3A_211 = vector.shape_cast %swap3A_210 : vector<1x16xf32> to vector<16xf32>
      %swap3A_212 = vector.shape_cast %broadcast_in_dim3A_207 : vector<16xf32> to vector<1x16xf32>
      tpu.vector_store %arg22[%swap3A_208, %swap3A_209], %swap3A_212 {strides = array<i32>} : memref<80x128xf32, #tpu.memory_space<vmem>>, vector<1x16xf32>,
      %broadcast_in_dim3A_213 = arith.constant 0.000000e+00 : f32
      %broadcast_in_dim3A_214 = vector.broadcast %broadcast_in_dim3A_213 : f32 to vector<16xf32>
      %swap3A_215 = arith.index_cast %scan3A_165 : i32 to index
      %swap3A_216 = arith.constant 112 : index
      %swap3A_217 = tpu.vector_load %arg22[%swap3A_215, %swap3A_216] {strides = array<i32>} : memref<80x128xf32, #tpu.memory_space<vmem>>, vector<1x16xf32>,
      %swap3A_218 = vector.shape_cast %swap3A_217 : vector<1x16xf32> to vector<16xf32>
      %swap3A_219 = vector.shape_cast %broadcast_in_dim3A_214 : vector<16xf32> to vector<1x16xf32>
      tpu.vector_store %arg22[%swap3A_215, %swap3A_216], %swap3A_219 {strides = array<i32>} : memref<80x128xf32, #tpu.memory_space<vmem>>, vector<1x16xf32>,
    }
    %scan3A_70 = arith.constant 80 : i32
    %mul3A_71 = arith.constant 320 : i32
    %mul3A_72 = arith.muli %arg1, %mul3A_71 : i32
    %add3A_73 = arith.constant 0 : i32
    %add3A_74 = arith.addi %mul3A_72, %add3A_73 : i32
    "tpu.region"() ({
      %run_scoped3A = tpu.sem_alloc : memref<!tpu.dma_semaphore, #tpu.memory_space<semaphore_mem>>
      %dma_start3A_165 = arith.constant 0 : i32
      %dma_start3A_166 = tpu.memref_slice %arg26[%add3A_74, %dma_start3A_165] : memref<5120x128xf32, #tpu.memory_space<vmem_shared>> -> memref<80x128xf32, #tpu.memory_space<vmem_shared>>
      %dma_start3A_167 = arith.constant 0 : i32
      %dma_start3A_168 = tpu.memref_slice %arg26[%add3A_74, %dma_start3A_167] : memref<5120x128xf32, #tpu.memory_space<vmem_shared>> -> memref<80x128xf32, #tpu.memory_space<vmem_shared>>
      tpu.enqueue_dma source(%arg22 : memref<80x128xf32, #tpu.memory_space<vmem>>) target(%dma_start3A_168 : memref<80x128xf32, #tpu.memory_space<vmem_shared>>) target_semaphore(%run_scoped3A : memref<!tpu.dma_semaphore, #tpu.memory_space<semaphore_mem>>)
      %dma_wait3A_169 = arith.constant 0 : i32
      %dma_wait3A_170 = tpu.memref_slice %arg26[%add3A_74, %dma_wait3A_169] : memref<5120x128xf32, #tpu.memory_space<vmem_shared>> -> memref<80x128xf32, #tpu.memory_space<vmem_shared>>
      %dma_wait3A_171 = arith.constant 0 : i32
      %dma_wait3A_172 = tpu.memref_slice %arg26[%add3A_74, %dma_wait3A_171] : memref<5120x128xf32, #tpu.memory_space<vmem_shared>> -> memref<80x128xf32, #tpu.memory_space<vmem_shared>>
      tpu.wait_dma2 semaphore(%run_scoped3A : memref<!tpu.dma_semaphore, #tpu.memory_space<semaphore_mem>>) src(%arg22 : memref<80x128xf32, #tpu.memory_space<vmem>>) dst(%dma_wait3A_172 : memref<80x128xf32, #tpu.memory_space<vmem_shared>>)
      tpu.yield
    }) : () -> ()
    %add3A_75 = arith.constant 80 : i32
    %add3A_76 = arith.addi %mul3A_72, %add3A_75 : i32
    "tpu.region"() ({
      %run_scoped3A = tpu.sem_alloc : memref<!tpu.dma_semaphore, #tpu.memory_space<semaphore_mem>>
      %dma_start3A_165 = arith.constant 0 : i32
      %dma_start3A_166 = tpu.memref_slice %arg26[%add3A_76, %dma_start3A_165] : memref<5120x128xf32, #tpu.memory_space<vmem_shared>> -> memref<80x128xf32, #tpu.memory_space<vmem_shared>>
      %dma_start3A_167 = arith.constant 0 : i32
      %dma_start3A_168 = tpu.memref_slice %arg26[%add3A_76, %dma_start3A_167] : memref<5120x128xf32, #tpu.memory_space<vmem_shared>> -> memref<80x128xf32, #tpu.memory_space<vmem_shared>>
      tpu.enqueue_dma source(%arg22 : memref<80x128xf32, #tpu.memory_space<vmem>>) target(%dma_start3A_168 : memref<80x128xf32, #tpu.memory_space<vmem_shared>>) target_semaphore(%run_scoped3A : memref<!tpu.dma_semaphore, #tpu.memory_space<semaphore_mem>>)
      %dma_wait3A_169 = arith.constant 0 : i32
      %dma_wait3A_170 = tpu.memref_slice %arg26[%add3A_76, %dma_wait3A_169] : memref<5120x128xf32, #tpu.memory_space<vmem_shared>> -> memref<80x128xf32, #tpu.memory_space<vmem_shared>>
      %dma_wait3A_171 = arith.constant 0 : i32
      %dma_wait3A_172 = tpu.memref_slice %arg26[%add3A_76, %dma_wait3A_171] : memref<5120x128xf32, #tpu.memory_space<vmem_shared>> -> memref<80x128xf32, #tpu.memory_space<vmem_shared>>
      tpu.wait_dma2 semaphore(%run_scoped3A : memref<!tpu.dma_semaphore, #tpu.memory_space<semaphore_mem>>) src(%arg22 : memref<80x128xf32, #tpu.memory_space<vmem>>) dst(%dma_wait3A_172 : memref<80x128xf32, #tpu.memory_space<vmem_shared>>)
      tpu.yield
    }) : () -> ()
    %add3A_77 = arith.constant 160 : i32
    %add3A_78 = arith.addi %mul3A_72, %add3A_77 : i32
    "tpu.region"() ({
      %run_scoped3A = tpu.sem_alloc : memref<!tpu.dma_semaphore, #tpu.memory_space<semaphore_mem>>
      %dma_start3A_165 = arith.constant 0 : i32
      %dma_start3A_166 = tpu.memref_slice %arg26[%add3A_78, %dma_start3A_165] : memref<5120x128xf32, #tpu.memory_space<vmem_shared>> -> memref<80x128xf32, #tpu.memory_space<vmem_shared>>
      %dma_start3A_167 = arith.constant 0 : i32
      %dma_start3A_168 = tpu.memref_slice %arg26[%add3A_78, %dma_start3A_167] : memref<5120x128xf32, #tpu.memory_space<vmem_shared>> -> memref<80x128xf32, #tpu.memory_space<vmem_shared>>
      tpu.enqueue_dma source(%arg22 : memref<80x128xf32, #tpu.memory_space<vmem>>) target(%dma_start3A_168 : memref<80x128xf32, #tpu.memory_space<vmem_shared>>) target_semaphore(%run_scoped3A : memref<!tpu.dma_semaphore, #tpu.memory_space<semaphore_mem>>)
      %dma_wait3A_169 = arith.constant 0 : i32
      %dma_wait3A_170 = tpu.memref_slice %arg26[%add3A_78, %dma_wait3A_169] : memref<5120x128xf32, #tpu.memory_space<vmem_shared>> -> memref<80x128xf32, #tpu.memory_space<vmem_shared>>
      %dma_wait3A_171 = arith.constant 0 : i32
      %dma_wait3A_172 = tpu.memref_slice %arg26[%add3A_78, %dma_wait3A_171] : memref<5120x128xf32, #tpu.memory_space<vmem_shared>> -> memref<80x128xf32, #tpu.memory_space<vmem_shared>>
      tpu.wait_dma2 semaphore(%run_scoped3A : memref<!tpu.dma_semaphore, #tpu.memory_space<semaphore_mem>>) src(%arg22 : memref<80x128xf32, #tpu.memory_space<vmem>>) dst(%dma_wait3A_172 : memref<80x128xf32, #tpu.memory_space<vmem_shared>>)
      tpu.yield
    }) : () -> ()
    %add3A_79 = arith.constant 240 : i32
    %add3A_80 = arith.addi %mul3A_72, %add3A_79 : i32
    "tpu.region"() ({
      %run_scoped3A = tpu.sem_alloc : memref<!tpu.dma_semaphore, #tpu.memory_space<semaphore_mem>>
      %dma_start3A_165 = arith.constant 0 : i32
      %dma_start3A_166 = tpu.memref_slice %arg26[%add3A_80, %dma_start3A_165] : memref<5120x128xf32, #tpu.memory_space<vmem_shared>> -> memref<80x128xf32, #tpu.memory_space<vmem_shared>>
      %dma_start3A_167 = arith.constant 0 : i32
      %dma_start3A_168 = tpu.memref_slice %arg26[%add3A_80, %dma_start3A_167] : memref<5120x128xf32, #tpu.memory_space<vmem_shared>> -> memref<80x128xf32, #tpu.memory_space<vmem_shared>>
      tpu.enqueue_dma source(%arg22 : memref<80x128xf32, #tpu.memory_space<vmem>>) target(%dma_start3A_168 : memref<80x128xf32, #tpu.memory_space<vmem_shared>>) target_semaphore(%run_scoped3A : memref<!tpu.dma_semaphore, #tpu.memory_space<semaphore_mem>>)
      %dma_wait3A_169 = arith.constant 0 : i32
      %dma_wait3A_170 = tpu.memref_slice %arg26[%add3A_80, %dma_wait3A_169] : memref<5120x128xf32, #tpu.memory_space<vmem_shared>> -> memref<80x128xf32, #tpu.memory_space<vmem_shared>>
      %dma_wait3A_171 = arith.constant 0 : i32
      %dma_wait3A_172 = tpu.memref_slice %arg26[%add3A_80, %dma_wait3A_171] : memref<5120x128xf32, #tpu.memory_space<vmem_shared>> -> memref<80x128xf32, #tpu.memory_space<vmem_shared>>
      tpu.wait_dma2 semaphore(%run_scoped3A : memref<!tpu.dma_semaphore, #tpu.memory_space<semaphore_mem>>) src(%arg22 : memref<80x128xf32, #tpu.memory_space<vmem>>) dst(%dma_wait3A_172 : memref<80x128xf32, #tpu.memory_space<vmem_shared>>)
      tpu.yield
    }) : () -> ()
    %barrier3A = arith.constant 0 : index
    tpu.barrier barrier_id(%barrier3A)
    %dma_wait3A = arith.constant 0 : i32
    %dma_wait3A_81 = tpu.memref_slice %arg3[%dma_wait3A] : memref<320000xi32, #tpu.memory_space<hbm>> -> memref<80xi32, #tpu.memory_space<hbm>>
    %dma_wait3A_82 = arith.constant 0 : i32
    %dma_wait3A_83 = tpu.memref_slice %arg3[%dma_wait3A_82] : memref<320000xi32, #tpu.memory_space<hbm>> -> memref<80xi32, #tpu.memory_space<hbm>>
    tpu.wait_dma2 semaphore(%arg27 : memref<!tpu.dma_semaphore, #tpu.memory_space<semaphore_mem>>) src(%dma_wait3A_83 : memref<80xi32, #tpu.memory_space<hbm>>) dst(%arg6 : memref<80xi32, #tpu.memory_space<vmem>>)
    %dma_wait3A_84 = arith.constant 0 : i32
    %dma_wait3A_85 = tpu.memref_slice %arg4[%dma_wait3A_84] : memref<320000xi32, #tpu.memory_space<hbm>> -> memref<80xi32, #tpu.memory_space<hbm>>
    %dma_wait3A_86 = arith.constant 0 : i32
    %dma_wait3A_87 = tpu.memref_slice %arg4[%dma_wait3A_86] : memref<320000xi32, #tpu.memory_space<hbm>> -> memref<80xi32, #tpu.memory_space<hbm>>
    tpu.wait_dma2 semaphore(%arg27 : memref<!tpu.dma_semaphore, #tpu.memory_space<semaphore_mem>>) src(%dma_wait3A_87 : memref<80xi32, #tpu.memory_space<hbm>>) dst(%arg14 : memref<80xi32, #tpu.memory_space<vmem>>)
    %dma_start3A_88 = arith.constant 0 : i32
    %dma_start3A_89 = arith.constant 0 : i32
    %dma_start3A_90 = tpu.memref_slice %arg2[%dma_start3A_88, %dma_start3A_89] : memref<10000x128xf32, #tpu.memory_space<hbm>> -> memref<10000x128xf32, #tpu.memory_space<hbm>>
    tpu.enqueue_indirect_dma source(%dma_start3A_90 : memref<10000x128xf32, #tpu.memory_space<hbm>>) target(%arg22 : memref<80x128xf32, #tpu.memory_space<vmem>>) offsets(%arg6 : memref<80xi32, #tpu.memory_space<vmem>>) semaphore(%arg35 : memref<!tpu.dma_semaphore, #tpu.memory_space<semaphore_mem>>)
    %dma_wait3A_91 = arith.constant 0 : i32
    %dma_wait3A_92 = tpu.memref_slice %arg3[%dma_wait3A_91] : memref<320000xi32, #tpu.memory_space<hbm>> -> memref<80xi32, #tpu.memory_space<hbm>>
    %dma_wait3A_93 = arith.constant 0 : i32
    %dma_wait3A_94 = tpu.memref_slice %arg3[%dma_wait3A_93] : memref<320000xi32, #tpu.memory_space<hbm>> -> memref<80xi32, #tpu.memory_space<hbm>>
    tpu.wait_dma2 semaphore(%arg28 : memref<!tpu.dma_semaphore, #tpu.memory_space<semaphore_mem>>) src(%dma_wait3A_94 : memref<80xi32, #tpu.memory_space<hbm>>) dst(%arg7 : memref<80xi32, #tpu.memory_space<vmem>>)
    %dma_wait3A_95 = arith.constant 0 : i32
    %dma_wait3A_96 = tpu.memref_slice %arg4[%dma_wait3A_95] : memref<320000xi32, #tpu.memory_space<hbm>> -> memref<80xi32, #tpu.memory_space<hbm>>
    %dma_wait3A_97 = arith.constant 0 : i32
    %dma_wait3A_98 = tpu.memref_slice %arg4[%dma_wait3A_97] : memref<320000xi32, #tpu.memory_space<hbm>> -> memref<80xi32, #tpu.memory_space<hbm>>
    tpu.wait_dma2 semaphore(%arg28 : memref<!tpu.dma_semaphore, #tpu.memory_space<semaphore_mem>>) src(%dma_wait3A_98 : memref<80xi32, #tpu.memory_space<hbm>>) dst(%arg15 : memref<80xi32, #tpu.memory_space<vmem>>)
    %dma_start3A_99 = arith.constant 0 : i32
    %dma_start3A_100 = arith.constant 0 : i32
    %dma_start3A_101 = tpu.memref_slice %arg2[%dma_start3A_99, %dma_start3A_100] : memref<10000x128xf32, #tpu.memory_space<hbm>> -> memref<10000x128xf32, #tpu.memory_space<hbm>>
    tpu.enqueue_indirect_dma source(%dma_start3A_101 : memref<10000x128xf32, #tpu.memory_space<hbm>>) target(%arg23 : memref<80x128xf32, #tpu.memory_space<vmem>>) offsets(%arg7 : memref<80xi32, #tpu.memory_space<vmem>>) semaphore(%arg36 : memref<!tpu.dma_semaphore, #tpu.memory_space<semaphore_mem>>)
    %dma_wait3A_102 = arith.constant 0 : i32
    %dma_wait3A_103 = tpu.memref_slice %arg3[%dma_wait3A_102] : memref<320000xi32, #tpu.memory_space<hbm>> -> memref<80xi32, #tpu.memory_space<hbm>>
    %dma_wait3A_104 = arith.constant 0 : i32
    %dma_wait3A_105 = tpu.memref_slice %arg3[%dma_wait3A_104] : memref<320000xi32, #tpu.memory_space<hbm>> -> memref<80xi32, #tpu.memory_space<hbm>>
    tpu.wait_dma2 semaphore(%arg29 : memref<!tpu.dma_semaphore, #tpu.memory_space<semaphore_mem>>) src(%dma_wait3A_105 : memref<80xi32, #tpu.memory_space<hbm>>) dst(%arg8 : memref<80xi32, #tpu.memory_space<vmem>>)
    %dma_wait3A_106 = arith.constant 0 : i32
    %dma_wait3A_107 = tpu.memref_slice %arg4[%dma_wait3A_106] : memref<320000xi32, #tpu.memory_space<hbm>> -> memref<80xi32, #tpu.memory_space<hbm>>
    %dma_wait3A_108 = arith.constant 0 : i32
    %dma_wait3A_109 = tpu.memref_slice %arg4[%dma_wait3A_108] : memref<320000xi32, #tpu.memory_space<hbm>> -> memref<80xi32, #tpu.memory_space<hbm>>
    tpu.wait_dma2 semaphore(%arg29 : memref<!tpu.dma_semaphore, #tpu.memory_space<semaphore_mem>>) src(%dma_wait3A_109 : memref<80xi32, #tpu.memory_space<hbm>>) dst(%arg16 : memref<80xi32, #tpu.memory_space<vmem>>)
    %dma_start3A_110 = arith.constant 0 : i32
    %dma_start3A_111 = arith.constant 0 : i32
    %dma_start3A_112 = tpu.memref_slice %arg2[%dma_start3A_110, %dma_start3A_111] : memref<10000x128xf32, #tpu.memory_space<hbm>> -> memref<10000x128xf32, #tpu.memory_space<hbm>>
    tpu.enqueue_indirect_dma source(%dma_start3A_112 : memref<10000x128xf32, #tpu.memory_space<hbm>>) target(%arg24 : memref<80x128xf32, #tpu.memory_space<vmem>>) offsets(%arg8 : memref<80xi32, #tpu.memory_space<vmem>>) semaphore(%arg37 : memref<!tpu.dma_semaphore, #tpu.memory_space<semaphore_mem>>)
    %dma_wait3A_113 = arith.constant 0 : i32
    %dma_wait3A_114 = tpu.memref_slice %arg3[%dma_wait3A_113] : memref<320000xi32, #tpu.memory_space<hbm>> -> memref<80xi32, #tpu.memory_space<hbm>>
    %dma_wait3A_115 = arith.constant 0 : i32
    %dma_wait3A_116 = tpu.memref_slice %arg3[%dma_wait3A_115] : memref<320000xi32, #tpu.memory_space<hbm>> -> memref<80xi32, #tpu.memory_space<hbm>>
    tpu.wait_dma2 semaphore(%arg30 : memref<!tpu.dma_semaphore, #tpu.memory_space<semaphore_mem>>) src(%dma_wait3A_116 : memref<80xi32, #tpu.memory_space<hbm>>) dst(%arg9 : memref<80xi32, #tpu.memory_space<vmem>>)
    %dma_wait3A_117 = arith.constant 0 : i32
    %dma_wait3A_118 = tpu.memref_slice %arg4[%dma_wait3A_117] : memref<320000xi32, #tpu.memory_space<hbm>> -> memref<80xi32, #tpu.memory_space<hbm>>
    %dma_wait3A_119 = arith.constant 0 : i32
    %dma_wait3A_120 = tpu.memref_slice %arg4[%dma_wait3A_119] : memref<320000xi32, #tpu.memory_space<hbm>> -> memref<80xi32, #tpu.memory_space<hbm>>
    tpu.wait_dma2 semaphore(%arg30 : memref<!tpu.dma_semaphore, #tpu.memory_space<semaphore_mem>>) src(%dma_wait3A_120 : memref<80xi32, #tpu.memory_space<hbm>>) dst(%arg17 : memref<80xi32, #tpu.memory_space<vmem>>)
    %dma_start3A_121 = arith.constant 0 : i32
    %dma_start3A_122 = arith.constant 0 : i32
    %dma_start3A_123 = tpu.memref_slice %arg2[%dma_start3A_121, %dma_start3A_122] : memref<10000x128xf32, #tpu.memory_space<hbm>> -> memref<10000x128xf32, #tpu.memory_space<hbm>>
    tpu.enqueue_indirect_dma source(%dma_start3A_123 : memref<10000x128xf32, #tpu.memory_space<hbm>>) target(%arg25 : memref<80x128xf32, #tpu.memory_space<vmem>>) offsets(%arg9 : memref<80xi32, #tpu.memory_space<vmem>>) semaphore(%arg38 : memref<!tpu.dma_semaphore, #tpu.memory_space<semaphore_mem>>)
    %scan3A_124 = arith.constant 0 : i32
    %scan3A_125 = arith.constant 0 : i32
    %scan3A_126 = arith.constant 15 : i32
    %scan3A_127 = arith.addi %scan3A_125, %scan3A_126 : i32
    %scan3A_128 = arith.constant 1 : i32
    scf.for %scan3A_165 = %scan3A_125 to %scan3A_127 step %scan3A_128  : i32 {
      %mul3A_166 = arith.constant 8 : i32
      %mul3A_167 = arith.muli %mul3A_166, %scan3A_165 : i32
      %add3A_168 = arith.constant 0 : i32
      %add3A_169 = arith.addi %mul3A_167, %add3A_168 : i32
      %dma_wait3A_170 = arith.constant 0 : i32
      %dma_wait3A_171 = arith.constant 0 : i32
      %dma_wait3A_172 = tpu.memref_slice %arg2[%dma_wait3A_170, %dma_wait3A_171] : memref<10000x128xf32, #tpu.memory_space<hbm>> -> memref<10000x128xf32, #tpu.memory_space<hbm>>
      tpu.wait_indirect_dma semaphore(%arg35 : memref<!tpu.dma_semaphore, #tpu.memory_space<semaphore_mem>>) src(%dma_wait3A_172 : memref<10000x128xf32, #tpu.memory_space<hbm>>) dst(%arg22 : memref<80x128xf32, #tpu.memory_space<vmem>>)
      "tpu.region"() ({
        %run_scoped3A = tpu.sem_alloc : memref<!tpu.dma_semaphore, #tpu.memory_space<semaphore_mem>>
        %dma_start3A_317 = arith.constant 0 : i32
        %dma_start3A_318 = arith.constant 0 : i32
        %dma_start3A_319 = tpu.memref_slice %arg26[%dma_start3A_317, %dma_start3A_318] : memref<5120x128xf32, #tpu.memory_space<vmem_shared>> -> memref<5120x128xf32, #tpu.memory_space<vmem_shared>>
        tpu.enqueue_indirect_dma source(%arg22 : memref<80x128xf32, #tpu.memory_space<vmem>>) target(%dma_start3A_319 : memref<5120x128xf32, #tpu.memory_space<vmem_shared>>) offsets(%arg14 : memref<80xi32, #tpu.memory_space<vmem>>) semaphore(%run_scoped3A : memref<!tpu.dma_semaphore, #tpu.memory_space<semaphore_mem>>) {add = true}
        %dma_wait3A_320 = arith.constant 0 : i32
        %dma_wait3A_321 = arith.constant 0 : i32
        %dma_wait3A_322 = tpu.memref_slice %arg26[%dma_wait3A_320, %dma_wait3A_321] : memref<5120x128xf32, #tpu.memory_space<vmem_shared>> -> memref<5120x128xf32, #tpu.memory_space<vmem_shared>>
        tpu.wait_indirect_dma semaphore(%run_scoped3A : memref<!tpu.dma_semaphore, #tpu.memory_space<semaphore_mem>>) src(%arg22 : memref<80x128xf32, #tpu.memory_space<vmem>>) dst(%dma_wait3A_322 : memref<5120x128xf32, #tpu.memory_space<vmem_shared>>)
        tpu.yield
      }) : () -> ()
      %add3A_173 = arith.constant 4 : i32
      %add3A_174 = arith.addi %add3A_169, %add3A_173 : i32
      %lt3A = arith.constant 125 : i32
      %lt3A_175 = arith.cmpi slt, %add3A_174, %lt3A : i32
      %convert_element_type3A = arith.extui %lt3A_175 : i1 to i32
      %cond3A = arith.constant 0 : i32
      %cond3A_176 = arith.cmpi ne, %convert_element_type3A, %cond3A : i32
      scf.if %cond3A_176 {
        %dma_wait3A_317 = arith.constant 0 : i32
        %dma_wait3A_318 = tpu.memref_slice %arg3[%dma_wait3A_317] : memref<320000xi32, #tpu.memory_space<hbm>> -> memref<80xi32, #tpu.memory_space<hbm>>
        %dma_wait3A_319 = arith.constant 0 : i32
        %dma_wait3A_320 = tpu.memref_slice %arg3[%dma_wait3A_319] : memref<320000xi32, #tpu.memory_space<hbm>> -> memref<80xi32, #tpu.memory_space<hbm>>
        tpu.wait_dma2 semaphore(%arg31 : memref<!tpu.dma_semaphore, #tpu.memory_space<semaphore_mem>>) src(%dma_wait3A_320 : memref<80xi32, #tpu.memory_space<hbm>>) dst(%arg10 : memref<80xi32, #tpu.memory_space<vmem>>)
        %dma_wait3A_321 = arith.constant 0 : i32
        %dma_wait3A_322 = tpu.memref_slice %arg4[%dma_wait3A_321] : memref<320000xi32, #tpu.memory_space<hbm>> -> memref<80xi32, #tpu.memory_space<hbm>>
        %dma_wait3A_323 = arith.constant 0 : i32
        %dma_wait3A_324 = tpu.memref_slice %arg4[%dma_wait3A_323] : memref<320000xi32, #tpu.memory_space<hbm>> -> memref<80xi32, #tpu.memory_space<hbm>>
        tpu.wait_dma2 semaphore(%arg31 : memref<!tpu.dma_semaphore, #tpu.memory_space<semaphore_mem>>) src(%dma_wait3A_324 : memref<80xi32, #tpu.memory_space<hbm>>) dst(%arg18 : memref<80xi32, #tpu.memory_space<vmem>>)
        %dma_start3A_325 = arith.constant 0 : i32
        %dma_start3A_326 = arith.constant 0 : i32
        %dma_start3A_327 = tpu.memref_slice %arg2[%dma_start3A_325, %dma_start3A_326] : memref<10000x128xf32, #tpu.memory_space<hbm>> -> memref<10000x128xf32, #tpu.memory_space<hbm>>
        tpu.enqueue_indirect_dma source(%dma_start3A_327 : memref<10000x128xf32, #tpu.memory_space<hbm>>) target(%arg22 : memref<80x128xf32, #tpu.memory_space<vmem>>) offsets(%arg10 : memref<80xi32, #tpu.memory_space<vmem>>) semaphore(%arg35 : memref<!tpu.dma_semaphore, #tpu.memory_space<semaphore_mem>>)
      } else {
      }
      %add3A_177 = arith.constant 8 : i32
      %add3A_178 = arith.addi %add3A_169, %add3A_177 : i32
      %lt3A_179 = arith.constant 125 : i32
      %lt3A_180 = arith.cmpi slt, %add3A_178, %lt3A_179 : i32
      %convert_element_type3A_181 = arith.extui %lt3A_180 : i1 to i32
      %cond3A_182 = arith.constant 0 : i32
      %cond3A_183 = arith.cmpi ne, %convert_element_type3A_181, %cond3A_182 : i32
      scf.if %cond3A_183 {
        %add3A_317 = arith.constant 8 : i32
        %add3A_318 = arith.addi %add3A_169, %add3A_317 : i32
        %mul3A_319 = arith.constant 80 : i32
        %mul3A_320 = arith.muli %add3A_318, %mul3A_319 : i32
        %add3A_321 = arith.addi %mul3A_2, %mul3A_320 : i32
        %dma_start3A_322 = tpu.memref_slice %arg3[%add3A_321] : memref<320000xi32, #tpu.memory_space<hbm>> -> memref<80xi32, #tpu.memory_space<hbm>>
        %dma_start3A_323 = tpu.memref_slice %arg3[%add3A_321] : memref<320000xi32, #tpu.memory_space<hbm>> -> memref<80xi32, #tpu.memory_space<hbm>>
        tpu.enqueue_dma source(%dma_start3A_323 : memref<80xi32, #tpu.memory_space<hbm>>) target(%arg6 : memref<80xi32, #tpu.memory_space<vmem>>) target_semaphore(%arg27 : memref<!tpu.dma_semaphore, #tpu.memory_space<semaphore_mem>>)
        %mul3A_324 = arith.constant 80 : i32
        %mul3A_325 = arith.muli %add3A_318, %mul3A_324 : i32
        %add3A_326 = arith.addi %mul3A_2, %mul3A_325 : i32
        %dma_start3A_327 = tpu.memref_slice %arg4[%add3A_326] : memref<320000xi32, #tpu.memory_space<hbm>> -> memref<80xi32, #tpu.memory_space<hbm>>
        %dma_start3A_328 = tpu.memref_slice %arg4[%add3A_326] : memref<320000xi32, #tpu.memory_space<hbm>> -> memref<80xi32, #tpu.memory_space<hbm>>
        tpu.enqueue_dma source(%dma_start3A_328 : memref<80xi32, #tpu.memory_space<hbm>>) target(%arg14 : memref<80xi32, #tpu.memory_space<vmem>>) target_semaphore(%arg27 : memref<!tpu.dma_semaphore, #tpu.memory_space<semaphore_mem>>)
      } else {
      }
      %add3A_184 = arith.constant 1 : i32
      %add3A_185 = arith.addi %mul3A_167, %add3A_184 : i32
      %dma_wait3A_186 = arith.constant 0 : i32
      %dma_wait3A_187 = arith.constant 0 : i32
      %dma_wait3A_188 = tpu.memref_slice %arg2[%dma_wait3A_186, %dma_wait3A_187] : memref<10000x128xf32, #tpu.memory_space<hbm>> -> memref<10000x128xf32, #tpu.memory_space<hbm>>
      tpu.wait_indirect_dma semaphore(%arg36 : memref<!tpu.dma_semaphore, #tpu.memory_space<semaphore_mem>>) src(%dma_wait3A_188 : memref<10000x128xf32, #tpu.memory_space<hbm>>) dst(%arg23 : memref<80x128xf32, #tpu.memory_space<vmem>>)
      "tpu.region"() ({
        %run_scoped3A = tpu.sem_alloc : memref<!tpu.dma_semaphore, #tpu.memory_space<semaphore_mem>>
        %dma_start3A_317 = arith.constant 0 : i32
        %dma_start3A_318 = arith.constant 0 : i32
        %dma_start3A_319 = tpu.memref_slice %arg26[%dma_start3A_317, %dma_start3A_318] : memref<5120x128xf32, #tpu.memory_space<vmem_shared>> -> memref<5120x128xf32, #tpu.memory_space<vmem_shared>>
        tpu.enqueue_indirect_dma source(%arg23 : memref<80x128xf32, #tpu.memory_space<vmem>>) target(%dma_start3A_319 : memref<5120x128xf32, #tpu.memory_space<vmem_shared>>) offsets(%arg15 : memref<80xi32, #tpu.memory_space<vmem>>) semaphore(%run_scoped3A : memref<!tpu.dma_semaphore, #tpu.memory_space<semaphore_mem>>) {add = true}
        %dma_wait3A_320 = arith.constant 0 : i32
        %dma_wait3A_321 = arith.constant 0 : i32
        %dma_wait3A_322 = tpu.memref_slice %arg26[%dma_wait3A_320, %dma_wait3A_321] : memref<5120x128xf32, #tpu.memory_space<vmem_shared>> -> memref<5120x128xf32, #tpu.memory_space<vmem_shared>>
        tpu.wait_indirect_dma semaphore(%run_scoped3A : memref<!tpu.dma_semaphore, #tpu.memory_space<semaphore_mem>>) src(%arg23 : memref<80x128xf32, #tpu.memory_space<vmem>>) dst(%dma_wait3A_322 : memref<5120x128xf32, #tpu.memory_space<vmem_shared>>)
        tpu.yield
      }) : () -> ()
      %add3A_189 = arith.constant 4 : i32
      %add3A_190 = arith.addi %add3A_185, %add3A_189 : i32
      %lt3A_191 = arith.constant 125 : i32
      %lt3A_192 = arith.cmpi slt, %add3A_190, %lt3A_191 : i32
      %convert_element_type3A_193 = arith.extui %lt3A_192 : i1 to i32
      %cond3A_194 = arith.constant 0 : i32
      %cond3A_195 = arith.cmpi ne, %convert_element_type3A_193, %cond3A_194 : i32
      scf.if %cond3A_195 {
        %dma_wait3A_317 = arith.constant 0 : i32
        %dma_wait3A_318 = tpu.memref_slice %arg3[%dma_wait3A_317] : memref<320000xi32, #tpu.memory_space<hbm>> -> memref<80xi32, #tpu.memory_space<hbm>>
        %dma_wait3A_319 = arith.constant 0 : i32
        %dma_wait3A_320 = tpu.memref_slice %arg3[%dma_wait3A_319] : memref<320000xi32, #tpu.memory_space<hbm>> -> memref<80xi32, #tpu.memory_space<hbm>>
        tpu.wait_dma2 semaphore(%arg32 : memref<!tpu.dma_semaphore, #tpu.memory_space<semaphore_mem>>) src(%dma_wait3A_320 : memref<80xi32, #tpu.memory_space<hbm>>) dst(%arg11 : memref<80xi32, #tpu.memory_space<vmem>>)
        %dma_wait3A_321 = arith.constant 0 : i32
        %dma_wait3A_322 = tpu.memref_slice %arg4[%dma_wait3A_321] : memref<320000xi32, #tpu.memory_space<hbm>> -> memref<80xi32, #tpu.memory_space<hbm>>
        %dma_wait3A_323 = arith.constant 0 : i32
        %dma_wait3A_324 = tpu.memref_slice %arg4[%dma_wait3A_323] : memref<320000xi32, #tpu.memory_space<hbm>> -> memref<80xi32, #tpu.memory_space<hbm>>
        tpu.wait_dma2 semaphore(%arg32 : memref<!tpu.dma_semaphore, #tpu.memory_space<semaphore_mem>>) src(%dma_wait3A_324 : memref<80xi32, #tpu.memory_space<hbm>>) dst(%arg19 : memref<80xi32, #tpu.memory_space<vmem>>)
        %dma_start3A_325 = arith.constant 0 : i32
        %dma_start3A_326 = arith.constant 0 : i32
        %dma_start3A_327 = tpu.memref_slice %arg2[%dma_start3A_325, %dma_start3A_326] : memref<10000x128xf32, #tpu.memory_space<hbm>> -> memref<10000x128xf32, #tpu.memory_space<hbm>>
        tpu.enqueue_indirect_dma source(%dma_start3A_327 : memref<10000x128xf32, #tpu.memory_space<hbm>>) target(%arg23 : memref<80x128xf32, #tpu.memory_space<vmem>>) offsets(%arg11 : memref<80xi32, #tpu.memory_space<vmem>>) semaphore(%arg36 : memref<!tpu.dma_semaphore, #tpu.memory_space<semaphore_mem>>)
      } else {
      }
      %add3A_196 = arith.constant 8 : i32
      %add3A_197 = arith.addi %add3A_185, %add3A_196 : i32
      %lt3A_198 = arith.constant 125 : i32
      %lt3A_199 = arith.cmpi slt, %add3A_197, %lt3A_198 : i32
      %convert_element_type3A_200 = arith.extui %lt3A_199 : i1 to i32
      %cond3A_201 = arith.constant 0 : i32
      %cond3A_202 = arith.cmpi ne, %convert_element_type3A_200, %cond3A_201 : i32
      scf.if %cond3A_202 {
        %add3A_317 = arith.constant 8 : i32
        %add3A_318 = arith.addi %add3A_185, %add3A_317 : i32
        %mul3A_319 = arith.constant 80 : i32
        %mul3A_320 = arith.muli %add3A_318, %mul3A_319 : i32
        %add3A_321 = arith.addi %mul3A_2, %mul3A_320 : i32
        %dma_start3A_322 = tpu.memref_slice %arg3[%add3A_321] : memref<320000xi32, #tpu.memory_space<hbm>> -> memref<80xi32, #tpu.memory_space<hbm>>
        %dma_start3A_323 = tpu.memref_slice %arg3[%add3A_321] : memref<320000xi32, #tpu.memory_space<hbm>> -> memref<80xi32, #tpu.memory_space<hbm>>
        tpu.enqueue_dma source(%dma_start3A_323 : memref<80xi32, #tpu.memory_space<hbm>>) target(%arg7 : memref<80xi32, #tpu.memory_space<vmem>>) target_semaphore(%arg28 : memref<!tpu.dma_semaphore, #tpu.memory_space<semaphore_mem>>)
        %mul3A_324 = arith.constant 80 : i32
        %mul3A_325 = arith.muli %add3A_318, %mul3A_324 : i32
        %add3A_326 = arith.addi %mul3A_2, %mul3A_325 : i32
        %dma_start3A_327 = tpu.memref_slice %arg4[%add3A_326] : memref<320000xi32, #tpu.memory_space<hbm>> -> memref<80xi32, #tpu.memory_space<hbm>>
        %dma_start3A_328 = tpu.memref_slice %arg4[%add3A_326] : memref<320000xi32, #tpu.memory_space<hbm>> -> memref<80xi32, #tpu.memory_space<hbm>>
        tpu.enqueue_dma source(%dma_start3A_328 : memref<80xi32, #tpu.memory_space<hbm>>) target(%arg15 : memref<80xi32, #tpu.memory_space<vmem>>) target_semaphore(%arg28 : memref<!tpu.dma_semaphore, #tpu.memory_space<semaphore_mem>>)
      } else {
      }
      %add3A_203 = arith.constant 2 : i32
      %add3A_204 = arith.addi %mul3A_167, %add3A_203 : i32
      %dma_wait3A_205 = arith.constant 0 : i32
      %dma_wait3A_206 = arith.constant 0 : i32
      %dma_wait3A_207 = tpu.memref_slice %arg2[%dma_wait3A_205, %dma_wait3A_206] : memref<10000x128xf32, #tpu.memory_space<hbm>> -> memref<10000x128xf32, #tpu.memory_space<hbm>>
      tpu.wait_indirect_dma semaphore(%arg37 : memref<!tpu.dma_semaphore, #tpu.memory_space<semaphore_mem>>) src(%dma_wait3A_207 : memref<10000x128xf32, #tpu.memory_space<hbm>>) dst(%arg24 : memref<80x128xf32, #tpu.memory_space<vmem>>)
      "tpu.region"() ({
        %run_scoped3A = tpu.sem_alloc : memref<!tpu.dma_semaphore, #tpu.memory_space<semaphore_mem>>
        %dma_start3A_317 = arith.constant 0 : i32
        %dma_start3A_318 = arith.constant 0 : i32
        %dma_start3A_319 = tpu.memref_slice %arg26[%dma_start3A_317, %dma_start3A_318] : memref<5120x128xf32, #tpu.memory_space<vmem_shared>> -> memref<5120x128xf32, #tpu.memory_space<vmem_shared>>
        tpu.enqueue_indirect_dma source(%arg24 : memref<80x128xf32, #tpu.memory_space<vmem>>) target(%dma_start3A_319 : memref<5120x128xf32, #tpu.memory_space<vmem_shared>>) offsets(%arg16 : memref<80xi32, #tpu.memory_space<vmem>>) semaphore(%run_scoped3A : memref<!tpu.dma_semaphore, #tpu.memory_space<semaphore_mem>>) {add = true}
        %dma_wait3A_320 = arith.constant 0 : i32
        %dma_wait3A_321 = arith.constant 0 : i32
        %dma_wait3A_322 = tpu.memref_slice %arg26[%dma_wait3A_320, %dma_wait3A_321] : memref<5120x128xf32, #tpu.memory_space<vmem_shared>> -> memref<5120x128xf32, #tpu.memory_space<vmem_shared>>
        tpu.wait_indirect_dma semaphore(%run_scoped3A : memref<!tpu.dma_semaphore, #tpu.memory_space<semaphore_mem>>) src(%arg24 : memref<80x128xf32, #tpu.memory_space<vmem>>) dst(%dma_wait3A_322 : memref<5120x128xf32, #tpu.memory_space<vmem_shared>>)
        tpu.yield
      }) : () -> ()
      %add3A_208 = arith.constant 4 : i32
      %add3A_209 = arith.addi %add3A_204, %add3A_208 : i32
      %lt3A_210 = arith.constant 125 : i32
      %lt3A_211 = arith.cmpi slt, %add3A_209, %lt3A_210 : i32
      %convert_element_type3A_212 = arith.extui %lt3A_211 : i1 to i32
      %cond3A_213 = arith.constant 0 : i32
      %cond3A_214 = arith.cmpi ne, %convert_element_type3A_212, %cond3A_213 : i32
      scf.if %cond3A_214 {
        %dma_wait3A_317 = arith.constant 0 : i32
        %dma_wait3A_318 = tpu.memref_slice %arg3[%dma_wait3A_317] : memref<320000xi32, #tpu.memory_space<hbm>> -> memref<80xi32, #tpu.memory_space<hbm>>
        %dma_wait3A_319 = arith.constant 0 : i32
        %dma_wait3A_320 = tpu.memref_slice %arg3[%dma_wait3A_319] : memref<320000xi32, #tpu.memory_space<hbm>> -> memref<80xi32, #tpu.memory_space<hbm>>
        tpu.wait_dma2 semaphore(%arg33 : memref<!tpu.dma_semaphore, #tpu.memory_space<semaphore_mem>>) src(%dma_wait3A_320 : memref<80xi32, #tpu.memory_space<hbm>>) dst(%arg12 : memref<80xi32, #tpu.memory_space<vmem>>)
        %dma_wait3A_321 = arith.constant 0 : i32
        %dma_wait3A_322 = tpu.memref_slice %arg4[%dma_wait3A_321] : memref<320000xi32, #tpu.memory_space<hbm>> -> memref<80xi32, #tpu.memory_space<hbm>>
        %dma_wait3A_323 = arith.constant 0 : i32
        %dma_wait3A_324 = tpu.memref_slice %arg4[%dma_wait3A_323] : memref<320000xi32, #tpu.memory_space<hbm>> -> memref<80xi32, #tpu.memory_space<hbm>>
        tpu.wait_dma2 semaphore(%arg33 : memref<!tpu.dma_semaphore, #tpu.memory_space<semaphore_mem>>) src(%dma_wait3A_324 : memref<80xi32, #tpu.memory_space<hbm>>) dst(%arg20 : memref<80xi32, #tpu.memory_space<vmem>>)
        %dma_start3A_325 = arith.constant 0 : i32
        %dma_start3A_326 = arith.constant 0 : i32
        %dma_start3A_327 = tpu.memref_slice %arg2[%dma_start3A_325, %dma_start3A_326] : memref<10000x128xf32, #tpu.memory_space<hbm>> -> memref<10000x128xf32, #tpu.memory_space<hbm>>
        tpu.enqueue_indirect_dma source(%dma_start3A_327 : memref<10000x128xf32, #tpu.memory_space<hbm>>) target(%arg24 : memref<80x128xf32, #tpu.memory_space<vmem>>) offsets(%arg12 : memref<80xi32, #tpu.memory_space<vmem>>) semaphore(%arg37 : memref<!tpu.dma_semaphore, #tpu.memory_space<semaphore_mem>>)
      } else {
      }
      %add3A_215 = arith.constant 8 : i32
      %add3A_216 = arith.addi %add3A_204, %add3A_215 : i32
      %lt3A_217 = arith.constant 125 : i32
      %lt3A_218 = arith.cmpi slt, %add3A_216, %lt3A_217 : i32
      %convert_element_type3A_219 = arith.extui %lt3A_218 : i1 to i32
      %cond3A_220 = arith.constant 0 : i32
      %cond3A_221 = arith.cmpi ne, %convert_element_type3A_219, %cond3A_220 : i32
      scf.if %cond3A_221 {
        %add3A_317 = arith.constant 8 : i32
        %add3A_318 = arith.addi %add3A_204, %add3A_317 : i32
        %mul3A_319 = arith.constant 80 : i32
        %mul3A_320 = arith.muli %add3A_318, %mul3A_319 : i32
        %add3A_321 = arith.addi %mul3A_2, %mul3A_320 : i32
        %dma_start3A_322 = tpu.memref_slice %arg3[%add3A_321] : memref<320000xi32, #tpu.memory_space<hbm>> -> memref<80xi32, #tpu.memory_space<hbm>>
        %dma_start3A_323 = tpu.memref_slice %arg3[%add3A_321] : memref<320000xi32, #tpu.memory_space<hbm>> -> memref<80xi32, #tpu.memory_space<hbm>>
        tpu.enqueue_dma source(%dma_start3A_323 : memref<80xi32, #tpu.memory_space<hbm>>) target(%arg8 : memref<80xi32, #tpu.memory_space<vmem>>) target_semaphore(%arg29 : memref<!tpu.dma_semaphore, #tpu.memory_space<semaphore_mem>>)
        %mul3A_324 = arith.constant 80 : i32
        %mul3A_325 = arith.muli %add3A_318, %mul3A_324 : i32
        %add3A_326 = arith.addi %mul3A_2, %mul3A_325 : i32
        %dma_start3A_327 = tpu.memref_slice %arg4[%add3A_326] : memref<320000xi32, #tpu.memory_space<hbm>> -> memref<80xi32, #tpu.memory_space<hbm>>
        %dma_start3A_328 = tpu.memref_slice %arg4[%add3A_326] : memref<320000xi32, #tpu.memory_space<hbm>> -> memref<80xi32, #tpu.memory_space<hbm>>
        tpu.enqueue_dma source(%dma_start3A_328 : memref<80xi32, #tpu.memory_space<hbm>>) target(%arg16 : memref<80xi32, #tpu.memory_space<vmem>>) target_semaphore(%arg29 : memref<!tpu.dma_semaphore, #tpu.memory_space<semaphore_mem>>)
      } else {
      }
      %add3A_222 = arith.constant 3 : i32
      %add3A_223 = arith.addi %mul3A_167, %add3A_222 : i32
      %dma_wait3A_224 = arith.constant 0 : i32
      %dma_wait3A_225 = arith.constant 0 : i32
      %dma_wait3A_226 = tpu.memref_slice %arg2[%dma_wait3A_224, %dma_wait3A_225] : memref<10000x128xf32, #tpu.memory_space<hbm>> -> memref<10000x128xf32, #tpu.memory_space<hbm>>
      tpu.wait_indirect_dma semaphore(%arg38 : memref<!tpu.dma_semaphore, #tpu.memory_space<semaphore_mem>>) src(%dma_wait3A_226 : memref<10000x128xf32, #tpu.memory_space<hbm>>) dst(%arg25 : memref<80x128xf32, #tpu.memory_space<vmem>>)
      "tpu.region"() ({
        %run_scoped3A = tpu.sem_alloc : memref<!tpu.dma_semaphore, #tpu.memory_space<semaphore_mem>>
        %dma_start3A_317 = arith.constant 0 : i32
        %dma_start3A_318 = arith.constant 0 : i32
        %dma_start3A_319 = tpu.memref_slice %arg26[%dma_start3A_317, %dma_start3A_318] : memref<5120x128xf32, #tpu.memory_space<vmem_shared>> -> memref<5120x128xf32, #tpu.memory_space<vmem_shared>>
        tpu.enqueue_indirect_dma source(%arg25 : memref<80x128xf32, #tpu.memory_space<vmem>>) target(%dma_start3A_319 : memref<5120x128xf32, #tpu.memory_space<vmem_shared>>) offsets(%arg17 : memref<80xi32, #tpu.memory_space<vmem>>) semaphore(%run_scoped3A : memref<!tpu.dma_semaphore, #tpu.memory_space<semaphore_mem>>) {add = true}
        %dma_wait3A_320 = arith.constant 0 : i32
        %dma_wait3A_321 = arith.constant 0 : i32
        %dma_wait3A_322 = tpu.memref_slice %arg26[%dma_wait3A_320, %dma_wait3A_321] : memref<5120x128xf32, #tpu.memory_space<vmem_shared>> -> memref<5120x128xf32, #tpu.memory_space<vmem_shared>>
        tpu.wait_indirect_dma semaphore(%run_scoped3A : memref<!tpu.dma_semaphore, #tpu.memory_space<semaphore_mem>>) src(%arg25 : memref<80x128xf32, #tpu.memory_space<vmem>>) dst(%dma_wait3A_322 : memref<5120x128xf32, #tpu.memory_space<vmem_shared>>)
        tpu.yield
      }) : () -> ()
      %add3A_227 = arith.constant 4 : i32
      %add3A_228 = arith.addi %add3A_223, %add3A_227 : i32
      %lt3A_229 = arith.constant 125 : i32
      %lt3A_230 = arith.cmpi slt, %add3A_228, %lt3A_229 : i32
      %convert_element_type3A_231 = arith.extui %lt3A_230 : i1 to i32
      %cond3A_232 = arith.constant 0 : i32
      %cond3A_233 = arith.cmpi ne, %convert_element_type3A_231, %cond3A_232 : i32
      scf.if %cond3A_233 {
        %dma_wait3A_317 = arith.constant 0 : i32
        %dma_wait3A_318 = tpu.memref_slice %arg3[%dma_wait3A_317] : memref<320000xi32, #tpu.memory_space<hbm>> -> memref<80xi32, #tpu.memory_space<hbm>>
        %dma_wait3A_319 = arith.constant 0 : i32
        %dma_wait3A_320 = tpu.memref_slice %arg3[%dma_wait3A_319] : memref<320000xi32, #tpu.memory_space<hbm>> -> memref<80xi32, #tpu.memory_space<hbm>>
        tpu.wait_dma2 semaphore(%arg34 : memref<!tpu.dma_semaphore, #tpu.memory_space<semaphore_mem>>) src(%dma_wait3A_320 : memref<80xi32, #tpu.memory_space<hbm>>) dst(%arg13 : memref<80xi32, #tpu.memory_space<vmem>>)
        %dma_wait3A_321 = arith.constant 0 : i32
        %dma_wait3A_322 = tpu.memref_slice %arg4[%dma_wait3A_321] : memref<320000xi32, #tpu.memory_space<hbm>> -> memref<80xi32, #tpu.memory_space<hbm>>
        %dma_wait3A_323 = arith.constant 0 : i32
        %dma_wait3A_324 = tpu.memref_slice %arg4[%dma_wait3A_323] : memref<320000xi32, #tpu.memory_space<hbm>> -> memref<80xi32, #tpu.memory_space<hbm>>
        tpu.wait_dma2 semaphore(%arg34 : memref<!tpu.dma_semaphore, #tpu.memory_space<semaphore_mem>>) src(%dma_wait3A_324 : memref<80xi32, #tpu.memory_space<hbm>>) dst(%arg21 : memref<80xi32, #tpu.memory_space<vmem>>)
        %dma_start3A_325 = arith.constant 0 : i32
        %dma_start3A_326 = arith.constant 0 : i32
        %dma_start3A_327 = tpu.memref_slice %arg2[%dma_start3A_325, %dma_start3A_326] : memref<10000x128xf32, #tpu.memory_space<hbm>> -> memref<10000x128xf32, #tpu.memory_space<hbm>>
        tpu.enqueue_indirect_dma source(%dma_start3A_327 : memref<10000x128xf32, #tpu.memory_space<hbm>>) target(%arg25 : memref<80x128xf32, #tpu.memory_space<vmem>>) offsets(%arg13 : memref<80xi32, #tpu.memory_space<vmem>>) semaphore(%arg38 : memref<!tpu.dma_semaphore, #tpu.memory_space<semaphore_mem>>)
      } else {
      }
      %add3A_234 = arith.constant 8 : i32
      %add3A_235 = arith.addi %add3A_223, %add3A_234 : i32
      %lt3A_236 = arith.constant 125 : i32
      %lt3A_237 = arith.cmpi slt, %add3A_235, %lt3A_236 : i32
      %convert_element_type3A_238 = arith.extui %lt3A_237 : i1 to i32
      %cond3A_239 = arith.constant 0 : i32
      %cond3A_240 = arith.cmpi ne, %convert_element_type3A_238, %cond3A_239 : i32
      scf.if %cond3A_240 {
        %add3A_317 = arith.constant 8 : i32
        %add3A_318 = arith.addi %add3A_223, %add3A_317 : i32
        %mul3A_319 = arith.constant 80 : i32
        %mul3A_320 = arith.muli %add3A_318, %mul3A_319 : i32
        %add3A_321 = arith.addi %mul3A_2, %mul3A_320 : i32
        %dma_start3A_322 = tpu.memref_slice %arg3[%add3A_321] : memref<320000xi32, #tpu.memory_space<hbm>> -> memref<80xi32, #tpu.memory_space<hbm>>
        %dma_start3A_323 = tpu.memref_slice %arg3[%add3A_321] : memref<320000xi32, #tpu.memory_space<hbm>> -> memref<80xi32, #tpu.memory_space<hbm>>
        tpu.enqueue_dma source(%dma_start3A_323 : memref<80xi32, #tpu.memory_space<hbm>>) target(%arg9 : memref<80xi32, #tpu.memory_space<vmem>>) target_semaphore(%arg30 : memref<!tpu.dma_semaphore, #tpu.memory_space<semaphore_mem>>)
        %mul3A_324 = arith.constant 80 : i32
        %mul3A_325 = arith.muli %add3A_318, %mul3A_324 : i32
        %add3A_326 = arith.addi %mul3A_2, %mul3A_325 : i32
        %dma_start3A_327 = tpu.memref_slice %arg4[%add3A_326] : memref<320000xi32, #tpu.memory_space<hbm>> -> memref<80xi32, #tpu.memory_space<hbm>>
        %dma_start3A_328 = tpu.memref_slice %arg4[%add3A_326] : memref<320000xi32, #tpu.memory_space<hbm>> -> memref<80xi32, #tpu.memory_space<hbm>>
        tpu.enqueue_dma source(%dma_start3A_328 : memref<80xi32, #tpu.memory_space<hbm>>) target(%arg17 : memref<80xi32, #tpu.memory_space<vmem>>) target_semaphore(%arg30 : memref<!tpu.dma_semaphore, #tpu.memory_space<semaphore_mem>>)
      } else {
      }
      %add3A_241 = arith.constant 4 : i32
      %add3A_242 = arith.addi %mul3A_167, %add3A_241 : i32
      %dma_wait3A_243 = arith.constant 0 : i32
      %dma_wait3A_244 = arith.constant 0 : i32
      %dma_wait3A_245 = tpu.memref_slice %arg2[%dma_wait3A_243, %dma_wait3A_244] : memref<10000x128xf32, #tpu.memory_space<hbm>> -> memref<10000x128xf32, #tpu.memory_space<hbm>>
      tpu.wait_indirect_dma semaphore(%arg35 : memref<!tpu.dma_semaphore, #tpu.memory_space<semaphore_mem>>) src(%dma_wait3A_245 : memref<10000x128xf32, #tpu.memory_space<hbm>>) dst(%arg22 : memref<80x128xf32, #tpu.memory_space<vmem>>)
      "tpu.region"() ({
        %run_scoped3A = tpu.sem_alloc : memref<!tpu.dma_semaphore, #tpu.memory_space<semaphore_mem>>
        %dma_start3A_317 = arith.constant 0 : i32
        %dma_start3A_318 = arith.constant 0 : i32
        %dma_start3A_319 = tpu.memref_slice %arg26[%dma_start3A_317, %dma_start3A_318] : memref<5120x128xf32, #tpu.memory_space<vmem_shared>> -> memref<5120x128xf32, #tpu.memory_space<vmem_shared>>
        tpu.enqueue_indirect_dma source(%arg22 : memref<80x128xf32, #tpu.memory_space<vmem>>) target(%dma_start3A_319 : memref<5120x128xf32, #tpu.memory_space<vmem_shared>>) offsets(%arg18 : memref<80xi32, #tpu.memory_space<vmem>>) semaphore(%run_scoped3A : memref<!tpu.dma_semaphore, #tpu.memory_space<semaphore_mem>>) {add = true}
        %dma_wait3A_320 = arith.constant 0 : i32
        %dma_wait3A_321 = arith.constant 0 : i32
        %dma_wait3A_322 = tpu.memref_slice %arg26[%dma_wait3A_320, %dma_wait3A_321] : memref<5120x128xf32, #tpu.memory_space<vmem_shared>> -> memref<5120x128xf32, #tpu.memory_space<vmem_shared>>
        tpu.wait_indirect_dma semaphore(%run_scoped3A : memref<!tpu.dma_semaphore, #tpu.memory_space<semaphore_mem>>) src(%arg22 : memref<80x128xf32, #tpu.memory_space<vmem>>) dst(%dma_wait3A_322 : memref<5120x128xf32, #tpu.memory_space<vmem_shared>>)
        tpu.yield
      }) : () -> ()
      %add3A_246 = arith.constant 4 : i32
      %add3A_247 = arith.addi %add3A_242, %add3A_246 : i32
      %lt3A_248 = arith.constant 125 : i32
      %lt3A_249 = arith.cmpi slt, %add3A_247, %lt3A_248 : i32
      %convert_element_type3A_250 = arith.extui %lt3A_249 : i1 to i32
      %cond3A_251 = arith.constant 0 : i32
      %cond3A_252 = arith.cmpi ne, %convert_element_type3A_250, %cond3A_251 : i32
      scf.if %cond3A_252 {
        %dma_wait3A_317 = arith.constant 0 : i32
        %dma_wait3A_318 = tpu.memref_slice %arg3[%dma_wait3A_317] : memref<320000xi32, #tpu.memory_space<hbm>> -> memref<80xi32, #tpu.memory_space<hbm>>
        %dma_wait3A_319 = arith.constant 0 : i32
        %dma_wait3A_320 = tpu.memref_slice %arg3[%dma_wait3A_319] : memref<320000xi32, #tpu.memory_space<hbm>> -> memref<80xi32, #tpu.memory_space<hbm>>
        tpu.wait_dma2 semaphore(%arg27 : memref<!tpu.dma_semaphore, #tpu.memory_space<semaphore_mem>>) src(%dma_wait3A_320 : memref<80xi32, #tpu.memory_space<hbm>>) dst(%arg6 : memref<80xi32, #tpu.memory_space<vmem>>)
        %dma_wait3A_321 = arith.constant 0 : i32
        %dma_wait3A_322 = tpu.memref_slice %arg4[%dma_wait3A_321] : memref<320000xi32, #tpu.memory_space<hbm>> -> memref<80xi32, #tpu.memory_space<hbm>>
        %dma_wait3A_323 = arith.constant 0 : i32
        %dma_wait3A_324 = tpu.memref_slice %arg4[%dma_wait3A_323] : memref<320000xi32, #tpu.memory_space<hbm>> -> memref<80xi32, #tpu.memory_space<hbm>>
        tpu.wait_dma2 semaphore(%arg27 : memref<!tpu.dma_semaphore, #tpu.memory_space<semaphore_mem>>) src(%dma_wait3A_324 : memref<80xi32, #tpu.memory_space<hbm>>) dst(%arg14 : memref<80xi32, #tpu.memory_space<vmem>>)
        %dma_start3A_325 = arith.constant 0 : i32
        %dma_start3A_326 = arith.constant 0 : i32
        %dma_start3A_327 = tpu.memref_slice %arg2[%dma_start3A_325, %dma_start3A_326] : memref<10000x128xf32, #tpu.memory_space<hbm>> -> memref<10000x128xf32, #tpu.memory_space<hbm>>
        tpu.enqueue_indirect_dma source(%dma_start3A_327 : memref<10000x128xf32, #tpu.memory_space<hbm>>) target(%arg22 : memref<80x128xf32, #tpu.memory_space<vmem>>) offsets(%arg6 : memref<80xi32, #tpu.memory_space<vmem>>) semaphore(%arg35 : memref<!tpu.dma_semaphore, #tpu.memory_space<semaphore_mem>>)
      } else {
      }
      %add3A_253 = arith.constant 8 : i32
      %add3A_254 = arith.addi %add3A_242, %add3A_253 : i32
      %lt3A_255 = arith.constant 125 : i32
      %lt3A_256 = arith.cmpi slt, %add3A_254, %lt3A_255 : i32
      %convert_element_type3A_257 = arith.extui %lt3A_256 : i1 to i32
      %cond3A_258 = arith.constant 0 : i32
      %cond3A_259 = arith.cmpi ne, %convert_element_type3A_257, %cond3A_258 : i32
      scf.if %cond3A_259 {
        %add3A_317 = arith.constant 8 : i32
        %add3A_318 = arith.addi %add3A_242, %add3A_317 : i32
        %mul3A_319 = arith.constant 80 : i32
        %mul3A_320 = arith.muli %add3A_318, %mul3A_319 : i32
        %add3A_321 = arith.addi %mul3A_2, %mul3A_320 : i32
        %dma_start3A_322 = tpu.memref_slice %arg3[%add3A_321] : memref<320000xi32, #tpu.memory_space<hbm>> -> memref<80xi32, #tpu.memory_space<hbm>>
        %dma_start3A_323 = tpu.memref_slice %arg3[%add3A_321] : memref<320000xi32, #tpu.memory_space<hbm>> -> memref<80xi32, #tpu.memory_space<hbm>>
        tpu.enqueue_dma source(%dma_start3A_323 : memref<80xi32, #tpu.memory_space<hbm>>) target(%arg10 : memref<80xi32, #tpu.memory_space<vmem>>) target_semaphore(%arg31 : memref<!tpu.dma_semaphore, #tpu.memory_space<semaphore_mem>>)
        %mul3A_324 = arith.constant 80 : i32
        %mul3A_325 = arith.muli %add3A_318, %mul3A_324 : i32
        %add3A_326 = arith.addi %mul3A_2, %mul3A_325 : i32
        %dma_start3A_327 = tpu.memref_slice %arg4[%add3A_326] : memref<320000xi32, #tpu.memory_space<hbm>> -> memref<80xi32, #tpu.memory_space<hbm>>
        %dma_start3A_328 = tpu.memref_slice %arg4[%add3A_326] : memref<320000xi32, #tpu.memory_space<hbm>> -> memref<80xi32, #tpu.memory_space<hbm>>
        tpu.enqueue_dma source(%dma_start3A_328 : memref<80xi32, #tpu.memory_space<hbm>>) target(%arg18 : memref<80xi32, #tpu.memory_space<vmem>>) target_semaphore(%arg31 : memref<!tpu.dma_semaphore, #tpu.memory_space<semaphore_mem>>)
      } else {
      }
      %add3A_260 = arith.constant 5 : i32
      %add3A_261 = arith.addi %mul3A_167, %add3A_260 : i32
      %dma_wait3A_262 = arith.constant 0 : i32
      %dma_wait3A_263 = arith.constant 0 : i32
      %dma_wait3A_264 = tpu.memref_slice %arg2[%dma_wait3A_262, %dma_wait3A_263] : memref<10000x128xf32, #tpu.memory_space<hbm>> -> memref<10000x128xf32, #tpu.memory_space<hbm>>
      tpu.wait_indirect_dma semaphore(%arg36 : memref<!tpu.dma_semaphore, #tpu.memory_space<semaphore_mem>>) src(%dma_wait3A_264 : memref<10000x128xf32, #tpu.memory_space<hbm>>) dst(%arg23 : memref<80x128xf32, #tpu.memory_space<vmem>>)
      "tpu.region"() ({
        %run_scoped3A = tpu.sem_alloc : memref<!tpu.dma_semaphore, #tpu.memory_space<semaphore_mem>>
        %dma_start3A_317 = arith.constant 0 : i32
        %dma_start3A_318 = arith.constant 0 : i32
        %dma_start3A_319 = tpu.memref_slice %arg26[%dma_start3A_317, %dma_start3A_318] : memref<5120x128xf32, #tpu.memory_space<vmem_shared>> -> memref<5120x128xf32, #tpu.memory_space<vmem_shared>>
        tpu.enqueue_indirect_dma source(%arg23 : memref<80x128xf32, #tpu.memory_space<vmem>>) target(%dma_start3A_319 : memref<5120x128xf32, #tpu.memory_space<vmem_shared>>) offsets(%arg19 : memref<80xi32, #tpu.memory_space<vmem>>) semaphore(%run_scoped3A : memref<!tpu.dma_semaphore, #tpu.memory_space<semaphore_mem>>) {add = true}
        %dma_wait3A_320 = arith.constant 0 : i32
        %dma_wait3A_321 = arith.constant 0 : i32
        %dma_wait3A_322 = tpu.memref_slice %arg26[%dma_wait3A_320, %dma_wait3A_321] : memref<5120x128xf32, #tpu.memory_space<vmem_shared>> -> memref<5120x128xf32, #tpu.memory_space<vmem_shared>>
        tpu.wait_indirect_dma semaphore(%run_scoped3A : memref<!tpu.dma_semaphore, #tpu.memory_space<semaphore_mem>>) src(%arg23 : memref<80x128xf32, #tpu.memory_space<vmem>>) dst(%dma_wait3A_322 : memref<5120x128xf32, #tpu.memory_space<vmem_shared>>)
        tpu.yield
      }) : () -> ()
      %add3A_265 = arith.constant 4 : i32
      %add3A_266 = arith.addi %add3A_261, %add3A_265 : i32
      %lt3A_267 = arith.constant 125 : i32
      %lt3A_268 = arith.cmpi slt, %add3A_266, %lt3A_267 : i32
      %convert_element_type3A_269 = arith.extui %lt3A_268 : i1 to i32
      %cond3A_270 = arith.constant 0 : i32
      %cond3A_271 = arith.cmpi ne, %convert_element_type3A_269, %cond3A_270 : i32
      scf.if %cond3A_271 {
        %dma_wait3A_317 = arith.constant 0 : i32
        %dma_wait3A_318 = tpu.memref_slice %arg3[%dma_wait3A_317] : memref<320000xi32, #tpu.memory_space<hbm>> -> memref<80xi32, #tpu.memory_space<hbm>>
        %dma_wait3A_319 = arith.constant 0 : i32
        %dma_wait3A_320 = tpu.memref_slice %arg3[%dma_wait3A_319] : memref<320000xi32, #tpu.memory_space<hbm>> -> memref<80xi32, #tpu.memory_space<hbm>>
        tpu.wait_dma2 semaphore(%arg28 : memref<!tpu.dma_semaphore, #tpu.memory_space<semaphore_mem>>) src(%dma_wait3A_320 : memref<80xi32, #tpu.memory_space<hbm>>) dst(%arg7 : memref<80xi32, #tpu.memory_space<vmem>>)
        %dma_wait3A_321 = arith.constant 0 : i32
        %dma_wait3A_322 = tpu.memref_slice %arg4[%dma_wait3A_321] : memref<320000xi32, #tpu.memory_space<hbm>> -> memref<80xi32, #tpu.memory_space<hbm>>
        %dma_wait3A_323 = arith.constant 0 : i32
        %dma_wait3A_324 = tpu.memref_slice %arg4[%dma_wait3A_323] : memref<320000xi32, #tpu.memory_space<hbm>> -> memref<80xi32, #tpu.memory_space<hbm>>
        tpu.wait_dma2 semaphore(%arg28 : memref<!tpu.dma_semaphore, #tpu.memory_space<semaphore_mem>>) src(%dma_wait3A_324 : memref<80xi32, #tpu.memory_space<hbm>>) dst(%arg15 : memref<80xi32, #tpu.memory_space<vmem>>)
        %dma_start3A_325 = arith.constant 0 : i32
        %dma_start3A_326 = arith.constant 0 : i32
        %dma_start3A_327 = tpu.memref_slice %arg2[%dma_start3A_325, %dma_start3A_326] : memref<10000x128xf32, #tpu.memory_space<hbm>> -> memref<10000x128xf32, #tpu.memory_space<hbm>>
        tpu.enqueue_indirect_dma source(%dma_start3A_327 : memref<10000x128xf32, #tpu.memory_space<hbm>>) target(%arg23 : memref<80x128xf32, #tpu.memory_space<vmem>>) offsets(%arg7 : memref<80xi32, #tpu.memory_space<vmem>>) semaphore(%arg36 : memref<!tpu.dma_semaphore, #tpu.memory_space<semaphore_mem>>)
      } else {
      }
      %add3A_272 = arith.constant 8 : i32
      %add3A_273 = arith.addi %add3A_261, %add3A_272 : i32
      %lt3A_274 = arith.constant 125 : i32
      %lt3A_275 = arith.cmpi slt, %add3A_273, %lt3A_274 : i32
      %convert_element_type3A_276 = arith.extui %lt3A_275 : i1 to i32
      %cond3A_277 = arith.constant 0 : i32
      %cond3A_278 = arith.cmpi ne, %convert_element_type3A_276, %cond3A_277 : i32
      scf.if %cond3A_278 {
        %add3A_317 = arith.constant 8 : i32
        %add3A_318 = arith.addi %add3A_261, %add3A_317 : i32
        %mul3A_319 = arith.constant 80 : i32
        %mul3A_320 = arith.muli %add3A_318, %mul3A_319 : i32
        %add3A_321 = arith.addi %mul3A_2, %mul3A_320 : i32
        %dma_start3A_322 = tpu.memref_slice %arg3[%add3A_321] : memref<320000xi32, #tpu.memory_space<hbm>> -> memref<80xi32, #tpu.memory_space<hbm>>
        %dma_start3A_323 = tpu.memref_slice %arg3[%add3A_321] : memref<320000xi32, #tpu.memory_space<hbm>> -> memref<80xi32, #tpu.memory_space<hbm>>
        tpu.enqueue_dma source(%dma_start3A_323 : memref<80xi32, #tpu.memory_space<hbm>>) target(%arg11 : memref<80xi32, #tpu.memory_space<vmem>>) target_semaphore(%arg32 : memref<!tpu.dma_semaphore, #tpu.memory_space<semaphore_mem>>)
        %mul3A_324 = arith.constant 80 : i32
        %mul3A_325 = arith.muli %add3A_318, %mul3A_324 : i32
        %add3A_326 = arith.addi %mul3A_2, %mul3A_325 : i32
        %dma_start3A_327 = tpu.memref_slice %arg4[%add3A_326] : memref<320000xi32, #tpu.memory_space<hbm>> -> memref<80xi32, #tpu.memory_space<hbm>>
        %dma_start3A_328 = tpu.memref_slice %arg4[%add3A_326] : memref<320000xi32, #tpu.memory_space<hbm>> -> memref<80xi32, #tpu.memory_space<hbm>>
        tpu.enqueue_dma source(%dma_start3A_328 : memref<80xi32, #tpu.memory_space<hbm>>) target(%arg19 : memref<80xi32, #tpu.memory_space<vmem>>) target_semaphore(%arg32 : memref<!tpu.dma_semaphore, #tpu.memory_space<semaphore_mem>>)
      } else {
      }
      %add3A_279 = arith.constant 6 : i32
      %add3A_280 = arith.addi %mul3A_167, %add3A_279 : i32
      %dma_wait3A_281 = arith.constant 0 : i32
      %dma_wait3A_282 = arith.constant 0 : i32
      %dma_wait3A_283 = tpu.memref_slice %arg2[%dma_wait3A_281, %dma_wait3A_282] : memref<10000x128xf32, #tpu.memory_space<hbm>> -> memref<10000x128xf32, #tpu.memory_space<hbm>>
      tpu.wait_indirect_dma semaphore(%arg37 : memref<!tpu.dma_semaphore, #tpu.memory_space<semaphore_mem>>) src(%dma_wait3A_283 : memref<10000x128xf32, #tpu.memory_space<hbm>>) dst(%arg24 : memref<80x128xf32, #tpu.memory_space<vmem>>)
      "tpu.region"() ({
        %run_scoped3A = tpu.sem_alloc : memref<!tpu.dma_semaphore, #tpu.memory_space<semaphore_mem>>
        %dma_start3A_317 = arith.constant 0 : i32
        %dma_start3A_318 = arith.constant 0 : i32
        %dma_start3A_319 = tpu.memref_slice %arg26[%dma_start3A_317, %dma_start3A_318] : memref<5120x128xf32, #tpu.memory_space<vmem_shared>> -> memref<5120x128xf32, #tpu.memory_space<vmem_shared>>
        tpu.enqueue_indirect_dma source(%arg24 : memref<80x128xf32, #tpu.memory_space<vmem>>) target(%dma_start3A_319 : memref<5120x128xf32, #tpu.memory_space<vmem_shared>>) offsets(%arg20 : memref<80xi32, #tpu.memory_space<vmem>>) semaphore(%run_scoped3A : memref<!tpu.dma_semaphore, #tpu.memory_space<semaphore_mem>>) {add = true}
        %dma_wait3A_320 = arith.constant 0 : i32
        %dma_wait3A_321 = arith.constant 0 : i32
        %dma_wait3A_322 = tpu.memref_slice %arg26[%dma_wait3A_320, %dma_wait3A_321] : memref<5120x128xf32, #tpu.memory_space<vmem_shared>> -> memref<5120x128xf32, #tpu.memory_space<vmem_shared>>
        tpu.wait_indirect_dma semaphore(%run_scoped3A : memref<!tpu.dma_semaphore, #tpu.memory_space<semaphore_mem>>) src(%arg24 : memref<80x128xf32, #tpu.memory_space<vmem>>) dst(%dma_wait3A_322 : memref<5120x128xf32, #tpu.memory_space<vmem_shared>>)
        tpu.yield
      }) : () -> ()
      %add3A_284 = arith.constant 4 : i32
      %add3A_285 = arith.addi %add3A_280, %add3A_284 : i32
      %lt3A_286 = arith.constant 125 : i32
      %lt3A_287 = arith.cmpi slt, %add3A_285, %lt3A_286 : i32
      %convert_element_type3A_288 = arith.extui %lt3A_287 : i1 to i32
      %cond3A_289 = arith.constant 0 : i32
      %cond3A_290 = arith.cmpi ne, %convert_element_type3A_288, %cond3A_289 : i32
      scf.if %cond3A_290 {
        %dma_wait3A_317 = arith.constant 0 : i32
        %dma_wait3A_318 = tpu.memref_slice %arg3[%dma_wait3A_317] : memref<320000xi32, #tpu.memory_space<hbm>> -> memref<80xi32, #tpu.memory_space<hbm>>
        %dma_wait3A_319 = arith.constant 0 : i32
        %dma_wait3A_320 = tpu.memref_slice %arg3[%dma_wait3A_319] : memref<320000xi32, #tpu.memory_space<hbm>> -> memref<80xi32, #tpu.memory_space<hbm>>
        tpu.wait_dma2 semaphore(%arg29 : memref<!tpu.dma_semaphore, #tpu.memory_space<semaphore_mem>>) src(%dma_wait3A_320 : memref<80xi32, #tpu.memory_space<hbm>>) dst(%arg8 : memref<80xi32, #tpu.memory_space<vmem>>)
        %dma_wait3A_321 = arith.constant 0 : i32
        %dma_wait3A_322 = tpu.memref_slice %arg4[%dma_wait3A_321] : memref<320000xi32, #tpu.memory_space<hbm>> -> memref<80xi32, #tpu.memory_space<hbm>>
        %dma_wait3A_323 = arith.constant 0 : i32
        %dma_wait3A_324 = tpu.memref_slice %arg4[%dma_wait3A_323] : memref<320000xi32, #tpu.memory_space<hbm>> -> memref<80xi32, #tpu.memory_space<hbm>>
        tpu.wait_dma2 semaphore(%arg29 : memref<!tpu.dma_semaphore, #tpu.memory_space<semaphore_mem>>) src(%dma_wait3A_324 : memref<80xi32, #tpu.memory_space<hbm>>) dst(%arg16 : memref<80xi32, #tpu.memory_space<vmem>>)
        %dma_start3A_325 = arith.constant 0 : i32
        %dma_start3A_326 = arith.constant 0 : i32
        %dma_start3A_327 = tpu.memref_slice %arg2[%dma_start3A_325, %dma_start3A_326] : memref<10000x128xf32, #tpu.memory_space<hbm>> -> memref<10000x128xf32, #tpu.memory_space<hbm>>
        tpu.enqueue_indirect_dma source(%dma_start3A_327 : memref<10000x128xf32, #tpu.memory_space<hbm>>) target(%arg24 : memref<80x128xf32, #tpu.memory_space<vmem>>) offsets(%arg8 : memref<80xi32, #tpu.memory_space<vmem>>) semaphore(%arg37 : memref<!tpu.dma_semaphore, #tpu.memory_space<semaphore_mem>>)
      } else {
      }
      %add3A_291 = arith.constant 8 : i32
      %add3A_292 = arith.addi %add3A_280, %add3A_291 : i32
      %lt3A_293 = arith.constant 125 : i32
      %lt3A_294 = arith.cmpi slt, %add3A_292, %lt3A_293 : i32
      %convert_element_type3A_295 = arith.extui %lt3A_294 : i1 to i32
      %cond3A_296 = arith.constant 0 : i32
      %cond3A_297 = arith.cmpi ne, %convert_element_type3A_295, %cond3A_296 : i32
      scf.if %cond3A_297 {
        %add3A_317 = arith.constant 8 : i32
        %add3A_318 = arith.addi %add3A_280, %add3A_317 : i32
        %mul3A_319 = arith.constant 80 : i32
        %mul3A_320 = arith.muli %add3A_318, %mul3A_319 : i32
        %add3A_321 = arith.addi %mul3A_2, %mul3A_320 : i32
        %dma_start3A_322 = tpu.memref_slice %arg3[%add3A_321] : memref<320000xi32, #tpu.memory_space<hbm>> -> memref<80xi32, #tpu.memory_space<hbm>>
        %dma_start3A_323 = tpu.memref_slice %arg3[%add3A_321] : memref<320000xi32, #tpu.memory_space<hbm>> -> memref<80xi32, #tpu.memory_space<hbm>>
        tpu.enqueue_dma source(%dma_start3A_323 : memref<80xi32, #tpu.memory_space<hbm>>) target(%arg12 : memref<80xi32, #tpu.memory_space<vmem>>) target_semaphore(%arg33 : memref<!tpu.dma_semaphore, #tpu.memory_space<semaphore_mem>>)
        %mul3A_324 = arith.constant 80 : i32
        %mul3A_325 = arith.muli %add3A_318, %mul3A_324 : i32
        %add3A_326 = arith.addi %mul3A_2, %mul3A_325 : i32
        %dma_start3A_327 = tpu.memref_slice %arg4[%add3A_326] : memref<320000xi32, #tpu.memory_space<hbm>> -> memref<80xi32, #tpu.memory_space<hbm>>
        %dma_start3A_328 = tpu.memref_slice %arg4[%add3A_326] : memref<320000xi32, #tpu.memory_space<hbm>> -> memref<80xi32, #tpu.memory_space<hbm>>
        tpu.enqueue_dma source(%dma_start3A_328 : memref<80xi32, #tpu.memory_space<hbm>>) target(%arg20 : memref<80xi32, #tpu.memory_space<vmem>>) target_semaphore(%arg33 : memref<!tpu.dma_semaphore, #tpu.memory_space<semaphore_mem>>)
      } else {
      }
      %add3A_298 = arith.constant 7 : i32
      %add3A_299 = arith.addi %mul3A_167, %add3A_298 : i32
      %dma_wait3A_300 = arith.constant 0 : i32
      %dma_wait3A_301 = arith.constant 0 : i32
      %dma_wait3A_302 = tpu.memref_slice %arg2[%dma_wait3A_300, %dma_wait3A_301] : memref<10000x128xf32, #tpu.memory_space<hbm>> -> memref<10000x128xf32, #tpu.memory_space<hbm>>
      tpu.wait_indirect_dma semaphore(%arg38 : memref<!tpu.dma_semaphore, #tpu.memory_space<semaphore_mem>>) src(%dma_wait3A_302 : memref<10000x128xf32, #tpu.memory_space<hbm>>) dst(%arg25 : memref<80x128xf32, #tpu.memory_space<vmem>>)
      "tpu.region"() ({
        %run_scoped3A = tpu.sem_alloc : memref<!tpu.dma_semaphore, #tpu.memory_space<semaphore_mem>>
        %dma_start3A_317 = arith.constant 0 : i32
        %dma_start3A_318 = arith.constant 0 : i32
        %dma_start3A_319 = tpu.memref_slice %arg26[%dma_start3A_317, %dma_start3A_318] : memref<5120x128xf32, #tpu.memory_space<vmem_shared>> -> memref<5120x128xf32, #tpu.memory_space<vmem_shared>>
        tpu.enqueue_indirect_dma source(%arg25 : memref<80x128xf32, #tpu.memory_space<vmem>>) target(%dma_start3A_319 : memref<5120x128xf32, #tpu.memory_space<vmem_shared>>) offsets(%arg21 : memref<80xi32, #tpu.memory_space<vmem>>) semaphore(%run_scoped3A : memref<!tpu.dma_semaphore, #tpu.memory_space<semaphore_mem>>) {add = true}
        %dma_wait3A_320 = arith.constant 0 : i32
        %dma_wait3A_321 = arith.constant 0 : i32
        %dma_wait3A_322 = tpu.memref_slice %arg26[%dma_wait3A_320, %dma_wait3A_321] : memref<5120x128xf32, #tpu.memory_space<vmem_shared>> -> memref<5120x128xf32, #tpu.memory_space<vmem_shared>>
        tpu.wait_indirect_dma semaphore(%run_scoped3A : memref<!tpu.dma_semaphore, #tpu.memory_space<semaphore_mem>>) src(%arg25 : memref<80x128xf32, #tpu.memory_space<vmem>>) dst(%dma_wait3A_322 : memref<5120x128xf32, #tpu.memory_space<vmem_shared>>)
        tpu.yield
      }) : () -> ()
      %add3A_303 = arith.constant 4 : i32
      %add3A_304 = arith.addi %add3A_299, %add3A_303 : i32
      %lt3A_305 = arith.constant 125 : i32
      %lt3A_306 = arith.cmpi slt, %add3A_304, %lt3A_305 : i32
      %convert_element_type3A_307 = arith.extui %lt3A_306 : i1 to i32
      %cond3A_308 = arith.constant 0 : i32
      %cond3A_309 = arith.cmpi ne, %convert_element_type3A_307, %cond3A_308 : i32
      scf.if %cond3A_309 {
        %dma_wait3A_317 = arith.constant 0 : i32
        %dma_wait3A_318 = tpu.memref_slice %arg3[%dma_wait3A_317] : memref<320000xi32, #tpu.memory_space<hbm>> -> memref<80xi32, #tpu.memory_space<hbm>>
        %dma_wait3A_319 = arith.constant 0 : i32
        %dma_wait3A_320 = tpu.memref_slice %arg3[%dma_wait3A_319] : memref<320000xi32, #tpu.memory_space<hbm>> -> memref<80xi32, #tpu.memory_space<hbm>>
        tpu.wait_dma2 semaphore(%arg30 : memref<!tpu.dma_semaphore, #tpu.memory_space<semaphore_mem>>) src(%dma_wait3A_320 : memref<80xi32, #tpu.memory_space<hbm>>) dst(%arg9 : memref<80xi32, #tpu.memory_space<vmem>>)
        %dma_wait3A_321 = arith.constant 0 : i32
        %dma_wait3A_322 = tpu.memref_slice %arg4[%dma_wait3A_321] : memref<320000xi32, #tpu.memory_space<hbm>> -> memref<80xi32, #tpu.memory_space<hbm>>
        %dma_wait3A_323 = arith.constant 0 : i32
        %dma_wait3A_324 = tpu.memref_slice %arg4[%dma_wait3A_323] : memref<320000xi32, #tpu.memory_space<hbm>> -> memref<80xi32, #tpu.memory_space<hbm>>
        tpu.wait_dma2 semaphore(%arg30 : memref<!tpu.dma_semaphore, #tpu.memory_space<semaphore_mem>>) src(%dma_wait3A_324 : memref<80xi32, #tpu.memory_space<hbm>>) dst(%arg17 : memref<80xi32, #tpu.memory_space<vmem>>)
        %dma_start3A_325 = arith.constant 0 : i32
        %dma_start3A_326 = arith.constant 0 : i32
        %dma_start3A_327 = tpu.memref_slice %arg2[%dma_start3A_325, %dma_start3A_326] : memref<10000x128xf32, #tpu.memory_space<hbm>> -> memref<10000x128xf32, #tpu.memory_space<hbm>>
        tpu.enqueue_indirect_dma source(%dma_start3A_327 : memref<10000x128xf32, #tpu.memory_space<hbm>>) target(%arg25 : memref<80x128xf32, #tpu.memory_space<vmem>>) offsets(%arg9 : memref<80xi32, #tpu.memory_space<vmem>>) semaphore(%arg38 : memref<!tpu.dma_semaphore, #tpu.memory_space<semaphore_mem>>)
      } else {
      }
      %add3A_310 = arith.constant 8 : i32
      %add3A_311 = arith.addi %add3A_299, %add3A_310 : i32
      %lt3A_312 = arith.constant 125 : i32
      %lt3A_313 = arith.cmpi slt, %add3A_311, %lt3A_312 : i32
      %convert_element_type3A_314 = arith.extui %lt3A_313 : i1 to i32
      %cond3A_315 = arith.constant 0 : i32
      %cond3A_316 = arith.cmpi ne, %convert_element_type3A_314, %cond3A_315 : i32
      scf.if %cond3A_316 {
        %add3A_317 = arith.constant 8 : i32
        %add3A_318 = arith.addi %add3A_299, %add3A_317 : i32
        %mul3A_319 = arith.constant 80 : i32
        %mul3A_320 = arith.muli %add3A_318, %mul3A_319 : i32
        %add3A_321 = arith.addi %mul3A_2, %mul3A_320 : i32
        %dma_start3A_322 = tpu.memref_slice %arg3[%add3A_321] : memref<320000xi32, #tpu.memory_space<hbm>> -> memref<80xi32, #tpu.memory_space<hbm>>
        %dma_start3A_323 = tpu.memref_slice %arg3[%add3A_321] : memref<320000xi32, #tpu.memory_space<hbm>> -> memref<80xi32, #tpu.memory_space<hbm>>
        tpu.enqueue_dma source(%dma_start3A_323 : memref<80xi32, #tpu.memory_space<hbm>>) target(%arg13 : memref<80xi32, #tpu.memory_space<vmem>>) target_semaphore(%arg34 : memref<!tpu.dma_semaphore, #tpu.memory_space<semaphore_mem>>)
        %mul3A_324 = arith.constant 80 : i32
        %mul3A_325 = arith.muli %add3A_318, %mul3A_324 : i32
        %add3A_326 = arith.addi %mul3A_2, %mul3A_325 : i32
        %dma_start3A_327 = tpu.memref_slice %arg4[%add3A_326] : memref<320000xi32, #tpu.memory_space<hbm>> -> memref<80xi32, #tpu.memory_space<hbm>>
        %dma_start3A_328 = tpu.memref_slice %arg4[%add3A_326] : memref<320000xi32, #tpu.memory_space<hbm>> -> memref<80xi32, #tpu.memory_space<hbm>>
        tpu.enqueue_dma source(%dma_start3A_328 : memref<80xi32, #tpu.memory_space<hbm>>) target(%arg21 : memref<80xi32, #tpu.memory_space<vmem>>) target_semaphore(%arg34 : memref<!tpu.dma_semaphore, #tpu.memory_space<semaphore_mem>>)
      } else {
      }
    }
    %scan3A_129 = arith.constant 15 : i32
    %dma_wait3A_130 = arith.constant 0 : i32
    %dma_wait3A_131 = arith.constant 0 : i32
    %dma_wait3A_132 = tpu.memref_slice %arg2[%dma_wait3A_130, %dma_wait3A_131] : memref<10000x128xf32, #tpu.memory_space<hbm>> -> memref<10000x128xf32, #tpu.memory_space<hbm>>
    tpu.wait_indirect_dma semaphore(%arg35 : memref<!tpu.dma_semaphore, #tpu.memory_space<semaphore_mem>>) src(%dma_wait3A_132 : memref<10000x128xf32, #tpu.memory_space<hbm>>) dst(%arg22 : memref<80x128xf32, #tpu.memory_space<vmem>>)
    "tpu.region"() ({
      %run_scoped3A = tpu.sem_alloc : memref<!tpu.dma_semaphore, #tpu.memory_space<semaphore_mem>>
      %dma_start3A_165 = arith.constant 0 : i32
      %dma_start3A_166 = arith.constant 0 : i32
      %dma_start3A_167 = tpu.memref_slice %arg26[%dma_start3A_165, %dma_start3A_166] : memref<5120x128xf32, #tpu.memory_space<vmem_shared>> -> memref<5120x128xf32, #tpu.memory_space<vmem_shared>>
      tpu.enqueue_indirect_dma source(%arg22 : memref<80x128xf32, #tpu.memory_space<vmem>>) target(%dma_start3A_167 : memref<5120x128xf32, #tpu.memory_space<vmem_shared>>) offsets(%arg14 : memref<80xi32, #tpu.memory_space<vmem>>) semaphore(%run_scoped3A : memref<!tpu.dma_semaphore, #tpu.memory_space<semaphore_mem>>) {add = true}
      %dma_wait3A_168 = arith.constant 0 : i32
      %dma_wait3A_169 = arith.constant 0 : i32
      %dma_wait3A_170 = tpu.memref_slice %arg26[%dma_wait3A_168, %dma_wait3A_169] : memref<5120x128xf32, #tpu.memory_space<vmem_shared>> -> memref<5120x128xf32, #tpu.memory_space<vmem_shared>>
      tpu.wait_indirect_dma semaphore(%run_scoped3A : memref<!tpu.dma_semaphore, #tpu.memory_space<semaphore_mem>>) src(%arg22 : memref<80x128xf32, #tpu.memory_space<vmem>>) dst(%dma_wait3A_170 : memref<5120x128xf32, #tpu.memory_space<vmem_shared>>)
      tpu.yield
    }) : () -> ()
    %dma_wait3A_133 = arith.constant 0 : i32
    %dma_wait3A_134 = tpu.memref_slice %arg3[%dma_wait3A_133] : memref<320000xi32, #tpu.memory_space<hbm>> -> memref<80xi32, #tpu.memory_space<hbm>>
    %dma_wait3A_135 = arith.constant 0 : i32
    %dma_wait3A_136 = tpu.memref_slice %arg3[%dma_wait3A_135] : memref<320000xi32, #tpu.memory_space<hbm>> -> memref<80xi32, #tpu.memory_space<hbm>>
    tpu.wait_dma2 semaphore(%arg31 : memref<!tpu.dma_semaphore, #tpu.memory_space<semaphore_mem>>) src(%dma_wait3A_136 : memref<80xi32, #tpu.memory_space<hbm>>) dst(%arg10 : memref<80xi32, #tpu.memory_space<vmem>>)
    %dma_wait3A_137 = arith.constant 0 : i32
    %dma_wait3A_138 = tpu.memref_slice %arg4[%dma_wait3A_137] : memref<320000xi32, #tpu.memory_space<hbm>> -> memref<80xi32, #tpu.memory_space<hbm>>
    %dma_wait3A_139 = arith.constant 0 : i32
    %dma_wait3A_140 = tpu.memref_slice %arg4[%dma_wait3A_139] : memref<320000xi32, #tpu.memory_space<hbm>> -> memref<80xi32, #tpu.memory_space<hbm>>
    tpu.wait_dma2 semaphore(%arg31 : memref<!tpu.dma_semaphore, #tpu.memory_space<semaphore_mem>>) src(%dma_wait3A_140 : memref<80xi32, #tpu.memory_space<hbm>>) dst(%arg18 : memref<80xi32, #tpu.memory_space<vmem>>)
    %dma_start3A_141 = arith.constant 0 : i32
    %dma_start3A_142 = arith.constant 0 : i32
    %dma_start3A_143 = tpu.memref_slice %arg2[%dma_start3A_141, %dma_start3A_142] : memref<10000x128xf32, #tpu.memory_space<hbm>> -> memref<10000x128xf32, #tpu.memory_space<hbm>>
    tpu.enqueue_indirect_dma source(%dma_start3A_143 : memref<10000x128xf32, #tpu.memory_space<hbm>>) target(%arg22 : memref<80x128xf32, #tpu.memory_space<vmem>>) offsets(%arg10 : memref<80xi32, #tpu.memory_space<vmem>>) semaphore(%arg35 : memref<!tpu.dma_semaphore, #tpu.memory_space<semaphore_mem>>)
    %dma_wait3A_144 = arith.constant 0 : i32
    %dma_wait3A_145 = arith.constant 0 : i32
    %dma_wait3A_146 = tpu.memref_slice %arg2[%dma_wait3A_144, %dma_wait3A_145] : memref<10000x128xf32, #tpu.memory_space<hbm>> -> memref<10000x128xf32, #tpu.memory_space<hbm>>
    tpu.wait_indirect_dma semaphore(%arg36 : memref<!tpu.dma_semaphore, #tpu.memory_space<semaphore_mem>>) src(%dma_wait3A_146 : memref<10000x128xf32, #tpu.memory_space<hbm>>) dst(%arg23 : memref<80x128xf32, #tpu.memory_space<vmem>>)
    "tpu.region"() ({
      %run_scoped3A = tpu.sem_alloc : memref<!tpu.dma_semaphore, #tpu.memory_space<semaphore_mem>>
      %dma_start3A_165 = arith.constant 0 : i32
      %dma_start3A_166 = arith.constant 0 : i32
      %dma_start3A_167 = tpu.memref_slice %arg26[%dma_start3A_165, %dma_start3A_166] : memref<5120x128xf32, #tpu.memory_space<vmem_shared>> -> memref<5120x128xf32, #tpu.memory_space<vmem_shared>>
      tpu.enqueue_indirect_dma source(%arg23 : memref<80x128xf32, #tpu.memory_space<vmem>>) target(%dma_start3A_167 : memref<5120x128xf32, #tpu.memory_space<vmem_shared>>) offsets(%arg15 : memref<80xi32, #tpu.memory_space<vmem>>) semaphore(%run_scoped3A : memref<!tpu.dma_semaphore, #tpu.memory_space<semaphore_mem>>) {add = true}
      %dma_wait3A_168 = arith.constant 0 : i32
      %dma_wait3A_169 = arith.constant 0 : i32
      %dma_wait3A_170 = tpu.memref_slice %arg26[%dma_wait3A_168, %dma_wait3A_169] : memref<5120x128xf32, #tpu.memory_space<vmem_shared>> -> memref<5120x128xf32, #tpu.memory_space<vmem_shared>>
      tpu.wait_indirect_dma semaphore(%run_scoped3A : memref<!tpu.dma_semaphore, #tpu.memory_space<semaphore_mem>>) src(%arg23 : memref<80x128xf32, #tpu.memory_space<vmem>>) dst(%dma_wait3A_170 : memref<5120x128xf32, #tpu.memory_space<vmem_shared>>)
      tpu.yield
    }) : () -> ()
    %dma_wait3A_147 = arith.constant 0 : i32
    %dma_wait3A_148 = arith.constant 0 : i32
    %dma_wait3A_149 = tpu.memref_slice %arg2[%dma_wait3A_147, %dma_wait3A_148] : memref<10000x128xf32, #tpu.memory_space<hbm>> -> memref<10000x128xf32, #tpu.memory_space<hbm>>
    tpu.wait_indirect_dma semaphore(%arg37 : memref<!tpu.dma_semaphore, #tpu.memory_space<semaphore_mem>>) src(%dma_wait3A_149 : memref<10000x128xf32, #tpu.memory_space<hbm>>) dst(%arg24 : memref<80x128xf32, #tpu.memory_space<vmem>>)
    "tpu.region"() ({
      %run_scoped3A = tpu.sem_alloc : memref<!tpu.dma_semaphore, #tpu.memory_space<semaphore_mem>>
      %dma_start3A_165 = arith.constant 0 : i32
      %dma_start3A_166 = arith.constant 0 : i32
      %dma_start3A_167 = tpu.memref_slice %arg26[%dma_start3A_165, %dma_start3A_166] : memref<5120x128xf32, #tpu.memory_space<vmem_shared>> -> memref<5120x128xf32, #tpu.memory_space<vmem_shared>>
      tpu.enqueue_indirect_dma source(%arg24 : memref<80x128xf32, #tpu.memory_space<vmem>>) target(%dma_start3A_167 : memref<5120x128xf32, #tpu.memory_space<vmem_shared>>) offsets(%arg16 : memref<80xi32, #tpu.memory_space<vmem>>) semaphore(%run_scoped3A : memref<!tpu.dma_semaphore, #tpu.memory_space<semaphore_mem>>) {add = true}
      %dma_wait3A_168 = arith.constant 0 : i32
      %dma_wait3A_169 = arith.constant 0 : i32
      %dma_wait3A_170 = tpu.memref_slice %arg26[%dma_wait3A_168, %dma_wait3A_169] : memref<5120x128xf32, #tpu.memory_space<vmem_shared>> -> memref<5120x128xf32, #tpu.memory_space<vmem_shared>>
      tpu.wait_indirect_dma semaphore(%run_scoped3A : memref<!tpu.dma_semaphore, #tpu.memory_space<semaphore_mem>>) src(%arg24 : memref<80x128xf32, #tpu.memory_space<vmem>>) dst(%dma_wait3A_170 : memref<5120x128xf32, #tpu.memory_space<vmem_shared>>)
      tpu.yield
    }) : () -> ()
    %dma_wait3A_150 = arith.constant 0 : i32
    %dma_wait3A_151 = arith.constant 0 : i32
    %dma_wait3A_152 = tpu.memref_slice %arg2[%dma_wait3A_150, %dma_wait3A_151] : memref<10000x128xf32, #tpu.memory_space<hbm>> -> memref<10000x128xf32, #tpu.memory_space<hbm>>
    tpu.wait_indirect_dma semaphore(%arg38 : memref<!tpu.dma_semaphore, #tpu.memory_space<semaphore_mem>>) src(%dma_wait3A_152 : memref<10000x128xf32, #tpu.memory_space<hbm>>) dst(%arg25 : memref<80x128xf32, #tpu.memory_space<vmem>>)
    "tpu.region"() ({
      %run_scoped3A = tpu.sem_alloc : memref<!tpu.dma_semaphore, #tpu.memory_space<semaphore_mem>>
      %dma_start3A_165 = arith.constant 0 : i32
      %dma_start3A_166 = arith.constant 0 : i32
      %dma_start3A_167 = tpu.memref_slice %arg26[%dma_start3A_165, %dma_start3A_166] : memref<5120x128xf32, #tpu.memory_space<vmem_shared>> -> memref<5120x128xf32, #tpu.memory_space<vmem_shared>>
      tpu.enqueue_indirect_dma source(%arg25 : memref<80x128xf32, #tpu.memory_space<vmem>>) target(%dma_start3A_167 : memref<5120x128xf32, #tpu.memory_space<vmem_shared>>) offsets(%arg17 : memref<80xi32, #tpu.memory_space<vmem>>) semaphore(%run_scoped3A : memref<!tpu.dma_semaphore, #tpu.memory_space<semaphore_mem>>) {add = true}
      %dma_wait3A_168 = arith.constant 0 : i32
      %dma_wait3A_169 = arith.constant 0 : i32
      %dma_wait3A_170 = tpu.memref_slice %arg26[%dma_wait3A_168, %dma_wait3A_169] : memref<5120x128xf32, #tpu.memory_space<vmem_shared>> -> memref<5120x128xf32, #tpu.memory_space<vmem_shared>>
      tpu.wait_indirect_dma semaphore(%run_scoped3A : memref<!tpu.dma_semaphore, #tpu.memory_space<semaphore_mem>>) src(%arg25 : memref<80x128xf32, #tpu.memory_space<vmem>>) dst(%dma_wait3A_170 : memref<5120x128xf32, #tpu.memory_space<vmem_shared>>)
      tpu.yield
    }) : () -> ()
    %dma_wait3A_153 = arith.constant 0 : i32
    %dma_wait3A_154 = arith.constant 0 : i32
    %dma_wait3A_155 = tpu.memref_slice %arg2[%dma_wait3A_153, %dma_wait3A_154] : memref<10000x128xf32, #tpu.memory_space<hbm>> -> memref<10000x128xf32, #tpu.memory_space<hbm>>
    tpu.wait_indirect_dma semaphore(%arg35 : memref<!tpu.dma_semaphore, #tpu.memory_space<semaphore_mem>>) src(%dma_wait3A_155 : memref<10000x128xf32, #tpu.memory_space<hbm>>) dst(%arg22 : memref<80x128xf32, #tpu.memory_space<vmem>>)
    "tpu.region"() ({
      %run_scoped3A = tpu.sem_alloc : memref<!tpu.dma_semaphore, #tpu.memory_space<semaphore_mem>>
      %dma_start3A_165 = arith.constant 0 : i32
      %dma_start3A_166 = arith.constant 0 : i32
      %dma_start3A_167 = tpu.memref_slice %arg26[%dma_start3A_165, %dma_start3A_166] : memref<5120x128xf32, #tpu.memory_space<vmem_shared>> -> memref<5120x128xf32, #tpu.memory_space<vmem_shared>>
      tpu.enqueue_indirect_dma source(%arg22 : memref<80x128xf32, #tpu.memory_space<vmem>>) target(%dma_start3A_167 : memref<5120x128xf32, #tpu.memory_space<vmem_shared>>) offsets(%arg18 : memref<80xi32, #tpu.memory_space<vmem>>) semaphore(%run_scoped3A : memref<!tpu.dma_semaphore, #tpu.memory_space<semaphore_mem>>) {add = true}
      %dma_wait3A_168 = arith.constant 0 : i32
      %dma_wait3A_169 = arith.constant 0 : i32
      %dma_wait3A_170 = tpu.memref_slice %arg26[%dma_wait3A_168, %dma_wait3A_169] : memref<5120x128xf32, #tpu.memory_space<vmem_shared>> -> memref<5120x128xf32, #tpu.memory_space<vmem_shared>>
      tpu.wait_indirect_dma semaphore(%run_scoped3A : memref<!tpu.dma_semaphore, #tpu.memory_space<semaphore_mem>>) src(%arg22 : memref<80x128xf32, #tpu.memory_space<vmem>>) dst(%dma_wait3A_170 : memref<5120x128xf32, #tpu.memory_space<vmem_shared>>)
      tpu.yield
    }) : () -> ()
    %barrier3A_156 = arith.constant 0 : index
    tpu.barrier barrier_id(%barrier3A_156)
    %add3A_157 = arith.constant 0 : i32
    %add3A_158 = arith.addi %mul3A_72, %add3A_157 : i32
    "tpu.region"() ({
      %run_scoped3A = tpu.sem_alloc : memref<!tpu.dma_semaphore, #tpu.memory_space<semaphore_mem>>
      %dma_start3A_165 = arith.constant 0 : i32
      %dma_start3A_166 = tpu.memref_slice %arg5[%arg0, %add3A_158, %dma_start3A_165] : memref<2x5120x128xf32, #tpu.memory_space<hbm>> -> memref<1x80x128xf32, #tpu.memory_space<hbm>>
      %dma_start3A_167 = tpu.memref_squeeze %dma_start3A_166 : memref<1x80x128xf32, #tpu.memory_space<hbm>> -> memref<80x128xf32, #tpu.memory_space<hbm>>
      %dma_start3A_168 = arith.constant 0 : i32
      %dma_start3A_169 = tpu.memref_slice %arg26[%add3A_158, %dma_start3A_168] : memref<5120x128xf32, #tpu.memory_space<vmem_shared>> -> memref<80x128xf32, #tpu.memory_space<vmem_shared>>
      tpu.enqueue_dma source(%dma_start3A_169 : memref<80x128xf32, #tpu.memory_space<vmem_shared>>) target(%dma_start3A_167 : memref<80x128xf32, #tpu.memory_space<hbm>>) target_semaphore(%run_scoped3A : memref<!tpu.dma_semaphore, #tpu.memory_space<semaphore_mem>>)
      %dma_wait3A_170 = arith.constant 0 : i32
      %dma_wait3A_171 = tpu.memref_slice %arg5[%arg0, %add3A_158, %dma_wait3A_170] : memref<2x5120x128xf32, #tpu.memory_space<hbm>> -> memref<1x80x128xf32, #tpu.memory_space<hbm>>
      %dma_wait3A_172 = tpu.memref_squeeze %dma_wait3A_171 : memref<1x80x128xf32, #tpu.memory_space<hbm>> -> memref<80x128xf32, #tpu.memory_space<hbm>>
      %dma_wait3A_173 = arith.constant 0 : i32
      %dma_wait3A_174 = tpu.memref_slice %arg26[%add3A_158, %dma_wait3A_173] : memref<5120x128xf32, #tpu.memory_space<vmem_shared>> -> memref<80x128xf32, #tpu.memory_space<vmem_shared>>
      tpu.wait_dma2 semaphore(%run_scoped3A : memref<!tpu.dma_semaphore, #tpu.memory_space<semaphore_mem>>) src(%dma_wait3A_174 : memref<80x128xf32, #tpu.memory_space<vmem_shared>>) dst(%dma_wait3A_172 : memref<80x128xf32, #tpu.memory_space<hbm>>)
      tpu.yield
    }) : () -> ()
    %add3A_159 = arith.constant 80 : i32
    %add3A_160 = arith.addi %mul3A_72, %add3A_159 : i32
    "tpu.region"() ({
      %run_scoped3A = tpu.sem_alloc : memref<!tpu.dma_semaphore, #tpu.memory_space<semaphore_mem>>
      %dma_start3A_165 = arith.constant 0 : i32
      %dma_start3A_166 = tpu.memref_slice %arg5[%arg0, %add3A_160, %dma_start3A_165] : memref<2x5120x128xf32, #tpu.memory_space<hbm>> -> memref<1x80x128xf32, #tpu.memory_space<hbm>>
      %dma_start3A_167 = tpu.memref_squeeze %dma_start3A_166 : memref<1x80x128xf32, #tpu.memory_space<hbm>> -> memref<80x128xf32, #tpu.memory_space<hbm>>
      %dma_start3A_168 = arith.constant 0 : i32
      %dma_start3A_169 = tpu.memref_slice %arg26[%add3A_160, %dma_start3A_168] : memref<5120x128xf32, #tpu.memory_space<vmem_shared>> -> memref<80x128xf32, #tpu.memory_space<vmem_shared>>
      tpu.enqueue_dma source(%dma_start3A_169 : memref<80x128xf32, #tpu.memory_space<vmem_shared>>) target(%dma_start3A_167 : memref<80x128xf32, #tpu.memory_space<hbm>>) target_semaphore(%run_scoped3A : memref<!tpu.dma_semaphore, #tpu.memory_space<semaphore_mem>>)
      %dma_wait3A_170 = arith.constant 0 : i32
      %dma_wait3A_171 = tpu.memref_slice %arg5[%arg0, %add3A_160, %dma_wait3A_170] : memref<2x5120x128xf32, #tpu.memory_space<hbm>> -> memref<1x80x128xf32, #tpu.memory_space<hbm>>
      %dma_wait3A_172 = tpu.memref_squeeze %dma_wait3A_171 : memref<1x80x128xf32, #tpu.memory_space<hbm>> -> memref<80x128xf32, #tpu.memory_space<hbm>>
      %dma_wait3A_173 = arith.constant 0 : i32
      %dma_wait3A_174 = tpu.memref_slice %arg26[%add3A_160, %dma_wait3A_173] : memref<5120x128xf32, #tpu.memory_space<vmem_shared>> -> memref<80x128xf32, #tpu.memory_space<vmem_shared>>
      tpu.wait_dma2 semaphore(%run_scoped3A : memref<!tpu.dma_semaphore, #tpu.memory_space<semaphore_mem>>) src(%dma_wait3A_174 : memref<80x128xf32, #tpu.memory_space<vmem_shared>>) dst(%dma_wait3A_172 : memref<80x128xf32, #tpu.memory_space<hbm>>)
      tpu.yield
    }) : () -> ()
    %add3A_161 = arith.constant 160 : i32
    %add3A_162 = arith.addi %mul3A_72, %add3A_161 : i32
    "tpu.region"() ({
      %run_scoped3A = tpu.sem_alloc : memref<!tpu.dma_semaphore, #tpu.memory_space<semaphore_mem>>
      %dma_start3A_165 = arith.constant 0 : i32
      %dma_start3A_166 = tpu.memref_slice %arg5[%arg0, %add3A_162, %dma_start3A_165] : memref<2x5120x128xf32, #tpu.memory_space<hbm>> -> memref<1x80x128xf32, #tpu.memory_space<hbm>>
      %dma_start3A_167 = tpu.memref_squeeze %dma_start3A_166 : memref<1x80x128xf32, #tpu.memory_space<hbm>> -> memref<80x128xf32, #tpu.memory_space<hbm>>
      %dma_start3A_168 = arith.constant 0 : i32
      %dma_start3A_169 = tpu.memref_slice %arg26[%add3A_162, %dma_start3A_168] : memref<5120x128xf32, #tpu.memory_space<vmem_shared>> -> memref<80x128xf32, #tpu.memory_space<vmem_shared>>
      tpu.enqueue_dma source(%dma_start3A_169 : memref<80x128xf32, #tpu.memory_space<vmem_shared>>) target(%dma_start3A_167 : memref<80x128xf32, #tpu.memory_space<hbm>>) target_semaphore(%run_scoped3A : memref<!tpu.dma_semaphore, #tpu.memory_space<semaphore_mem>>)
      %dma_wait3A_170 = arith.constant 0 : i32
      %dma_wait3A_171 = tpu.memref_slice %arg5[%arg0, %add3A_162, %dma_wait3A_170] : memref<2x5120x128xf32, #tpu.memory_space<hbm>> -> memref<1x80x128xf32, #tpu.memory_space<hbm>>
      %dma_wait3A_172 = tpu.memref_squeeze %dma_wait3A_171 : memref<1x80x128xf32, #tpu.memory_space<hbm>> -> memref<80x128xf32, #tpu.memory_space<hbm>>
      %dma_wait3A_173 = arith.constant 0 : i32
      %dma_wait3A_174 = tpu.memref_slice %arg26[%add3A_162, %dma_wait3A_173] : memref<5120x128xf32, #tpu.memory_space<vmem_shared>> -> memref<80x128xf32, #tpu.memory_space<vmem_shared>>
      tpu.wait_dma2 semaphore(%run_scoped3A : memref<!tpu.dma_semaphore, #tpu.memory_space<semaphore_mem>>) src(%dma_wait3A_174 : memref<80x128xf32, #tpu.memory_space<vmem_shared>>) dst(%dma_wait3A_172 : memref<80x128xf32, #tpu.memory_space<hbm>>)
      tpu.yield
    }) : () -> ()
    %add3A_163 = arith.constant 240 : i32
    %add3A_164 = arith.addi %mul3A_72, %add3A_163 : i32
    "tpu.region"() ({
      %run_scoped3A = tpu.sem_alloc : memref<!tpu.dma_semaphore, #tpu.memory_space<semaphore_mem>>
      %dma_start3A_165 = arith.constant 0 : i32
      %dma_start3A_166 = tpu.memref_slice %arg5[%arg0, %add3A_164, %dma_start3A_165] : memref<2x5120x128xf32, #tpu.memory_space<hbm>> -> memref<1x80x128xf32, #tpu.memory_space<hbm>>
      %dma_start3A_167 = tpu.memref_squeeze %dma_start3A_166 : memref<1x80x128xf32, #tpu.memory_space<hbm>> -> memref<80x128xf32, #tpu.memory_space<hbm>>
      %dma_start3A_168 = arith.constant 0 : i32
      %dma_start3A_169 = tpu.memref_slice %arg26[%add3A_164, %dma_start3A_168] : memref<5120x128xf32, #tpu.memory_space<vmem_shared>> -> memref<80x128xf32, #tpu.memory_space<vmem_shared>>
      tpu.enqueue_dma source(%dma_start3A_169 : memref<80x128xf32, #tpu.memory_space<vmem_shared>>) target(%dma_start3A_167 : memref<80x128xf32, #tpu.memory_space<hbm>>) target_semaphore(%run_scoped3A : memref<!tpu.dma_semaphore, #tpu.memory_space<semaphore_mem>>)
      %dma_wait3A_170 = arith.constant 0 : i32
      %dma_wait3A_171 = tpu.memref_slice %arg5[%arg0, %add3A_164, %dma_wait3A_170] : memref<2x5120x128xf32, #tpu.memory_space<hbm>> -> memref<1x80x128xf32, #tpu.memory_space<hbm>>
      %dma_wait3A_172 = tpu.memref_squeeze %dma_wait3A_171 : memref<1x80x128xf32, #tpu.memory_space<hbm>> -> memref<80x128xf32, #tpu.memory_space<hbm>>
      %dma_wait3A_173 = arith.constant 0 : i32
      %dma_wait3A_174 = tpu.memref_slice %arg26[%add3A_164, %dma_wait3A_173] : memref<5120x128xf32, #tpu.memory_space<vmem_shared>> -> memref<80x128xf32, #tpu.memory_space<vmem_shared>>
      tpu.wait_dma2 semaphore(%run_scoped3A : memref<!tpu.dma_semaphore, #tpu.memory_space<semaphore_mem>>) src(%dma_wait3A_174 : memref<80x128xf32, #tpu.memory_space<vmem_shared>>) dst(%dma_wait3A_172 : memref<80x128xf32, #tpu.memory_space<hbm>>)
      tpu.yield
    }) : () -> ()
    return
  }
}

module attributes {stable_mosaic.version = 14 : i64} {
  func.func @body(%arg0: i32, %arg1: memref<400x128xf32, #tpu.memory_space<vmem>>, %arg2: memref<128x128xf32, #tpu.memory_space<vmem>>, %arg3: memref<1x128xf32, #tpu.memory_space<vmem>>, %arg4: memref<400x128xf32, #tpu.memory_space<vmem>>) attributes {dimension_semantics = [#tpu.dimension_semantics<arbitrary>], iteration_bounds = array<i64: 25>, scalar_prefetch = 0 : i64, scratch_operands = 0 : i64, tpu.core_type = #tpu.core_type<tc>, window_params = [{transform_indices = @transform_0, window_bounds = array<i64: 400, 128>}, {pipeline_mode = #tpu.pipeline_mode<synchronous>, transform_indices = @transform_1, window_bounds = array<i64: 128, 128>}, {pipeline_mode = #tpu.pipeline_mode<synchronous>, transform_indices = @transform_2, window_bounds = array<i64: 1, 128>}, {transform_indices = @transform_3, window_bounds = array<i64: 400, 128>}]} {
    %get3A = arith.constant 0 : index
    %get3A_0 = arith.constant 0 : index
    %get3A_1 = vector.load %arg1[%get3A, %get3A_0] : memref<400x128xf32, #tpu.memory_space<vmem>>, vector<400x128xf32>
    %get3A_2 = arith.constant 0 : index
    %get3A_3 = arith.constant 0 : index
    %get3A_4 = vector.load %arg2[%get3A_2, %get3A_3] : memref<128x128xf32, #tpu.memory_space<vmem>>, vector<128x128xf32>
    %dot_general3A = arith.constant dense<0.000000e+00> : vector<400x128xf32>
    %dot_general3A_5 = tpu.matmul %get3A_1, %get3A_4, %dot_general3A {dimension_numbers = #tpu.dot_dimension_numbers<[1], [1], [0], [0], [0, 0, 1, 0], [], []>, transpose_lhs_hint = false} : vector<400x128xf32>, vector<128x128xf32>, vector<400x128xf32> -> vector<400x128xf32>
    %get3A_6 = arith.constant 0 : index
    %get3A_7 = arith.constant 0 : index
    %get3A_8 = vector.load %arg3[%get3A_6, %get3A_7] : memref<1x128xf32, #tpu.memory_space<vmem>>, vector<1x128xf32>
    %add3A = vector.broadcast %get3A_8 : vector<1x128xf32> to vector<400x128xf32>
    %add3A_9 = arith.addf %dot_general3A_5, %add3A : vector<400x128xf32>
    %max3A = arith.constant 0.000000e+00 : f32
    %max3A_10 = vector.broadcast %max3A : f32 to vector<400x128xf32>
    %max3A_11 = arith.maximumf %add3A_9, %max3A_10 : vector<400x128xf32>
    %swap3A = arith.constant 0 : index
    %swap3A_12 = arith.constant 0 : index
    %swap3A_13 = vector.load %arg4[%swap3A, %swap3A_12] : memref<400x128xf32, #tpu.memory_space<vmem>>, vector<400x128xf32>
    tpu.vector_store %arg4[%swap3A, %swap3A_12], %max3A_11 {strides = array<i32>} : memref<400x128xf32, #tpu.memory_space<vmem>>, vector<400x128xf32>,
    return
  }
  func.func @transform_0(%arg0: i32) -> (i32, i32) {
    %c0_i32 = arith.constant 0 : i32
    %c0_i32_0 = arith.constant 0 : i32
    return %arg0, %c0_i32 : i32, i32
  }
  func.func @transform_1(%arg0: i32) -> (i32, i32) {
    %c0_i32 = arith.constant 0 : i32
    %c0_i32_0 = arith.constant 0 : i32
    %c0_i32_1 = arith.constant 0 : i32
    return %c0_i32, %c0_i32_0 : i32, i32
  }
  func.func @transform_2(%arg0: i32) -> (i32, i32) {
    %c0_i32 = arith.constant 0 : i32
    %c0_i32_0 = arith.constant 0 : i32
    %c0_i32_1 = arith.constant 0 : i32
    return %c0_i32, %c0_i32_0 : i32, i32
  }
  func.func @transform_3(%arg0: i32) -> (i32, i32) {
    %c0_i32 = arith.constant 0 : i32
    %c0_i32_0 = arith.constant 0 : i32
    return %arg0, %c0_i32 : i32, i32
  }
}

module attributes {stable_mosaic.version = 14 : i64} {
  func.func @body(%arg0: i32, %arg1: memref<2x512x128xf32, #tpu.memory_space<vmem>>, %arg2: memref<32x512xf32, #tpu.memory_space<vmem>>, %arg3: memref<512x128xf32, #tpu.memory_space<vmem>>) attributes {dimension_semantics = [#tpu.dimension_semantics<arbitrary>], iteration_bounds = array<i64: 10>, scalar_prefetch = 0 : i64, scratch_operands = 0 : i64, tpu.core_type = #tpu.core_type<tc>, window_params = [{transform_indices = @transform_0, window_bounds = array<i64: 2, 512, 128>}, {transform_indices = @transform_1, window_bounds = array<i64: 32, 512>}, {transform_indices = @transform_2, window_bounds = array<i64: 512, 128>}]} {
    %get3A = arith.constant 0 : index
    %get3A_0 = arith.constant 0 : index
    %get3A_1 = arith.constant 0 : index
    %get3A_2 = vector.load %arg1[%get3A, %get3A_0, %get3A_1] : memref<2x512x128xf32, #tpu.memory_space<vmem>>, vector<1x512x128xf32>
    %get3A_3 = vector.shape_cast %get3A_2 : vector<1x512x128xf32> to vector<512x128xf32>
    %get3A_4 = arith.constant 1 : index
    %get3A_5 = arith.constant 0 : index
    %get3A_6 = arith.constant 0 : index
    %get3A_7 = vector.load %arg1[%get3A_4, %get3A_5, %get3A_6] : memref<2x512x128xf32, #tpu.memory_space<vmem>>, vector<1x512x128xf32>
    %get3A_8 = vector.shape_cast %get3A_7 : vector<1x512x128xf32> to vector<512x128xf32>
    %add3A = arith.addf %get3A_3, %get3A_8 : vector<512x128xf32>
    %get3A_9 = arith.constant 0 : index
    %get3A_10 = arith.constant 0 : index
    %get3A_11 = vector.load %arg2[%get3A_9, %get3A_10] : memref<32x512xf32, #tpu.memory_space<vmem>>, vector<32x512xf32>
    %reduce_sum3A = arith.constant dense<0.000000e+00> : vector<512xf32>
    %reduce_sum3A_12 = vector.multi_reduction <add>, %get3A_11, %reduce_sum3A [0] : vector<32x512xf32> to vector<512xf32>
    %max3A = arith.constant 1.000000e+00 : f32
    %max3A_13 = vector.broadcast %max3A : f32 to vector<512xf32>
    %max3A_14 = arith.maximumf %reduce_sum3A_12, %max3A_13 : vector<512xf32>
    %div3A = arith.constant 1.000000e+00 : f32
    %div3A_15 = vector.broadcast %div3A : f32 to vector<512xf32>
    %div3A_16 = arith.divf %div3A_15, %max3A_14 : vector<512xf32>
    %broadcast_in_dim3A = vector.shape_cast %div3A_16 : vector<512xf32> to vector<512x1xf32>
    %mul3A = vector.broadcast %broadcast_in_dim3A : vector<512x1xf32> to vector<512x128xf32>
    %mul3A_17 = arith.mulf %add3A, %mul3A : vector<512x128xf32>
    %swap3A = arith.constant 0 : index
    %swap3A_18 = arith.constant 0 : index
    %swap3A_19 = vector.load %arg3[%swap3A, %swap3A_18] : memref<512x128xf32, #tpu.memory_space<vmem>>, vector<512x128xf32>
    tpu.vector_store %arg3[%swap3A, %swap3A_18], %mul3A_17 {strides = array<i32>} : memref<512x128xf32, #tpu.memory_space<vmem>>, vector<512x128xf32>,
    return
  }
  func.func @transform_0(%arg0: i32) -> (i32, i32, i32) {
    %c0_i32 = arith.constant 0 : i32
    %c0_i32_0 = arith.constant 0 : i32
    %c0_i32_1 = arith.constant 0 : i32
    return %c0_i32, %arg0, %c0_i32_0 : i32, i32, i32
  }
  func.func @transform_1(%arg0: i32) -> (i32, i32) {
    %c0_i32 = arith.constant 0 : i32
    %c0_i32_0 = arith.constant 0 : i32
    return %c0_i32, %arg0 : i32, i32
  }
  func.func @transform_2(%arg0: i32) -> (i32, i32) {
    %c0_i32 = arith.constant 0 : i32
    %c0_i32_0 = arith.constant 0 : i32
    return %arg0, %c0_i32 : i32, i32
  }
}

module attributes {stable_mosaic.version = 14 : i64} {
  func.func @body(%arg0: i32, %arg1: memref<2x512x128xf32, #tpu.memory_space<vmem>>, %arg2: memref<32x512xf32, #tpu.memory_space<vmem>>, %arg3: memref<512x128xf32, #tpu.memory_space<vmem>>) attributes {dimension_semantics = [#tpu.dimension_semantics<arbitrary>], iteration_bounds = array<i64: 20>, scalar_prefetch = 0 : i64, scratch_operands = 0 : i64, tpu.core_type = #tpu.core_type<tc>, window_params = [{transform_indices = @transform_0, window_bounds = array<i64: 2, 512, 128>}, {transform_indices = @transform_1, window_bounds = array<i64: 32, 512>}, {transform_indices = @transform_2, window_bounds = array<i64: 512, 128>}]} {
    %get3A = arith.constant 0 : index
    %get3A_0 = arith.constant 0 : index
    %get3A_1 = arith.constant 0 : index
    %get3A_2 = vector.load %arg1[%get3A, %get3A_0, %get3A_1] : memref<2x512x128xf32, #tpu.memory_space<vmem>>, vector<1x512x128xf32>
    %get3A_3 = vector.shape_cast %get3A_2 : vector<1x512x128xf32> to vector<512x128xf32>
    %get3A_4 = arith.constant 1 : index
    %get3A_5 = arith.constant 0 : index
    %get3A_6 = arith.constant 0 : index
    %get3A_7 = vector.load %arg1[%get3A_4, %get3A_5, %get3A_6] : memref<2x512x128xf32, #tpu.memory_space<vmem>>, vector<1x512x128xf32>
    %get3A_8 = vector.shape_cast %get3A_7 : vector<1x512x128xf32> to vector<512x128xf32>
    %add3A = arith.addf %get3A_3, %get3A_8 : vector<512x128xf32>
    %get3A_9 = arith.constant 0 : index
    %get3A_10 = arith.constant 0 : index
    %get3A_11 = vector.load %arg2[%get3A_9, %get3A_10] : memref<32x512xf32, #tpu.memory_space<vmem>>, vector<32x512xf32>
    %reduce_sum3A = arith.constant dense<0.000000e+00> : vector<512xf32>
    %reduce_sum3A_12 = vector.multi_reduction <add>, %get3A_11, %reduce_sum3A [0] : vector<32x512xf32> to vector<512xf32>
    %max3A = arith.constant 1.000000e+00 : f32
    %max3A_13 = vector.broadcast %max3A : f32 to vector<512xf32>
    %max3A_14 = arith.maximumf %reduce_sum3A_12, %max3A_13 : vector<512xf32>
    %div3A = arith.constant 1.000000e+00 : f32
    %div3A_15 = vector.broadcast %div3A : f32 to vector<512xf32>
    %div3A_16 = arith.divf %div3A_15, %max3A_14 : vector<512xf32>
    %broadcast_in_dim3A = vector.shape_cast %div3A_16 : vector<512xf32> to vector<512x1xf32>
    %mul3A = vector.broadcast %broadcast_in_dim3A : vector<512x1xf32> to vector<512x128xf32>
    %mul3A_17 = arith.mulf %add3A, %mul3A : vector<512x128xf32>
    %swap3A = arith.constant 0 : index
    %swap3A_18 = arith.constant 0 : index
    %swap3A_19 = vector.load %arg3[%swap3A, %swap3A_18] : memref<512x128xf32, #tpu.memory_space<vmem>>, vector<512x128xf32>
    tpu.vector_store %arg3[%swap3A, %swap3A_18], %mul3A_17 {strides = array<i32>} : memref<512x128xf32, #tpu.memory_space<vmem>>, vector<512x128xf32>,
    return
  }
  func.func @transform_0(%arg0: i32) -> (i32, i32, i32) {
    %c0_i32 = arith.constant 0 : i32
    %c0_i32_0 = arith.constant 0 : i32
    %c0_i32_1 = arith.constant 0 : i32
    return %c0_i32, %arg0, %c0_i32_0 : i32, i32, i32
  }
  func.func @transform_1(%arg0: i32) -> (i32, i32) {
    %c0_i32 = arith.constant 0 : i32
    %c0_i32_0 = arith.constant 0 : i32
    return %c0_i32, %arg0 : i32, i32
  }
  func.func @transform_2(%arg0: i32) -> (i32, i32) {
    %c0_i32 = arith.constant 0 : i32
    %c0_i32_0 = arith.constant 0 : i32
    return %arg0, %c0_i32 : i32, i32
  }
}

</mosaic_0001>

<sc_bundles>
// kernel: _run.11.cloned.1.call-start
scs
__scs_entry_jumppad:
0x0: {  	(pc) =	sbr.rel $0x88, $3  }
0x1: {  	(tag) =	ssettag $0x0;
	lr =	simm.s32 $0x1  }
0x2: {  	[smem:$0x3F9C] =	sst lr;
	_ =	strace $0xD0000000  }
0x3: {  	_ = 	snop  }
0x4: {  	_ = 	snop  }
0x5: {  	_ = 	snop  }
0x6: {  	_ = 	snop  }
0x7: {  	_ = 	snop  }
__scs_overlays_trampoline_lowered:
0x8: {  	[smem:$0x3FAB] =	sst s0  }
0x9: {  	[smem:$0x3FAC] =	sst s1  }
0xa: {  	[smem:$0x3FAD] =	sst s2  }
0xb: {  	[smem:$0x3FAE] =	sst s3  }
0xc: {  	[smem:$0x3FAF] =	sst s4  }
0xd: {  	[smem:$0x3FB0] =	sst s5  }
0xe: {  	[smem:$0x3FB1] =	sst s6  }
0xf: {  	[smem:$0x3FB2] =	sst s7  }
0x10: {  	[smem:$0x3FB3] =	sst s8  }
0x11: {  	[smem:$0x3FB4] =	sst s9;
	s0 =	simm.s32 @!p0 $0x0  }
0x12: {  	s1 =	sld [smem:$0x3F9A];
	s0 =	simm.s32 @p0 $0x1  }
0x13: {  	[smem:$0x3FB5] =	sst s0;
	s0 =	simm.s32 @!p1 $0x0  }
0x14: {  	s2 =	sld [smem:$0x3F99];
	s0 =	simm.s32 @p1 $0x1  }
0x15: {  	[smem:$0x3FB6] =	sst s0;
	s0 =	simm.s32 @!p2 $0x0  }
0x16: {  	s3 =	sld [smem:$0x3FDB];
	s0 =	simm.s32 @p2 $0x1  }
0x17: {  	s4 =	simm.s32 $0x1BF5;
	[smem:$0x3FB8] =	sst s0  }
0x18: {  	s0 =	sld [smem:$0x3F9B];
	_ =	swait.ge [sflag:s4], $0x0  }
0x19: {  	s7 =	sld [smem:$0x3F9C]  }
0x1a: {  	s8 =	sadd.s32 $0xFFFFE003, lr  }
0x1b: {  	s9 =	sadd.s32 $0xFFFFFEF7, lr;
	s5 =	simm.s32 $0xFFFFFFFF;
	p2 =	slt.u32 s8, $0xFFFFF086  }
0x1c: {  	p1 =	slt.u32 s9, $0xF7A;
	s5 =	simm.s32 @!p2 $0x0  }
0x1d: {  	s5 =	simm.s32 @p1 $0x1;
	p0 =	seq.s32 s7, s2  }
0x1e: {  	s7 =	smul.u32 @!p0 $0xF7A, s2;
	p2 =	seq.s32 @!p0 s5, $0x0  }
0x1f: {  	s9 =	smul.u32 $0xF7A, s1;
	s8 =	simm.s32 @!p0 $0x1BF5;
	p2 =	por !p2, p0  }
0x20: {  	[sflag:s8] =	ssyncset.s32 @!p0 $0xFFFFF086;
	s6 =	sadd.s32 @!p0 s3, s7;
	s7 =	simm.s32 @!p0 $0x108  }
0x21: {  	s3 =	sadd.s32 s3, s9;
	s6 =	sadd.s32 @!p0 $0x88, s6;
	s7 =	simm.s32 @p2 $0x1082  }
0x22: {  	[simem:s7], [sflag:s8] =	dma.local @!p0 [hbm:s6], $0xF7A  }
0x23: {  	s9 =	sor.u32 $0xD0000000, s2;
	s6 =	simm.s32 $0x108;
	_ =	swait.ge @!p0 [sflag:s8], $0x0  }
0x24: {  	s3 =	sadd.s32 $0x88, s3;
	s6 =	simm.s32 @!p1 $0x1082;
	[sflag:s4] =	ssyncset.s32 $0xFFFFF086  }
0x25: {  	[simem:s6], [sflag:s4] =	dma.local [hbm:s3], $0xF7A  }
0x26: {  	[smem:$0x3F9C] =	sst s1;
	(tag) =	ssettag s2;
	_ =	strace s9  }
0x27: {  	s1 =	sld [smem:$0x3FAC]  }
0x28: {  	s2 =	sld [smem:$0x3FAD]  }
0x29: {  	s4 =	sld [smem:$0x3FAF]  }
0x2a: {  	p0 =	seq.s32 s5, $0x0;
	s5 =	sld [smem:$0x3FB0]  }
0x2b: {  	s6 =	sld [smem:$0x3FB1]  }
0x2c: {  	s7 =	sld [smem:$0x3FB2]  }
0x2d: {  	s3 =	simm.s32 $0x108;
	s8 =	sld [smem:$0x3FB3]  }
0x2e: {  	s3 =	simm.s32 @!p0 $0x1082;
	s9 =	sld [smem:$0x3FB4]  }
0x2f: {  	lr =	sadd.s32 s0, s3;
	s0 =	sld [smem:$0x3FAB]  }
0x30: {  	s3 =	sld [smem:$0x3FAE]  }
0x31: {  	[smem:$0x3FB7] =	sst s10  }
0x32: {  	s10 =	sld [smem:$0x3FB5];
	_ =	sdelay $0x3  }
0x33: {  	p0 =	seq.s32 s10, $0x1;
	s10 =	sld [smem:$0x3FB7];
	_ =	sdelay $0x3  }
0x34: {  	[smem:$0x3FB7] =	sst s10  }
0x35: {  	s10 =	sld [smem:$0x3FB6];
	_ =	sdelay $0x3  }
0x36: {  	p1 =	seq.s32 s10, $0x1;
	s10 =	sld [smem:$0x3FB7];
	_ =	sdelay $0x3  }
0x37: {  	[smem:$0x3FB7] =	sst s10  }
0x38: {  	s10 =	sld [smem:$0x3FB8]  }
0x39: {  	_ = 	snop;
	(pc) =	sbr.ind lr, $3  }
0x3a: {  	_ = 	snop  }
0x3b: {  	_ = 	snop  }
0x3c: {  	p2 =	seq.s32 s10, $0x1;
	s10 =	sld [smem:$0x3FB7]  }
0x3d: {  	_ =	shalt  }
0x3e: {  	_ =	shalt  }
0x3f: {  	_ =	shalt  }
0x40: {  	_ =	shalt  }
0x41: {  	_ =	shalt  }
0x42: {  	_ =	shalt  }
0x43: {  	_ =	shalt  }
0x44: {  	_ =	shalt  }
0x45: {  	_ =	shalt  }
0x46: {  	_ =	shalt  }
0x47: {  	_ =	shalt  }
0x48: {  	_ =	shalt  }
0x49: {  	_ =	shalt  }
0x4a: {  	_ =	shalt  }
0x4b: {  	_ =	shalt  }
0x4c: {  	_ =	shalt  }
0x4d: {  	_ =	shalt  }
0x4e: {  	_ =	shalt  }
0x4f: {  	_ =	shalt  }
0x50: {  	_ =	shalt  }
0x51: {  	_ =	shalt  }
0x52: {  	_ =	shalt  }
0x53: {  	_ =	shalt  }
0x54: {  	_ =	shalt  }
0x55: {  	_ =	shalt  }
0x56: {  	_ =	shalt  }
0x57: {  	_ =	shalt  }
0x58: {  	_ =	shalt  }
0x59: {  	_ =	shalt  }
0x5a: {  	_ =	shalt  }
0x5b: {  	_ =	shalt  }
0x5c: {  	_ =	shalt  }
0x5d: {  	_ =	shalt  }
0x5e: {  	_ =	shalt  }
0x5f: {  	_ =	shalt  }
0x60: {  	_ =	shalt  }
0x61: {  	_ =	shalt  }
0x62: {  	_ =	shalt  }
0x63: {  	_ =	shalt  }
0x64: {  	_ =	shalt  }
0x65: {  	_ =	shalt  }
0x66: {  	_ =	shalt  }
0x67: {  	_ =	shalt  }
0x68: {  	_ =	shalt  }
0x69: {  	_ =	shalt  }
0x6a: {  	_ =	shalt  }
0x6b: {  	_ =	shalt  }
0x6c: {  	_ =	shalt  }
0x6d: {  	_ =	shalt  }
0x6e: {  	_ =	shalt  }
0x6f: {  	_ =	shalt  }
0x70: {  	_ =	shalt  }
0x71: {  	_ =	shalt  }
0x72: {  	_ =	shalt  }
0x73: {  	_ =	shalt  }
0x74: {  	_ =	shalt  }
0x75: {  	_ =	shalt  }
0x76: {  	_ =	shalt  }
0x77: {  	_ =	shalt  }
0x78: {  	_ =	shalt  }
0x79: {  	_ =	shalt  }
0x7a: {  	_ =	shalt  }
0x7b: {  	_ =	shalt  }
0x7c: {  	_ =	shalt  }
0x7d: {  	_ =	shalt  }
0x7e: {  	_ =	shalt  }
0x7f: {  	_ =	shalt  }
0x80: {  	_ =	shalt  }
0x81: {  	_ =	shalt  }
0x82: {  	_ =	shalt  }
0x83: {  	_ =	shalt  }
0x84: {  	_ =	shalt  }
0x85: {  	_ =	shalt  }
0x86: {  	_ =	shalt  }
0x87: {  	_ =	shalt  }
.Lfunc_end0:
.L_simem_size_0:
called_computation.1_lowered:
.L_overlay_start_0:
0x88: {  	s2 =	sld [smem:$0x3FD9]  }
0x89: {  	s3 =	sld [smem:$0x3FFE];
	_ =	sdelay $0x1  }
0x8a: {  	s1 =	srdreg.scid  }
0x8b: {  	s0 =	sand.u32 $0x1, s1  }
0x8c: {  	s17 =	sshll.u32 s0, $0xA;
	s2 =	sadd.s32 s3, s2  }
0x8d: {  	s2 =	sadd.s32 s2, s17  }
0x8e: {  	[smem:$0x3FC3] =	sst s2  }
0x8f: {  	_ = 	snop  }
0x90: {  	s18 =	sld [smem:$0x3FC8]  }
0x91: {  	s4 =	sld [smem:$0x3FC7]  }
0x92: {  	s5 =	sld [smem:$0x3FD0];
	(tm) =	ssettm $0x1  }
0x93: {  	s19 =	sld [smem:$0x3FFB];
	_ =	sdelay $0x3  }
0x94: {  	_ =	strace s19  }
0x95: {  	s2 =	sld [smem:$0x3FFC];
	_ =	sdelay $0x3  }
0x96: {  	_ =	strace s2  }
0x97: {  	s2 =	sld [smem:$0x3FFD];
	_ =	sdelay $0x3  }
0x98: {  	_ =	strace s2  }
0x99: {  	_ =	strace $0x8FFFFFFF  }
0x9a: {  	s20 =	sld [smem:$0x3FDB];
	_ =	sdelay $0x1  }
0x9b: {  	s6 =	simm.s32 $_scs_section_size  }
0x9c: {  	s7 =	simm.s32 $_size__tile_overlayer_lowered;
	s8 =	simm.s32 $_tile_overlayer_lowered  }
0x9d: {  	s9 =	simm.s32 $0x1BFF;
	s21 =	sshll.u32 s8, $0x1;
	s6 =	sadd.s32 s6, s20  }
0x9e: {  	s22 =	simm.s32 $0x0;
	s7 =	sshll.u32 s7, $0x1;
	s8 =	sadd.s32 s21, s6  }
0x9f: {  	[timem:s22], [sflag:s9] =	dma.local [hbm:s8], s7  }
0xa0: {  	_ =	swait.ge [sflag:s9], s7  }
0xa1: {  	s7 =	ssub.s32 $0x0, s7;
	[sflag:s9] =	ssyncset.done $0x0  }
0xa2: {  	[sflag:s9] =	ssyncadd.s32 s7;
	_ =	sdelay $0x1  }
0xa3: {  	s23 =	simm.s32 $0x1B8B  }
0xa4: {  	_ =	swait.ge [sflag:s23], $0x1  }
0xa5: {  	[sflag:s23] =	ssyncset.done $0x0  }
0xa6: {  	[sflag:s23] =	ssyncadd.s32 $0xFFFFFFFF  }
0xa7: {  	s7 =	sld [smem:$0x0]  }
0xa8: {  	s8 =	sand.u32 $0xFFFFFFFE, s1  }
0xa9: {  	p0 =	sne.s32 s1, s8  }
0xaa: {  	s8 =	sshll.u32 @p0 s8, $0xE  }
0xab: {  	s8 =	sadd.s32 @p0 $0x11B8D, s8;
	s9 =	sshll.u32 @p0 s7, $0x11  }
0xac: {  	s8 =	sor.u32 @p0 s9, s8  }
0xad: {  	[sflag:s8] =	ssyncadd.remote.s32 @p0 $0x1;
	_ =	sdelay $0x1  }
0xae: {  	s8 =	simm.s32 @p0 $0x1B8D  }
0xaf: {  	_ =	swait.eq @p0 [sflag:s8], $0x1  }
0xb0: {  	[sflag:s8] =	ssyncadd.s32 @p0 $0xFFFFFFFF  }
0xb1: {  	s9 =	sshll.u32 @!p0 s1, $0xE  }
0xb2: {  	s9 =	sor.u32 @!p0 $0x4000, s9;
	s8 =	simm.s32 @!p0 $0x1B8D  }
0xb3: {  	s7 =	sshll.u32 @!p0 s7, $0x11;
	s9 =	sadd.s32 @!p0 $0x11B8D, s9;
	_ =	swait.eq @!p0 [sflag:s8], $0x1  }
0xb4: {  	s7 =	sor.u32 @!p0 s7, s9;
	[sflag:s8] =	ssyncadd.s32 @!p0 $0xFFFFFFFF  }
0xb5: {  	s25 =	simm.s32 $0x1B8E;
	s24 =	sld [smem:$0x3FFE];
	[sflag:s7] =	ssyncadd.remote.s32 @!p0 $0x1  }
0xb6: {  	s26 =	simm.s32 $execute0_lowered;
	[smem:$0x3FD2] =	sst s25  }
0xb7: {  	s8 =	sshll.u32 s26, $0x1;
	_ =	strace $0x80000049;
	[dreg:$0x1] =	wrdreg $0xFFFFFFFF  }
0xb8: {  	s28 =	simm.s32 $_size_execute0_lowered;
	s6 =	sadd.s32 s6, s8;
	[dreg:$0x0] =	wrdreg $0x0  }
0xb9: {  	s8 =	sshll.u32 s28, $0x1;
	[dreg:$0x2] =	wrdreg s6  }
0xba: {  	[dreg:$0x3] =	wrdreg s8  }
0xbb: {  	[dreg:$0x4] =	wrdreg $0xC0  }
0xbc: {  	_ =	task [dreg:s22], $0x5FFFF  }
0xbd: {  	[dreg:$0x1] =	wrdreg $0xFFFFFFFF  }
0xbe: {  	[dreg:$0x0] =	wrdreg $0x60  }
0xbf: {  	[dreg:$0x2] =	wrdreg s5  }
0xc0: {  	[dreg:$0x3] =	wrdreg s18  }
0xc1: {  	[dreg:$0x4] =	wrdreg s4  }
0xc2: {  	[dreg:$0x5] =	wrdreg s24  }
0xc3: {  	[dreg:$0x6] =	wrdreg $0xA8000  }
0xc4: {  	[dreg:$0x7] =	wrdreg $0xA  }
0xc5: {  	_ =	task.clear_ibuf [dreg:s22], $0x8FFFF;
	_ =	strace $0x90000049  }
0xc6: {  	s29 =	simm.s32 $0xA;
	_ =	strace $0x8000004B  }
0xc7: {  	_ =	swait.ge [sflag:s29], $0x1  }
0xc8: {  	[sflag:s29] =	ssyncadd.s32 $0xFFFFFFFF  }
0xc9: {  	_ =	strace $0x9000004B  }
0xca: {  	_ =	sfence  }
0xcb: {  	s30 =	sld [smem:$0x0];
	_ =	sdelay $0x2  }
0xcc: {  	s31 =	sshll.u32 s1, $0xD;
	s1 =	sshrl.u32 s1, $0x2  }
0xcd: {  	s4 =	sand.u32 $0x4000, s31;
	s1 =	sadd.s32 s1, s30  }
0xce: {  	s0 =	sor.u32 s4, s0;
	s1 =	sshll.u32 s1, $0x11  }
0xcf: {  	s0 =	sor.u32 s1, s0  }
0xd0: {  	s0 =	sadd.s32 $0x8F2B, s0  }
0xd1: {  	[sflag:s0] =	ssyncadd.remote.s32 $0x1  }
0xd2: {  	_ =	sfence.sel $0xFFFF  }
0xd3: {  	[dreg:$0x0] =	wrdreg $0xFFFFFFFF;
	(pc) =	sbr.abs _section_cstart, $3  }
0xd4: {  	[dreg:$0x1] =	wrdreg $0xFFFFFFFF  }
0xd5: {  	_ =	task.clear_ibuf [dreg:s22], $0x2FFFF;
	_ =	strace $0x9FFFFFFF  }
0xd6: {  	(tm) =	ssettm $0x7FFFFFFF  }
0xd7: {  	_ =	shalt  }
tec
execute0_lowered:
.L_overlay_start_1:
0x0: {  	(tag) =	ssettag $0x1  }
0x1: {  	s0 =	rddreg [dreg:$0x0]  }
0x2: {  	s16 =	rddreg [dreg:$0x1]  }
0x3: {  	s1 =	srdreg.scid;
	s17 =	rddreg [dreg:$0x2]  }
0x4: {  	s15 =	stileid.u32;
	s3 =	rddreg [dreg:$0x3]  }
0x5: {  	s5 =	rddreg [dreg:$0x4];
	s6 =	simm.s32 $0x0;
	s29 =	simm.s32 $0x200  }
0x6: {  	s28 =	simm.s32 $0x600;
	s30 =	simm.s32 $0x800;
	s31 =	simm.s32 $0xD  }
0x7: {  	s1 =	sand.u32 $0x1, s1;
	[smem:$0x7FF] =	sst s6;
	s18 =	smul.u32 $0xA000, s15  }
0x8: {  	s3 =	sadd.s32 $0x11000, s3;
	s2 =	sshll.u32 s1, $0x4;
	s10 =	smul.u32 $0xA0000, s1  }
0x9: {  	s4 =	ssub.s32 $0x2, s1;
	_ =	strace $0x8000004A;
	s2 =	sor.u32 s15, s2  }
0xa: {  	s7 =	sshrl.u32 s4, $0x1;
	s2 =	smul.u32 $0x2710, s2;
	s11 =	sadd.s32 s18, s10  }
0xb: {  	s1 =	smul.u32 $0x27100, s1;
	s4 =	ssub.s32 s4, s7;
	s11 =	sshrl.u32 s11, $0x3  }
0xc: {  	s4 =	smax.u32 s4, $0x1;
	s2 =	sshrl.u32 s2, $0x3;
	s11 =	sadd.s32 s3, s11  }
0xd: {  	[dreg:$0x1e] =	wrdreg s4;
	s4 =	simm.s32 $0x500;
	s8 =	sadd.s32 $0xA, s2  }
0xe: {  	s14 =	sadd.s32 $0x14, s2;
	[dreg:$0xc] =	wrdreg s11;
	s12 =	sadd.s32 s16, s8  }
0xf: {  	s19 =	sadd.s32 $0x1E, s2;
	s13 =	sadd.s32 s17, s8;
	[dreg:$0x6] =	wrdreg s12  }
0x10: {  	s22 =	sadd.s32 $0x28, s2;
	s9 =	sadd.s32 s16, s14;
	[dreg:$0x7] =	wrdreg s13  }
0x11: {  	s7 =	sadd.s32 s17, s14;
	s20 =	sadd.s32 s16, s19;
	[dreg:$0x8] =	wrdreg s9  }
0x12: {  	s21 =	sadd.s32 s17, s19;
	s8 =	sadd.s32 $0x7800, s18;
	[dreg:$0x9] =	wrdreg s7  }
0x13: {  	s14 =	smul.u32 $0x2710, s15;
	s26 =	sadd.s32 s16, s22;
	[dreg:$0xa] =	wrdreg s20  }
0x14: {  	s15 =	smul.u32 $0x28000, s15;
	[dreg:$0xb] =	wrdreg s21;
	s9 =	sadd.s32 $0x2800, s18  }
0x15: {  	s12 =	sadd.s32 $0x5000, s18;
	[dreg:$0x10] =	wrdreg s26;
	s7 =	sadd.s32 s17, s22  }
0x16: {  	s18 =	sadd.s32 s17, s2;
	s13 =	sadd.s32 s10, s9;
	s24 =	sadd.s32 s10, s12  }
0x17: {  	s10 =	sadd.s32 s10, s8;
	s1 =	sadd.s32 s14, s1;
	[dreg:$0x11] =	wrdreg s7  }
0x18: {  	s14 =	sadd.s32 $0x3C, s2;
	[dreg:$0x15] =	wrdreg s18;
	s20 =	sshrl.u32 s15, $0x2  }
0x19: {  	s23 =	sshrl.u32 s13, $0x3;
	s13 =	sshrl.u32 s24, $0x3;
	s10 =	sshrl.u32 s10, $0x3  }
0x1a: {  	s19 =	sadd.s32 s16, s14;
	s22 =	sadd.s32 s20, s5;
	s24 =	sadd.s32 s12, s5  }
0x1b: {  	s26 =	sadd.s32 $0x4B0, s1;
	s7 =	sadd.s32 $0x460, s1;
	[dreg:$0x16] =	wrdreg s19  }
0x1c: {  	s15 =	sadd.s32 $0x370, s1;
	s20 =	sadd.s32 $0x320, s1;
	[dreg:$0x1a] =	wrdreg s22  }
0x1d: {  	s11 =	sadd.s32 s3, s23;
	s25 =	sadd.s32 s3, s13;
	[dreg:$0x1c] =	wrdreg s24  }
0x1e: {  	s3 =	sadd.s32 s3, s10;
	s10 =	sadd.s32 $0x32, s2;
	[dreg:$0xd] =	wrdreg s11  }
0x1f: {  	s13 =	sadd.s32 s16, s2;
	s2 =	sadd.s32 $0x46, s2;
	[dreg:$0xe] =	wrdreg s25  }
0x20: {  	s23 =	sadd.s32 s9, s5;
	s9 =	sadd.s32 $0x410, s1;
	[dreg:$0xf] =	wrdreg s3  }
0x21: {  	s19 =	sshrl.u32 s15, $0x3;
	s22 =	sshrl.u32 s20, $0x3;
	[dreg:$0x14] =	wrdreg s13  }
0x22: {  	s20 =	simm.s32 $0x580;
	s11 =	sadd.s32 s16, s10;
	[dreg:$0x1b] =	wrdreg s23  }
0x23: {  	s15 =	simm.s32 $0xA;
	s3 =	sadd.s32 s17, s10;
	[dreg:$0x12] =	wrdreg s11  }
0x24: {  	s21 =	sadd.s32 s16, s2;
	s2 =	sadd.s32 s17, s2;
	[dreg:$0x13] =	wrdreg s3  }
0x25: {  	s25 =	sadd.s32 s8, s5;
	s10 =	sshrl.u32 s9, $0x3;
	[dreg:$0x18] =	wrdreg s21  }
0x26: {  	s13 =	sadd.s32 $0x3C0, s1;
	s24 =	sadd.s32 s22, s17;
	[dreg:$0x19] =	wrdreg s2  }
0x27: {  	s9 =	simm.s32 $0x3;
	s3 =	sadd.s32 s17, s14;
	[dreg:$0x1d] =	wrdreg s25  }
0x28: {  	s2 =	sshrl.u32 s26, $0x3;
	s12 =	sadd.s32 s10, s17;
	s14 =	sshrl.u32 s13, $0x3  }
0x29: {  	s21 =	sadd.s32 $0x2D0, s1;
	[smem:$0x7F8] =	sst s24;
	s1 =	sadd.s32 $0x280, s1  }
0x2a: {  	s24 =	simm.s32 $0x180;
	s13 =	simm.s32 $0x9;
	[dreg:$0x17] =	wrdreg s3  }
0x2b: {  	s3 =	sshrl.u32 s7, $0x3;
	s8 =	sadd.s32 s2, s17;
	[smem:$0x7F2] =	sst s12  }
0x2c: {  	s2 =	sadd.s32 s2, s16;
	s18 =	sadd.s32 s14, s17;
	[smem:$0x7FC] =	sst s1  }
0x2d: {  	s23 =	sshrl.u32 s21, $0x3;
	s1 =	simm.s32 $0x50;
	[dreg:$0x1f] =	wrdreg s8  }
0x2e: {  	s7 =	simm.s32 $0x2;
	s12 =	simm.s32 $0x8000;
	[smem:$0x7EF] =	sst s2  }
0x2f: {  	s21 =	simm.s32 $0x8;
	s11 =	sadd.s32 s3, s17;
	[smem:$0x7F4] =	sst s18  }
0x30: {  	s3 =	sadd.s32 s3, s16;
	s2 =	sadd.s32 s10, s16;
	[smem:$0x7F0] =	sst s11  }
0x31: {  	s25 =	sadd.s32 s23, s17;
	s26 =	sadd.s32 s23, s16;
	[smem:$0x7F1] =	sst s3  }
0x32: {  	s23 =	simm.s32 $0x480;
	s8 =	simm.s32 $0x3000;
	[smem:$0x7F3] =	sst s2  }
0x33: {  	s10 =	simm.s32 $0x5800;
	s18 =	simm.s32 $0x7;
	[smem:$0x7FA] =	sst s25  }
0x34: {  	s2 =	sadd.s32 s14, s16;
	s3 =	sadd.s32 s19, s17;
	[smem:$0x7FB] =	sst s26  }
0x35: {  	s25 =	simm.s32 $0x80;
	s26 =	simm.s32 $0x100;
	s11 =	simm.s32 $0x4  }
.Ltmp0:
0x36: {  	s14 =	simm.s32 $0x5;
	[smem:$0x7F5] =	sst s2;
	(pc) =	sbr.rel .LBB2_1-.Ltmp0, $4  }
0x37: {  	s17 =	simm.s32 $0xB;
	[smem:$0x7F6] =	sst s3;
	s2 =	sadd.s32 s19, s16  }
0x38: {  	s19 =	simm.s32 $0xC;
	s3 =	simm.s32 $0x0;
	[smem:$0x7F7] =	sst s2  }
0x39: {  	s2 =	sadd.s32 s22, s16;
	s22 =	simm.s32 $0x400;
	[smem:$0x7FD] =	sst s3  }
0x3a: {  	v0 =	vimm.f32 $0.0e+00;
	s16 =	simm.s32 $0x6;
	[smem:$0x7F9] =	sst s2;
	s2 =	simm.s32 $0x1  }
.LBB2_6:
0x3b: {  	_ =	swait.ge [sflag:s13], $0x2800  }
0x3c: {  	[sflag:s13] =	ssyncset.done $0x0  }
0x3d: {  	s3 =	simm.s32 $0x400;
	[sflag:s13] =	ssyncadd.s32 $0xFFFFD800  }
0x3e: {  	[spmem:s5] =	stream.indirect.scatter.add.f32 [tilespmem:s30], [sflag:$0xD], $0x80, s3, s1, $0xb8;
	[tilespmem:$0x14800] =	vst v63  }
0x3f: {  	_ =	swait.ge [sflag:s31], $0x2800  }
0x40: {  	[sflag:s31] =	ssyncset.done $0x0  }
0x41: {  	[sflag:s31] =	ssyncadd.s32 $0xFFFFD800  }
0x42: {  	_ =	swait.ge [sflag:s14], $0x50  }
0x43: {  	[sflag:s14] =	ssyncset.done $0x0  }
0x44: {  	[sflag:s14] =	ssyncadd.s32 $0xFFFFFFB0  }
0x45: {  	_ =	swait.ge [sflag:s14], $0x50  }
0x46: {  	[sflag:s14] =	ssyncset.done $0x0  }
0x47: {  	s4 =	simm.s32 $0x200;
	[sflag:s14] =	ssyncadd.s32 $0xFFFFFFB0  }
0x48: {  	[tilespmem:s30], [sflag:$0x9] =	stream.indirect.gather [hbm4b:s0+s1], $0x80, s4, s1, $0xb8;
	[tilespmem:$0x14800] =	vst v63  }
0x49: {  	_ =	swait.ge [sflag:s15], $0x2800  }
0x4a: {  	[sflag:s15] =	ssyncset.done $0x0  }
0x4b: {  	s20 =	simm.s32 $0x480;
	[sflag:s15] =	ssyncadd.s32 $0xFFFFD800  }
0x4c: {  	[spmem:s5] =	stream.indirect.scatter.add.f32 [tilespmem:s8], [sflag:$0xD], $0x80, s20, s1, $0xb8;
	[tilespmem:$0x14800] =	vst v63  }
0x4d: {  	_ =	swait.ge [sflag:s31], $0x2800  }
0x4e: {  	[sflag:s31] =	ssyncset.done $0x0  }
0x4f: {  	[sflag:s31] =	ssyncadd.s32 $0xFFFFD800  }
0x50: {  	_ =	swait.ge [sflag:s17], $0x2800  }
0x51: {  	[sflag:s17] =	ssyncset.done $0x0  }
0x52: {  	s4 =	simm.s32 $0x500;
	[sflag:s17] =	ssyncadd.s32 $0xFFFFD800  }
0x53: {  	[spmem:s5] =	stream.indirect.scatter.add.f32 [tilespmem:s10], [sflag:$0xD], $0x80, s4, s1, $0xb8;
	[tilespmem:$0x14800] =	vst v63  }
0x54: {  	_ =	swait.ge [sflag:s31], $0x2800  }
0x55: {  	[sflag:s31] =	ssyncset.done $0x0  }
0x56: {  	[sflag:s31] =	ssyncadd.s32 $0xFFFFD800  }
0x57: {  	_ =	swait.ge [sflag:s19], $0x2800  }
0x58: {  	[sflag:s19] =	ssyncset.done $0x0  }
0x59: {  	s20 =	simm.s32 $0x580;
	[sflag:s19] =	ssyncadd.s32 $0xFFFFD800  }
0x5a: {  	[spmem:s5] =	stream.indirect.scatter.add.f32 [tilespmem:s12], [sflag:$0xD], $0x80, s20, s1, $0xb8;
	[tilespmem:$0x14800] =	vst v63  }
0x5b: {  	_ =	swait.ge [sflag:s31], $0x2800  }
0x5c: {  	[sflag:s31] =	ssyncset.done $0x0  }
0x5d: {  	[sflag:s31] =	ssyncadd.s32 $0xFFFFD800  }
0x5e: {  	_ =	swait.ge [sflag:s13], $0x2800  }
0x5f: {  	[sflag:s13] =	ssyncset.done $0x0  }
0x60: {  	s28 =	simm.s32 $0x600;
	[sflag:s13] =	ssyncadd.s32 $0xFFFFD800  }
0x61: {  	[spmem:s5] =	stream.indirect.scatter.add.f32 [tilespmem:s30], [sflag:$0xD], $0x80, s28, s1, $0xb8;
	[tilespmem:$0x14800] =	vst v63  }
0x62: {  	_ =	swait.ge [sflag:s31], $0x2800  }
0x63: {  	[sflag:s31] =	ssyncset.done $0x0  }
0x64: {  	[sflag:s31] =	ssyncadd.s32 $0xFFFFD800  }
0x65: {  	s22 =	stileid.u32;
	[bflag:$0x0] =	sbarrier.arrive $0xFFFF  }
0x66: {  	s3 =	sshll.u32 s22, $0x6;
	s22 =	rddreg [dreg:$0x1a]  }
0x67: {  	s3 =	sor.u32 $0x1C0D, s3;
	s23 =	rddreg [dreg:$0xc];
	s22 =	sshrl.u32 s22, $0x3  }
0x68: {  	[hbm:s23], [sflag:s3] =	dma.local [spmem:s22], $0x500  }
0x69: {  	_ =	swait.ge [sflag:s31], $0x500  }
0x6a: {  	[sflag:s31] =	ssyncset.done $0x0;
	s23 =	rddreg [dreg:$0x1b]  }
0x6b: {  	[sflag:s31] =	ssyncadd.s32 $0xFFFFFB00;
	s22 =	sshrl.u32 s23, $0x3;
	s23 =	rddreg [dreg:$0xd]  }
0x6c: {  	[hbm:s23], [sflag:s3] =	dma.local [spmem:s22], $0x500  }
0x6d: {  	_ =	swait.ge [sflag:s31], $0x500  }
0x6e: {  	[sflag:s31] =	ssyncset.done $0x0;
	s23 =	rddreg [dreg:$0x1c]  }
0x6f: {  	[sflag:s31] =	ssyncadd.s32 $0xFFFFFB00;
	s22 =	sshrl.u32 s23, $0x3;
	s23 =	rddreg [dreg:$0xe]  }
0x70: {  	[hbm:s23], [sflag:s3] =	dma.local [spmem:s22], $0x500  }
0x71: {  	_ =	swait.ge [sflag:s31], $0x500  }
0x72: {  	[sflag:s31] =	ssyncset.done $0x0;
	s23 =	rddreg [dreg:$0x1d]  }
0x73: {  	[sflag:s31] =	ssyncadd.s32 $0xFFFFFB00;
	s22 =	sshrl.u32 s23, $0x3;
	s23 =	rddreg [dreg:$0xf]  }
0x74: {  	[hbm:s23], [sflag:s3] =	dma.local [spmem:s22], $0x500  }
0x75: {  	_ =	swait.ge [sflag:s31], $0x500  }
0x76: {  	s29 =	sld [smem:$0x7FD];
	_ =	sdelay $0x2  }
0x77: {  	s3 =	rddreg [dreg:$0x1e];
	s29 =	sadd.s32 $0x1, s29  }
0x78: {  	p0 =	sne.s32 s29, s3  }
.Ltmp1:
0x79: {  	_ = 	snop;
	(pc) =	sbr.rel @!p0 .LBB2_7-.Ltmp1, $3  }
0x7a: {  	_ =	sdelay $0x1  }
0x7b: {  	s23 =	simm.s32 $0x480;
	s22 =	simm.s32 $0x400;
	[sflag:s31] =	ssyncset.done $0x0  }
0x7c: {  	[sflag:s31] =	ssyncadd.s32 $0xFFFFFB00;
	[smem:$0x7FD] =	sst s29;
	s29 =	simm.s32 $0x200  }
.LBB2_1:
0x7d: {  	s3 =	rddreg [dreg:$0x14]  }
0x7e: {  	[tilespmem:s6], [sflag:$0x1] =	stream.linear.gather [hbm4b:s3+s6], $0x50, $0x38;
	[tilespmem:$0x14800] =	vst v63  }
0x7f: {  	s3 =	rddreg [dreg:$0x15]  }
0x80: {  	[tilespmem:s22], [sflag:$0x1] =	stream.linear.gather [hbm4b:s3+s6], $0x50, $0x38;
	[tilespmem:$0x14800] =	vst v63  }
0x81: {  	s22 =	rddreg [dreg:$0x6]  }
0x82: {  	[tilespmem:s25], [sflag:$0x2] =	stream.linear.gather [hbm4b:s22+s6], $0x50, $0x38;
	[tilespmem:$0x14800] =	vst v63  }
0x83: {  	s22 =	rddreg [dreg:$0x7]  }
0x84: {  	[tilespmem:s23], [sflag:$0x2] =	stream.linear.gather [hbm4b:s22+s6], $0x50, $0x38;
	[tilespmem:$0x14800] =	vst v63  }
0x85: {  	s23 =	rddreg [dreg:$0x8]  }
0x86: {  	s22 =	rddreg [dreg:$0x9]  }
0x87: {  	[tilespmem:s26], [sflag:$0x3] =	stream.linear.gather [hbm4b:s23+s6], $0x50, $0x38;
	[tilespmem:$0x14800] =	vst v63  }
0x88: {  	s23 =	rddreg [dreg:$0xa]  }
0x89: {  	[tilespmem:s4], [sflag:$0x3] =	stream.linear.gather [hbm4b:s22+s6], $0x50, $0x38;
	[tilespmem:$0x14800] =	vst v63  }
0x8a: {  	s22 =	rddreg [dreg:$0xb]  }
0x8b: {  	[tilespmem:s24], [sflag:$0x4] =	stream.linear.gather [hbm4b:s23+s6], $0x50, $0x38;
	[tilespmem:$0x14800] =	vst v63  }
0x8c: {  	s23 =	rddreg [dreg:$0x10]  }
0x8d: {  	[tilespmem:s20], [sflag:$0x4] =	stream.linear.gather [hbm4b:s22+s6], $0x50, $0x38;
	[tilespmem:$0x14800] =	vst v63  }
0x8e: {  	s22 =	rddreg [dreg:$0x12]  }
0x8f: {  	[tilespmem:s29], [sflag:$0x5] =	stream.linear.gather [hbm4b:s23+s6], $0x50, $0x38;
	[tilespmem:$0x14800] =	vst v63  }
0x90: {  	s29 =	rddreg [dreg:$0x11]  }
0x91: {  	[tilespmem:s28], [sflag:$0x5] =	stream.linear.gather [hbm4b:s29+s6], $0x50, $0x38;
	[tilespmem:$0x14800] =	vst v63  }
0x92: {  	s23 =	simm.s32 $0x280;
	s28 =	rddreg [dreg:$0x13]  }
0x93: {  	[tilespmem:s23], [sflag:$0x6] =	stream.linear.gather [hbm4b:s22+s6], $0x50, $0x38;
	[tilespmem:$0x14800] =	vst v63  }
0x94: {  	s29 =	simm.s32 $0x680;
	s22 =	rddreg [dreg:$0x16]  }
0x95: {  	[tilespmem:s29], [sflag:$0x6] =	stream.linear.gather [hbm4b:s28+s6], $0x50, $0x38;
	[tilespmem:$0x14800] =	vst v63  }
0x96: {  	s23 =	simm.s32 $0x300;
	s28 =	rddreg [dreg:$0x17]  }
0x97: {  	[tilespmem:s23], [sflag:$0x7] =	stream.linear.gather [hbm4b:s22+s6], $0x50, $0x38;
	[tilespmem:$0x14800] =	vst v63  }
0x98: {  	s29 =	simm.s32 $0x700;
	s22 =	rddreg [dreg:$0x18]  }
0x99: {  	[tilespmem:s29], [sflag:$0x7] =	stream.linear.gather [hbm4b:s28+s6], $0x50, $0x38;
	[tilespmem:$0x14800] =	vst v63  }
0x9a: {  	s3 =	simm.s32 $0x0;
	s23 =	simm.s32 $0x380;
	s28 =	rddreg [dreg:$0x19]  }
0x9b: {  	[tilespmem:s23], [sflag:$0x8] =	stream.linear.gather [hbm4b:s22+s6], $0x50, $0x38;
	[tilespmem:$0x14800] =	vst v63  }
0x9c: {  	s29 =	simm.s32 $0x780;
	s22 =	simm.s32 $0x200;
	s23 =	simm.s32 $0x200  }
0x9d: {  	[tilespmem:s29], [sflag:$0x8] =	stream.linear.gather [hbm4b:s28+s6], $0x50, $0x38;
	[tilespmem:$0x14800] =	vst v63  }
.LBB2_2:
0x9e: {  	p0 =	sne.s32 s22, $0x9E00;
	[tilespmem:s3+$0x870] =	vst v0  }
0x9f: {  	[tilespmem:s3+$0x800] =	vst v0  }
0xa0: {  	[tilespmem:s3+$0x810] =	vst v0  }
.Ltmp2:
0xa1: {  	[tilespmem:s3+$0x820] =	vst v0;
	(pc) =	sbr.rel @p0 .LBB2_2-.Ltmp2, $4  }
0xa2: {  	[tilespmem:s3+$0x830] =	vst v0  }
0xa3: {  	[tilespmem:s3+$0x840] =	vst v0  }
0xa4: {  	[tilespmem:s3+$0x850] =	vst v0  }
0xa5: {  	[tilespmem:s3+$0x860] =	vst v0;
	s3 =	sshra.s32 s22, $0x2;
	s22 =	sadd.s32 $0x200, s22  }
0xa6: {  	[tilespmem:s3+$0x870] =	vst v0  }
0xa7: {  	[tilespmem:s3+$0x800] =	vst v0  }
0xa8: {  	[tilespmem:s3+$0x810] =	vst v0  }
0xa9: {  	[tilespmem:s3+$0x820] =	vst v0  }
0xaa: {  	[tilespmem:s3+$0x830] =	vst v0  }
0xab: {  	[tilespmem:s3+$0x840] =	vst v0  }
0xac: {  	[tilespmem:s3+$0x850] =	vst v0  }
0xad: {  	[tilespmem:s3+$0x860] =	vst v0;
	s22 =	rddreg [dreg:$0x1a]  }
0xae: {  	[spmem:s22] =	stream.linear.scatter [tilespmem:s30], [sflag:$0xD], $0x2800, $0x38;
	[tilespmem:$0x14800] =	vst v63  }
0xaf: {  	_ =	swait.ge [sflag:s31], $0x2800  }
0xb0: {  	[sflag:s31] =	ssyncset.done $0x0  }
0xb1: {  	s29 =	rddreg [dreg:$0x1b];
	[sflag:s31] =	ssyncadd.s32 $0xFFFFD800  }
0xb2: {  	[spmem:s29] =	stream.linear.scatter [tilespmem:s30], [sflag:$0xD], $0x2800, $0x38;
	[tilespmem:$0x14800] =	vst v63  }
0xb3: {  	_ =	swait.ge [sflag:s31], $0x2800  }
0xb4: {  	[sflag:s31] =	ssyncset.done $0x0  }
0xb5: {  	s22 =	rddreg [dreg:$0x1c];
	[sflag:s31] =	ssyncadd.s32 $0xFFFFD800  }
0xb6: {  	[spmem:s22] =	stream.linear.scatter [tilespmem:s30], [sflag:$0xD], $0x2800, $0x38;
	[tilespmem:$0x14800] =	vst v63  }
0xb7: {  	_ =	swait.ge [sflag:s31], $0x2800  }
0xb8: {  	[sflag:s31] =	ssyncset.done $0x0  }
0xb9: {  	s29 =	rddreg [dreg:$0x1d];
	[sflag:s31] =	ssyncadd.s32 $0xFFFFD800  }
0xba: {  	[spmem:s29] =	stream.linear.scatter [tilespmem:s30], [sflag:$0xD], $0x2800, $0x38;
	[tilespmem:$0x14800] =	vst v63  }
0xbb: {  	_ =	swait.ge [sflag:s31], $0x2800  }
0xbc: {  	[sflag:s31] =	ssyncset.done $0x0  }
0xbd: {  	[sflag:s31] =	ssyncadd.s32 $0xFFFFD800  }
0xbe: {  	[bflag:$0x0] =	sbarrier.arrive $0xFFFF  }
0xbf: {  	_ =	swait.ge [sflag:s2], $0x50  }
0xc0: {  	[sflag:s2] =	ssyncset.done $0x0  }
0xc1: {  	[sflag:s2] =	ssyncadd.s32 $0xFFFFFFB0  }
0xc2: {  	_ =	swait.ge [sflag:s2], $0x50  }
0xc3: {  	[sflag:s2] =	ssyncset.done $0x0  }
0xc4: {  	s22 =	simm.s32 $0x0;
	[sflag:s2] =	ssyncadd.s32 $0xFFFFFFB0  }
0xc5: {  	[tilespmem:s30], [sflag:$0x9] =	stream.indirect.gather [hbm4b:s0+s1], $0x80, s22, s1, $0xb8;
	[tilespmem:$0x14800] =	vst v63  }
0xc6: {  	_ =	swait.ge [sflag:s7], $0x50  }
0xc7: {  	[sflag:s7] =	ssyncset.done $0x0  }
0xc8: {  	[sflag:s7] =	ssyncadd.s32 $0xFFFFFFB0  }
0xc9: {  	_ =	swait.ge [sflag:s7], $0x50  }
0xca: {  	[sflag:s7] =	ssyncset.done $0x0  }
0xcb: {  	[sflag:s7] =	ssyncadd.s32 $0xFFFFFFB0  }
0xcc: {  	[tilespmem:s8], [sflag:$0xA] =	stream.indirect.gather [hbm4b:s0+s1], $0x80, s25, s1, $0xb8;
	[tilespmem:$0x14800] =	vst v63  }
0xcd: {  	_ =	swait.ge [sflag:s9], $0x50  }
0xce: {  	[sflag:s9] =	ssyncset.done $0x0  }
0xcf: {  	[sflag:s9] =	ssyncadd.s32 $0xFFFFFFB0  }
0xd0: {  	_ =	swait.ge [sflag:s9], $0x50  }
0xd1: {  	[sflag:s9] =	ssyncset.done $0x0  }
0xd2: {  	[sflag:s9] =	ssyncadd.s32 $0xFFFFFFB0  }
0xd3: {  	[tilespmem:s10], [sflag:$0xB] =	stream.indirect.gather [hbm4b:s0+s1], $0x80, s26, s1, $0xb8;
	[tilespmem:$0x14800] =	vst v63  }
0xd4: {  	_ =	swait.ge [sflag:s11], $0x50  }
0xd5: {  	[sflag:s11] =	ssyncset.done $0x0  }
0xd6: {  	[sflag:s11] =	ssyncadd.s32 $0xFFFFFFB0  }
0xd7: {  	_ =	swait.ge [sflag:s11], $0x50  }
0xd8: {  	[sflag:s11] =	ssyncset.done $0x0  }
0xd9: {  	s28 =	simm.s32 $0x780;
	s3 =	sld [smem:$0x7FC];
	[sflag:s11] =	ssyncadd.s32 $0xFFFFFFB0  }
0xda: {  	[tilespmem:s12], [sflag:$0xC] =	stream.indirect.gather [hbm4b:s0+s1], $0x80, s24, s1, $0xb8;
	[tilespmem:$0x14800] =	vst v63  }
.LBB2_4:
0xdb: {  	_ =	swait.ge [sflag:s13], $0x2800  }
0xdc: {  	[sflag:s13] =	ssyncset.done $0x0  }
0xdd: {  	s25 =	simm.s32 $0x400;
	[sflag:s13] =	ssyncadd.s32 $0xFFFFD800  }
0xde: {  	[spmem:s5] =	stream.indirect.scatter.add.f32 [tilespmem:s30], [sflag:$0xD], $0x80, s25, s1, $0xb8;
	[tilespmem:$0x14800] =	vst v63  }
0xdf: {  	_ =	swait.ge [sflag:s31], $0x2800  }
0xe0: {  	[sflag:s31] =	ssyncset.done $0x0  }
0xe1: {  	[sflag:s31] =	ssyncadd.s32 $0xFFFFD800  }
0xe2: {  	_ =	swait.ge [sflag:s14], $0x50  }
0xe3: {  	[sflag:s14] =	ssyncset.done $0x0  }
0xe4: {  	[sflag:s14] =	ssyncadd.s32 $0xFFFFFFB0  }
0xe5: {  	_ =	swait.ge [sflag:s14], $0x50  }
0xe6: {  	[sflag:s14] =	ssyncset.done $0x0  }
0xe7: {  	[sflag:s14] =	ssyncadd.s32 $0xFFFFFFB0  }
0xe8: {  	[tilespmem:s30], [sflag:$0x9] =	stream.indirect.gather [hbm4b:s0+s1], $0x80, s23, s1, $0xb8;
	[tilespmem:$0x14800] =	vst v63  }
0xe9: {  	s23 =	sshrl.u32 s3, $0x3;
	s24 =	rddreg [dreg:$0x1]  }
0xea: {  	s29 =	sadd.s32 s24, s23  }
0xeb: {  	[tilespmem:s6], [sflag:$0x1] =	stream.linear.gather [hbm4b:s29+s6], $0x50, $0x38;
	[tilespmem:$0x14800] =	vst v63  }
0xec: {  	s29 =	rddreg [dreg:$0x2]  }
0xed: {  	s23 =	sadd.s32 s29, s23  }
0xee: {  	[tilespmem:s25], [sflag:$0x1] =	stream.linear.gather [hbm4b:s23+s6], $0x50, $0x38;
	[tilespmem:$0x14800] =	vst v63  }
0xef: {  	_ =	swait.ge [sflag:s15], $0x2800  }
0xf0: {  	[sflag:s15] =	ssyncset.done $0x0  }
0xf1: {  	s25 =	simm.s32 $0x480;
	[sflag:s15] =	ssyncadd.s32 $0xFFFFD800  }
0xf2: {  	[spmem:s5] =	stream.indirect.scatter.add.f32 [tilespmem:s8], [sflag:$0xD], $0x80, s25, s1, $0xb8;
	[tilespmem:$0x14800] =	vst v63  }
0xf3: {  	_ =	swait.ge [sflag:s31], $0x2800  }
0xf4: {  	[sflag:s31] =	ssyncset.done $0x0  }
0xf5: {  	[sflag:s31] =	ssyncadd.s32 $0xFFFFD800  }
0xf6: {  	_ =	swait.ge [sflag:s16], $0x50  }
0xf7: {  	[sflag:s16] =	ssyncset.done $0x0  }
0xf8: {  	[sflag:s16] =	ssyncadd.s32 $0xFFFFFFB0  }
0xf9: {  	_ =	swait.ge [sflag:s16], $0x50  }
0xfa: {  	[sflag:s16] =	ssyncset.done $0x0  }
0xfb: {  	s29 =	simm.s32 $0x280;
	s24 =	sld [smem:$0x7FB];
	[sflag:s16] =	ssyncadd.s32 $0xFFFFFFB0  }
0xfc: {  	[tilespmem:s8], [sflag:$0xA] =	stream.indirect.gather [hbm4b:s0+s1], $0x80, s29, s1, $0xb8;
	[tilespmem:$0x14800] =	vst v63  }
0xfd: {  	s29 =	sld [smem:$0x7FA]  }
0xfe: {  	s23 =	sadd.s32 s22, s24;
	s24 =	simm.s32 $0x80  }
0xff: {  	[tilespmem:s24], [sflag:$0x2] =	stream.linear.gather [hbm4b:s23+s6], $0x50, $0x38;
	[tilespmem:$0x14800] =	vst v63  }
0x100: {  	s23 =	sadd.s32 s22, s29  }
0x101: {  	[tilespmem:s25], [sflag:$0x2] =	stream.linear.gather [hbm4b:s23+s6], $0x50, $0x38;
	[tilespmem:$0x14800] =	vst v63  }
0x102: {  	_ =	swait.ge [sflag:s17], $0x2800  }
0x103: {  	[sflag:s17] =	ssyncset.done $0x0  }
0x104: {  	[sflag:s17] =	ssyncadd.s32 $0xFFFFD800  }
0x105: {  	[spmem:s5] =	stream.indirect.scatter.add.f32 [tilespmem:s10], [sflag:$0xD], $0x80, s4, s1, $0xb8;
	[tilespmem:$0x14800] =	vst v63  }
0x106: {  	_ =	swait.ge [sflag:s31], $0x2800  }
0x107: {  	[sflag:s31] =	ssyncset.done $0x0  }
0x108: {  	[sflag:s31] =	ssyncadd.s32 $0xFFFFD800  }
0x109: {  	_ =	swait.ge [sflag:s18], $0x50  }
0x10a: {  	[sflag:s18] =	ssyncset.done $0x0  }
0x10b: {  	[sflag:s18] =	ssyncadd.s32 $0xFFFFFFB0  }
0x10c: {  	_ =	swait.ge [sflag:s18], $0x50  }
0x10d: {  	[sflag:s18] =	ssyncset.done $0x0;
	s25 =	sld [smem:$0x7F9]  }
0x10e: {  	s23 =	simm.s32 $0x300;
	s29 =	sld [smem:$0x7F8];
	[sflag:s18] =	ssyncadd.s32 $0xFFFFFFB0  }
0x10f: {  	[tilespmem:s10], [sflag:$0xB] =	stream.indirect.gather [hbm4b:s0+s1], $0x80, s23, s1, $0xb8;
	[tilespmem:$0x14800] =	vst v63  }
0x110: {  	s4 =	simm.s32 $0x100;
	s23 =	sadd.s32 s22, s25  }
0x111: {  	[tilespmem:s4], [sflag:$0x3] =	stream.linear.gather [hbm4b:s23+s6], $0x50, $0x38;
	[tilespmem:$0x14800] =	vst v63  }
0x112: {  	s25 =	simm.s32 $0x500;
	s23 =	sadd.s32 s22, s29  }
0x113: {  	[tilespmem:s25], [sflag:$0x3] =	stream.linear.gather [hbm4b:s23+s6], $0x50, $0x38;
	[tilespmem:$0x14800] =	vst v63  }
0x114: {  	_ =	swait.ge [sflag:s19], $0x2800  }
0x115: {  	[sflag:s19] =	ssyncset.done $0x0  }
0x116: {  	[sflag:s19] =	ssyncadd.s32 $0xFFFFD800  }
0x117: {  	[spmem:s5] =	stream.indirect.scatter.add.f32 [tilespmem:s12], [sflag:$0xD], $0x80, s20, s1, $0xb8;
	[tilespmem:$0x14800] =	vst v63  }
0x118: {  	_ =	swait.ge [sflag:s31], $0x2800  }
0x119: {  	[sflag:s31] =	ssyncset.done $0x0  }
0x11a: {  	[sflag:s31] =	ssyncadd.s32 $0xFFFFD800  }
0x11b: {  	_ =	swait.ge [sflag:s21], $0x50  }
0x11c: {  	[sflag:s21] =	ssyncset.done $0x0  }
0x11d: {  	[sflag:s21] =	ssyncadd.s32 $0xFFFFFFB0  }
0x11e: {  	_ =	swait.ge [sflag:s21], $0x50  }
0x11f: {  	[sflag:s21] =	ssyncset.done $0x0;
	s25 =	sld [smem:$0x7F7]  }
0x120: {  	s23 =	simm.s32 $0x380;
	s29 =	sld [smem:$0x7F6];
	[sflag:s21] =	ssyncadd.s32 $0xFFFFFFB0  }
0x121: {  	[tilespmem:s12], [sflag:$0xC] =	stream.indirect.gather [hbm4b:s0+s1], $0x80, s23, s1, $0xb8;
	[tilespmem:$0x14800] =	vst v63  }
0x122: {  	s20 =	simm.s32 $0x180;
	s23 =	sadd.s32 s22, s25  }
0x123: {  	[tilespmem:s20], [sflag:$0x4] =	stream.linear.gather [hbm4b:s23+s6], $0x50, $0x38;
	[tilespmem:$0x14800] =	vst v63  }
0x124: {  	s25 =	simm.s32 $0x580;
	s23 =	sadd.s32 s22, s29  }
0x125: {  	[tilespmem:s25], [sflag:$0x4] =	stream.linear.gather [hbm4b:s23+s6], $0x50, $0x38;
	[tilespmem:$0x14800] =	vst v63  }
0x126: {  	_ =	swait.ge [sflag:s13], $0x2800  }
0x127: {  	[sflag:s13] =	ssyncset.done $0x0  }
0x128: {  	s25 =	simm.s32 $0x600;
	[sflag:s13] =	ssyncadd.s32 $0xFFFFD800  }
0x129: {  	[spmem:s5] =	stream.indirect.scatter.add.f32 [tilespmem:s30], [sflag:$0xD], $0x80, s25, s1, $0xb8;
	[tilespmem:$0x14800] =	vst v63  }
0x12a: {  	_ =	swait.ge [sflag:s31], $0x2800  }
0x12b: {  	[sflag:s31] =	ssyncset.done $0x0  }
0x12c: {  	[sflag:s31] =	ssyncadd.s32 $0xFFFFD800  }
0x12d: {  	_ =	swait.ge [sflag:s2], $0x50  }
0x12e: {  	[sflag:s2] =	ssyncset.done $0x0  }
0x12f: {  	[sflag:s2] =	ssyncadd.s32 $0xFFFFFFB0  }
0x130: {  	_ =	swait.ge [sflag:s2], $0x50  }
0x131: {  	[sflag:s2] =	ssyncset.done $0x0;
	s29 =	sld [smem:$0x7F5]  }
0x132: {  	[sflag:s2] =	ssyncadd.s32 $0xFFFFFFB0  }
0x133: {  	[tilespmem:s30], [sflag:$0x9] =	stream.indirect.gather [hbm4b:s0+s1], $0x80, s6, s1, $0xb8;
	[tilespmem:$0x14800] =	vst v63  }
0x134: {  	s23 =	sadd.s32 s22, s29;
	s29 =	sld [smem:$0x7F4]  }
0x135: {  	s26 =	simm.s32 $0x200  }
0x136: {  	[tilespmem:s26], [sflag:$0x5] =	stream.linear.gather [hbm4b:s23+s6], $0x50, $0x38;
	[tilespmem:$0x14800] =	vst v63  }
0x137: {  	s23 =	sadd.s32 s22, s29  }
0x138: {  	[tilespmem:s25], [sflag:$0x5] =	stream.linear.gather [hbm4b:s23+s6], $0x50, $0x38;
	[tilespmem:$0x14800] =	vst v63  }
0x139: {  	_ =	swait.ge [sflag:s15], $0x2800  }
0x13a: {  	[sflag:s15] =	ssyncset.done $0x0  }
0x13b: {  	s25 =	simm.s32 $0x680;
	[sflag:s15] =	ssyncadd.s32 $0xFFFFD800  }
0x13c: {  	[spmem:s5] =	stream.indirect.scatter.add.f32 [tilespmem:s8], [sflag:$0xD], $0x80, s25, s1, $0xb8;
	[tilespmem:$0x14800] =	vst v63  }
0x13d: {  	_ =	swait.ge [sflag:s31], $0x2800  }
0x13e: {  	[sflag:s31] =	ssyncset.done $0x0  }
0x13f: {  	[sflag:s31] =	ssyncadd.s32 $0xFFFFD800  }
0x140: {  	_ =	swait.ge [sflag:s7], $0x50  }
0x141: {  	[sflag:s7] =	ssyncset.done $0x0  }
0x142: {  	[sflag:s7] =	ssyncadd.s32 $0xFFFFFFB0  }
0x143: {  	_ =	swait.ge [sflag:s7], $0x50  }
0x144: {  	[sflag:s7] =	ssyncset.done $0x0;
	s23 =	sld [smem:$0x7F3]  }
0x145: {  	p0 =	seq.s32 s22, $0x460;
	[sflag:s7] =	ssyncadd.s32 $0xFFFFFFB0  }
0x146: {  	[tilespmem:s8], [sflag:$0xA] =	stream.indirect.gather [hbm4b:s0+s1], $0x80, s24, s1, $0xb8;
	[tilespmem:$0x14800] =	vst v63  }
0x147: {  	s29 =	simm.s32 @!p0 $0x0;
	s24 =	simm.s32 @!p0 $0x280;
	s23 =	sadd.s32 @!p0 s22, s23  }
0x148: {  	[tilespmem:s24], [sflag:$0x6] =	stream.linear.gather @!p0 [hbm4b:s23+s29], $0x50, $0x38;
	[tilespmem:$0x14800] =	vst v63  }
0x149: {  	s23 =	sld [smem:$0x7F2];
	_ =	sdelay $0x2  }
0x14a: {  	s24 =	simm.s32 @!p0 $0x680;
	s23 =	sadd.s32 @!p0 s22, s23  }
0x14b: {  	[tilespmem:s24], [sflag:$0x6] =	stream.linear.gather @!p0 [hbm4b:s23+s29], $0x50, $0x38;
	[tilespmem:$0x14800] =	vst v63  }
0x14c: {  	_ =	swait.ge [sflag:s17], $0x2800  }
0x14d: {  	[sflag:s17] =	ssyncset.done $0x0  }
0x14e: {  	s26 =	simm.s32 $0x700;
	[sflag:s17] =	ssyncadd.s32 $0xFFFFD800  }
0x14f: {  	[spmem:s5] =	stream.indirect.scatter.add.f32 [tilespmem:s10], [sflag:$0xD], $0x80, s26, s1, $0xb8;
	[tilespmem:$0x14800] =	vst v63  }
0x150: {  	_ =	swait.ge [sflag:s31], $0x2800  }
0x151: {  	[sflag:s31] =	ssyncset.done $0x0  }
0x152: {  	[sflag:s31] =	ssyncadd.s32 $0xFFFFD800  }
0x153: {  	_ =	swait.ge [sflag:s9], $0x50  }
0x154: {  	[sflag:s9] =	ssyncset.done $0x0  }
0x155: {  	[sflag:s9] =	ssyncadd.s32 $0xFFFFFFB0  }
0x156: {  	_ =	swait.ge [sflag:s9], $0x50  }
0x157: {  	[sflag:s9] =	ssyncset.done $0x0;
	s23 =	sld [smem:$0x7F1]  }
0x158: {  	[sflag:s9] =	ssyncadd.s32 $0xFFFFFFB0  }
0x159: {  	[tilespmem:s10], [sflag:$0xB] =	stream.indirect.gather [hbm4b:s0+s1], $0x80, s4, s1, $0xb8;
	[tilespmem:$0x14800] =	vst v63  }
0x15a: {  	s24 =	simm.s32 @!p0 $0x300;
	s23 =	sadd.s32 @!p0 s22, s23  }
0x15b: {  	[tilespmem:s24], [sflag:$0x7] =	stream.linear.gather @!p0 [hbm4b:s23+s29], $0x50, $0x38;
	[tilespmem:$0x14800] =	vst v63  }
0x15c: {  	s23 =	sld [smem:$0x7F0];
	_ =	sdelay $0x2  }
0x15d: {  	s24 =	simm.s32 @!p0 $0x700;
	s23 =	sadd.s32 @!p0 s22, s23  }
0x15e: {  	[tilespmem:s24], [sflag:$0x7] =	stream.linear.gather @!p0 [hbm4b:s23+s29], $0x50, $0x38;
	[tilespmem:$0x14800] =	vst v63  }
0x15f: {  	_ =	swait.ge [sflag:s19], $0x2800  }
0x160: {  	[sflag:s19] =	ssyncset.done $0x0  }
0x161: {  	[sflag:s19] =	ssyncadd.s32 $0xFFFFD800  }
0x162: {  	[spmem:s5] =	stream.indirect.scatter.add.f32 [tilespmem:s12], [sflag:$0xD], $0x80, s28, s1, $0xb8;
	[tilespmem:$0x14800] =	vst v63  }
0x163: {  	_ =	swait.ge [sflag:s31], $0x2800  }
0x164: {  	[sflag:s31] =	ssyncset.done $0x0  }
0x165: {  	[sflag:s31] =	ssyncadd.s32 $0xFFFFD800  }
0x166: {  	_ =	swait.ge [sflag:s11], $0x50  }
0x167: {  	[sflag:s11] =	ssyncset.done $0x0  }
.Ltmp3:
0x168: {  	[sflag:s11] =	ssyncadd.s32 $0xFFFFFFB0;
	(pc) =	sbr.rel @p0 .LBB2_6-.Ltmp3, $4  }
0x169: {  	_ =	swait.ge [sflag:s11], $0x50  }
0x16a: {  	s25 =	simm.s32 $0x80;
	s26 =	simm.s32 $0x100;
	[sflag:s11] =	ssyncset.done $0x0  }
0x16b: {  	s4 =	simm.s32 $0x780;
	s24 =	simm.s32 $0x180;
	[sflag:s11] =	ssyncadd.s32 $0xFFFFFFB0  }
0x16c: {  	[tilespmem:s12], [sflag:$0xC] =	stream.indirect.gather [hbm4b:s0+s1], $0x80, s20, s1, $0xb8;
	[tilespmem:$0x14800] =	vst v63  }
0x16d: {  	s23 =	sld [smem:$0x7EF];
	_ =	sdelay $0x1  }
0x16e: {  	s20 =	simm.s32 $0x380;
	s29 =	rddreg [dreg:$0x1f]  }
.Ltmp4:
0x16f: {  	s3 =	sadd.s32 $0x280, s3;
	s23 =	sadd.s32 s22, s23;
	(pc) =	sbr.rel .LBB2_4-.Ltmp4, $4  }
0x170: {  	[tilespmem:s20], [sflag:$0x8] =	stream.linear.gather [hbm4b:s23+s6], $0x50, $0x38;
	[tilespmem:$0x14800] =	vst v63  }
0x171: {  	s28 =	simm.s32 $0x780;
	s23 =	sadd.s32 s22, s29;
	s22 =	sadd.s32 $0x50, s22  }
0x172: {  	[tilespmem:s4], [sflag:$0x8] =	stream.linear.gather [hbm4b:s23+s6], $0x50, $0x38;
	[tilespmem:$0x14800] =	vst v63  }
0x173: {  	s20 =	simm.s32 $0x580;
	s4 =	simm.s32 $0x500;
	s23 =	simm.s32 $0x200  }
.LBB2_7:
0x174: {  	_ =	sfence.sel $0x180000  }
0x175: {  	[bflag:$0x0] =	sbarrier.arrive $0xFFFF  }
0x176: {  	_ =	strace $0x9000004A  }
0x177: {  	s0 =	stileid.u32;
	[bflag:$0x2] =	sbarrier.arrive $0xFFFF  }
0x178: {  	p0 =	sne.s32 s0, $0x0;
	s0 =	rddreg [dreg:$0x5]  }
0x179: {  	s0 =	sadd.s32 @!p0 $0x100000, s0  }
0x17a: {  	[sflag:s0] =	ssyncadd.tile.s32 @!p0 $0x1;
	_ =	shalt  }
.Lfunc_end2:
_tile_overlayer_lowered:
.L_overlay_start_2:
0x17b: {  	(tag) =	ssettag $0x2  }
0x17c: {  	s0 =	rddreg [dreg:$0x0];
	s2 =	stileid.u32  }
0x17d: {  	s1 =	rddreg [dreg:$0x1];
	p0 =	sne.s32 s2, $0x0  }
0x17e: {  	s3 =	rddreg [dreg:$0x2];
	[bflag:$0x3] =	sbarrier.arrive $0xFFFF;
	s2 =	simm.s32 @!p0 $0x1C0D  }
0x17f: {  	[timem:s3], [sflag:s2] =	dma.local @!p0 [hbm:s0], s1  }
0x180: {  	s0 =	simm.s32 @!p0 $0xD  }
0x181: {  	_ =	swait.ge @!p0 [sflag:s0], s1  }
0x182: {  	s1 =	ssub.s32 @!p0 $0x0, s1;
	[sflag:s0] =	ssyncset.done @!p0 $0x0  }
0x183: {  	[sflag:s0] =	ssyncadd.s32 @!p0 s1  }
0x184: {  	[bflag:$0x3] =	sbarrier.arrive $0xFFFF  }
0x185: {  	_ =	shalt  }

// kernel: _run.14.cloned.1.call-start
scs
__scs_entry_jumppad:
0x0: {  	(pc) =	sbr.rel $0x88, $3  }
0x1: {  	(tag) =	ssettag $0x0;
	lr =	simm.s32 $0x1  }
0x2: {  	[smem:$0x3F9C] =	sst lr;
	_ =	strace $0xD0000000  }
0x3: {  	_ = 	snop  }
0x4: {  	_ = 	snop  }
0x5: {  	_ = 	snop  }
0x6: {  	_ = 	snop  }
0x7: {  	_ = 	snop  }
__scs_overlays_trampoline_lowered:
0x8: {  	[smem:$0x3FAB] =	sst s0  }
0x9: {  	[smem:$0x3FAC] =	sst s1  }
0xa: {  	[smem:$0x3FAD] =	sst s2  }
0xb: {  	[smem:$0x3FAE] =	sst s3  }
0xc: {  	[smem:$0x3FAF] =	sst s4  }
0xd: {  	[smem:$0x3FB0] =	sst s5  }
0xe: {  	[smem:$0x3FB1] =	sst s6  }
0xf: {  	[smem:$0x3FB2] =	sst s7  }
0x10: {  	[smem:$0x3FB3] =	sst s8  }
0x11: {  	[smem:$0x3FB4] =	sst s9;
	s0 =	simm.s32 @!p0 $0x0  }
0x12: {  	s1 =	sld [smem:$0x3F9A];
	s0 =	simm.s32 @p0 $0x1  }
0x13: {  	[smem:$0x3FB5] =	sst s0;
	s0 =	simm.s32 @!p1 $0x0  }
0x14: {  	s2 =	sld [smem:$0x3F99];
	s0 =	simm.s32 @p1 $0x1  }
0x15: {  	[smem:$0x3FB6] =	sst s0;
	s0 =	simm.s32 @!p2 $0x0  }
0x16: {  	s3 =	sld [smem:$0x3FDB];
	s0 =	simm.s32 @p2 $0x1  }
0x17: {  	s4 =	simm.s32 $0x1BF5;
	[smem:$0x3FB8] =	sst s0  }
0x18: {  	s0 =	sld [smem:$0x3F9B];
	_ =	swait.ge [sflag:s4], $0x0  }
0x19: {  	s7 =	sld [smem:$0x3F9C]  }
0x1a: {  	s8 =	sadd.s32 $0xFFFFE003, lr  }
0x1b: {  	s9 =	sadd.s32 $0xFFFFFEF7, lr;
	s5 =	simm.s32 $0xFFFFFFFF;
	p2 =	slt.u32 s8, $0xFFFFF086  }
0x1c: {  	p1 =	slt.u32 s9, $0xF7A;
	s5 =	simm.s32 @!p2 $0x0  }
0x1d: {  	s5 =	simm.s32 @p1 $0x1;
	p0 =	seq.s32 s7, s2  }
0x1e: {  	s7 =	smul.u32 @!p0 $0xF7A, s2;
	p2 =	seq.s32 @!p0 s5, $0x0  }
0x1f: {  	s9 =	smul.u32 $0xF7A, s1;
	s8 =	simm.s32 @!p0 $0x1BF5;
	p2 =	por !p2, p0  }
0x20: {  	[sflag:s8] =	ssyncset.s32 @!p0 $0xFFFFF086;
	s6 =	sadd.s32 @!p0 s3, s7;
	s7 =	simm.s32 @!p0 $0x108  }
0x21: {  	s3 =	sadd.s32 s3, s9;
	s6 =	sadd.s32 @!p0 $0x88, s6;
	s7 =	simm.s32 @p2 $0x1082  }
0x22: {  	[simem:s7], [sflag:s8] =	dma.local @!p0 [hbm:s6], $0xF7A  }
0x23: {  	s9 =	sor.u32 $0xD0000000, s2;
	s6 =	simm.s32 $0x108;
	_ =	swait.ge @!p0 [sflag:s8], $0x0  }
0x24: {  	s3 =	sadd.s32 $0x88, s3;
	s6 =	simm.s32 @!p1 $0x1082;
	[sflag:s4] =	ssyncset.s32 $0xFFFFF086  }
0x25: {  	[simem:s6], [sflag:s4] =	dma.local [hbm:s3], $0xF7A  }
0x26: {  	[smem:$0x3F9C] =	sst s1;
	(tag) =	ssettag s2;
	_ =	strace s9  }
0x27: {  	s1 =	sld [smem:$0x3FAC]  }
0x28: {  	s2 =	sld [smem:$0x3FAD]  }
0x29: {  	s4 =	sld [smem:$0x3FAF]  }
0x2a: {  	p0 =	seq.s32 s5, $0x0;
	s5 =	sld [smem:$0x3FB0]  }
0x2b: {  	s6 =	sld [smem:$0x3FB1]  }
0x2c: {  	s7 =	sld [smem:$0x3FB2]  }
0x2d: {  	s3 =	simm.s32 $0x108;
	s8 =	sld [smem:$0x3FB3]  }
0x2e: {  	s3 =	simm.s32 @!p0 $0x1082;
	s9 =	sld [smem:$0x3FB4]  }
0x2f: {  	lr =	sadd.s32 s0, s3;
	s0 =	sld [smem:$0x3FAB]  }
0x30: {  	s3 =	sld [smem:$0x3FAE]  }
0x31: {  	[smem:$0x3FB7] =	sst s10  }
0x32: {  	s10 =	sld [smem:$0x3FB5];
	_ =	sdelay $0x3  }
0x33: {  	p0 =	seq.s32 s10, $0x1;
	s10 =	sld [smem:$0x3FB7];
	_ =	sdelay $0x3  }
0x34: {  	[smem:$0x3FB7] =	sst s10  }
0x35: {  	s10 =	sld [smem:$0x3FB6];
	_ =	sdelay $0x3  }
0x36: {  	p1 =	seq.s32 s10, $0x1;
	s10 =	sld [smem:$0x3FB7];
	_ =	sdelay $0x3  }
0x37: {  	[smem:$0x3FB7] =	sst s10  }
0x38: {  	s10 =	sld [smem:$0x3FB8]  }
0x39: {  	_ = 	snop;
	(pc) =	sbr.ind lr, $3  }
0x3a: {  	_ = 	snop  }
0x3b: {  	_ = 	snop  }
0x3c: {  	p2 =	seq.s32 s10, $0x1;
	s10 =	sld [smem:$0x3FB7]  }
0x3d: {  	_ =	shalt  }
0x3e: {  	_ =	shalt  }
0x3f: {  	_ =	shalt  }
0x40: {  	_ =	shalt  }
0x41: {  	_ =	shalt  }
0x42: {  	_ =	shalt  }
0x43: {  	_ =	shalt  }
0x44: {  	_ =	shalt  }
0x45: {  	_ =	shalt  }
0x46: {  	_ =	shalt  }
0x47: {  	_ =	shalt  }
0x48: {  	_ =	shalt  }
0x49: {  	_ =	shalt  }
0x4a: {  	_ =	shalt  }
0x4b: {  	_ =	shalt  }
0x4c: {  	_ =	shalt  }
0x4d: {  	_ =	shalt  }
0x4e: {  	_ =	shalt  }
0x4f: {  	_ =	shalt  }
0x50: {  	_ =	shalt  }
0x51: {  	_ =	shalt  }
0x52: {  	_ =	shalt  }
0x53: {  	_ =	shalt  }
0x54: {  	_ =	shalt  }
0x55: {  	_ =	shalt  }
0x56: {  	_ =	shalt  }
0x57: {  	_ =	shalt  }
0x58: {  	_ =	shalt  }
0x59: {  	_ =	shalt  }
0x5a: {  	_ =	shalt  }
0x5b: {  	_ =	shalt  }
0x5c: {  	_ =	shalt  }
0x5d: {  	_ =	shalt  }
0x5e: {  	_ =	shalt  }
0x5f: {  	_ =	shalt  }
0x60: {  	_ =	shalt  }
0x61: {  	_ =	shalt  }
0x62: {  	_ =	shalt  }
0x63: {  	_ =	shalt  }
0x64: {  	_ =	shalt  }
0x65: {  	_ =	shalt  }
0x66: {  	_ =	shalt  }
0x67: {  	_ =	shalt  }
0x68: {  	_ =	shalt  }
0x69: {  	_ =	shalt  }
0x6a: {  	_ =	shalt  }
0x6b: {  	_ =	shalt  }
0x6c: {  	_ =	shalt  }
0x6d: {  	_ =	shalt  }
0x6e: {  	_ =	shalt  }
0x6f: {  	_ =	shalt  }
0x70: {  	_ =	shalt  }
0x71: {  	_ =	shalt  }
0x72: {  	_ =	shalt  }
0x73: {  	_ =	shalt  }
0x74: {  	_ =	shalt  }
0x75: {  	_ =	shalt  }
0x76: {  	_ =	shalt  }
0x77: {  	_ =	shalt  }
0x78: {  	_ =	shalt  }
0x79: {  	_ =	shalt  }
0x7a: {  	_ =	shalt  }
0x7b: {  	_ =	shalt  }
0x7c: {  	_ =	shalt  }
0x7d: {  	_ =	shalt  }
0x7e: {  	_ =	shalt  }
0x7f: {  	_ =	shalt  }
0x80: {  	_ =	shalt  }
0x81: {  	_ =	shalt  }
0x82: {  	_ =	shalt  }
0x83: {  	_ =	shalt  }
0x84: {  	_ =	shalt  }
0x85: {  	_ =	shalt  }
0x86: {  	_ =	shalt  }
0x87: {  	_ =	shalt  }
.Lfunc_end0:
.L_simem_size_0:
called_computation.2_lowered:
.L_overlay_start_0:
0x88: {  	s2 =	sld [smem:$0x3FD9]  }
0x89: {  	s3 =	sld [smem:$0x3FFE];
	_ =	sdelay $0x1  }
0x8a: {  	s1 =	srdreg.scid  }
0x8b: {  	s0 =	sand.u32 $0x1, s1  }
0x8c: {  	s17 =	sshll.u32 s0, $0xA;
	s2 =	sadd.s32 s3, s2  }
0x8d: {  	s2 =	sadd.s32 s2, s17  }
0x8e: {  	[smem:$0x3FC3] =	sst s2  }
0x8f: {  	_ = 	snop  }
0x90: {  	s2 =	sld [smem:$0x3FC8]  }
0x91: {  	s18 =	sld [smem:$0x3FC7]  }
0x92: {  	s4 =	sld [smem:$0x3FD0];
	(tm) =	ssettm $0x1  }
0x93: {  	s5 =	sld [smem:$0x3FFB];
	_ =	sdelay $0x3  }
0x94: {  	_ =	strace s5  }
0x95: {  	s5 =	sld [smem:$0x3FFC];
	_ =	sdelay $0x3  }
0x96: {  	_ =	strace s5  }
0x97: {  	s5 =	sld [smem:$0x3FFD];
	_ =	sdelay $0x3  }
0x98: {  	_ =	strace s5  }
0x99: {  	_ =	strace $0x8FFFFFFF  }
0x9a: {  	s19 =	sld [smem:$0x3FDB];
	_ =	sdelay $0x1  }
0x9b: {  	s6 =	simm.s32 $_scs_section_size  }
0x9c: {  	s7 =	simm.s32 $_size__tile_overlayer_lowered;
	s8 =	simm.s32 $_tile_overlayer_lowered  }
0x9d: {  	s22 =	simm.s32 $0x1BFF;
	s21 =	sshll.u32 s8, $0x1;
	s5 =	sadd.s32 s6, s19  }
0x9e: {  	s9 =	simm.s32 $0x0;
	s20 =	sshll.u32 s7, $0x1;
	s7 =	sadd.s32 s21, s5  }
0x9f: {  	[timem:s9], [sflag:s22] =	dma.local [hbm:s7], s20  }
0xa0: {  	_ =	swait.ge [sflag:s22], s20  }
0xa1: {  	s6 =	ssub.s32 $0x0, s20;
	[sflag:s22] =	ssyncset.done $0x0  }
0xa2: {  	[sflag:s22] =	ssyncadd.s32 s6;
	_ =	sdelay $0x1  }
0xa3: {  	s23 =	simm.s32 $0x1B8B  }
0xa4: {  	_ =	swait.ge [sflag:s23], $0x1  }
0xa5: {  	[sflag:s23] =	ssyncset.done $0x0  }
0xa6: {  	s25 =	simm.s32 $0x1B8E;
	s24 =	sld [smem:$0x3FFE];
	[sflag:s23] =	ssyncadd.s32 $0xFFFFFFFF  }
0xa7: {  	s26 =	simm.s32 $execute0_lowered;
	[smem:$0x3FD2] =	sst s25  }
0xa8: {  	s7 =	sshll.u32 s26, $0x1;
	_ =	strace $0x8000004C;
	[dreg:$0x1] =	wrdreg $0xFFFFFFFF  }
0xa9: {  	s28 =	simm.s32 $_size_execute0_lowered;
	s5 =	sadd.s32 s5, s7;
	[dreg:$0x0] =	wrdreg $0x0  }
0xaa: {  	s7 =	sshll.u32 s28, $0x1;
	[dreg:$0x2] =	wrdreg s5  }
0xab: {  	[dreg:$0x3] =	wrdreg s7  }
0xac: {  	[dreg:$0x4] =	wrdreg $0xC0  }
0xad: {  	_ =	task [dreg:s9], $0x5FFFF  }
0xae: {  	[dreg:$0x1] =	wrdreg $0xFFFFFFFF  }
0xaf: {  	[dreg:$0x0] =	wrdreg $0x60  }
0xb0: {  	[dreg:$0x2] =	wrdreg s4  }
0xb1: {  	[dreg:$0x3] =	wrdreg s18  }
0xb2: {  	[dreg:$0x4] =	wrdreg s2  }
0xb3: {  	[dreg:$0x5] =	wrdreg s24  }
0xb4: {  	[dreg:$0x6] =	wrdreg $0xA8000  }
0xb5: {  	[dreg:$0x7] =	wrdreg $0x9  }
0xb6: {  	_ =	task.clear_ibuf [dreg:s9], $0x8FFFF;
	_ =	strace $0x9000004C  }
0xb7: {  	s29 =	simm.s32 $0x9;
	_ =	strace $0x8000004E  }
0xb8: {  	_ =	swait.ge [sflag:s29], $0x1  }
0xb9: {  	[sflag:s29] =	ssyncadd.s32 $0xFFFFFFFF  }
0xba: {  	_ =	strace $0x9000004E  }
0xbb: {  	_ =	sfence  }
0xbc: {  	s30 =	sld [smem:$0x0];
	_ =	sdelay $0x2  }
0xbd: {  	s31 =	sshll.u32 s1, $0xD;
	s1 =	sshrl.u32 s1, $0x2  }
0xbe: {  	s3 =	sand.u32 $0x4000, s31;
	s1 =	sadd.s32 s1, s30  }
0xbf: {  	s0 =	sor.u32 s3, s0;
	s1 =	sshll.u32 s1, $0x11  }
0xc0: {  	s0 =	sor.u32 s1, s0  }
0xc1: {  	s0 =	sadd.s32 $0x8F2B, s0  }
0xc2: {  	[sflag:s0] =	ssyncadd.remote.s32 $0x1  }
0xc3: {  	_ =	sfence.sel $0xFFFF  }
0xc4: {  	[dreg:$0x0] =	wrdreg $0xFFFFFFFF;
	(pc) =	sbr.abs _section_cstart, $3  }
0xc5: {  	[dreg:$0x1] =	wrdreg $0xFFFFFFFF  }
0xc6: {  	_ =	task.clear_ibuf [dreg:s9], $0x2FFFF;
	_ =	strace $0x9FFFFFFF  }
0xc7: {  	(tm) =	ssettm $0x7FFFFFFF  }
tec
execute0_lowered:
.L_overlay_start_1:
0x0: {  	(tag) =	ssettag $0x1  }
0x1: {  	s18 =	rddreg [dreg:$0x1]  }
0x2: {  	s19 =	rddreg [dreg:$0x2]  }
0x3: {  	s0 =	rddreg [dreg:$0x3]  }
0x4: {  	s1 =	rddreg [dreg:$0x4];
	s2 =	srdreg.scid;
	s6 =	simm.s32 $0x0  }
0x5: {  	s20 =	stileid.u32;
	s31 =	simm.s32 $0x400;
	s29 =	simm.s32 $0x180  }
0x6: {  	s11 =	sand.u32 $0x1, s2;
	s12 =	smul.u32 $0x14000, s20;
	s13 =	sadd.s32 $0x11000, s0  }
0x7: {  	[smem:$0x7FF] =	sst s6;
	s2 =	ssub.s32 $0x2, s11;
	s15 =	smul.u32 $0x140000, s11  }
0x8: {  	s3 =	sshll.u32 s11, $0x4;
	s11 =	smul.u32 $0x27100, s11;
	s5 =	sshrl.u32 s2, $0x1  }
0x9: {  	s3 =	sor.u32 s20, s3;
	s7 =	sadd.s32 $0xA000, s12;
	s8 =	sadd.s32 $0xC800, s12  }
0xa: {  	s9 =	sadd.s32 $0xF000, s12;
	s10 =	sadd.s32 $0x11800, s12;
	s0 =	ssub.s32 s2, s5  }
0xb: {  	s14 =	smul.u32 $0x2710, s3;
	s2 =	sor.u32 $0x2800, s12;
	s3 =	sadd.s32 $0x5000, s12  }
0xc: {  	s5 =	sadd.s32 $0x7800, s12;
	s12 =	sadd.s32 s12, s15;
	s24 =	sadd.s32 s15, s7  }
0xd: {  	s25 =	sadd.s32 s15, s8;
	s12 =	sshrl.u32 s12, $0x3;
	s16 =	sadd.s32 s15, s2  }
0xe: {  	s17 =	sadd.s32 s15, s3;
	s23 =	sadd.s32 s15, s5;
	s26 =	sshrl.u32 s24, $0x3  }
0xf: {  	s4 =	sshrl.u32 s25, $0x3;
	s12 =	sadd.s32 s13, s12;
	s16 =	sshrl.u32 s16, $0x3  }
0x10: {  	s21 =	sshrl.u32 s17, $0x3;
	[dreg:$0x6] =	wrdreg s12;
	s12 =	sadd.s32 s13, s16  }
0x11: {  	s17 =	sadd.s32 s13, s4;
	[dreg:$0x7] =	wrdreg s12;
	s12 =	sshrl.u32 s23, $0x3  }
0x12: {  	s22 =	sadd.s32 s13, s21;
	[dreg:$0xb] =	wrdreg s17;
	s12 =	sadd.s32 s13, s12  }
0x13: {  	s21 =	sadd.s32 s15, s9;
	[dreg:$0x9] =	wrdreg s12;
	s12 =	sadd.s32 s13, s26  }
0x14: {  	s15 =	sadd.s32 s15, s10;
	[dreg:$0xa] =	wrdreg s12;
	s12 =	sshrl.u32 s21, $0x3  }
0x15: {  	[dreg:$0x8] =	wrdreg s22;
	s22 =	sshrl.u32 s15, $0x3;
	s12 =	sadd.s32 s13, s12  }
0x16: {  	s2 =	sadd.s32 s2, s1;
	[dreg:$0xc] =	wrdreg s12;
	s12 =	sadd.s32 s13, s22  }
0x17: {  	s0 =	smax.u32 s0, $0x1;
	[dreg:$0xd] =	wrdreg s12;
	s12 =	sshrl.u32 s14, $0x3  }
0x18: {  	_ =	strace $0x8000004D;
	s24 =	sadd.s32 $0xA, s12;
	[dreg:$0x1f] =	wrdreg s2  }
0x19: {  	s23 =	smul.u32 $0x2710, s20;
	[smem:$0x7EE] =	sst s0;
	s25 =	sadd.s32 s18, s24  }
0x1a: {  	s26 =	sadd.s32 $0x14, s12;
	s13 =	sadd.s32 s19, s24;
	[dreg:$0xe] =	wrdreg s25  }
0x1b: {  	s15 =	sadd.s32 $0x1E, s12;
	s4 =	sadd.s32 s18, s26;
	[dreg:$0xf] =	wrdreg s13  }
0x1c: {  	s17 =	sadd.s32 $0x28, s12;
	s16 =	sadd.s32 s18, s15;
	[dreg:$0x10] =	wrdreg s4  }
0x1d: {  	s22 =	sadd.s32 $0x32, s12;
	s21 =	sadd.s32 s18, s17;
	[dreg:$0x12] =	wrdreg s16  }
0x1e: {  	s11 =	sadd.s32 s23, s11;
	s23 =	sadd.s32 s18, s22;
	[dreg:$0x14] =	wrdreg s21  }
0x1f: {  	s24 =	sadd.s32 $0x3C, s12;
	s13 =	sadd.s32 s19, s26;
	[dreg:$0x16] =	wrdreg s23  }
0x20: {  	s28 =	simm.s32 $0xC;
	s25 =	sadd.s32 s18, s24;
	[dreg:$0x11] =	wrdreg s13  }
0x21: {  	s30 =	simm.s32 $0x8;
	s4 =	sadd.s32 s18, s12;
	[dreg:$0x18] =	wrdreg s25  }
0x22: {  	s26 =	smul.u32 $0x50000, s20;
	s20 =	sadd.s32 s3, s1;
	[dreg:$0x1a] =	wrdreg s4  }
0x23: {  	s14 =	sadd.s32 $0x370, s11;
	s21 =	sadd.s32 s5, s1;
	[smem:$0x7E8] =	sst s20  }
0x24: {  	s23 =	sadd.s32 s8, s1;
	s3 =	sadd.s32 $0x460, s11;
	[smem:$0x7E9] =	sst s21  }
0x25: {  	s13 =	sadd.s32 s19, s15;
	s15 =	sadd.s32 s19, s12;
	[smem:$0x7EB] =	sst s23  }
0x26: {  	s12 =	sadd.s32 $0x46, s12;
	s25 =	sadd.s32 s10, s1;
	[dreg:$0x13] =	wrdreg s13  }
0x27: {  	s2 =	sshrl.u32 s3, $0x3;
	s20 =	sadd.s32 $0x2D0, s11;
	[dreg:$0x1b] =	wrdreg s15  }
0x28: {  	s13 =	sadd.s32 s19, s17;
	s16 =	sadd.s32 s18, s12;
	[smem:$0x7ED] =	sst s25  }
0x29: {  	s12 =	sadd.s32 s19, s12;
	s17 =	sshrl.u32 s26, $0x2;
	[dreg:$0x15] =	wrdreg s13  }
0x2a: {  	s26 =	sadd.s32 $0x4B0, s11;
	s13 =	sadd.s32 s19, s22;
	[dreg:$0x1c] =	wrdreg s16  }
0x2b: {  	[dreg:$0x1d] =	wrdreg s12;
	s4 =	sadd.s32 s17, s1;
	s22 =	sadd.s32 s7, s1  }
0x2c: {  	s7 =	sadd.s32 $0x410, s11;
	s12 =	sadd.s32 $0x3C0, s11;
	s16 =	sshrl.u32 s14, $0x3  }
0x2d: {  	s17 =	sadd.s32 $0x320, s11;
	s14 =	simm.s32 $0x50;
	[dreg:$0x17] =	wrdreg s13  }
0x2e: {  	s13 =	sadd.s32 s19, s24;
	[smem:$0x7EA] =	sst s22;
	s24 =	sadd.s32 s9, s1  }
0x2f: {  	s1 =	sshrl.u32 s26, $0x3;
	s8 =	sshrl.u32 s7, $0x3;
	[dreg:$0x1e] =	wrdreg s4  }
0x30: {  	s9 =	sadd.s32 s2, s19;
	s2 =	sadd.s32 s2, s18;
	[dreg:$0x19] =	wrdreg s13  }
0x31: {  	s21 =	sshrl.u32 s17, $0x3;
	s22 =	sshrl.u32 s20, $0x3;
	[smem:$0x7EC] =	sst s24  }
0x32: {  	s26 =	sadd.s32 $0x280, s11;
	s7 =	simm.s32 $0x500;
	[smem:$0x7F1] =	sst s9  }
0x33: {  	s17 =	simm.s32 $0x3;
	s20 =	simm.s32 $0x5800;
	[smem:$0x7F2] =	sst s2  }
0x34: {  	s11 =	simm.s32 $0x8000;
	s5 =	sadd.s32 s1, s19;
	[smem:$0x7FD] =	sst s26  }
0x35: {  	s0 =	sadd.s32 s1, s18;
	s10 =	sadd.s32 s8, s19;
	[smem:$0x7EF] =	sst s5  }
0x36: {  	s13 =	sshrl.u32 s12, $0x3;
	s2 =	sadd.s32 s16, s19;
	[smem:$0x7F0] =	sst s0  }
0x37: {  	s23 =	sadd.s32 s21, s19;
	s24 =	sadd.s32 s22, s19;
	[smem:$0x7F3] =	sst s10  }
0x38: {  	s25 =	sadd.s32 s22, s18;
	s9 =	simm.s32 $0x600;
	[smem:$0x7F7] =	sst s2  }
0x39: {  	s12 =	simm.s32 $0xD;
	s22 =	simm.s32 $0x5;
	[smem:$0x7F9] =	sst s23  }
0x3a: {  	s26 =	simm.s32 $0x7;
	s1 =	simm.s32 $0x0;
	[smem:$0x7FB] =	sst s24  }
0x3b: {  	s0 =	sadd.s32 s8, s18;
	s15 =	sadd.s32 s13, s19;
	[smem:$0x7FC] =	sst s25  }
0x3c: {  	s10 =	simm.s32 $0x480;
	s5 =	simm.s32 $0x100;
	s8 =	simm.s32 $0x580  }
0x3d: {  	s2 =	simm.s32 $0x1;
	s19 =	simm.s32 $0x4;
	s23 =	simm.s32 $0xA  }
.Ltmp0:
0x3e: {  	s25 =	simm.s32 $0xB;
	[smem:$0x7F4] =	sst s0;
	(pc) =	sbr.rel .LBB2_1-.Ltmp0, $4  }
0x3f: {  	[smem:$0x7F5] =	sst s15;
	s0 =	sadd.s32 s13, s18;
	s13 =	simm.s32 $0x200  }
0x40: {  	s15 =	simm.s32 $0x2;
	[smem:$0x7F6] =	sst s0;
	s0 =	sadd.s32 s16, s18  }
0x41: {  	[smem:$0x7F8] =	sst s0;
	s0 =	sadd.s32 s21, s18;
	s18 =	simm.s32 $0x3000  }
0x42: {  	v0 =	vimm.f32 $0.0e+00;
	s21 =	simm.s32 $0x9;
	[smem:$0x7FA] =	sst s0;
	s0 =	simm.s32 $0x80  }
.LBB2_6:
0x43: {  	_ =	swait.ge [sflag:s21], $0x2800  }
0x44: {  	[sflag:s21] =	ssyncset.done $0x0  }
0x45: {  	[sflag:s21] =	ssyncadd.s32 $0xFFFFD800  }
0x46: {  	s31 =	simm.s32 $0x400;
	s7 =	simm.s32 $0x800;
	s4 =	rddreg [dreg:$0x4]  }
0x47: {  	[spmem:s4] =	stream.indirect.scatter.add.f32 [tilespmem:s7], [sflag:$0xD], $0x80, s31, s14, $0xb8;
	[tilespmem:$0x1E800] =	vst v63  }
0x48: {  	_ =	swait.ge [sflag:s12], $0x2800  }
0x49: {  	[sflag:s12] =	ssyncset.done $0x0  }
0x4a: {  	[sflag:s12] =	ssyncadd.s32 $0xFFFFD800  }
0x4b: {  	_ =	swait.ge [sflag:s22], $0x50  }
0x4c: {  	[sflag:s22] =	ssyncset.done $0x0  }
0x4d: {  	[sflag:s22] =	ssyncadd.s32 $0xFFFFFFB0  }
0x4e: {  	_ =	swait.ge [sflag:s22], $0x50  }
0x4f: {  	[sflag:s22] =	ssyncset.done $0x0  }
0x50: {  	[sflag:s22] =	ssyncadd.s32 $0xFFFFFFB0  }
0x51: {  	s3 =	simm.s32 $0x200;
	s1 =	rddreg [dreg:$0x0]  }
0x52: {  	[tilespmem:s7], [sflag:$0x9] =	stream.indirect.gather [hbm4b:s1+s14], $0x80, s3, s14, $0xb8;
	[tilespmem:$0x1E800] =	vst v63  }
0x53: {  	_ =	swait.ge [sflag:s23], $0x2800  }
0x54: {  	[sflag:s23] =	ssyncset.done $0x0  }
0x55: {  	s16 =	simm.s32 $0x480;
	[sflag:s23] =	ssyncadd.s32 $0xFFFFD800  }
0x56: {  	[spmem:s4] =	stream.indirect.scatter.add.f32 [tilespmem:s18], [sflag:$0xD], $0x80, s16, s14, $0xb8;
	[tilespmem:$0x1E800] =	vst v63  }
0x57: {  	_ =	swait.ge [sflag:s12], $0x2800  }
0x58: {  	[sflag:s12] =	ssyncset.done $0x0  }
0x59: {  	[sflag:s12] =	ssyncadd.s32 $0xFFFFD800  }
0x5a: {  	_ =	swait.ge [sflag:s25], $0x2800  }
0x5b: {  	[sflag:s25] =	ssyncset.done $0x0  }
0x5c: {  	s24 =	simm.s32 $0x500;
	[sflag:s25] =	ssyncadd.s32 $0xFFFFD800  }
0x5d: {  	[spmem:s4] =	stream.indirect.scatter.add.f32 [tilespmem:s20], [sflag:$0xD], $0x80, s24, s14, $0xb8;
	[tilespmem:$0x1E800] =	vst v63  }
0x5e: {  	_ =	swait.ge [sflag:s12], $0x2800  }
0x5f: {  	[sflag:s12] =	ssyncset.done $0x0  }
0x60: {  	[sflag:s12] =	ssyncadd.s32 $0xFFFFD800  }
0x61: {  	_ =	swait.ge [sflag:s28], $0x2800  }
0x62: {  	[sflag:s28] =	ssyncset.done $0x0  }
0x63: {  	s1 =	simm.s32 $0x580;
	[sflag:s28] =	ssyncadd.s32 $0xFFFFD800  }
0x64: {  	[spmem:s4] =	stream.indirect.scatter.add.f32 [tilespmem:s11], [sflag:$0xD], $0x80, s1, s14, $0xb8;
	[tilespmem:$0x1E800] =	vst v63  }
0x65: {  	_ =	swait.ge [sflag:s12], $0x2800  }
0x66: {  	[sflag:s12] =	ssyncset.done $0x0  }
0x67: {  	[sflag:s12] =	ssyncadd.s32 $0xFFFFD800  }
0x68: {  	_ =	swait.ge [sflag:s21], $0x2800  }
0x69: {  	[sflag:s21] =	ssyncset.done $0x0  }
0x6a: {  	s9 =	simm.s32 $0x600;
	[sflag:s21] =	ssyncadd.s32 $0xFFFFD800  }
0x6b: {  	[spmem:s4] =	stream.indirect.scatter.add.f32 [tilespmem:s7], [sflag:$0xD], $0x80, s9, s14, $0xb8;
	[tilespmem:$0x1E800] =	vst v63  }
0x6c: {  	_ =	swait.ge [sflag:s12], $0x2800  }
0x6d: {  	[sflag:s12] =	ssyncset.done $0x0  }
0x6e: {  	[sflag:s12] =	ssyncadd.s32 $0xFFFFD800  }
0x6f: {  	s4 =	stileid.u32;
	[bflag:$0x0] =	sbarrier.arrive $0xFFFF  }
0x70: {  	s3 =	sshll.u32 s4, $0x6;
	s4 =	rddreg [dreg:$0x1e]  }
0x71: {  	s3 =	sor.u32 $0x1C0D, s3;
	s13 =	rddreg [dreg:$0x6];
	s10 =	sshrl.u32 s4, $0x3  }
0x72: {  	[hbm:s13], [sflag:s3] =	dma.local [spmem:s10], $0x500  }
0x73: {  	_ =	swait.ge [sflag:s12], $0x500  }
0x74: {  	[sflag:s12] =	ssyncset.done $0x0;
	s7 =	rddreg [dreg:$0x1f]  }
0x75: {  	s8 =	rddreg [dreg:$0x7];
	[sflag:s12] =	ssyncadd.s32 $0xFFFFFB00;
	s10 =	sshrl.u32 s7, $0x3  }
0x76: {  	[hbm:s8], [sflag:s3] =	dma.local [spmem:s10], $0x500  }
0x77: {  	_ =	swait.ge [sflag:s12], $0x500  }
0x78: {  	s13 =	sld [smem:$0x7E8];
	_ =	sdelay $0x1  }
0x79: {  	[sflag:s12] =	ssyncset.done $0x0  }
0x7a: {  	s16 =	rddreg [dreg:$0x8];
	[sflag:s12] =	ssyncadd.s32 $0xFFFFFB00;
	s10 =	sshrl.u32 s13, $0x3  }
0x7b: {  	[hbm:s16], [sflag:s3] =	dma.local [spmem:s10], $0x500  }
0x7c: {  	_ =	swait.ge [sflag:s12], $0x500  }
0x7d: {  	s24 =	sld [smem:$0x7E9];
	_ =	sdelay $0x1  }
0x7e: {  	[sflag:s12] =	ssyncset.done $0x0  }
0x7f: {  	s1 =	rddreg [dreg:$0x9];
	[sflag:s12] =	ssyncadd.s32 $0xFFFFFB00;
	s10 =	sshrl.u32 s24, $0x3  }
0x80: {  	[hbm:s1], [sflag:s3] =	dma.local [spmem:s10], $0x500  }
0x81: {  	_ =	swait.ge [sflag:s12], $0x500  }
0x82: {  	s7 =	sld [smem:$0x7EA];
	_ =	sdelay $0x1  }
0x83: {  	[sflag:s12] =	ssyncset.done $0x0  }
0x84: {  	s8 =	rddreg [dreg:$0xa];
	[sflag:s12] =	ssyncadd.s32 $0xFFFFFB00;
	s10 =	sshrl.u32 s7, $0x3  }
0x85: {  	[hbm:s8], [sflag:s3] =	dma.local [spmem:s10], $0x500  }
0x86: {  	_ =	swait.ge [sflag:s12], $0x500  }
0x87: {  	s13 =	sld [smem:$0x7EB];
	_ =	sdelay $0x1  }
0x88: {  	[sflag:s12] =	ssyncset.done $0x0  }
0x89: {  	s16 =	rddreg [dreg:$0xb];
	[sflag:s12] =	ssyncadd.s32 $0xFFFFFB00;
	s10 =	sshrl.u32 s13, $0x3  }
0x8a: {  	[hbm:s16], [sflag:s3] =	dma.local [spmem:s10], $0x500  }
0x8b: {  	_ =	swait.ge [sflag:s12], $0x500  }
0x8c: {  	s24 =	sld [smem:$0x7EC];
	_ =	sdelay $0x1  }
0x8d: {  	[sflag:s12] =	ssyncset.done $0x0  }
0x8e: {  	s1 =	rddreg [dreg:$0xc];
	[sflag:s12] =	ssyncadd.s32 $0xFFFFFB00;
	s10 =	sshrl.u32 s24, $0x3  }
0x8f: {  	[hbm:s1], [sflag:s3] =	dma.local [spmem:s10], $0x500  }
0x90: {  	_ =	swait.ge [sflag:s12], $0x500  }
0x91: {  	s7 =	sld [smem:$0x7ED];
	_ =	sdelay $0x1  }
0x92: {  	[sflag:s12] =	ssyncset.done $0x0  }
0x93: {  	s8 =	rddreg [dreg:$0xd];
	[sflag:s12] =	ssyncadd.s32 $0xFFFFFB00;
	s10 =	sshrl.u32 s7, $0x3  }
0x94: {  	[hbm:s8], [sflag:s3] =	dma.local [spmem:s10], $0x500  }
0x95: {  	_ =	swait.ge [sflag:s12], $0x500  }
0x96: {  	s16 =	sld [smem:$0x7E7]  }
0x97: {  	s24 =	sld [smem:$0x7EE];
	_ =	sdelay $0x1  }
0x98: {  	s1 =	sadd.s32 $0x1, s16  }
0x99: {  	p0 =	sne.s32 s1, s24  }
.Ltmp1:
0x9a: {  	_ = 	snop;
	(pc) =	sbr.rel @!p0 .LBB2_7-.Ltmp1, $3  }
0x9b: {  	_ =	sdelay $0x1  }
0x9c: {  	s13 =	simm.s32 $0x200;
	s7 =	simm.s32 $0x500;
	[sflag:s12] =	ssyncset.done $0x0  }
0x9d: {  	s8 =	simm.s32 $0x580;
	s10 =	simm.s32 $0x480;
	[sflag:s12] =	ssyncadd.s32 $0xFFFFFB00  }
.LBB2_1:
0x9e: {  	[smem:$0x7E7] =	sst s1  }
0x9f: {  	s3 =	rddreg [dreg:$0x1a]  }
0xa0: {  	[tilespmem:s6], [sflag:$0x1] =	stream.linear.gather [hbm4b:s3+s6], $0x50, $0x38;
	[tilespmem:$0x1E800] =	vst v63  }
0xa1: {  	s1 =	rddreg [dreg:$0x1b]  }
0xa2: {  	[tilespmem:s31], [sflag:$0x1] =	stream.linear.gather [hbm4b:s1+s6], $0x50, $0x38;
	[tilespmem:$0x1E800] =	vst v63  }
0xa3: {  	s16 =	rddreg [dreg:$0xe]  }
0xa4: {  	[tilespmem:s0], [sflag:$0x2] =	stream.linear.gather [hbm4b:s16+s6], $0x50, $0x38;
	[tilespmem:$0x1E800] =	vst v63  }
0xa5: {  	s24 =	rddreg [dreg:$0xf]  }
0xa6: {  	[tilespmem:s10], [sflag:$0x2] =	stream.linear.gather [hbm4b:s24+s6], $0x50, $0x38;
	[tilespmem:$0x1E800] =	vst v63  }
0xa7: {  	s1 =	rddreg [dreg:$0x10]  }
0xa8: {  	[tilespmem:s5], [sflag:$0x3] =	stream.linear.gather [hbm4b:s1+s6], $0x50, $0x38;
	[tilespmem:$0x1E800] =	vst v63  }
0xa9: {  	s10 =	rddreg [dreg:$0x11]  }
0xaa: {  	[tilespmem:s7], [sflag:$0x3] =	stream.linear.gather [hbm4b:s10+s6], $0x50, $0x38;
	[tilespmem:$0x1E800] =	vst v63  }
0xab: {  	s16 =	rddreg [dreg:$0x12]  }
0xac: {  	[tilespmem:s29], [sflag:$0x4] =	stream.linear.gather [hbm4b:s16+s6], $0x50, $0x38;
	[tilespmem:$0x1E800] =	vst v63  }
0xad: {  	s24 =	rddreg [dreg:$0x13]  }
0xae: {  	[tilespmem:s8], [sflag:$0x4] =	stream.linear.gather [hbm4b:s24+s6], $0x50, $0x38;
	[tilespmem:$0x1E800] =	vst v63  }
0xaf: {  	s1 =	rddreg [dreg:$0x14]  }
0xb0: {  	[tilespmem:s13], [sflag:$0x5] =	stream.linear.gather [hbm4b:s1+s6], $0x50, $0x38;
	[tilespmem:$0x1E800] =	vst v63  }
0xb1: {  	s7 =	rddreg [dreg:$0x15]  }
0xb2: {  	[tilespmem:s9], [sflag:$0x5] =	stream.linear.gather [hbm4b:s7+s6], $0x50, $0x38;
	[tilespmem:$0x1E800] =	vst v63  }
0xb3: {  	s8 =	rddreg [dreg:$0x16];
	s9 =	simm.s32 $0x280  }
0xb4: {  	[tilespmem:s9], [sflag:$0x6] =	stream.linear.gather [hbm4b:s8+s6], $0x50, $0x38;
	[tilespmem:$0x1E800] =	vst v63  }
0xb5: {  	s10 =	rddreg [dreg:$0x17];
	s16 =	simm.s32 $0x680  }
0xb6: {  	[tilespmem:s16], [sflag:$0x6] =	stream.linear.gather [hbm4b:s10+s6], $0x50, $0x38;
	[tilespmem:$0x1E800] =	vst v63  }
0xb7: {  	s24 =	rddreg [dreg:$0x18];
	s1 =	simm.s32 $0x300  }
0xb8: {  	[tilespmem:s1], [sflag:$0x7] =	stream.linear.gather [hbm4b:s24+s6], $0x50, $0x38;
	[tilespmem:$0x1E800] =	vst v63  }
0xb9: {  	s8 =	rddreg [dreg:$0x19];
	s9 =	simm.s32 $0x700  }
0xba: {  	[tilespmem:s9], [sflag:$0x7] =	stream.linear.gather [hbm4b:s8+s6], $0x50, $0x38;
	[tilespmem:$0x1E800] =	vst v63  }
0xbb: {  	s3 =	simm.s32 $0x0;
	s10 =	rddreg [dreg:$0x1c];
	s8 =	simm.s32 $0x380  }
0xbc: {  	[tilespmem:s8], [sflag:$0x8] =	stream.linear.gather [hbm4b:s10+s6], $0x50, $0x38;
	[tilespmem:$0x1E800] =	vst v63  }
0xbd: {  	s31 =	simm.s32 $0x200;
	s16 =	rddreg [dreg:$0x1d];
	s24 =	simm.s32 $0x780  }
0xbe: {  	[tilespmem:s24], [sflag:$0x8] =	stream.linear.gather [hbm4b:s16+s6], $0x50, $0x38;
	[tilespmem:$0x1E800] =	vst v63  }
.LBB2_2:
0xbf: {  	p0 =	sne.s32 s31, $0x9E00;
	[tilespmem:s3+$0x870] =	vst v0  }
0xc0: {  	[tilespmem:s3+$0x800] =	vst v0  }
0xc1: {  	[tilespmem:s3+$0x810] =	vst v0  }
.Ltmp2:
0xc2: {  	[tilespmem:s3+$0x820] =	vst v0;
	(pc) =	sbr.rel @p0 .LBB2_2-.Ltmp2, $4  }
0xc3: {  	[tilespmem:s3+$0x830] =	vst v0  }
0xc4: {  	[tilespmem:s3+$0x840] =	vst v0  }
0xc5: {  	[tilespmem:s3+$0x850] =	vst v0  }
0xc6: {  	[tilespmem:s3+$0x860] =	vst v0;
	s3 =	sshra.s32 s31, $0x2;
	s31 =	sadd.s32 $0x200, s31  }
0xc7: {  	[tilespmem:s3+$0x870] =	vst v0  }
0xc8: {  	[tilespmem:s3+$0x800] =	vst v0  }
0xc9: {  	[tilespmem:s3+$0x810] =	vst v0  }
0xca: {  	[tilespmem:s3+$0x820] =	vst v0  }
0xcb: {  	[tilespmem:s3+$0x830] =	vst v0  }
0xcc: {  	[tilespmem:s3+$0x840] =	vst v0  }
0xcd: {  	[tilespmem:s3+$0x850] =	vst v0  }
0xce: {  	[tilespmem:s3+$0x860] =	vst v0;
	s7 =	simm.s32 $0x800  }
0xcf: {  	[spmem:s4] =	stream.linear.scatter [tilespmem:s7], [sflag:$0xD], $0x2800, $0x38;
	[tilespmem:$0x1E800] =	vst v63  }
0xd0: {  	_ =	swait.ge [sflag:s12], $0x2800  }
0xd1: {  	[sflag:s12] =	ssyncset.done $0x0  }
0xd2: {  	s24 =	rddreg [dreg:$0x1f];
	[sflag:s12] =	ssyncadd.s32 $0xFFFFD800  }
0xd3: {  	[spmem:s24] =	stream.linear.scatter [tilespmem:s7], [sflag:$0xD], $0x2800, $0x38;
	[tilespmem:$0x1E800] =	vst v63  }
0xd4: {  	_ =	swait.ge [sflag:s12], $0x2800  }
0xd5: {  	s1 =	sld [smem:$0x7E8]  }
0xd6: {  	[sflag:s12] =	ssyncset.done $0x0  }
0xd7: {  	[sflag:s12] =	ssyncadd.s32 $0xFFFFD800  }
0xd8: {  	[spmem:s1] =	stream.linear.scatter [tilespmem:s7], [sflag:$0xD], $0x2800, $0x38;
	[tilespmem:$0x1E800] =	vst v63  }
0xd9: {  	_ =	swait.ge [sflag:s12], $0x2800  }
0xda: {  	s4 =	sld [smem:$0x7E9]  }
0xdb: {  	[sflag:s12] =	ssyncset.done $0x0  }
0xdc: {  	[sflag:s12] =	ssyncadd.s32 $0xFFFFD800  }
0xdd: {  	[spmem:s4] =	stream.linear.scatter [tilespmem:s7], [sflag:$0xD], $0x2800, $0x38;
	[tilespmem:$0x1E800] =	vst v63  }
0xde: {  	_ =	swait.ge [sflag:s12], $0x2800  }
0xdf: {  	s9 =	sld [smem:$0x7EA]  }
0xe0: {  	[sflag:s12] =	ssyncset.done $0x0  }
0xe1: {  	[sflag:s12] =	ssyncadd.s32 $0xFFFFD800  }
0xe2: {  	[spmem:s9] =	stream.linear.scatter [tilespmem:s7], [sflag:$0xD], $0x2800, $0x38;
	[tilespmem:$0x1E800] =	vst v63  }
0xe3: {  	_ =	swait.ge [sflag:s12], $0x2800  }
0xe4: {  	s10 =	sld [smem:$0x7EB]  }
0xe5: {  	[sflag:s12] =	ssyncset.done $0x0  }
0xe6: {  	[sflag:s12] =	ssyncadd.s32 $0xFFFFD800  }
0xe7: {  	[spmem:s10] =	stream.linear.scatter [tilespmem:s7], [sflag:$0xD], $0x2800, $0x38;
	[tilespmem:$0x1E800] =	vst v63  }
0xe8: {  	_ =	swait.ge [sflag:s12], $0x2800  }
0xe9: {  	s16 =	sld [smem:$0x7EC]  }
0xea: {  	[sflag:s12] =	ssyncset.done $0x0  }
0xeb: {  	[sflag:s12] =	ssyncadd.s32 $0xFFFFD800  }
0xec: {  	[spmem:s16] =	stream.linear.scatter [tilespmem:s7], [sflag:$0xD], $0x2800, $0x38;
	[tilespmem:$0x1E800] =	vst v63  }
0xed: {  	_ =	swait.ge [sflag:s12], $0x2800  }
0xee: {  	s24 =	sld [smem:$0x7ED]  }
0xef: {  	[sflag:s12] =	ssyncset.done $0x0  }
0xf0: {  	[sflag:s12] =	ssyncadd.s32 $0xFFFFD800  }
0xf1: {  	[spmem:s24] =	stream.linear.scatter [tilespmem:s7], [sflag:$0xD], $0x2800, $0x38;
	[tilespmem:$0x1E800] =	vst v63  }
0xf2: {  	_ =	swait.ge [sflag:s12], $0x2800  }
0xf3: {  	[sflag:s12] =	ssyncset.done $0x0  }
0xf4: {  	[sflag:s12] =	ssyncadd.s32 $0xFFFFD800  }
0xf5: {  	[bflag:$0x0] =	sbarrier.arrive $0xFFFF  }
0xf6: {  	_ =	swait.ge [sflag:s2], $0x50  }
0xf7: {  	[sflag:s2] =	ssyncset.done $0x0  }
0xf8: {  	[sflag:s2] =	ssyncadd.s32 $0xFFFFFFB0  }
0xf9: {  	_ =	swait.ge [sflag:s2], $0x50  }
0xfa: {  	[sflag:s2] =	ssyncset.done $0x0  }
0xfb: {  	[sflag:s2] =	ssyncadd.s32 $0xFFFFFFB0  }
0xfc: {  	s3 =	simm.s32 $0x0;
	s1 =	rddreg [dreg:$0x0]  }
0xfd: {  	[tilespmem:s7], [sflag:$0x9] =	stream.indirect.gather [hbm4b:s1+s14], $0x80, s3, s14, $0xb8;
	[tilespmem:$0x1E800] =	vst v63  }
0xfe: {  	_ =	swait.ge [sflag:s15], $0x50  }
0xff: {  	[sflag:s15] =	ssyncset.done $0x0  }
0x100: {  	[sflag:s15] =	ssyncadd.s32 $0xFFFFFFB0  }
0x101: {  	_ =	swait.ge [sflag:s15], $0x50  }
0x102: {  	[sflag:s15] =	ssyncset.done $0x0  }
0x103: {  	[sflag:s15] =	ssyncadd.s32 $0xFFFFFFB0  }
0x104: {  	[tilespmem:s18], [sflag:$0xA] =	stream.indirect.gather [hbm4b:s1+s14], $0x80, s0, s14, $0xb8;
	[tilespmem:$0x1E800] =	vst v63  }
0x105: {  	_ =	swait.ge [sflag:s17], $0x50  }
0x106: {  	[sflag:s17] =	ssyncset.done $0x0  }
0x107: {  	[sflag:s17] =	ssyncadd.s32 $0xFFFFFFB0  }
0x108: {  	_ =	swait.ge [sflag:s17], $0x50  }
0x109: {  	[sflag:s17] =	ssyncset.done $0x0  }
0x10a: {  	[sflag:s17] =	ssyncadd.s32 $0xFFFFFFB0  }
0x10b: {  	[tilespmem:s20], [sflag:$0xB] =	stream.indirect.gather [hbm4b:s1+s14], $0x80, s5, s14, $0xb8;
	[tilespmem:$0x1E800] =	vst v63  }
0x10c: {  	_ =	swait.ge [sflag:s19], $0x50  }
0x10d: {  	[sflag:s19] =	ssyncset.done $0x0  }
0x10e: {  	[sflag:s19] =	ssyncadd.s32 $0xFFFFFFB0  }
0x10f: {  	_ =	swait.ge [sflag:s19], $0x50  }
0x110: {  	[sflag:s19] =	ssyncset.done $0x0  }
0x111: {  	s16 =	simm.s32 $0x780;
	s31 =	sld [smem:$0x7FD];
	[sflag:s19] =	ssyncadd.s32 $0xFFFFFFB0  }
0x112: {  	[tilespmem:s11], [sflag:$0xC] =	stream.indirect.gather [hbm4b:s1+s14], $0x80, s29, s14, $0xb8;
	[tilespmem:$0x1E800] =	vst v63  }
.LBB2_4:
0x113: {  	_ =	swait.ge [sflag:s21], $0x2800  }
0x114: {  	[sflag:s21] =	ssyncset.done $0x0  }
0x115: {  	[sflag:s21] =	ssyncadd.s32 $0xFFFFD800  }
0x116: {  	s29 =	simm.s32 $0x400;
	s18 =	simm.s32 $0x800;
	s24 =	rddreg [dreg:$0x4]  }
0x117: {  	[spmem:s24] =	stream.indirect.scatter.add.f32 [tilespmem:s18], [sflag:$0xD], $0x80, s29, s14, $0xb8;
	[tilespmem:$0x1E800] =	vst v63  }
0x118: {  	_ =	swait.ge [sflag:s12], $0x2800  }
0x119: {  	[sflag:s12] =	ssyncset.done $0x0  }
0x11a: {  	[sflag:s12] =	ssyncadd.s32 $0xFFFFD800  }
0x11b: {  	_ =	swait.ge [sflag:s22], $0x50  }
0x11c: {  	[sflag:s22] =	ssyncset.done $0x0  }
0x11d: {  	[sflag:s22] =	ssyncadd.s32 $0xFFFFFFB0  }
0x11e: {  	_ =	swait.ge [sflag:s22], $0x50  }
0x11f: {  	[sflag:s22] =	ssyncset.done $0x0  }
0x120: {  	[sflag:s22] =	ssyncadd.s32 $0xFFFFFFB0  }
0x121: {  	s4 =	rddreg [dreg:$0x0]  }
0x122: {  	s10 =	sshrl.u32 s31, $0x3;
	s20 =	rddreg [dreg:$0x1]  }
0x123: {  	[tilespmem:s18], [sflag:$0x9] =	stream.indirect.gather [hbm4b:s4+s14], $0x80, s13, s14, $0xb8;
	[tilespmem:$0x1E800] =	vst v63  }
0x124: {  	s0 =	rddreg [dreg:$0x2];
	s13 =	sadd.s32 s20, s10  }
0x125: {  	[tilespmem:s6], [sflag:$0x1] =	stream.linear.gather [hbm4b:s13+s6], $0x50, $0x38;
	[tilespmem:$0x1E800] =	vst v63  }
0x126: {  	s10 =	sadd.s32 s0, s10  }
0x127: {  	[tilespmem:s29], [sflag:$0x1] =	stream.linear.gather [hbm4b:s10+s6], $0x50, $0x38;
	[tilespmem:$0x1E800] =	vst v63  }
0x128: {  	_ =	swait.ge [sflag:s23], $0x2800  }
0x129: {  	[sflag:s23] =	ssyncset.done $0x0  }
0x12a: {  	s0 =	simm.s32 $0x480;
	s29 =	simm.s32 $0x3000;
	[sflag:s23] =	ssyncadd.s32 $0xFFFFD800  }
0x12b: {  	[spmem:s24] =	stream.indirect.scatter.add.f32 [tilespmem:s29], [sflag:$0xD], $0x80, s0, s14, $0xb8;
	[tilespmem:$0x1E800] =	vst v63  }
0x12c: {  	_ =	swait.ge [sflag:s12], $0x2800  }
0x12d: {  	[sflag:s12] =	ssyncset.done $0x0  }
0x12e: {  	s1 =	simm.s32 $0x6;
	[sflag:s12] =	ssyncadd.s32 $0xFFFFD800  }
0x12f: {  	_ =	swait.ge [sflag:s1], $0x50  }
0x130: {  	[sflag:s1] =	ssyncset.done $0x0  }
0x131: {  	[sflag:s1] =	ssyncadd.s32 $0xFFFFFFB0  }
0x132: {  	_ =	swait.ge [sflag:s1], $0x50  }
0x133: {  	[sflag:s1] =	ssyncset.done $0x0  }
0x134: {  	s7 =	simm.s32 $0x280;
	[sflag:s1] =	ssyncadd.s32 $0xFFFFFFB0;
	s1 =	sld [smem:$0x7FC]  }
0x135: {  	[tilespmem:s29], [sflag:$0xA] =	stream.indirect.gather [hbm4b:s4+s14], $0x80, s7, s14, $0xb8;
	[tilespmem:$0x1E800] =	vst v63  }
0x136: {  	s7 =	sld [smem:$0x7FB]  }
0x137: {  	s13 =	simm.s32 $0x80;
	s10 =	sadd.s32 s3, s1  }
0x138: {  	[tilespmem:s13], [sflag:$0x2] =	stream.linear.gather [hbm4b:s10+s6], $0x50, $0x38;
	[tilespmem:$0x1E800] =	vst v63  }
0x139: {  	s10 =	sadd.s32 s3, s7  }
0x13a: {  	[tilespmem:s0], [sflag:$0x2] =	stream.linear.gather [hbm4b:s10+s6], $0x50, $0x38;
	[tilespmem:$0x1E800] =	vst v63  }
0x13b: {  	_ =	swait.ge [sflag:s25], $0x2800  }
0x13c: {  	[sflag:s25] =	ssyncset.done $0x0  }
0x13d: {  	s9 =	simm.s32 $0x500;
	s11 =	simm.s32 $0x5800;
	[sflag:s25] =	ssyncadd.s32 $0xFFFFD800  }
0x13e: {  	[spmem:s24] =	stream.indirect.scatter.add.f32 [tilespmem:s11], [sflag:$0xD], $0x80, s9, s14, $0xb8;
	[tilespmem:$0x1E800] =	vst v63  }
0x13f: {  	_ =	swait.ge [sflag:s12], $0x2800  }
0x140: {  	[sflag:s12] =	ssyncset.done $0x0  }
0x141: {  	[sflag:s12] =	ssyncadd.s32 $0xFFFFD800  }
0x142: {  	_ =	swait.ge [sflag:s26], $0x50  }
0x143: {  	[sflag:s26] =	ssyncset.done $0x0  }
0x144: {  	[sflag:s26] =	ssyncadd.s32 $0xFFFFFFB0  }
0x145: {  	_ =	swait.ge [sflag:s26], $0x50  }
0x146: {  	[sflag:s26] =	ssyncset.done $0x0;
	s20 =	sld [smem:$0x7FA]  }
0x147: {  	s10 =	simm.s32 $0x300;
	s1 =	sld [smem:$0x7F9];
	[sflag:s26] =	ssyncadd.s32 $0xFFFFFFB0  }
0x148: {  	[tilespmem:s11], [sflag:$0xB] =	stream.indirect.gather [hbm4b:s4+s14], $0x80, s10, s14, $0xb8;
	[tilespmem:$0x1E800] =	vst v63  }
0x149: {  	s7 =	simm.s32 $0x100;
	s10 =	sadd.s32 s3, s20  }
0x14a: {  	[tilespmem:s7], [sflag:$0x3] =	stream.linear.gather [hbm4b:s10+s6], $0x50, $0x38;
	[tilespmem:$0x1E800] =	vst v63  }
0x14b: {  	s10 =	sadd.s32 s3, s1  }
0x14c: {  	[tilespmem:s9], [sflag:$0x3] =	stream.linear.gather [hbm4b:s10+s6], $0x50, $0x38;
	[tilespmem:$0x1E800] =	vst v63  }
0x14d: {  	_ =	swait.ge [sflag:s28], $0x2800  }
0x14e: {  	[sflag:s28] =	ssyncset.done $0x0  }
0x14f: {  	s0 =	simm.s32 $0x580;
	s1 =	simm.s32 $0x8000;
	[sflag:s28] =	ssyncadd.s32 $0xFFFFD800  }
0x150: {  	[spmem:s24] =	stream.indirect.scatter.add.f32 [tilespmem:s1], [sflag:$0xD], $0x80, s0, s14, $0xb8;
	[tilespmem:$0x1E800] =	vst v63  }
0x151: {  	_ =	swait.ge [sflag:s12], $0x2800  }
0x152: {  	[sflag:s12] =	ssyncset.done $0x0  }
0x153: {  	[sflag:s12] =	ssyncadd.s32 $0xFFFFD800  }
0x154: {  	_ =	swait.ge [sflag:s30], $0x50  }
0x155: {  	[sflag:s30] =	ssyncset.done $0x0  }
0x156: {  	[sflag:s30] =	ssyncadd.s32 $0xFFFFFFB0  }
0x157: {  	_ =	swait.ge [sflag:s30], $0x50  }
0x158: {  	[sflag:s30] =	ssyncset.done $0x0;
	s9 =	sld [smem:$0x7F8]  }
0x159: {  	s20 =	sld [smem:$0x7F7];
	[sflag:s30] =	ssyncadd.s32 $0xFFFFFFB0  }
0x15a: {  	[tilespmem:s1], [sflag:$0xC] =	stream.indirect.gather [hbm4b:s4+s14], $0x80, s8, s14, $0xb8;
	[tilespmem:$0x1E800] =	vst v63  }
0x15b: {  	s8 =	simm.s32 $0x180;
	s10 =	sadd.s32 s3, s9  }
0x15c: {  	[tilespmem:s8], [sflag:$0x4] =	stream.linear.gather [hbm4b:s10+s6], $0x50, $0x38;
	[tilespmem:$0x1E800] =	vst v63  }
0x15d: {  	s10 =	sadd.s32 s3, s20  }
0x15e: {  	[tilespmem:s0], [sflag:$0x4] =	stream.linear.gather [hbm4b:s10+s6], $0x50, $0x38;
	[tilespmem:$0x1E800] =	vst v63  }
0x15f: {  	_ =	swait.ge [sflag:s21], $0x2800  }
0x160: {  	[sflag:s21] =	ssyncset.done $0x0  }
0x161: {  	s0 =	simm.s32 $0x600;
	[sflag:s21] =	ssyncadd.s32 $0xFFFFD800  }
0x162: {  	[spmem:s24] =	stream.indirect.scatter.add.f32 [tilespmem:s18], [sflag:$0xD], $0x80, s0, s14, $0xb8;
	[tilespmem:$0x1E800] =	vst v63  }
0x163: {  	_ =	swait.ge [sflag:s12], $0x2800  }
0x164: {  	[sflag:s12] =	ssyncset.done $0x0  }
0x165: {  	[sflag:s12] =	ssyncadd.s32 $0xFFFFD800  }
0x166: {  	_ =	swait.ge [sflag:s2], $0x50  }
0x167: {  	[sflag:s2] =	ssyncset.done $0x0  }
0x168: {  	[sflag:s2] =	ssyncadd.s32 $0xFFFFFFB0  }
0x169: {  	_ =	swait.ge [sflag:s2], $0x50  }
0x16a: {  	[sflag:s2] =	ssyncset.done $0x0;
	s20 =	sld [smem:$0x7F6]  }
0x16b: {  	[sflag:s2] =	ssyncadd.s32 $0xFFFFFFB0  }
0x16c: {  	[tilespmem:s18], [sflag:$0x9] =	stream.indirect.gather [hbm4b:s4+s14], $0x80, s6, s14, $0xb8;
	[tilespmem:$0x1E800] =	vst v63  }
0x16d: {  	s5 =	simm.s32 $0x200;
	s10 =	sadd.s32 s3, s20  }
0x16e: {  	[tilespmem:s5], [sflag:$0x5] =	stream.linear.gather [hbm4b:s10+s6], $0x50, $0x38;
	[tilespmem:$0x1E800] =	vst v63  }
0x16f: {  	s5 =	sld [smem:$0x7F5];
	_ =	sdelay $0x2  }
0x170: {  	s10 =	sadd.s32 s3, s5  }
0x171: {  	[tilespmem:s0], [sflag:$0x5] =	stream.linear.gather [hbm4b:s10+s6], $0x50, $0x38;
	[tilespmem:$0x1E800] =	vst v63  }
0x172: {  	_ =	swait.ge [sflag:s23], $0x2800  }
0x173: {  	[sflag:s23] =	ssyncset.done $0x0  }
0x174: {  	s18 =	simm.s32 $0x680;
	[sflag:s23] =	ssyncadd.s32 $0xFFFFD800  }
0x175: {  	[spmem:s24] =	stream.indirect.scatter.add.f32 [tilespmem:s29], [sflag:$0xD], $0x80, s18, s14, $0xb8;
	[tilespmem:$0x1E800] =	vst v63  }
0x176: {  	_ =	swait.ge [sflag:s12], $0x2800  }
0x177: {  	[sflag:s12] =	ssyncset.done $0x0  }
0x178: {  	[sflag:s12] =	ssyncadd.s32 $0xFFFFD800  }
0x179: {  	_ =	swait.ge [sflag:s15], $0x50  }
0x17a: {  	[sflag:s15] =	ssyncset.done $0x0  }
0x17b: {  	[sflag:s15] =	ssyncadd.s32 $0xFFFFFFB0  }
0x17c: {  	_ =	swait.ge [sflag:s15], $0x50  }
0x17d: {  	[sflag:s15] =	ssyncset.done $0x0;
	s10 =	sld [smem:$0x7F4]  }
0x17e: {  	p0 =	seq.s32 s3, $0x460;
	[sflag:s15] =	ssyncadd.s32 $0xFFFFFFB0  }
0x17f: {  	[tilespmem:s29], [sflag:$0xA] =	stream.indirect.gather [hbm4b:s4+s14], $0x80, s13, s14, $0xb8;
	[tilespmem:$0x1E800] =	vst v63  }
0x180: {  	s13 =	simm.s32 @!p0 $0x0;
	s29 =	simm.s32 @!p0 $0x280;
	s10 =	sadd.s32 @!p0 s3, s10  }
0x181: {  	[tilespmem:s29], [sflag:$0x6] =	stream.linear.gather @!p0 [hbm4b:s10+s13], $0x50, $0x38;
	[tilespmem:$0x1E800] =	vst v63  }
0x182: {  	s10 =	sld [smem:$0x7F3];
	_ =	sdelay $0x2  }
0x183: {  	s29 =	simm.s32 @!p0 $0x680;
	s10 =	sadd.s32 @!p0 s3, s10  }
0x184: {  	[tilespmem:s29], [sflag:$0x6] =	stream.linear.gather @!p0 [hbm4b:s10+s13], $0x50, $0x38;
	[tilespmem:$0x1E800] =	vst v63  }
0x185: {  	_ =	swait.ge [sflag:s25], $0x2800  }
0x186: {  	[sflag:s25] =	ssyncset.done $0x0  }
0x187: {  	s20 =	simm.s32 $0x700;
	[sflag:s25] =	ssyncadd.s32 $0xFFFFD800  }
0x188: {  	[spmem:s24] =	stream.indirect.scatter.add.f32 [tilespmem:s11], [sflag:$0xD], $0x80, s20, s14, $0xb8;
	[tilespmem:$0x1E800] =	vst v63  }
0x189: {  	_ =	swait.ge [sflag:s12], $0x2800  }
0x18a: {  	[sflag:s12] =	ssyncset.done $0x0  }
0x18b: {  	[sflag:s12] =	ssyncadd.s32 $0xFFFFD800  }
0x18c: {  	_ =	swait.ge [sflag:s17], $0x50  }
0x18d: {  	[sflag:s17] =	ssyncset.done $0x0  }
0x18e: {  	[sflag:s17] =	ssyncadd.s32 $0xFFFFFFB0  }
0x18f: {  	_ =	swait.ge [sflag:s17], $0x50  }
0x190: {  	[sflag:s17] =	ssyncset.done $0x0;
	s10 =	sld [smem:$0x7F2]  }
0x191: {  	[sflag:s17] =	ssyncadd.s32 $0xFFFFFFB0  }
0x192: {  	[tilespmem:s11], [sflag:$0xB] =	stream.indirect.gather [hbm4b:s4+s14], $0x80, s7, s14, $0xb8;
	[tilespmem:$0x1E800] =	vst v63  }
0x193: {  	s29 =	simm.s32 @!p0 $0x300;
	s10 =	sadd.s32 @!p0 s3, s10  }
0x194: {  	[tilespmem:s29], [sflag:$0x7] =	stream.linear.gather @!p0 [hbm4b:s10+s13], $0x50, $0x38;
	[tilespmem:$0x1E800] =	vst v63  }
0x195: {  	s10 =	sld [smem:$0x7F1];
	_ =	sdelay $0x2  }
0x196: {  	s29 =	simm.s32 @!p0 $0x700;
	s10 =	sadd.s32 @!p0 s3, s10  }
0x197: {  	[tilespmem:s29], [sflag:$0x7] =	stream.linear.gather @!p0 [hbm4b:s10+s13], $0x50, $0x38;
	[tilespmem:$0x1E800] =	vst v63  }
0x198: {  	_ =	swait.ge [sflag:s28], $0x2800  }
0x199: {  	[sflag:s28] =	ssyncset.done $0x0  }
0x19a: {  	[sflag:s28] =	ssyncadd.s32 $0xFFFFD800  }
0x19b: {  	[spmem:s24] =	stream.indirect.scatter.add.f32 [tilespmem:s1], [sflag:$0xD], $0x80, s16, s14, $0xb8;
	[tilespmem:$0x1E800] =	vst v63  }
0x19c: {  	_ =	swait.ge [sflag:s12], $0x2800  }
0x19d: {  	[sflag:s12] =	ssyncset.done $0x0  }
0x19e: {  	[sflag:s12] =	ssyncadd.s32 $0xFFFFD800  }
0x19f: {  	_ =	swait.ge [sflag:s19], $0x50  }
0x1a0: {  	s9 =	simm.s32 $0x380;
	[sflag:s19] =	ssyncset.done $0x0  }
.Ltmp3:
0x1a1: {  	s5 =	simm.s32 $0x100;
	[sflag:s19] =	ssyncadd.s32 $0xFFFFFFB0;
	(pc) =	sbr.rel @p0 .LBB2_6-.Ltmp3, $4  }
0x1a2: {  	s0 =	simm.s32 $0x80;
	s18 =	simm.s32 $0x3000;
	_ =	swait.ge [sflag:s19], $0x50  }
0x1a3: {  	s20 =	simm.s32 $0x5800;
	s11 =	simm.s32 $0x8000;
	[sflag:s19] =	ssyncset.done $0x0  }
0x1a4: {  	s7 =	simm.s32 $0x780;
	s29 =	simm.s32 $0x180;
	[sflag:s19] =	ssyncadd.s32 $0xFFFFFFB0  }
0x1a5: {  	[tilespmem:s1], [sflag:$0xC] =	stream.indirect.gather [hbm4b:s4+s14], $0x80, s8, s14, $0xb8;
	[tilespmem:$0x1E800] =	vst v63  }
0x1a6: {  	s10 =	sld [smem:$0x7F0];
	_ =	sdelay $0x1  }
.Ltmp4:
0x1a7: {  	s29 =	sld [smem:$0x7EF];
	s31 =	sadd.s32 $0x280, s31;
	(pc) =	sbr.rel .LBB2_4-.Ltmp4, $4  }
0x1a8: {  	s13 =	simm.s32 $0x200;
	s8 =	simm.s32 $0x380;
	s10 =	sadd.s32 s3, s10  }
0x1a9: {  	[tilespmem:s9], [sflag:$0x8] =	stream.linear.gather [hbm4b:s10+s6], $0x50, $0x38;
	[tilespmem:$0x1E800] =	vst v63  }
0x1aa: {  	s16 =	simm.s32 $0x780;
	s10 =	sadd.s32 s3, s29;
	s3 =	sadd.s32 $0x50, s3  }
0x1ab: {  	[tilespmem:s7], [sflag:$0x8] =	stream.linear.gather [hbm4b:s10+s6], $0x50, $0x38;
	[tilespmem:$0x1E800] =	vst v63  }
.LBB2_7:
0x1ac: {  	_ =	sfence.sel $0x180000  }
0x1ad: {  	[bflag:$0x0] =	sbarrier.arrive $0xFFFF  }
0x1ae: {  	_ =	strace $0x9000004D  }
0x1af: {  	s0 =	stileid.u32;
	[bflag:$0x2] =	sbarrier.arrive $0xFFFF  }
0x1b0: {  	p0 =	sne.s32 s0, $0x0;
	s0 =	rddreg [dreg:$0x5]  }
0x1b1: {  	s0 =	sadd.s32 @!p0 $0x100000, s0  }
0x1b2: {  	[sflag:s0] =	ssyncadd.tile.s32 @!p0 $0x1;
	_ =	shalt  }
.Lfunc_end2:
_tile_overlayer_lowered:
.L_overlay_start_2:
0x1b3: {  	(tag) =	ssettag $0x2  }
0x1b4: {  	s0 =	rddreg [dreg:$0x0];
	s2 =	stileid.u32  }
0x1b5: {  	s1 =	rddreg [dreg:$0x1];
	p0 =	sne.s32 s2, $0x0  }
0x1b6: {  	s3 =	rddreg [dreg:$0x2];
	[bflag:$0x3] =	sbarrier.arrive $0xFFFF;
	s2 =	simm.s32 @!p0 $0x1C0D  }
0x1b7: {  	[timem:s3], [sflag:s2] =	dma.local @!p0 [hbm:s0], s1  }
0x1b8: {  	s0 =	simm.s32 @!p0 $0xD  }
0x1b9: {  	_ =	swait.ge @!p0 [sflag:s0], s1  }
0x1ba: {  	s1 =	ssub.s32 @!p0 $0x0, s1;
	[sflag:s0] =	ssyncset.done @!p0 $0x0  }
0x1bb: {  	[sflag:s0] =	ssyncadd.s32 @!p0 s1  }
0x1bc: {  	[bflag:$0x3] =	sbarrier.arrive $0xFFFF  }
0x1bd: {  	_ =	shalt  }

// kernel: _run.8.cloned.1.call-start
scs
__scs_entry_jumppad:
0x0: {  	(pc) =	sbr.rel $0x88, $3  }
0x1: {  	(tag) =	ssettag $0x0;
	lr =	simm.s32 $0x1  }
0x2: {  	[smem:$0x3F9C] =	sst lr;
	_ =	strace $0xD0000000  }
0x3: {  	_ = 	snop  }
0x4: {  	_ = 	snop  }
0x5: {  	_ = 	snop  }
0x6: {  	_ = 	snop  }
0x7: {  	_ = 	snop  }
__scs_overlays_trampoline_lowered:
0x8: {  	[smem:$0x3FAB] =	sst s0  }
0x9: {  	[smem:$0x3FAC] =	sst s1  }
0xa: {  	[smem:$0x3FAD] =	sst s2  }
0xb: {  	[smem:$0x3FAE] =	sst s3  }
0xc: {  	[smem:$0x3FAF] =	sst s4  }
0xd: {  	[smem:$0x3FB0] =	sst s5  }
0xe: {  	[smem:$0x3FB1] =	sst s6  }
0xf: {  	[smem:$0x3FB2] =	sst s7  }
0x10: {  	[smem:$0x3FB3] =	sst s8  }
0x11: {  	[smem:$0x3FB4] =	sst s9;
	s0 =	simm.s32 @!p0 $0x0  }
0x12: {  	s1 =	sld [smem:$0x3F9A];
	s0 =	simm.s32 @p0 $0x1  }
0x13: {  	[smem:$0x3FB5] =	sst s0;
	s0 =	simm.s32 @!p1 $0x0  }
0x14: {  	s2 =	sld [smem:$0x3F99];
	s0 =	simm.s32 @p1 $0x1  }
0x15: {  	[smem:$0x3FB6] =	sst s0;
	s0 =	simm.s32 @!p2 $0x0  }
0x16: {  	s3 =	sld [smem:$0x3FDB];
	s0 =	simm.s32 @p2 $0x1  }
0x17: {  	s4 =	simm.s32 $0x1BF5;
	[smem:$0x3FB8] =	sst s0  }
0x18: {  	s0 =	sld [smem:$0x3F9B];
	_ =	swait.ge [sflag:s4], $0x0  }
0x19: {  	s7 =	sld [smem:$0x3F9C]  }
0x1a: {  	s8 =	sadd.s32 $0xFFFFE003, lr  }
0x1b: {  	s9 =	sadd.s32 $0xFFFFFEF7, lr;
	s5 =	simm.s32 $0xFFFFFFFF;
	p2 =	slt.u32 s8, $0xFFFFF086  }
0x1c: {  	p1 =	slt.u32 s9, $0xF7A;
	s5 =	simm.s32 @!p2 $0x0  }
0x1d: {  	s5 =	simm.s32 @p1 $0x1;
	p0 =	seq.s32 s7, s2  }
0x1e: {  	s7 =	smul.u32 @!p0 $0xF7A, s2;
	p2 =	seq.s32 @!p0 s5, $0x0  }
0x1f: {  	s9 =	smul.u32 $0xF7A, s1;
	s8 =	simm.s32 @!p0 $0x1BF5;
	p2 =	por !p2, p0  }
0x20: {  	[sflag:s8] =	ssyncset.s32 @!p0 $0xFFFFF086;
	s6 =	sadd.s32 @!p0 s3, s7;
	s7 =	simm.s32 @!p0 $0x108  }
0x21: {  	s3 =	sadd.s32 s3, s9;
	s6 =	sadd.s32 @!p0 $0x88, s6;
	s7 =	simm.s32 @p2 $0x1082  }
0x22: {  	[simem:s7], [sflag:s8] =	dma.local @!p0 [hbm:s6], $0xF7A  }
0x23: {  	s9 =	sor.u32 $0xD0000000, s2;
	s6 =	simm.s32 $0x108;
	_ =	swait.ge @!p0 [sflag:s8], $0x0  }
0x24: {  	s3 =	sadd.s32 $0x88, s3;
	s6 =	simm.s32 @!p1 $0x1082;
	[sflag:s4] =	ssyncset.s32 $0xFFFFF086  }
0x25: {  	[simem:s6], [sflag:s4] =	dma.local [hbm:s3], $0xF7A  }
0x26: {  	[smem:$0x3F9C] =	sst s1;
	(tag) =	ssettag s2;
	_ =	strace s9  }
0x27: {  	s1 =	sld [smem:$0x3FAC]  }
0x28: {  	s2 =	sld [smem:$0x3FAD]  }
0x29: {  	s4 =	sld [smem:$0x3FAF]  }
0x2a: {  	p0 =	seq.s32 s5, $0x0;
	s5 =	sld [smem:$0x3FB0]  }
0x2b: {  	s6 =	sld [smem:$0x3FB1]  }
0x2c: {  	s7 =	sld [smem:$0x3FB2]  }
0x2d: {  	s3 =	simm.s32 $0x108;
	s8 =	sld [smem:$0x3FB3]  }
0x2e: {  	s3 =	simm.s32 @!p0 $0x1082;
	s9 =	sld [smem:$0x3FB4]  }
0x2f: {  	lr =	sadd.s32 s0, s3;
	s0 =	sld [smem:$0x3FAB]  }
0x30: {  	s3 =	sld [smem:$0x3FAE]  }
0x31: {  	[smem:$0x3FB7] =	sst s10  }
0x32: {  	s10 =	sld [smem:$0x3FB5];
	_ =	sdelay $0x3  }
0x33: {  	p0 =	seq.s32 s10, $0x1;
	s10 =	sld [smem:$0x3FB7];
	_ =	sdelay $0x3  }
0x34: {  	[smem:$0x3FB7] =	sst s10  }
0x35: {  	s10 =	sld [smem:$0x3FB6];
	_ =	sdelay $0x3  }
0x36: {  	p1 =	seq.s32 s10, $0x1;
	s10 =	sld [smem:$0x3FB7];
	_ =	sdelay $0x3  }
0x37: {  	[smem:$0x3FB7] =	sst s10  }
0x38: {  	s10 =	sld [smem:$0x3FB8]  }
0x39: {  	_ = 	snop;
	(pc) =	sbr.ind lr, $3  }
0x3a: {  	_ = 	snop  }
0x3b: {  	_ = 	snop  }
0x3c: {  	p2 =	seq.s32 s10, $0x1;
	s10 =	sld [smem:$0x3FB7]  }
0x3d: {  	_ =	shalt  }
0x3e: {  	_ =	shalt  }
0x3f: {  	_ =	shalt  }
0x40: {  	_ =	shalt  }
0x41: {  	_ =	shalt  }
0x42: {  	_ =	shalt  }
0x43: {  	_ =	shalt  }
0x44: {  	_ =	shalt  }
0x45: {  	_ =	shalt  }
0x46: {  	_ =	shalt  }
0x47: {  	_ =	shalt  }
0x48: {  	_ =	shalt  }
0x49: {  	_ =	shalt  }
0x4a: {  	_ =	shalt  }
0x4b: {  	_ =	shalt  }
0x4c: {  	_ =	shalt  }
0x4d: {  	_ =	shalt  }
0x4e: {  	_ =	shalt  }
0x4f: {  	_ =	shalt  }
0x50: {  	_ =	shalt  }
0x51: {  	_ =	shalt  }
0x52: {  	_ =	shalt  }
0x53: {  	_ =	shalt  }
0x54: {  	_ =	shalt  }
0x55: {  	_ =	shalt  }
0x56: {  	_ =	shalt  }
0x57: {  	_ =	shalt  }
0x58: {  	_ =	shalt  }
0x59: {  	_ =	shalt  }
0x5a: {  	_ =	shalt  }
0x5b: {  	_ =	shalt  }
0x5c: {  	_ =	shalt  }
0x5d: {  	_ =	shalt  }
0x5e: {  	_ =	shalt  }
0x5f: {  	_ =	shalt  }
0x60: {  	_ =	shalt  }
0x61: {  	_ =	shalt  }
0x62: {  	_ =	shalt  }
0x63: {  	_ =	shalt  }
0x64: {  	_ =	shalt  }
0x65: {  	_ =	shalt  }
0x66: {  	_ =	shalt  }
0x67: {  	_ =	shalt  }
0x68: {  	_ =	shalt  }
0x69: {  	_ =	shalt  }
0x6a: {  	_ =	shalt  }
0x6b: {  	_ =	shalt  }
0x6c: {  	_ =	shalt  }
0x6d: {  	_ =	shalt  }
0x6e: {  	_ =	shalt  }
0x6f: {  	_ =	shalt  }
0x70: {  	_ =	shalt  }
0x71: {  	_ =	shalt  }
0x72: {  	_ =	shalt  }
0x73: {  	_ =	shalt  }
0x74: {  	_ =	shalt  }
0x75: {  	_ =	shalt  }
0x76: {  	_ =	shalt  }
0x77: {  	_ =	shalt  }
0x78: {  	_ =	shalt  }
0x79: {  	_ =	shalt  }
0x7a: {  	_ =	shalt  }
0x7b: {  	_ =	shalt  }
0x7c: {  	_ =	shalt  }
0x7d: {  	_ =	shalt  }
0x7e: {  	_ =	shalt  }
0x7f: {  	_ =	shalt  }
0x80: {  	_ =	shalt  }
0x81: {  	_ =	shalt  }
0x82: {  	_ =	shalt  }
0x83: {  	_ =	shalt  }
0x84: {  	_ =	shalt  }
0x85: {  	_ =	shalt  }
0x86: {  	_ =	shalt  }
0x87: {  	_ =	shalt  }
.Lfunc_end0:
.L_simem_size_0:
called_computation_lowered:
.L_overlay_start_0:
0x88: {  	s2 =	sld [smem:$0x3FD9]  }
0x89: {  	s3 =	sld [smem:$0x3FFE];
	_ =	sdelay $0x1  }
0x8a: {  	s1 =	srdreg.scid  }
0x8b: {  	s0 =	sand.u32 $0x1, s1  }
0x8c: {  	s17 =	sshll.u32 s0, $0xA;
	s2 =	sadd.s32 s3, s2  }
0x8d: {  	s2 =	sadd.s32 s2, s17  }
0x8e: {  	[smem:$0x3FC3] =	sst s2  }
0x8f: {  	_ = 	snop  }
0x90: {  	s2 =	sld [smem:$0x3FC8]  }
0x91: {  	s18 =	sld [smem:$0x3FC7];
	(tm) =	ssettm $0x1  }
0x92: {  	s4 =	sld [smem:$0x3FFB];
	_ =	sdelay $0x3  }
0x93: {  	_ =	strace s4  }
0x94: {  	s4 =	sld [smem:$0x3FFC];
	_ =	sdelay $0x3  }
0x95: {  	_ =	strace s4  }
0x96: {  	s4 =	sld [smem:$0x3FFD];
	_ =	sdelay $0x3  }
0x97: {  	_ =	strace s4  }
0x98: {  	_ =	strace $0x8FFFFFFF  }
0x99: {  	s19 =	sld [smem:$0x3FDB];
	_ =	sdelay $0x1  }
0x9a: {  	s5 =	simm.s32 $_scs_section_size  }
0x9b: {  	s6 =	simm.s32 $_size__tile_overlayer_lowered;
	s7 =	simm.s32 $_tile_overlayer_lowered  }
0x9c: {  	s22 =	simm.s32 $0x1BFF;
	s21 =	sshll.u32 s7, $0x1;
	s4 =	sadd.s32 s5, s19  }
0x9d: {  	s8 =	simm.s32 $0x0;
	s20 =	sshll.u32 s6, $0x1;
	s6 =	sadd.s32 s21, s4  }
0x9e: {  	[timem:s8], [sflag:s22] =	dma.local [hbm:s6], s20  }
0x9f: {  	_ =	swait.ge [sflag:s22], s20  }
0xa0: {  	s5 =	ssub.s32 $0x0, s20;
	[sflag:s22] =	ssyncset.done $0x0  }
0xa1: {  	[sflag:s22] =	ssyncadd.s32 s5;
	_ =	sdelay $0x1  }
0xa2: {  	s23 =	simm.s32 $0x1B8B  }
0xa3: {  	_ =	swait.ge [sflag:s23], $0x1  }
0xa4: {  	[sflag:s23] =	ssyncset.done $0x0  }
0xa5: {  	s25 =	simm.s32 $0x1B8E;
	s24 =	sld [smem:$0x3FFE];
	[sflag:s23] =	ssyncadd.s32 $0xFFFFFFFF  }
0xa6: {  	s26 =	simm.s32 $execute0_lowered;
	[smem:$0x3FD2] =	sst s25  }
0xa7: {  	s6 =	sshll.u32 s26, $0x1;
	_ =	strace $0x80000046;
	[dreg:$0x1] =	wrdreg $0xFFFFFFFF  }
0xa8: {  	s28 =	simm.s32 $_size_execute0_lowered;
	s4 =	sadd.s32 s4, s6;
	[dreg:$0x0] =	wrdreg $0x0  }
0xa9: {  	s6 =	sshll.u32 s28, $0x1;
	[dreg:$0x2] =	wrdreg s4  }
0xaa: {  	[dreg:$0x3] =	wrdreg s6  }
0xab: {  	[dreg:$0x4] =	wrdreg $0xC0  }
0xac: {  	_ =	task [dreg:s8], $0x5FFFF  }
0xad: {  	[dreg:$0x1] =	wrdreg $0xFFFFFFFF  }
0xae: {  	[dreg:$0x0] =	wrdreg $0x60  }
0xaf: {  	[dreg:$0x2] =	wrdreg s2  }
0xb0: {  	[dreg:$0x3] =	wrdreg s18  }
0xb1: {  	[dreg:$0x4] =	wrdreg s24  }
0xb2: {  	[dreg:$0x5] =	wrdreg $0x9  }
0xb3: {  	_ =	task.clear_ibuf [dreg:s8], $0x6FFFF;
	_ =	strace $0x90000046  }
0xb4: {  	s29 =	simm.s32 $0x9;
	_ =	strace $0x80000048  }
0xb5: {  	_ =	swait.ge [sflag:s29], $0x1  }
0xb6: {  	[sflag:s29] =	ssyncadd.s32 $0xFFFFFFFF  }
0xb7: {  	_ =	strace $0x90000048  }
0xb8: {  	_ =	sfence  }
0xb9: {  	s30 =	sld [smem:$0x0];
	_ =	sdelay $0x2  }
0xba: {  	s31 =	sshll.u32 s1, $0xD;
	s1 =	sshrl.u32 s1, $0x2  }
0xbb: {  	s3 =	sand.u32 $0x4000, s31;
	s1 =	sadd.s32 s1, s30  }
0xbc: {  	s0 =	sor.u32 s3, s0;
	s1 =	sshll.u32 s1, $0x11  }
0xbd: {  	s0 =	sor.u32 s1, s0  }
0xbe: {  	s0 =	sadd.s32 $0x8F2B, s0  }
0xbf: {  	[sflag:s0] =	ssyncadd.remote.s32 $0x1  }
0xc0: {  	_ =	sfence.sel $0xFFFF  }
0xc1: {  	[dreg:$0x0] =	wrdreg $0xFFFFFFFF;
	(pc) =	sbr.abs _section_cstart, $3  }
0xc2: {  	[dreg:$0x1] =	wrdreg $0xFFFFFFFF  }
0xc3: {  	_ =	task.clear_ibuf [dreg:s8], $0x2FFFF;
	_ =	strace $0x9FFFFFFF  }
0xc4: {  	(tm) =	ssettm $0x7FFFFFFF  }
0xc5: {  	_ =	shalt  }
tec
execute0_lowered:
.L_overlay_start_1:
0x0: {  	(tag) =	ssettag $0x1  }
0x1: {  	s0 =	srdreg.scid  }
0x2: {  	s4 =	rddreg [dreg:$0x0];
	s3 =	sand.u32 $0x1, s0  }
0x3: {  	s5 =	rddreg [dreg:$0x1];
	s0 =	stileid.u32;
	s1 =	sshll.u32 s3, $0x4  }
0x4: {  	s7 =	rddreg [dreg:$0x2];
	s2 =	simm.s32 $0x0;
	s6 =	sor.u32 s0, s1  }
0x5: {  	s11 =	simm.s32 $0x4E20;
	s12 =	simm.s32 $0x0;
	s8 =	smul.u32 $0x280, s6  }
0x6: {  	[smem:$0x7FF] =	sst s2;
	s3 =	ssub.s32 $0x2, s3;
	s9 =	smul.u32 $0x500, s6  }
0x7: {  	s1 =	rddreg [dreg:$0x3];
	s10 =	sshrl.u32 s3, $0x1;
	s6 =	smul.u32 $0x4E2, s6  }
0x8: {  	_ =	strace $0x80000047;
	s31 =	ssub.s32 s3, s10;
	s10 =	simm.s32 $0x6220  }
0x9: {  	s8 =	sadd.s32 s8, s7;
	s7 =	sadd.s32 s9, s7;
	s3 =	sadd.s32 s4, s6  }
0xa: {  	s4 =	sadd.s32 s5, s6;
	s9 =	simm.s32 $0x2710;
	s5 =	sadd.s32 $0x2000, s8  }
0xb: {  	v0 =	vimm.f32 $0.0e+00;
	v1 =	vimm.f32 $1.000000000e+00;
	s6 =	sadd.s32 $0x7000, s7;
	s7 =	smax.u32 s31, $0x1;
	s8 =	simm.s32 $0x1  }
.LBB2_1:
0xc: {  	s13 =	simm.s32 $0x0  }
.LBB2_2:
0xd: {  	p0 =	sne.s32 s13, $0x4FC0  }
.Ltmp0:
0xe: {  	_ = 	snop;
	(pc) =	sbr.rel @p0 .LBB2_2-.Ltmp0, $3  }
0xf: {  	_ =	sdelay $0x1  }
0x10: {  	s14 =	sshra.s32 s13, $0x2  }
0x11: {  	s13 =	sadd.s32 $0x40, s13;
	[tilespmem:s14+$0x4E20] =	vst v0  }
0x12: {  	s13 =	simm.s32 $0x40;
	s14 =	simm.s32 $0x0  }
.LBB2_4:
0x13: {  	p0 =	sne.s32 s13, $0x9FC0;
	[tilespmem:s14+$0x6220] =	vst v0;
	s14 =	smov.u32 s13;
	s13 =	sadd.s32 $0x40, s13  }
.Ltmp1:
0x14: {  	(pc) =	sbr.rel @p0 .LBB2_4-.Ltmp1, $2  }
0x15: {  	_ =	sdelay $0x2  }
0x16: {  	s14 =	sshra.s32 s14, $0x2  }
0x17: {  	[tilespmem:s14+$0x6220] =	vst v0;
	s13 =	simm.s32 $0x0  }
0x18: {  	[tilespmem:s13], [sflag:$0x1] =	stream.linear.gather [hbm4b:s3+s13], $0x2710, $0x38;
	[tilespmem:$0x8A20] =	vst v63  }
0x19: {  	_ =	swait.ge [sflag:s8], $0x2710  }
0x1a: {  	[sflag:s8] =	ssyncset.done $0x0  }
0x1b: {  	[sflag:s8] =	ssyncadd.s32 $0xFFFFD8F0  }
0x1c: {  	[tilespmem:s9], [sflag:$0x1] =	stream.linear.gather [hbm4b:s4+s13], $0x2710, $0x38;
	[tilespmem:$0x8A20] =	vst v63  }
0x1d: {  	_ =	swait.ge [sflag:s8], $0x2710  }
0x1e: {  	[sflag:s8] =	ssyncset.done $0x0  }
0x1f: {  	s14 =	simm.s32 $0x0;
	[sflag:s8] =	ssyncadd.s32 $0xFFFFD8F0  }
0x20: {  	s13 =	simm.s32 $0x40;
	v2 =	vld [tilespmem:s14+$0x0]  }
.LBB2_6:
0x21: {  	p0 =	sne.s32 s13, $0x9C00;
	v3 =	vld [tilespmem:s14+$0x2710];
	_ =	sdelay $0x4  }
.Ltmp2:
0x22: {  	(pc) =	sbr.rel @p0 .LBB2_6-.Ltmp2, $4  }
0x23: {  	_ = 	snop  }
0x24: {  	[tilespmem:v2+s10+$0x0] =	vst.idx.add.f32.msk $0xffff, v1  }
0x25: {  	s14 =	sshra.s32 s13, $0x2;
	[tilespmem:v3+s11+$0x0] =	vst.idx.add.f32.msk $0xffff, v1  }
0x26: {  	s13 =	sadd.s32 $0x40, s13;
	v2 =	vld [tilespmem:s14+$0x0]  }
0x27: {  	_ = 	snop  }
0x28: {  	v3 =	vld [tilespmem:s14+$0x2710];
	_ =	sdelay $0x6  }
0x29: {  	[tilespmem:v2+s10+$0x0] =	vst.idx.add.f32.msk $0xffff, v1  }
0x2a: {  	[tilespmem:v3+s11+$0x0] =	vst.idx.add.f32.msk $0xffff, v1  }
0x2b: {  	[hbm4b:s5+s2] =	stream.linear.scatter [tilespmem:s11], [sflag:$0x1], $0x1400, $0x38;
	[tilespmem:$0x8A20] =	vst v63  }
0x2c: {  	s12 =	sadd.s32 $0x1, s12;
	_ =	swait.ge [sflag:s8], $0x1400  }
0x2d: {  	p0 =	sne.s32 s12, s7;
	[sflag:s8] =	ssyncset.done $0x0  }
.Ltmp3:
0x2e: {  	[sflag:s8] =	ssyncadd.s32 $0xFFFFEC00;
	(pc) =	sbr.rel @p0 .LBB2_1-.Ltmp3, $4  }
0x2f: {  	[hbm4b:s6+s2] =	stream.linear.scatter [tilespmem:s10], [sflag:$0x1], $0x2800, $0x38;
	[tilespmem:$0x8A20] =	vst v63  }
0x30: {  	_ =	swait.ge [sflag:s8], $0x2800  }
0x31: {  	[sflag:s8] =	ssyncset.done $0x0  }
0x32: {  	[sflag:s8] =	ssyncadd.s32 $0xFFFFD800  }
0x33: {  	_ =	sfence.sel $0x180000  }
0x34: {  	[bflag:$0x0] =	sbarrier.arrive $0xFFFF  }
0x35: {  	p0 =	sne.s32 s0, $0x0;
	_ =	strace $0x90000047  }
0x36: {  	s0 =	sadd.s32 @!p0 $0x100000, s1;
	[bflag:$0x2] =	sbarrier.arrive $0xFFFF  }
0x37: {  	[sflag:s0] =	ssyncadd.tile.s32 @!p0 $0x1;
	_ =	shalt  }
.Lfunc_end2:
_tile_overlayer_lowered:
.L_overlay_start_2:
0x38: {  	(tag) =	ssettag $0x2  }
0x39: {  	s0 =	rddreg [dreg:$0x0];
	s2 =	stileid.u32  }
0x3a: {  	s1 =	rddreg [dreg:$0x1];
	p0 =	sne.s32 s2, $0x0  }
0x3b: {  	s3 =	rddreg [dreg:$0x2];
	[bflag:$0x3] =	sbarrier.arrive $0xFFFF;
	s2 =	simm.s32 @!p0 $0x1C01  }
0x3c: {  	[timem:s3], [sflag:s2] =	dma.local @!p0 [hbm:s0], s1  }
0x3d: {  	s0 =	simm.s32 @!p0 $0x1  }
0x3e: {  	_ =	swait.ge @!p0 [sflag:s0], s1  }
0x3f: {  	s1 =	ssub.s32 @!p0 $0x0, s1;
	[sflag:s0] =	ssyncset.done @!p0 $0x0  }
0x40: {  	[sflag:s0] =	ssyncadd.s32 @!p0 s1  }
0x41: {  	[bflag:$0x3] =	sbarrier.arrive $0xFFFF  }
0x42: {  	_ =	shalt  }

</sc_bundles>
